<compile_context>
chip_gen: v7x
topology: tpu7x:2x2x1
jax: 0.10.2.dev20260603
libtpu: 0.0.44.dev20260713+nightly
codegen_flags: <defaults>
</compile_context>

<pallas_src>
import functools

import jax
import jax.numpy as jnp
import numpy as np
from jax import lax
from jax.experimental import pallas as pl
from jax.experimental.pallas import tpu as pltpu
from jax.experimental.pallas import tpu_sc as plsc

N = 10000
E = 320000
D = 128
DE = 16
EPS = 1e-05

NC = 2
NS = 16
NW = NC * NS
EPW = E // NW
K = 128
NFULL = EPW // K
TE = EPW - NFULL * K
KA = 128
NFA = EPW // KA
TEA = EPW - NFA * KA
RO = 624
ZR = 48
TAIL = N - NS * RO

_MESH = plsc.VectorSubcoreMesh(core_axis_name="c", subcore_axis_name="s")
_SC_PARAMS = pltpu.CompilerParams(use_tc_tiling_on_sc=False)


def _zero_fill(zbuf, width):
    zv = jnp.zeros((16,), jnp.float32)

    @pl.loop(0, ZR)
    def _(i):
        @pl.loop(0, width // 16)
        def _(j):
            zbuf[i, pl.ds(j * 16, 16)] = zv


def _zero_fill_bf16(zbuf, width):
    zv = jnp.zeros((32,), jnp.bfloat16)

    @pl.loop(0, ZR)
    def _(i):
        @pl.loop(0, width // 32)
        def _(j):
            zbuf[i, pl.ds(j * 32, 32)] = zv


def _zero_shared(sid, zbuf, sh):
    rbase = sid * RO
    for r in range(RO // ZR):
        pltpu.sync_copy(zbuf, sh.at[pl.ds(rbase + r * ZR, ZR)])

    @pl.when(sid == NS - 1)
    def _():
        pltpu.sync_copy(zbuf.at[pl.ds(0, TAIL)], sh.at[pl.ds(NS * RO, TAIL)])


def _write_out(sid, cid, sh, out):
    rbase = sid * RO
    pltpu.sync_copy(sh.at[pl.ds(rbase, RO)], out.at[cid, pl.ds(rbase, RO)])

    @pl.when(sid == NS - 1)
    def _():
        pltpu.sync_copy(sh.at[pl.ds(NS * RO, TAIL)], out.at[cid, pl.ds(NS * RO, TAIL)])


def _make_spmm():
    scratch = [
        [pltpu.VMEM((KA,), jnp.int32)] * 3,
        [pltpu.VMEM((KA,), jnp.int32)] * 3,
        [pltpu.VMEM((KA, D), jnp.bfloat16)] * 3,
        pltpu.VMEM((TEA,), jnp.int32),
        pltpu.VMEM((TEA,), jnp.int32),
        pltpu.VMEM((TEA, D), jnp.bfloat16),
        pltpu.VMEM((ZR, D), jnp.bfloat16),
        pltpu.VMEM_SHARED((N, D), jnp.bfloat16),
        [pltpu.SemaphoreType.DMA] * 3,
        [pltpu.SemaphoreType.DMA] * 3,
        [pltpu.SemaphoreType.DMA] * 3,
        pltpu.SemaphoreType.DMA,
    ]

    def body(h_hbm, ei_hbm, agg_out, dstv, srcv, rows, dstv_t, srcv_t, rows_t,
             zbuf, agg_sh, sem_i, sem_g, sem_s, sem_t):
        cid = lax.axis_index("c")
        sid = lax.axis_index("s")
        _zero_fill_bf16(zbuf, D)
        _zero_shared(sid, zbuf, agg_sh)
        plsc.subcore_barrier()

        ebase = (sid * NC + cid) * EPW

        def start_inputs(c, b):
            off = ebase + c * KA
            pltpu.async_copy(ei_hbm.at[pl.ds(off, KA)], dstv[b], sem_i[b])
            pltpu.async_copy(ei_hbm.at[pl.ds(E + off, KA)], srcv[b], sem_i[b])

        def wait_inputs(b):
            pltpu.make_async_copy(ei_hbm.at[pl.ds(0, KA)], dstv[b], sem_i[b]).wait()
            pltpu.make_async_copy(ei_hbm.at[pl.ds(0, KA)], srcv[b], sem_i[b]).wait()

        def start_gather(b):
            pltpu.async_copy(h_hbm.at[srcv[b]], rows[b], sem_g[b])

        def wait_gather(b):
            pltpu.make_async_copy(h_hbm.at[srcv[b]], rows[b], sem_g[b]).wait()

        def start_scatter(b):
            pltpu.async_copy(rows[b], agg_sh.at[dstv[b]], sem_s[b], add=True)

        def wait_scatter(b):
            pltpu.make_async_copy(rows[b], agg_sh.at[dstv[b]], sem_s[b]).wait()

        start_inputs(0, 0)
        start_inputs(1, 1)
        start_inputs(2, 2)
        wait_inputs(0)
        start_gather(0)

        @pl.loop(0, NFA - 3, step=3)
        def _(j):
            for b in (0, 1, 2):
                y = j + b
                bn, bp = (b + 1) % 3, (b + 2) % 3
                wait_inputs(bn)
                if b == 0:
                    @pl.when(y >= 1)
                    def _():
                        wait_scatter(bp)
                        start_inputs(y + 2, bp)
                else:
                    wait_scatter(bp)
                    start_inputs(y + 2, bp)
                start_gather(bn)
                wait_gather(b)
                start_scatter(b)

        y = NFA - 3
        b, bn, bp = y % 3, (y + 1) % 3, (y + 2) % 3
        wait_inputs(bn)
        wait_scatter(bp)
        start_inputs(y + 2, bp)
        start_gather(bn)
        wait_gather(b)
        start_scatter(b)

        y = NFA - 2
        b, bn, bp = y % 3, (y + 1) % 3, (y + 2) % 3
        wait_inputs(bn)
        wait_scatter(bp)
        start_gather(bn)
        wait_gather(b)
        start_scatter(b)

        y = NFA - 1
        b, bn, bp = y % 3, (y + 1) % 3, (y + 2) % 3
        wait_scatter(bp)
        wait_gather(b)
        start_scatter(b)

        toff = ebase + NFA * KA
        pltpu.sync_copy(ei_hbm.at[pl.ds(toff, TEA)], dstv_t)
        pltpu.sync_copy(ei_hbm.at[pl.ds(E + toff, TEA)], srcv_t)
        pltpu.async_copy(h_hbm.at[srcv_t], rows_t, sem_t).wait()
        wait_scatter((NFA - 1) % 3)
        pltpu.sync_copy(rows_t, agg_sh.at[dstv_t], add=True)

        plsc.subcore_barrier()
        _write_out(sid, cid, agg_sh, agg_out)

    return functools.partial(
        pl.kernel, mesh=_MESH,
        out_type=(jax.ShapeDtypeStruct((NC, N, D), jnp.bfloat16),),
        scratch_types=scratch, compiler_params=_SC_PARAMS)(body)


def _make_sdeg():
    scratch = [
        [pltpu.VMEM((K,), jnp.int32)] * 3,
        [pltpu.VMEM((K, DE), jnp.float32)] * 3,
        pltpu.VMEM((K, DE), jnp.float32),
        pltpu.VMEM((TE,), jnp.int32),
        pltpu.VMEM((TE, DE), jnp.float32),
        pltpu.VMEM((TE, DE), jnp.float32),
        pltpu.VMEM((ZR, DE), jnp.float32),
        pltpu.VMEM_SHARED((N, DE), jnp.float32),
        pltpu.VMEM_SHARED((N, DE), jnp.float32),
        [pltpu.SemaphoreType.DMA] * 3,
        [pltpu.SemaphoreType.DMA] * 3,
    ]

    def body(ei_hbm, ea_hbm, sd_out, dstv, eav, ones, dstv_t, eav_t,
             ones_t, zbuf16, s_sh, deg_sh, sem_i, sem_s):
        cid = lax.axis_index("c")
        sid = lax.axis_index("s")
        ov = jnp.ones((16,), jnp.float32)

        @pl.loop(0, K)
        def _(i):
            ones[i, pl.ds(0, 16)] = ov

        @pl.loop(0, TE)
        def _(i):
            ones_t[i, pl.ds(0, 16)] = ov

        _zero_fill(zbuf16, DE)
        _zero_shared(sid, zbuf16, s_sh)
        _zero_shared(sid, zbuf16, deg_sh)
        plsc.subcore_barrier()

        ebase = (sid * NC + cid) * EPW

        def start_inputs(c, b):
            off = ebase + c * K
            pltpu.async_copy(ei_hbm.at[pl.ds(off, K)], dstv[b], sem_i[b])
            pltpu.async_copy(ea_hbm.at[pl.ds(off, K)], eav[b], sem_i[b])

        def wait_inputs(b):
            pltpu.make_async_copy(ei_hbm.at[pl.ds(0, K)], dstv[b], sem_i[b]).wait()
            pltpu.make_async_copy(ea_hbm.at[pl.ds(0, K)], eav[b], sem_i[b]).wait()

        def start_scatter(b):
            pltpu.async_copy(eav[b], s_sh.at[dstv[b]], sem_s[b], add=True)
            pltpu.async_copy(ones, deg_sh.at[dstv[b]], sem_s[b], add=True)

        def wait_scatter(b):
            pltpu.make_async_copy(eav[b], s_sh.at[dstv[b]], sem_s[b]).wait()
            pltpu.make_async_copy(ones, deg_sh.at[dstv[b]], sem_s[b]).wait()

        start_inputs(0, 0)
        start_inputs(1, 1)

        @pl.loop(0, NFULL, step=3)
        def _(j):
            for b in (0, 1, 2):
                c = j + b
                bp = (b + 2) % 3
                wait_inputs(b)
                start_scatter(b)
                can_load = c + 2 < NFULL

                @pl.when(jnp.logical_and(c >= 1, can_load))
                def _():
                    wait_scatter(bp)
                    start_inputs(c + 2, bp)

                @pl.when(jnp.logical_and(c < 1, can_load))
                def _():
                    start_inputs(c + 2, bp)

                @pl.when(jnp.logical_and(c >= 1, jnp.logical_not(can_load)))
                def _():
                    wait_scatter(bp)

        toff = ebase + NFULL * K
        pltpu.sync_copy(ei_hbm.at[pl.ds(toff, TE)], dstv_t)
        pltpu.sync_copy(ea_hbm.at[pl.ds(toff, TE)], eav_t)
        wait_scatter((NFULL - 1) % 3)
        pltpu.sync_copy(eav_t, s_sh.at[dstv_t], add=True)
        pltpu.sync_copy(ones_t, deg_sh.at[dstv_t], add=True)

        plsc.subcore_barrier()
        rbase = sid * RO
        pltpu.sync_copy(s_sh.at[pl.ds(rbase, RO)],
                        sd_out.at[cid, 0, pl.ds(rbase, RO)])
        pltpu.sync_copy(deg_sh.at[pl.ds(rbase, RO)],
                        sd_out.at[cid, 1, pl.ds(rbase, RO)])

        @pl.when(sid == NS - 1)
        def _():
            pltpu.sync_copy(s_sh.at[pl.ds(NS * RO, TAIL)],
                            sd_out.at[cid, 0, pl.ds(NS * RO, TAIL)])
            pltpu.sync_copy(deg_sh.at[pl.ds(NS * RO, TAIL)],
                            sd_out.at[cid, 1, pl.ds(NS * RO, TAIL)])

    return functools.partial(
        pl.kernel, mesh=_MESH,
        out_type=(jax.ShapeDtypeStruct((NC, 2, N, DE), jnp.float32),),
        scratch_types=scratch, compiler_params=_SC_PARAMS)(body)


_spmm = _make_spmm()
_sdeg = _make_sdeg()


def _make_mlp(final_relu: bool, with_sd_inputs: bool):
    R = 2000

    def body(agg_ref, h_ref, sd_ref, a_ref, b_ref, v_ref, u_ref,
             w2_ref, b2_ref, o_ref):
        z = (agg_ref[0].astype(jnp.float32) + agg_ref[1].astype(jnp.float32)
             + h_ref[...])
        sarr = sd_ref[0, 0] + sd_ref[1, 0]
        darr = sd_ref[0, 1] + sd_ref[1, 1]
        dcol = darr[:, :1]
        pre = (jnp.dot(z.astype(jnp.bfloat16), a_ref[...].astype(jnp.bfloat16),
                       preferred_element_type=jnp.float32)
               + jnp.dot(sarr, b_ref[...], preferred_element_type=jnp.float32)
               + dcol * v_ref[...] + u_ref[...])
        t = jnp.maximum(pre, 0.0)
        out = jnp.dot(t.astype(jnp.bfloat16), w2_ref[...].astype(jnp.bfloat16),
                      preferred_element_type=jnp.float32) + b2_ref[...]
        if final_relu:
            out = jnp.maximum(out, 0.0)
        o_ref[...] = out

    grid = (N // R,)
    in_specs = [
        pl.BlockSpec((NC, R, D), lambda i: (0, i, 0)),
        pl.BlockSpec((R, D), lambda i: (i, 0)),
        pl.BlockSpec((NC, 2, R, DE), lambda i: (0, 0, i, 0)),
        pl.BlockSpec((D, 2 * D), lambda i: (0, 0)),
        pl.BlockSpec((DE, 2 * D), lambda i: (0, 0)),
        pl.BlockSpec((1, 2 * D), lambda i: (0, 0)),
        pl.BlockSpec((1, 2 * D), lambda i: (0, 0)),
        pl.BlockSpec((2 * D, D), lambda i: (0, 0)),
        pl.BlockSpec((1, D), lambda i: (0, 0)),
    ]
    return pl.pallas_call(
        body,
        grid=grid,
        in_specs=in_specs,
        out_specs=pl.BlockSpec((R, D), lambda i: (i, 0)),
        out_shape=jax.ShapeDtypeStruct((N, D), jnp.float32),
    )


_mlp0 = _make_mlp(final_relu=True, with_sd_inputs=True)
_mlp1 = _make_mlp(final_relu=False, with_sd_inputs=True)

_SCALE = 1.0 / np.sqrt(1.0 + EPS)


def kernel(x, edge_index, edge_attr, self_loop_index, self_loop_type,
           W_enc0, b_enc0, W1_0, b1_0, gamma0, beta0, W2_0, b2_0,
           W_enc1, b_enc1, W1_1, b1_1, gamma1, beta1, W2_1, b2_1):
    sl_row = ((jnp.arange(DE) == self_loop_index).astype(jnp.float32)
              * jnp.asarray(self_loop_type, jnp.float32))

    def fold(W1, b1, gamma, beta):
        g = gamma * _SCALE
        return W1 * g[None, :], b1 * g + beta

    W1f0, b1f0 = fold(W1_0, b1_0, gamma0, beta0)
    A0 = W1f0
    B0 = W_enc0 @ W1f0
    v0 = (b_enc0 @ W1f0)[None, :]
    u0 = ((sl_row @ W_enc0 + b_enc0) @ W1f0 + b1f0)[None, :]

    W1f1, b1f1 = fold(W1_1, b1_1, gamma1, beta1)
    A1 = W1f1[:D]
    Wb = W1f1[D:]
    B1 = W_enc1 @ Wb
    v1 = (b_enc1 @ Wb)[None, :]
    u1 = ((sl_row @ W_enc1 + b_enc1) @ Wb + b1f1)[None, :]

    ei_lin = edge_index.reshape(2 * E)
    (aggx,) = _spmm(x.astype(jnp.bfloat16), ei_lin)
    ei_lin2, aggx = lax.optimization_barrier((ei_lin, aggx))
    (SD,) = _sdeg(ei_lin2, edge_attr)
    h0 = _mlp0(aggx, x, SD, A0, B0, v0, u0, W2_0, b2_0[None, :])
    (aggh,) = _spmm(h0.astype(jnp.bfloat16), ei_lin)
    h1 = _mlp1(aggh, h0, SD, A1, B1, v1, u1, W2_1, b2_1[None, :])
    return h1

# --- scband reference (transcript-rebuilt; emitter-appended) ---
"""Pipeline reference for scband-finetuner-69707319214472 (READ-ONLY COPY).

The authoritative reference and input builder live on the scoring server;
editing this copy changes nothing except your own understanding.
"""

import jax, jax.numpy as jnp
import numpy as np

N = 10000
E = 320000
D = 128
DE = 16
EPS = 1e-05


def _linear_params(key, fan_in, fan_out):
    k1, k2 = jax.random.split(key)
    bound = 1.0 / np.sqrt(fan_in)
    W = jax.random.uniform(k1, (fan_in, fan_out), jnp.float32, -bound, bound)
    b = jax.random.uniform(k2, (fan_out,), jnp.float32, -bound, bound)
    return W, b


def setup_inputs(seed: int = 0):
    key = jax.random.key(seed)
    ks = jax.random.split(key, 12)
    inp = {}
    inp['x'] = jax.random.normal(ks[0], (N, D), jnp.float32)
    inp['edge_index'] = jax.random.randint(ks[1], (2, E), 0, N, dtype=jnp.int32)
    inp['edge_attr'] = jax.random.uniform(ks[2], (E, DE), jnp.float32)
    inp['self_loop_index'] = 7
    inp['self_loop_type'] = 1
    # layer 0 (feature_concat=False): mlp in_feat = D
    inp['W_enc0'], inp['b_enc0'] = _linear_params(ks[3], DE, D)
    inp['W1_0'], inp['b1_0'] = _linear_params(ks[4], D, 2 * D)
    inp['gamma0'] = jnp.ones((2 * D,), jnp.float32)
    inp['beta0'] = jnp.zeros((2 * D,), jnp.float32)
    inp['W2_0'], inp['b2_0'] = _linear_params(ks[5], 2 * D, D)
    # layer 1 (feature_concat=True): mlp in_feat = 2*D
    inp['W_enc1'], inp['b_enc1'] = _linear_params(ks[6], DE, D)
    inp['W1_1'], inp['b1_1'] = _linear_params(ks[7], 2 * D, 2 * D)
    inp['gamma1'] = jnp.ones((2 * D,), jnp.float32)
    inp['beta1'] = jnp.zeros((2 * D,), jnp.float32)
    inp['W2_1'], inp['b2_1'] = _linear_params(ks[8], 2 * D, D)
    return inp


def _gin_layer(h, ei_sl, ea_full, W_enc, b_enc, W1, b1, gamma, beta, W2, b2, concat):
    # edge encoder: Linear(DE -> D)
    ee = ea_full @ W_enc + b_enc
    # gather source-node features (edge_index[1]) and combine with edge embeddings
    m = h[ei_sl[1]]
    if concat:
        m = jnp.concatenate([m, ee], axis=1)
    else:
        m = m + ee
    # sum aggregation onto edge_index[0]
    agg = jax.ops.segment_sum(m, ei_sl[0], num_segments=N)
    # MLP: Linear -> BatchNorm1d (eval mode: running_mean=0, running_var=1) -> ReLU -> Linear
    out = agg @ W1 + b1
    out = (out / jnp.sqrt(1.0 + EPS)) * gamma + beta
    out = jax.nn.relu(out)
    out = out @ W2 + b2
    return out


def reference(x, edge_index, edge_attr, self_loop_index, self_loop_type,
              W_enc0, b_enc0, W1_0, b1_0, gamma0, beta0, W2_0, b2_0,
              W_enc1, b_enc1, W1_1, b1_1, gamma1, beta1, W2_1, b2_1):
    ar = jnp.arange(N, dtype=edge_index.dtype)
    ei_sl = jnp.concatenate([edge_index, jnp.stack([ar, ar])], axis=1)
    sl_row = (jnp.arange(DE) == self_loop_index).astype(edge_attr.dtype) * jnp.asarray(self_loop_type, edge_attr.dtype)
    sl_attr = jnp.broadcast_to(sl_row, (N, DE))
    ea_full = jnp.concatenate([edge_attr, sl_attr], axis=0)
    # layer 0
    h0 = _gin_layer(x, ei_sl, ea_full, W_enc0, b_enc0, W1_0, b1_0, gamma0, beta0, W2_0, b2_0, concat=False)
    h0 = jax.nn.relu(h0)  # inter-layer ReLU; dropout is identity in eval
    # layer 1 (last): dropout only (identity in eval)
    h1 = _gin_layer(h0, ei_sl, ea_full, W_enc1, b_enc1, W1_1, b1_1, gamma1, beta1, W2_1, b2_1, concat=True)
    # JK == 'last'
    return h1

if __name__ == "__main__":
    import jax
    _d = setup_inputs()
    print(jax.jit(kernel)(*tuple(_d.values())))

</pallas_src>

<mosaic_0001>
#map = affine_map<(d0, d1) -> (0, 0)>
#map1 = affine_map<(d0, d1) -> (0)>
#map2 = affine_map<(d0, d1) -> (0, 0, 0)>
module attributes {stable_mosaic.version = 14 : i64} {
  func.func @body(%arg0: i32, %arg1: i32, %arg2: memref<10000x128xbf16, #tpu.memory_space<hbm>>, %arg3: memref<640000xi32, #tpu.memory_space<hbm>>, %arg4: memref<2x10000x128xbf16, #tpu.memory_space<hbm>>, %arg5: memref<128xi32, #tpu.memory_space<vmem>>, %arg6: memref<128xi32, #tpu.memory_space<vmem>>, %arg7: memref<128xi32, #tpu.memory_space<vmem>>, %arg8: memref<128xi32, #tpu.memory_space<vmem>>, %arg9: memref<128xi32, #tpu.memory_space<vmem>>, %arg10: memref<128xi32, #tpu.memory_space<vmem>>, %arg11: memref<128x128xbf16, #tpu.memory_space<vmem>>, %arg12: memref<128x128xbf16, #tpu.memory_space<vmem>>, %arg13: memref<128x128xbf16, #tpu.memory_space<vmem>>, %arg14: memref<16xi32, #tpu.memory_space<vmem>>, %arg15: memref<16xi32, #tpu.memory_space<vmem>>, %arg16: memref<16x128xbf16, #tpu.memory_space<vmem>>, %arg17: memref<48x128xbf16, #tpu.memory_space<vmem>>, %arg18: memref<10000x128xbf16, #tpu.memory_space<vmem_shared>>, %arg19: memref<!tpu.dma_semaphore, #tpu.memory_space<semaphore_mem>>, %arg20: memref<!tpu.dma_semaphore, #tpu.memory_space<semaphore_mem>>, %arg21: memref<!tpu.dma_semaphore, #tpu.memory_space<semaphore_mem>>, %arg22: memref<!tpu.dma_semaphore, #tpu.memory_space<semaphore_mem>>, %arg23: memref<!tpu.dma_semaphore, #tpu.memory_space<semaphore_mem>>, %arg24: memref<!tpu.dma_semaphore, #tpu.memory_space<semaphore_mem>>, %arg25: memref<!tpu.dma_semaphore, #tpu.memory_space<semaphore_mem>>, %arg26: memref<!tpu.dma_semaphore, #tpu.memory_space<semaphore_mem>>, %arg27: memref<!tpu.dma_semaphore, #tpu.memory_space<semaphore_mem>>, %arg28: memref<!tpu.dma_semaphore, #tpu.memory_space<semaphore_mem>>) attributes {dimension_semantics = [#tpu.dimension_semantics<core_parallel>, #tpu.dimension_semantics<subcore_parallel>], iteration_bounds = array<i64: 2, 16>, scalar_prefetch = 0 : i64, scratch_operands = 24 : i64, tpu.core_type = #tpu.core_type<sc_vector_subcore>, window_params = [{transform_indices = #map}, {transform_indices = #map1}, {transform_indices = #map2}]} {
    %broadcast_in_dim3A = arith.constant 0.000000e+00 : bf16
    %broadcast_in_dim3A_0 = vector.broadcast %broadcast_in_dim3A : bf16 to vector<32xbf16>
    %scan3A = arith.constant 0 : i32
    %scan3A_1 = arith.constant 48 : i32
    %scan3A_2 = arith.addi %scan3A, %scan3A_1 : i32
    %scan3A_3 = arith.constant 1 : i32
    scf.for %scan3A_154 = %scan3A to %scan3A_2 step %scan3A_3  : i32 {
      %mul3A_155 = arith.constant 1 : i32
      %mul3A_156 = arith.muli %scan3A_154, %mul3A_155 : i32
      %add3A_157 = arith.constant 0 : i32
      %add3A_158 = arith.addi %add3A_157, %mul3A_156 : i32
      %scan3A_159 = arith.constant 0 : i32
      %scan3A_160 = arith.constant 4 : i32
      %scan3A_161 = arith.addi %scan3A_159, %scan3A_160 : i32
      %scan3A_162 = arith.constant 1 : i32
      scf.for %scan3A_164 = %scan3A_159 to %scan3A_161 step %scan3A_162  : i32 {
        %mul3A_165 = arith.constant 1 : i32
        %mul3A_166 = arith.muli %scan3A_164, %mul3A_165 : i32
        %add3A_167 = arith.constant 0 : i32
        %add3A_168 = arith.addi %add3A_167, %mul3A_166 : i32
        %mul3A_169 = arith.constant 32 : i32
        %mul3A_170 = arith.muli %add3A_168, %mul3A_169 : i32
        %swap3A = arith.index_cast %add3A_158 : i32 to index
        %swap3A_171 = arith.index_cast %mul3A_170 : i32 to index
        %swap3A_172 = tpu.vector_load %arg17[%swap3A, %swap3A_171] {strides = array<i32>} : memref<48x128xbf16, #tpu.memory_space<vmem>>, vector<1x32xbf16>,
        %swap3A_173 = vector.shape_cast %swap3A_172 : vector<1x32xbf16> to vector<32xbf16>
        %swap3A_174 = vector.shape_cast %broadcast_in_dim3A_0 : vector<32xbf16> to vector<1x32xbf16>
        tpu.vector_store %arg17[%swap3A, %swap3A_171], %swap3A_174 {strides = array<i32>} : memref<48x128xbf16, #tpu.memory_space<vmem>>, vector<1x32xbf16>,
      }
      %scan3A_163 = arith.constant 4 : i32
    }
    %scan3A_4 = arith.constant 48 : i32
    %mul3A = arith.constant 624 : i32
    %mul3A_5 = arith.muli %arg1, %mul3A : i32
    %add3A = arith.constant 0 : i32
    %add3A_6 = arith.addi %mul3A_5, %add3A : i32
    "tpu.region"() ({
      %run_scoped3A = tpu.sem_alloc : memref<!tpu.dma_semaphore, #tpu.memory_space<semaphore_mem>>
      %dma_start3A_154 = arith.constant 0 : i32
      %dma_start3A_155 = tpu.memref_slice %arg18[%add3A_6, %dma_start3A_154] : memref<10000x128xbf16, #tpu.memory_space<vmem_shared>> -> memref<48x128xbf16, #tpu.memory_space<vmem_shared>>
      %dma_start3A_156 = arith.constant 0 : i32
      %dma_start3A_157 = tpu.memref_slice %arg18[%add3A_6, %dma_start3A_156] : memref<10000x128xbf16, #tpu.memory_space<vmem_shared>> -> memref<48x128xbf16, #tpu.memory_space<vmem_shared>>
      tpu.enqueue_dma source(%arg17 : memref<48x128xbf16, #tpu.memory_space<vmem>>) target(%dma_start3A_157 : memref<48x128xbf16, #tpu.memory_space<vmem_shared>>) target_semaphore(%run_scoped3A : memref<!tpu.dma_semaphore, #tpu.memory_space<semaphore_mem>>)
      %dma_wait3A_158 = arith.constant 0 : i32
      %dma_wait3A_159 = tpu.memref_slice %arg18[%add3A_6, %dma_wait3A_158] : memref<10000x128xbf16, #tpu.memory_space<vmem_shared>> -> memref<48x128xbf16, #tpu.memory_space<vmem_shared>>
      %dma_wait3A_160 = arith.constant 0 : i32
      %dma_wait3A_161 = tpu.memref_slice %arg18[%add3A_6, %dma_wait3A_160] : memref<10000x128xbf16, #tpu.memory_space<vmem_shared>> -> memref<48x128xbf16, #tpu.memory_space<vmem_shared>>
      tpu.wait_dma2 semaphore(%run_scoped3A : memref<!tpu.dma_semaphore, #tpu.memory_space<semaphore_mem>>) src(%arg17 : memref<48x128xbf16, #tpu.memory_space<vmem>>) dst(%dma_wait3A_161 : memref<48x128xbf16, #tpu.memory_space<vmem_shared>>)
      tpu.yield
    }) : () -> ()
    %add3A_7 = arith.constant 48 : i32
    %add3A_8 = arith.addi %mul3A_5, %add3A_7 : i32
    "tpu.region"() ({
      %run_scoped3A = tpu.sem_alloc : memref<!tpu.dma_semaphore, #tpu.memory_space<semaphore_mem>>
      %dma_start3A_154 = arith.constant 0 : i32
      %dma_start3A_155 = tpu.memref_slice %arg18[%add3A_8, %dma_start3A_154] : memref<10000x128xbf16, #tpu.memory_space<vmem_shared>> -> memref<48x128xbf16, #tpu.memory_space<vmem_shared>>
      %dma_start3A_156 = arith.constant 0 : i32
      %dma_start3A_157 = tpu.memref_slice %arg18[%add3A_8, %dma_start3A_156] : memref<10000x128xbf16, #tpu.memory_space<vmem_shared>> -> memref<48x128xbf16, #tpu.memory_space<vmem_shared>>
      tpu.enqueue_dma source(%arg17 : memref<48x128xbf16, #tpu.memory_space<vmem>>) target(%dma_start3A_157 : memref<48x128xbf16, #tpu.memory_space<vmem_shared>>) target_semaphore(%run_scoped3A : memref<!tpu.dma_semaphore, #tpu.memory_space<semaphore_mem>>)
      %dma_wait3A_158 = arith.constant 0 : i32
      %dma_wait3A_159 = tpu.memref_slice %arg18[%add3A_8, %dma_wait3A_158] : memref<10000x128xbf16, #tpu.memory_space<vmem_shared>> -> memref<48x128xbf16, #tpu.memory_space<vmem_shared>>
      %dma_wait3A_160 = arith.constant 0 : i32
      %dma_wait3A_161 = tpu.memref_slice %arg18[%add3A_8, %dma_wait3A_160] : memref<10000x128xbf16, #tpu.memory_space<vmem_shared>> -> memref<48x128xbf16, #tpu.memory_space<vmem_shared>>
      tpu.wait_dma2 semaphore(%run_scoped3A : memref<!tpu.dma_semaphore, #tpu.memory_space<semaphore_mem>>) src(%arg17 : memref<48x128xbf16, #tpu.memory_space<vmem>>) dst(%dma_wait3A_161 : memref<48x128xbf16, #tpu.memory_space<vmem_shared>>)
      tpu.yield
    }) : () -> ()
    %add3A_9 = arith.constant 96 : i32
    %add3A_10 = arith.addi %mul3A_5, %add3A_9 : i32
    "tpu.region"() ({
      %run_scoped3A = tpu.sem_alloc : memref<!tpu.dma_semaphore, #tpu.memory_space<semaphore_mem>>
      %dma_start3A_154 = arith.constant 0 : i32
      %dma_start3A_155 = tpu.memref_slice %arg18[%add3A_10, %dma_start3A_154] : memref<10000x128xbf16, #tpu.memory_space<vmem_shared>> -> memref<48x128xbf16, #tpu.memory_space<vmem_shared>>
      %dma_start3A_156 = arith.constant 0 : i32
      %dma_start3A_157 = tpu.memref_slice %arg18[%add3A_10, %dma_start3A_156] : memref<10000x128xbf16, #tpu.memory_space<vmem_shared>> -> memref<48x128xbf16, #tpu.memory_space<vmem_shared>>
      tpu.enqueue_dma source(%arg17 : memref<48x128xbf16, #tpu.memory_space<vmem>>) target(%dma_start3A_157 : memref<48x128xbf16, #tpu.memory_space<vmem_shared>>) target_semaphore(%run_scoped3A : memref<!tpu.dma_semaphore, #tpu.memory_space<semaphore_mem>>)
      %dma_wait3A_158 = arith.constant 0 : i32
      %dma_wait3A_159 = tpu.memref_slice %arg18[%add3A_10, %dma_wait3A_158] : memref<10000x128xbf16, #tpu.memory_space<vmem_shared>> -> memref<48x128xbf16, #tpu.memory_space<vmem_shared>>
      %dma_wait3A_160 = arith.constant 0 : i32
      %dma_wait3A_161 = tpu.memref_slice %arg18[%add3A_10, %dma_wait3A_160] : memref<10000x128xbf16, #tpu.memory_space<vmem_shared>> -> memref<48x128xbf16, #tpu.memory_space<vmem_shared>>
      tpu.wait_dma2 semaphore(%run_scoped3A : memref<!tpu.dma_semaphore, #tpu.memory_space<semaphore_mem>>) src(%arg17 : memref<48x128xbf16, #tpu.memory_space<vmem>>) dst(%dma_wait3A_161 : memref<48x128xbf16, #tpu.memory_space<vmem_shared>>)
      tpu.yield
    }) : () -> ()
    %add3A_11 = arith.constant 144 : i32
    %add3A_12 = arith.addi %mul3A_5, %add3A_11 : i32
    "tpu.region"() ({
      %run_scoped3A = tpu.sem_alloc : memref<!tpu.dma_semaphore, #tpu.memory_space<semaphore_mem>>
      %dma_start3A_154 = arith.constant 0 : i32
      %dma_start3A_155 = tpu.memref_slice %arg18[%add3A_12, %dma_start3A_154] : memref<10000x128xbf16, #tpu.memory_space<vmem_shared>> -> memref<48x128xbf16, #tpu.memory_space<vmem_shared>>
      %dma_start3A_156 = arith.constant 0 : i32
      %dma_start3A_157 = tpu.memref_slice %arg18[%add3A_12, %dma_start3A_156] : memref<10000x128xbf16, #tpu.memory_space<vmem_shared>> -> memref<48x128xbf16, #tpu.memory_space<vmem_shared>>
      tpu.enqueue_dma source(%arg17 : memref<48x128xbf16, #tpu.memory_space<vmem>>) target(%dma_start3A_157 : memref<48x128xbf16, #tpu.memory_space<vmem_shared>>) target_semaphore(%run_scoped3A : memref<!tpu.dma_semaphore, #tpu.memory_space<semaphore_mem>>)
      %dma_wait3A_158 = arith.constant 0 : i32
      %dma_wait3A_159 = tpu.memref_slice %arg18[%add3A_12, %dma_wait3A_158] : memref<10000x128xbf16, #tpu.memory_space<vmem_shared>> -> memref<48x128xbf16, #tpu.memory_space<vmem_shared>>
      %dma_wait3A_160 = arith.constant 0 : i32
      %dma_wait3A_161 = tpu.memref_slice %arg18[%add3A_12, %dma_wait3A_160] : memref<10000x128xbf16, #tpu.memory_space<vmem_shared>> -> memref<48x128xbf16, #tpu.memory_space<vmem_shared>>
      tpu.wait_dma2 semaphore(%run_scoped3A : memref<!tpu.dma_semaphore, #tpu.memory_space<semaphore_mem>>) src(%arg17 : memref<48x128xbf16, #tpu.memory_space<vmem>>) dst(%dma_wait3A_161 : memref<48x128xbf16, #tpu.memory_space<vmem_shared>>)
      tpu.yield
    }) : () -> ()
    %add3A_13 = arith.constant 192 : i32
    %add3A_14 = arith.addi %mul3A_5, %add3A_13 : i32
    "tpu.region"() ({
      %run_scoped3A = tpu.sem_alloc : memref<!tpu.dma_semaphore, #tpu.memory_space<semaphore_mem>>
      %dma_start3A_154 = arith.constant 0 : i32
      %dma_start3A_155 = tpu.memref_slice %arg18[%add3A_14, %dma_start3A_154] : memref<10000x128xbf16, #tpu.memory_space<vmem_shared>> -> memref<48x128xbf16, #tpu.memory_space<vmem_shared>>
      %dma_start3A_156 = arith.constant 0 : i32
      %dma_start3A_157 = tpu.memref_slice %arg18[%add3A_14, %dma_start3A_156] : memref<10000x128xbf16, #tpu.memory_space<vmem_shared>> -> memref<48x128xbf16, #tpu.memory_space<vmem_shared>>
      tpu.enqueue_dma source(%arg17 : memref<48x128xbf16, #tpu.memory_space<vmem>>) target(%dma_start3A_157 : memref<48x128xbf16, #tpu.memory_space<vmem_shared>>) target_semaphore(%run_scoped3A : memref<!tpu.dma_semaphore, #tpu.memory_space<semaphore_mem>>)
      %dma_wait3A_158 = arith.constant 0 : i32
      %dma_wait3A_159 = tpu.memref_slice %arg18[%add3A_14, %dma_wait3A_158] : memref<10000x128xbf16, #tpu.memory_space<vmem_shared>> -> memref<48x128xbf16, #tpu.memory_space<vmem_shared>>
      %dma_wait3A_160 = arith.constant 0 : i32
      %dma_wait3A_161 = tpu.memref_slice %arg18[%add3A_14, %dma_wait3A_160] : memref<10000x128xbf16, #tpu.memory_space<vmem_shared>> -> memref<48x128xbf16, #tpu.memory_space<vmem_shared>>
      tpu.wait_dma2 semaphore(%run_scoped3A : memref<!tpu.dma_semaphore, #tpu.memory_space<semaphore_mem>>) src(%arg17 : memref<48x128xbf16, #tpu.memory_space<vmem>>) dst(%dma_wait3A_161 : memref<48x128xbf16, #tpu.memory_space<vmem_shared>>)
      tpu.yield
    }) : () -> ()
    %add3A_15 = arith.constant 240 : i32
    %add3A_16 = arith.addi %mul3A_5, %add3A_15 : i32
    "tpu.region"() ({
      %run_scoped3A = tpu.sem_alloc : memref<!tpu.dma_semaphore, #tpu.memory_space<semaphore_mem>>
      %dma_start3A_154 = arith.constant 0 : i32
      %dma_start3A_155 = tpu.memref_slice %arg18[%add3A_16, %dma_start3A_154] : memref<10000x128xbf16, #tpu.memory_space<vmem_shared>> -> memref<48x128xbf16, #tpu.memory_space<vmem_shared>>
      %dma_start3A_156 = arith.constant 0 : i32
      %dma_start3A_157 = tpu.memref_slice %arg18[%add3A_16, %dma_start3A_156] : memref<10000x128xbf16, #tpu.memory_space<vmem_shared>> -> memref<48x128xbf16, #tpu.memory_space<vmem_shared>>
      tpu.enqueue_dma source(%arg17 : memref<48x128xbf16, #tpu.memory_space<vmem>>) target(%dma_start3A_157 : memref<48x128xbf16, #tpu.memory_space<vmem_shared>>) target_semaphore(%run_scoped3A : memref<!tpu.dma_semaphore, #tpu.memory_space<semaphore_mem>>)
      %dma_wait3A_158 = arith.constant 0 : i32
      %dma_wait3A_159 = tpu.memref_slice %arg18[%add3A_16, %dma_wait3A_158] : memref<10000x128xbf16, #tpu.memory_space<vmem_shared>> -> memref<48x128xbf16, #tpu.memory_space<vmem_shared>>
      %dma_wait3A_160 = arith.constant 0 : i32
      %dma_wait3A_161 = tpu.memref_slice %arg18[%add3A_16, %dma_wait3A_160] : memref<10000x128xbf16, #tpu.memory_space<vmem_shared>> -> memref<48x128xbf16, #tpu.memory_space<vmem_shared>>
      tpu.wait_dma2 semaphore(%run_scoped3A : memref<!tpu.dma_semaphore, #tpu.memory_space<semaphore_mem>>) src(%arg17 : memref<48x128xbf16, #tpu.memory_space<vmem>>) dst(%dma_wait3A_161 : memref<48x128xbf16, #tpu.memory_space<vmem_shared>>)
      tpu.yield
    }) : () -> ()
    %add3A_17 = arith.constant 288 : i32
    %add3A_18 = arith.addi %mul3A_5, %add3A_17 : i32
    "tpu.region"() ({
      %run_scoped3A = tpu.sem_alloc : memref<!tpu.dma_semaphore, #tpu.memory_space<semaphore_mem>>
      %dma_start3A_154 = arith.constant 0 : i32
      %dma_start3A_155 = tpu.memref_slice %arg18[%add3A_18, %dma_start3A_154] : memref<10000x128xbf16, #tpu.memory_space<vmem_shared>> -> memref<48x128xbf16, #tpu.memory_space<vmem_shared>>
      %dma_start3A_156 = arith.constant 0 : i32
      %dma_start3A_157 = tpu.memref_slice %arg18[%add3A_18, %dma_start3A_156] : memref<10000x128xbf16, #tpu.memory_space<vmem_shared>> -> memref<48x128xbf16, #tpu.memory_space<vmem_shared>>
      tpu.enqueue_dma source(%arg17 : memref<48x128xbf16, #tpu.memory_space<vmem>>) target(%dma_start3A_157 : memref<48x128xbf16, #tpu.memory_space<vmem_shared>>) target_semaphore(%run_scoped3A : memref<!tpu.dma_semaphore, #tpu.memory_space<semaphore_mem>>)
      %dma_wait3A_158 = arith.constant 0 : i32
      %dma_wait3A_159 = tpu.memref_slice %arg18[%add3A_18, %dma_wait3A_158] : memref<10000x128xbf16, #tpu.memory_space<vmem_shared>> -> memref<48x128xbf16, #tpu.memory_space<vmem_shared>>
      %dma_wait3A_160 = arith.constant 0 : i32
      %dma_wait3A_161 = tpu.memref_slice %arg18[%add3A_18, %dma_wait3A_160] : memref<10000x128xbf16, #tpu.memory_space<vmem_shared>> -> memref<48x128xbf16, #tpu.memory_space<vmem_shared>>
      tpu.wait_dma2 semaphore(%run_scoped3A : memref<!tpu.dma_semaphore, #tpu.memory_space<semaphore_mem>>) src(%arg17 : memref<48x128xbf16, #tpu.memory_space<vmem>>) dst(%dma_wait3A_161 : memref<48x128xbf16, #tpu.memory_space<vmem_shared>>)
      tpu.yield
    }) : () -> ()
    %add3A_19 = arith.constant 336 : i32
    %add3A_20 = arith.addi %mul3A_5, %add3A_19 : i32
    "tpu.region"() ({
      %run_scoped3A = tpu.sem_alloc : memref<!tpu.dma_semaphore, #tpu.memory_space<semaphore_mem>>
      %dma_start3A_154 = arith.constant 0 : i32
      %dma_start3A_155 = tpu.memref_slice %arg18[%add3A_20, %dma_start3A_154] : memref<10000x128xbf16, #tpu.memory_space<vmem_shared>> -> memref<48x128xbf16, #tpu.memory_space<vmem_shared>>
      %dma_start3A_156 = arith.constant 0 : i32
      %dma_start3A_157 = tpu.memref_slice %arg18[%add3A_20, %dma_start3A_156] : memref<10000x128xbf16, #tpu.memory_space<vmem_shared>> -> memref<48x128xbf16, #tpu.memory_space<vmem_shared>>
      tpu.enqueue_dma source(%arg17 : memref<48x128xbf16, #tpu.memory_space<vmem>>) target(%dma_start3A_157 : memref<48x128xbf16, #tpu.memory_space<vmem_shared>>) target_semaphore(%run_scoped3A : memref<!tpu.dma_semaphore, #tpu.memory_space<semaphore_mem>>)
      %dma_wait3A_158 = arith.constant 0 : i32
      %dma_wait3A_159 = tpu.memref_slice %arg18[%add3A_20, %dma_wait3A_158] : memref<10000x128xbf16, #tpu.memory_space<vmem_shared>> -> memref<48x128xbf16, #tpu.memory_space<vmem_shared>>
      %dma_wait3A_160 = arith.constant 0 : i32
      %dma_wait3A_161 = tpu.memref_slice %arg18[%add3A_20, %dma_wait3A_160] : memref<10000x128xbf16, #tpu.memory_space<vmem_shared>> -> memref<48x128xbf16, #tpu.memory_space<vmem_shared>>
      tpu.wait_dma2 semaphore(%run_scoped3A : memref<!tpu.dma_semaphore, #tpu.memory_space<semaphore_mem>>) src(%arg17 : memref<48x128xbf16, #tpu.memory_space<vmem>>) dst(%dma_wait3A_161 : memref<48x128xbf16, #tpu.memory_space<vmem_shared>>)
      tpu.yield
    }) : () -> ()
    %add3A_21 = arith.constant 384 : i32
    %add3A_22 = arith.addi %mul3A_5, %add3A_21 : i32
    "tpu.region"() ({
      %run_scoped3A = tpu.sem_alloc : memref<!tpu.dma_semaphore, #tpu.memory_space<semaphore_mem>>
      %dma_start3A_154 = arith.constant 0 : i32
      %dma_start3A_155 = tpu.memref_slice %arg18[%add3A_22, %dma_start3A_154] : memref<10000x128xbf16, #tpu.memory_space<vmem_shared>> -> memref<48x128xbf16, #tpu.memory_space<vmem_shared>>
      %dma_start3A_156 = arith.constant 0 : i32
      %dma_start3A_157 = tpu.memref_slice %arg18[%add3A_22, %dma_start3A_156] : memref<10000x128xbf16, #tpu.memory_space<vmem_shared>> -> memref<48x128xbf16, #tpu.memory_space<vmem_shared>>
      tpu.enqueue_dma source(%arg17 : memref<48x128xbf16, #tpu.memory_space<vmem>>) target(%dma_start3A_157 : memref<48x128xbf16, #tpu.memory_space<vmem_shared>>) target_semaphore(%run_scoped3A : memref<!tpu.dma_semaphore, #tpu.memory_space<semaphore_mem>>)
      %dma_wait3A_158 = arith.constant 0 : i32
      %dma_wait3A_159 = tpu.memref_slice %arg18[%add3A_22, %dma_wait3A_158] : memref<10000x128xbf16, #tpu.memory_space<vmem_shared>> -> memref<48x128xbf16, #tpu.memory_space<vmem_shared>>
      %dma_wait3A_160 = arith.constant 0 : i32
      %dma_wait3A_161 = tpu.memref_slice %arg18[%add3A_22, %dma_wait3A_160] : memref<10000x128xbf16, #tpu.memory_space<vmem_shared>> -> memref<48x128xbf16, #tpu.memory_space<vmem_shared>>
      tpu.wait_dma2 semaphore(%run_scoped3A : memref<!tpu.dma_semaphore, #tpu.memory_space<semaphore_mem>>) src(%arg17 : memref<48x128xbf16, #tpu.memory_space<vmem>>) dst(%dma_wait3A_161 : memref<48x128xbf16, #tpu.memory_space<vmem_shared>>)
      tpu.yield
    }) : () -> ()
    %add3A_23 = arith.constant 432 : i32
    %add3A_24 = arith.addi %mul3A_5, %add3A_23 : i32
    "tpu.region"() ({
      %run_scoped3A = tpu.sem_alloc : memref<!tpu.dma_semaphore, #tpu.memory_space<semaphore_mem>>
      %dma_start3A_154 = arith.constant 0 : i32
      %dma_start3A_155 = tpu.memref_slice %arg18[%add3A_24, %dma_start3A_154] : memref<10000x128xbf16, #tpu.memory_space<vmem_shared>> -> memref<48x128xbf16, #tpu.memory_space<vmem_shared>>
      %dma_start3A_156 = arith.constant 0 : i32
      %dma_start3A_157 = tpu.memref_slice %arg18[%add3A_24, %dma_start3A_156] : memref<10000x128xbf16, #tpu.memory_space<vmem_shared>> -> memref<48x128xbf16, #tpu.memory_space<vmem_shared>>
      tpu.enqueue_dma source(%arg17 : memref<48x128xbf16, #tpu.memory_space<vmem>>) target(%dma_start3A_157 : memref<48x128xbf16, #tpu.memory_space<vmem_shared>>) target_semaphore(%run_scoped3A : memref<!tpu.dma_semaphore, #tpu.memory_space<semaphore_mem>>)
      %dma_wait3A_158 = arith.constant 0 : i32
      %dma_wait3A_159 = tpu.memref_slice %arg18[%add3A_24, %dma_wait3A_158] : memref<10000x128xbf16, #tpu.memory_space<vmem_shared>> -> memref<48x128xbf16, #tpu.memory_space<vmem_shared>>
      %dma_wait3A_160 = arith.constant 0 : i32
      %dma_wait3A_161 = tpu.memref_slice %arg18[%add3A_24, %dma_wait3A_160] : memref<10000x128xbf16, #tpu.memory_space<vmem_shared>> -> memref<48x128xbf16, #tpu.memory_space<vmem_shared>>
      tpu.wait_dma2 semaphore(%run_scoped3A : memref<!tpu.dma_semaphore, #tpu.memory_space<semaphore_mem>>) src(%arg17 : memref<48x128xbf16, #tpu.memory_space<vmem>>) dst(%dma_wait3A_161 : memref<48x128xbf16, #tpu.memory_space<vmem_shared>>)
      tpu.yield
    }) : () -> ()
    %add3A_25 = arith.constant 480 : i32
    %add3A_26 = arith.addi %mul3A_5, %add3A_25 : i32
    "tpu.region"() ({
      %run_scoped3A = tpu.sem_alloc : memref<!tpu.dma_semaphore, #tpu.memory_space<semaphore_mem>>
      %dma_start3A_154 = arith.constant 0 : i32
      %dma_start3A_155 = tpu.memref_slice %arg18[%add3A_26, %dma_start3A_154] : memref<10000x128xbf16, #tpu.memory_space<vmem_shared>> -> memref<48x128xbf16, #tpu.memory_space<vmem_shared>>
      %dma_start3A_156 = arith.constant 0 : i32
      %dma_start3A_157 = tpu.memref_slice %arg18[%add3A_26, %dma_start3A_156] : memref<10000x128xbf16, #tpu.memory_space<vmem_shared>> -> memref<48x128xbf16, #tpu.memory_space<vmem_shared>>
      tpu.enqueue_dma source(%arg17 : memref<48x128xbf16, #tpu.memory_space<vmem>>) target(%dma_start3A_157 : memref<48x128xbf16, #tpu.memory_space<vmem_shared>>) target_semaphore(%run_scoped3A : memref<!tpu.dma_semaphore, #tpu.memory_space<semaphore_mem>>)
      %dma_wait3A_158 = arith.constant 0 : i32
      %dma_wait3A_159 = tpu.memref_slice %arg18[%add3A_26, %dma_wait3A_158] : memref<10000x128xbf16, #tpu.memory_space<vmem_shared>> -> memref<48x128xbf16, #tpu.memory_space<vmem_shared>>
      %dma_wait3A_160 = arith.constant 0 : i32
      %dma_wait3A_161 = tpu.memref_slice %arg18[%add3A_26, %dma_wait3A_160] : memref<10000x128xbf16, #tpu.memory_space<vmem_shared>> -> memref<48x128xbf16, #tpu.memory_space<vmem_shared>>
      tpu.wait_dma2 semaphore(%run_scoped3A : memref<!tpu.dma_semaphore, #tpu.memory_space<semaphore_mem>>) src(%arg17 : memref<48x128xbf16, #tpu.memory_space<vmem>>) dst(%dma_wait3A_161 : memref<48x128xbf16, #tpu.memory_space<vmem_shared>>)
      tpu.yield
    }) : () -> ()
    %add3A_27 = arith.constant 528 : i32
    %add3A_28 = arith.addi %mul3A_5, %add3A_27 : i32
    "tpu.region"() ({
      %run_scoped3A = tpu.sem_alloc : memref<!tpu.dma_semaphore, #tpu.memory_space<semaphore_mem>>
      %dma_start3A_154 = arith.constant 0 : i32
      %dma_start3A_155 = tpu.memref_slice %arg18[%add3A_28, %dma_start3A_154] : memref<10000x128xbf16, #tpu.memory_space<vmem_shared>> -> memref<48x128xbf16, #tpu.memory_space<vmem_shared>>
      %dma_start3A_156 = arith.constant 0 : i32
      %dma_start3A_157 = tpu.memref_slice %arg18[%add3A_28, %dma_start3A_156] : memref<10000x128xbf16, #tpu.memory_space<vmem_shared>> -> memref<48x128xbf16, #tpu.memory_space<vmem_shared>>
      tpu.enqueue_dma source(%arg17 : memref<48x128xbf16, #tpu.memory_space<vmem>>) target(%dma_start3A_157 : memref<48x128xbf16, #tpu.memory_space<vmem_shared>>) target_semaphore(%run_scoped3A : memref<!tpu.dma_semaphore, #tpu.memory_space<semaphore_mem>>)
      %dma_wait3A_158 = arith.constant 0 : i32
      %dma_wait3A_159 = tpu.memref_slice %arg18[%add3A_28, %dma_wait3A_158] : memref<10000x128xbf16, #tpu.memory_space<vmem_shared>> -> memref<48x128xbf16, #tpu.memory_space<vmem_shared>>
      %dma_wait3A_160 = arith.constant 0 : i32
      %dma_wait3A_161 = tpu.memref_slice %arg18[%add3A_28, %dma_wait3A_160] : memref<10000x128xbf16, #tpu.memory_space<vmem_shared>> -> memref<48x128xbf16, #tpu.memory_space<vmem_shared>>
      tpu.wait_dma2 semaphore(%run_scoped3A : memref<!tpu.dma_semaphore, #tpu.memory_space<semaphore_mem>>) src(%arg17 : memref<48x128xbf16, #tpu.memory_space<vmem>>) dst(%dma_wait3A_161 : memref<48x128xbf16, #tpu.memory_space<vmem_shared>>)
      tpu.yield
    }) : () -> ()
    %add3A_29 = arith.constant 576 : i32
    %add3A_30 = arith.addi %mul3A_5, %add3A_29 : i32
    "tpu.region"() ({
      %run_scoped3A = tpu.sem_alloc : memref<!tpu.dma_semaphore, #tpu.memory_space<semaphore_mem>>
      %dma_start3A_154 = arith.constant 0 : i32
      %dma_start3A_155 = tpu.memref_slice %arg18[%add3A_30, %dma_start3A_154] : memref<10000x128xbf16, #tpu.memory_space<vmem_shared>> -> memref<48x128xbf16, #tpu.memory_space<vmem_shared>>
      %dma_start3A_156 = arith.constant 0 : i32
      %dma_start3A_157 = tpu.memref_slice %arg18[%add3A_30, %dma_start3A_156] : memref<10000x128xbf16, #tpu.memory_space<vmem_shared>> -> memref<48x128xbf16, #tpu.memory_space<vmem_shared>>
      tpu.enqueue_dma source(%arg17 : memref<48x128xbf16, #tpu.memory_space<vmem>>) target(%dma_start3A_157 : memref<48x128xbf16, #tpu.memory_space<vmem_shared>>) target_semaphore(%run_scoped3A : memref<!tpu.dma_semaphore, #tpu.memory_space<semaphore_mem>>)
      %dma_wait3A_158 = arith.constant 0 : i32
      %dma_wait3A_159 = tpu.memref_slice %arg18[%add3A_30, %dma_wait3A_158] : memref<10000x128xbf16, #tpu.memory_space<vmem_shared>> -> memref<48x128xbf16, #tpu.memory_space<vmem_shared>>
      %dma_wait3A_160 = arith.constant 0 : i32
      %dma_wait3A_161 = tpu.memref_slice %arg18[%add3A_30, %dma_wait3A_160] : memref<10000x128xbf16, #tpu.memory_space<vmem_shared>> -> memref<48x128xbf16, #tpu.memory_space<vmem_shared>>
      tpu.wait_dma2 semaphore(%run_scoped3A : memref<!tpu.dma_semaphore, #tpu.memory_space<semaphore_mem>>) src(%arg17 : memref<48x128xbf16, #tpu.memory_space<vmem>>) dst(%dma_wait3A_161 : memref<48x128xbf16, #tpu.memory_space<vmem_shared>>)
      tpu.yield
    }) : () -> ()
    %eq3A = arith.constant 15 : i32
    %eq3A_31 = arith.cmpi eq, %arg1, %eq3A : i32
    %convert_element_type3A = arith.extui %eq3A_31 : i1 to i32
    %cond3A = arith.constant 0 : i32
    %cond3A_32 = arith.cmpi ne, %convert_element_type3A, %cond3A : i32
    scf.if %cond3A_32 {
      "tpu.region"() ({
        %run_scoped3A = tpu.sem_alloc : memref<!tpu.dma_semaphore, #tpu.memory_space<semaphore_mem>>
        %dma_start3A_154 = arith.constant 0 : i32
        %dma_start3A_155 = arith.constant 0 : i32
        %dma_start3A_156 = tpu.memref_slice %arg17[%dma_start3A_154, %dma_start3A_155] : memref<48x128xbf16, #tpu.memory_space<vmem>> -> memref<16x128xbf16, #tpu.memory_space<vmem>>
        %dma_start3A_157 = arith.constant 9984 : i32
        %dma_start3A_158 = arith.constant 0 : i32
        %dma_start3A_159 = tpu.memref_slice %arg18[%dma_start3A_157, %dma_start3A_158] : memref<10000x128xbf16, #tpu.memory_space<vmem_shared>> -> memref<16x128xbf16, #tpu.memory_space<vmem_shared>>
        %dma_start3A_160 = arith.constant 9984 : i32
        %dma_start3A_161 = arith.constant 0 : i32
        %dma_start3A_162 = tpu.memref_slice %arg18[%dma_start3A_160, %dma_start3A_161] : memref<10000x128xbf16, #tpu.memory_space<vmem_shared>> -> memref<16x128xbf16, #tpu.memory_space<vmem_shared>>
        %dma_start3A_163 = arith.constant 0 : i32
        %dma_start3A_164 = arith.constant 0 : i32
        %dma_start3A_165 = tpu.memref_slice %arg17[%dma_start3A_163, %dma_start3A_164] : memref<48x128xbf16, #tpu.memory_space<vmem>> -> memref<16x128xbf16, #tpu.memory_space<vmem>>
        tpu.enqueue_dma source(%dma_start3A_165 : memref<16x128xbf16, #tpu.memory_space<vmem>>) target(%dma_start3A_162 : memref<16x128xbf16, #tpu.memory_space<vmem_shared>>) target_semaphore(%run_scoped3A : memref<!tpu.dma_semaphore, #tpu.memory_space<semaphore_mem>>)
        %dma_wait3A_166 = arith.constant 0 : i32
        %dma_wait3A_167 = arith.constant 0 : i32
        %dma_wait3A_168 = tpu.memref_slice %arg17[%dma_wait3A_166, %dma_wait3A_167] : memref<48x128xbf16, #tpu.memory_space<vmem>> -> memref<16x128xbf16, #tpu.memory_space<vmem>>
        %dma_wait3A_169 = arith.constant 9984 : i32
        %dma_wait3A_170 = arith.constant 0 : i32
        %dma_wait3A_171 = tpu.memref_slice %arg18[%dma_wait3A_169, %dma_wait3A_170] : memref<10000x128xbf16, #tpu.memory_space<vmem_shared>> -> memref<16x128xbf16, #tpu.memory_space<vmem_shared>>
        %dma_wait3A_172 = arith.constant 9984 : i32
        %dma_wait3A_173 = arith.constant 0 : i32
        %dma_wait3A_174 = tpu.memref_slice %arg18[%dma_wait3A_172, %dma_wait3A_173] : memref<10000x128xbf16, #tpu.memory_space<vmem_shared>> -> memref<16x128xbf16, #tpu.memory_space<vmem_shared>>
        %dma_wait3A_175 = arith.constant 0 : i32
        %dma_wait3A_176 = arith.constant 0 : i32
        %dma_wait3A_177 = tpu.memref_slice %arg17[%dma_wait3A_175, %dma_wait3A_176] : memref<48x128xbf16, #tpu.memory_space<vmem>> -> memref<16x128xbf16, #tpu.memory_space<vmem>>
        tpu.wait_dma2 semaphore(%run_scoped3A : memref<!tpu.dma_semaphore, #tpu.memory_space<semaphore_mem>>) src(%dma_wait3A_177 : memref<16x128xbf16, #tpu.memory_space<vmem>>) dst(%dma_wait3A_174 : memref<16x128xbf16, #tpu.memory_space<vmem_shared>>)
        tpu.yield
      }) : () -> ()
    } else {
    }
    %barrier3A = arith.constant 0 : index
    tpu.barrier barrier_id(%barrier3A)
    %mul3A_33 = arith.constant 2 : i32
    %mul3A_34 = arith.muli %arg1, %mul3A_33 : i32
    %add3A_35 = arith.addi %mul3A_34, %arg0 : i32
    %mul3A_36 = arith.constant 10000 : i32
    %mul3A_37 = arith.muli %add3A_35, %mul3A_36 : i32
    %add3A_38 = arith.constant 0 : i32
    %add3A_39 = arith.addi %mul3A_37, %add3A_38 : i32
    %dma_start3A = tpu.memref_slice %arg3[%add3A_39] : memref<640000xi32, #tpu.memory_space<hbm>> -> memref<128xi32, #tpu.memory_space<hbm>>
    %dma_start3A_40 = tpu.memref_slice %arg3[%add3A_39] : memref<640000xi32, #tpu.memory_space<hbm>> -> memref<128xi32, #tpu.memory_space<hbm>>
    tpu.enqueue_dma source(%dma_start3A_40 : memref<128xi32, #tpu.memory_space<hbm>>) target(%arg5 : memref<128xi32, #tpu.memory_space<vmem>>) target_semaphore(%arg19 : memref<!tpu.dma_semaphore, #tpu.memory_space<semaphore_mem>>)
    %add3A_41 = arith.constant 320000 : i32
    %add3A_42 = arith.addi %add3A_41, %add3A_39 : i32
    %dma_start3A_43 = tpu.memref_slice %arg3[%add3A_42] : memref<640000xi32, #tpu.memory_space<hbm>> -> memref<128xi32, #tpu.memory_space<hbm>>
    %dma_start3A_44 = tpu.memref_slice %arg3[%add3A_42] : memref<640000xi32, #tpu.memory_space<hbm>> -> memref<128xi32, #tpu.memory_space<hbm>>
    tpu.enqueue_dma source(%dma_start3A_44 : memref<128xi32, #tpu.memory_space<hbm>>) target(%arg8 : memref<128xi32, #tpu.memory_space<vmem>>) target_semaphore(%arg19 : memref<!tpu.dma_semaphore, #tpu.memory_space<semaphore_mem>>)
    %add3A_45 = arith.constant 128 : i32
    %add3A_46 = arith.addi %mul3A_37, %add3A_45 : i32
    %dma_start3A_47 = tpu.memref_slice %arg3[%add3A_46] : memref<640000xi32, #tpu.memory_space<hbm>> -> memref<128xi32, #tpu.memory_space<hbm>>
    %dma_start3A_48 = tpu.memref_slice %arg3[%add3A_46] : memref<640000xi32, #tpu.memory_space<hbm>> -> memref<128xi32, #tpu.memory_space<hbm>>
    tpu.enqueue_dma source(%dma_start3A_48 : memref<128xi32, #tpu.memory_space<hbm>>) target(%arg6 : memref<128xi32, #tpu.memory_space<vmem>>) target_semaphore(%arg20 : memref<!tpu.dma_semaphore, #tpu.memory_space<semaphore_mem>>)
    %add3A_49 = arith.constant 320000 : i32
    %add3A_50 = arith.addi %add3A_49, %add3A_46 : i32
    %dma_start3A_51 = tpu.memref_slice %arg3[%add3A_50] : memref<640000xi32, #tpu.memory_space<hbm>> -> memref<128xi32, #tpu.memory_space<hbm>>
    %dma_start3A_52 = tpu.memref_slice %arg3[%add3A_50] : memref<640000xi32, #tpu.memory_space<hbm>> -> memref<128xi32, #tpu.memory_space<hbm>>
    tpu.enqueue_dma source(%dma_start3A_52 : memref<128xi32, #tpu.memory_space<hbm>>) target(%arg9 : memref<128xi32, #tpu.memory_space<vmem>>) target_semaphore(%arg20 : memref<!tpu.dma_semaphore, #tpu.memory_space<semaphore_mem>>)
    %add3A_53 = arith.constant 256 : i32
    %add3A_54 = arith.addi %mul3A_37, %add3A_53 : i32
    %dma_start3A_55 = tpu.memref_slice %arg3[%add3A_54] : memref<640000xi32, #tpu.memory_space<hbm>> -> memref<128xi32, #tpu.memory_space<hbm>>
    %dma_start3A_56 = tpu.memref_slice %arg3[%add3A_54] : memref<640000xi32, #tpu.memory_space<hbm>> -> memref<128xi32, #tpu.memory_space<hbm>>
    tpu.enqueue_dma source(%dma_start3A_56 : memref<128xi32, #tpu.memory_space<hbm>>) target(%arg7 : memref<128xi32, #tpu.memory_space<vmem>>) target_semaphore(%arg21 : memref<!tpu.dma_semaphore, #tpu.memory_space<semaphore_mem>>)
    %add3A_57 = arith.constant 320000 : i32
    %add3A_58 = arith.addi %add3A_57, %add3A_54 : i32
    %dma_start3A_59 = tpu.memref_slice %arg3[%add3A_58] : memref<640000xi32, #tpu.memory_space<hbm>> -> memref<128xi32, #tpu.memory_space<hbm>>
    %dma_start3A_60 = tpu.memref_slice %arg3[%add3A_58] : memref<640000xi32, #tpu.memory_space<hbm>> -> memref<128xi32, #tpu.memory_space<hbm>>
    tpu.enqueue_dma source(%dma_start3A_60 : memref<128xi32, #tpu.memory_space<hbm>>) target(%arg10 : memref<128xi32, #tpu.memory_space<vmem>>) target_semaphore(%arg21 : memref<!tpu.dma_semaphore, #tpu.memory_space<semaphore_mem>>)
    %dma_wait3A = arith.constant 0 : i32
    %dma_wait3A_61 = tpu.memref_slice %arg3[%dma_wait3A] : memref<640000xi32, #tpu.memory_space<hbm>> -> memref<128xi32, #tpu.memory_space<hbm>>
    %dma_wait3A_62 = arith.constant 0 : i32
    %dma_wait3A_63 = tpu.memref_slice %arg3[%dma_wait3A_62] : memref<640000xi32, #tpu.memory_space<hbm>> -> memref<128xi32, #tpu.memory_space<hbm>>
    tpu.wait_dma2 semaphore(%arg19 : memref<!tpu.dma_semaphore, #tpu.memory_space<semaphore_mem>>) src(%dma_wait3A_63 : memref<128xi32, #tpu.memory_space<hbm>>) dst(%arg5 : memref<128xi32, #tpu.memory_space<vmem>>)
    %dma_wait3A_64 = arith.constant 0 : i32
    %dma_wait3A_65 = tpu.memref_slice %arg3[%dma_wait3A_64] : memref<640000xi32, #tpu.memory_space<hbm>> -> memref<128xi32, #tpu.memory_space<hbm>>
    %dma_wait3A_66 = arith.constant 0 : i32
    %dma_wait3A_67 = tpu.memref_slice %arg3[%dma_wait3A_66] : memref<640000xi32, #tpu.memory_space<hbm>> -> memref<128xi32, #tpu.memory_space<hbm>>
    tpu.wait_dma2 semaphore(%arg19 : memref<!tpu.dma_semaphore, #tpu.memory_space<semaphore_mem>>) src(%dma_wait3A_67 : memref<128xi32, #tpu.memory_space<hbm>>) dst(%arg8 : memref<128xi32, #tpu.memory_space<vmem>>)
    %dma_start3A_68 = arith.constant 0 : i32
    %dma_start3A_69 = arith.constant 0 : i32
    %dma_start3A_70 = tpu.memref_slice %arg2[%dma_start3A_68, %dma_start3A_69] : memref<10000x128xbf16, #tpu.memory_space<hbm>> -> memref<10000x128xbf16, #tpu.memory_space<hbm>>
    tpu.enqueue_indirect_dma source(%dma_start3A_70 : memref<10000x128xbf16, #tpu.memory_space<hbm>>) target(%arg11 : memref<128x128xbf16, #tpu.memory_space<vmem>>) offsets(%arg8 : memref<128xi32, #tpu.memory_space<vmem>>) semaphore(%arg22 : memref<!tpu.dma_semaphore, #tpu.memory_space<semaphore_mem>>)
    %scan3A_71 = arith.constant 0 : i32
    %scan3A_72 = arith.constant 25 : i32
    %scan3A_73 = arith.addi %scan3A_71, %scan3A_72 : i32
    %scan3A_74 = arith.constant 1 : i32
    scf.for %scan3A_154 = %scan3A_71 to %scan3A_73 step %scan3A_74  : i32 {
      %mul3A_155 = arith.constant 3 : i32
      %mul3A_156 = arith.muli %scan3A_154, %mul3A_155 : i32
      %add3A_157 = arith.constant 0 : i32
      %add3A_158 = arith.addi %add3A_157, %mul3A_156 : i32
      %add3A_159 = arith.constant 0 : i32
      %add3A_160 = arith.addi %add3A_158, %add3A_159 : i32
      %dma_wait3A_161 = arith.constant 0 : i32
      %dma_wait3A_162 = tpu.memref_slice %arg3[%dma_wait3A_161] : memref<640000xi32, #tpu.memory_space<hbm>> -> memref<128xi32, #tpu.memory_space<hbm>>
      %dma_wait3A_163 = arith.constant 0 : i32
      %dma_wait3A_164 = tpu.memref_slice %arg3[%dma_wait3A_163] : memref<640000xi32, #tpu.memory_space<hbm>> -> memref<128xi32, #tpu.memory_space<hbm>>
      tpu.wait_dma2 semaphore(%arg20 : memref<!tpu.dma_semaphore, #tpu.memory_space<semaphore_mem>>) src(%dma_wait3A_164 : memref<128xi32, #tpu.memory_space<hbm>>) dst(%arg6 : memref<128xi32, #tpu.memory_space<vmem>>)
      %dma_wait3A_165 = arith.constant 0 : i32
      %dma_wait3A_166 = tpu.memref_slice %arg3[%dma_wait3A_165] : memref<640000xi32, #tpu.memory_space<hbm>> -> memref<128xi32, #tpu.memory_space<hbm>>
      %dma_wait3A_167 = arith.constant 0 : i32
      %dma_wait3A_168 = tpu.memref_slice %arg3[%dma_wait3A_167] : memref<640000xi32, #tpu.memory_space<hbm>> -> memref<128xi32, #tpu.memory_space<hbm>>
      tpu.wait_dma2 semaphore(%arg20 : memref<!tpu.dma_semaphore, #tpu.memory_space<semaphore_mem>>) src(%dma_wait3A_168 : memref<128xi32, #tpu.memory_space<hbm>>) dst(%arg9 : memref<128xi32, #tpu.memory_space<vmem>>)
      %ge3A = arith.constant 1 : i32
      %ge3A_169 = arith.cmpi sge, %add3A_160, %ge3A : i32
      %convert_element_type3A_170 = arith.extui %ge3A_169 : i1 to i32
      %cond3A_171 = arith.constant 0 : i32
      %cond3A_172 = arith.cmpi ne, %convert_element_type3A_170, %cond3A_171 : i32
      scf.if %cond3A_172 {
        %dma_wait3A_248 = arith.constant 0 : i32
        %dma_wait3A_249 = arith.constant 0 : i32
        %dma_wait3A_250 = tpu.memref_slice %arg18[%dma_wait3A_248, %dma_wait3A_249] : memref<10000x128xbf16, #tpu.memory_space<vmem_shared>> -> memref<10000x128xbf16, #tpu.memory_space<vmem_shared>>
        tpu.wait_indirect_dma semaphore(%arg27 : memref<!tpu.dma_semaphore, #tpu.memory_space<semaphore_mem>>) src(%arg13 : memref<128x128xbf16, #tpu.memory_space<vmem>>) dst(%dma_wait3A_250 : memref<10000x128xbf16, #tpu.memory_space<vmem_shared>>)
        %add3A_251 = arith.constant 2 : i32
        %add3A_252 = arith.addi %add3A_160, %add3A_251 : i32
        %mul3A_253 = arith.constant 128 : i32
        %mul3A_254 = arith.muli %add3A_252, %mul3A_253 : i32
        %add3A_255 = arith.addi %mul3A_37, %mul3A_254 : i32
        %dma_start3A_256 = tpu.memref_slice %arg3[%add3A_255] : memref<640000xi32, #tpu.memory_space<hbm>> -> memref<128xi32, #tpu.memory_space<hbm>>
        %dma_start3A_257 = tpu.memref_slice %arg3[%add3A_255] : memref<640000xi32, #tpu.memory_space<hbm>> -> memref<128xi32, #tpu.memory_space<hbm>>
        tpu.enqueue_dma source(%dma_start3A_257 : memref<128xi32, #tpu.memory_space<hbm>>) target(%arg7 : memref<128xi32, #tpu.memory_space<vmem>>) target_semaphore(%arg21 : memref<!tpu.dma_semaphore, #tpu.memory_space<semaphore_mem>>)
        %add3A_258 = arith.constant 320000 : i32
        %add3A_259 = arith.addi %add3A_258, %add3A_255 : i32
        %dma_start3A_260 = tpu.memref_slice %arg3[%add3A_259] : memref<640000xi32, #tpu.memory_space<hbm>> -> memref<128xi32, #tpu.memory_space<hbm>>
        %dma_start3A_261 = tpu.memref_slice %arg3[%add3A_259] : memref<640000xi32, #tpu.memory_space<hbm>> -> memref<128xi32, #tpu.memory_space<hbm>>
        tpu.enqueue_dma source(%dma_start3A_261 : memref<128xi32, #tpu.memory_space<hbm>>) target(%arg10 : memref<128xi32, #tpu.memory_space<vmem>>) target_semaphore(%arg21 : memref<!tpu.dma_semaphore, #tpu.memory_space<semaphore_mem>>)
      } else {
      }
      %dma_start3A_173 = arith.constant 0 : i32
      %dma_start3A_174 = arith.constant 0 : i32
      %dma_start3A_175 = tpu.memref_slice %arg2[%dma_start3A_173, %dma_start3A_174] : memref<10000x128xbf16, #tpu.memory_space<hbm>> -> memref<10000x128xbf16, #tpu.memory_space<hbm>>
      tpu.enqueue_indirect_dma source(%dma_start3A_175 : memref<10000x128xbf16, #tpu.memory_space<hbm>>) target(%arg12 : memref<128x128xbf16, #tpu.memory_space<vmem>>) offsets(%arg9 : memref<128xi32, #tpu.memory_space<vmem>>) semaphore(%arg23 : memref<!tpu.dma_semaphore, #tpu.memory_space<semaphore_mem>>)
      %dma_wait3A_176 = arith.constant 0 : i32
      %dma_wait3A_177 = arith.constant 0 : i32
      %dma_wait3A_178 = tpu.memref_slice %arg2[%dma_wait3A_176, %dma_wait3A_177] : memref<10000x128xbf16, #tpu.memory_space<hbm>> -> memref<10000x128xbf16, #tpu.memory_space<hbm>>
      tpu.wait_indirect_dma semaphore(%arg22 : memref<!tpu.dma_semaphore, #tpu.memory_space<semaphore_mem>>) src(%dma_wait3A_178 : memref<10000x128xbf16, #tpu.memory_space<hbm>>) dst(%arg11 : memref<128x128xbf16, #tpu.memory_space<vmem>>)
      %dma_start3A_179 = arith.constant 0 : i32
      %dma_start3A_180 = arith.constant 0 : i32
      %dma_start3A_181 = tpu.memref_slice %arg18[%dma_start3A_179, %dma_start3A_180] : memref<10000x128xbf16, #tpu.memory_space<vmem_shared>> -> memref<10000x128xbf16, #tpu.memory_space<vmem_shared>>
      tpu.enqueue_indirect_dma source(%arg11 : memref<128x128xbf16, #tpu.memory_space<vmem>>) target(%dma_start3A_181 : memref<10000x128xbf16, #tpu.memory_space<vmem_shared>>) offsets(%arg5 : memref<128xi32, #tpu.memory_space<vmem>>) semaphore(%arg25 : memref<!tpu.dma_semaphore, #tpu.memory_space<semaphore_mem>>) {add = true}
      %add3A_182 = arith.constant 1 : i32
      %add3A_183 = arith.addi %add3A_158, %add3A_182 : i32
      %dma_wait3A_184 = arith.constant 0 : i32
      %dma_wait3A_185 = tpu.memref_slice %arg3[%dma_wait3A_184] : memref<640000xi32, #tpu.memory_space<hbm>> -> memref<128xi32, #tpu.memory_space<hbm>>
      %dma_wait3A_186 = arith.constant 0 : i32
      %dma_wait3A_187 = tpu.memref_slice %arg3[%dma_wait3A_186] : memref<640000xi32, #tpu.memory_space<hbm>> -> memref<128xi32, #tpu.memory_space<hbm>>
      tpu.wait_dma2 semaphore(%arg21 : memref<!tpu.dma_semaphore, #tpu.memory_space<semaphore_mem>>) src(%dma_wait3A_187 : memref<128xi32, #tpu.memory_space<hbm>>) dst(%arg7 : memref<128xi32, #tpu.memory_space<vmem>>)
      %dma_wait3A_188 = arith.constant 0 : i32
      %dma_wait3A_189 = tpu.memref_slice %arg3[%dma_wait3A_188] : memref<640000xi32, #tpu.memory_space<hbm>> -> memref<128xi32, #tpu.memory_space<hbm>>
      %dma_wait3A_190 = arith.constant 0 : i32
      %dma_wait3A_191 = tpu.memref_slice %arg3[%dma_wait3A_190] : memref<640000xi32, #tpu.memory_space<hbm>> -> memref<128xi32, #tpu.memory_space<hbm>>
      tpu.wait_dma2 semaphore(%arg21 : memref<!tpu.dma_semaphore, #tpu.memory_space<semaphore_mem>>) src(%dma_wait3A_191 : memref<128xi32, #tpu.memory_space<hbm>>) dst(%arg10 : memref<128xi32, #tpu.memory_space<vmem>>)
      %dma_wait3A_192 = arith.constant 0 : i32
      %dma_wait3A_193 = arith.constant 0 : i32
      %dma_wait3A_194 = tpu.memref_slice %arg18[%dma_wait3A_192, %dma_wait3A_193] : memref<10000x128xbf16, #tpu.memory_space<vmem_shared>> -> memref<10000x128xbf16, #tpu.memory_space<vmem_shared>>
      tpu.wait_indirect_dma semaphore(%arg25 : memref<!tpu.dma_semaphore, #tpu.memory_space<semaphore_mem>>) src(%arg11 : memref<128x128xbf16, #tpu.memory_space<vmem>>) dst(%dma_wait3A_194 : memref<10000x128xbf16, #tpu.memory_space<vmem_shared>>)
      %add3A_195 = arith.constant 2 : i32
      %add3A_196 = arith.addi %add3A_183, %add3A_195 : i32
      %mul3A_197 = arith.constant 128 : i32
      %mul3A_198 = arith.muli %add3A_196, %mul3A_197 : i32
      %add3A_199 = arith.addi %mul3A_37, %mul3A_198 : i32
      %dma_start3A_200 = tpu.memref_slice %arg3[%add3A_199] : memref<640000xi32, #tpu.memory_space<hbm>> -> memref<128xi32, #tpu.memory_space<hbm>>
      %dma_start3A_201 = tpu.memref_slice %arg3[%add3A_199] : memref<640000xi32, #tpu.memory_space<hbm>> -> memref<128xi32, #tpu.memory_space<hbm>>
      tpu.enqueue_dma source(%dma_start3A_201 : memref<128xi32, #tpu.memory_space<hbm>>) target(%arg5 : memref<128xi32, #tpu.memory_space<vmem>>) target_semaphore(%arg19 : memref<!tpu.dma_semaphore, #tpu.memory_space<semaphore_mem>>)
      %add3A_202 = arith.constant 320000 : i32
      %add3A_203 = arith.addi %add3A_202, %add3A_199 : i32
      %dma_start3A_204 = tpu.memref_slice %arg3[%add3A_203] : memref<640000xi32, #tpu.memory_space<hbm>> -> memref<128xi32, #tpu.memory_space<hbm>>
      %dma_start3A_205 = tpu.memref_slice %arg3[%add3A_203] : memref<640000xi32, #tpu.memory_space<hbm>> -> memref<128xi32, #tpu.memory_space<hbm>>
      tpu.enqueue_dma source(%dma_start3A_205 : memref<128xi32, #tpu.memory_space<hbm>>) target(%arg8 : memref<128xi32, #tpu.memory_space<vmem>>) target_semaphore(%arg19 : memref<!tpu.dma_semaphore, #tpu.memory_space<semaphore_mem>>)
      %dma_start3A_206 = arith.constant 0 : i32
      %dma_start3A_207 = arith.constant 0 : i32
      %dma_start3A_208 = tpu.memref_slice %arg2[%dma_start3A_206, %dma_start3A_207] : memref<10000x128xbf16, #tpu.memory_space<hbm>> -> memref<10000x128xbf16, #tpu.memory_space<hbm>>
      tpu.enqueue_indirect_dma source(%dma_start3A_208 : memref<10000x128xbf16, #tpu.memory_space<hbm>>) target(%arg13 : memref<128x128xbf16, #tpu.memory_space<vmem>>) offsets(%arg10 : memref<128xi32, #tpu.memory_space<vmem>>) semaphore(%arg24 : memref<!tpu.dma_semaphore, #tpu.memory_space<semaphore_mem>>)
      %dma_wait3A_209 = arith.constant 0 : i32
      %dma_wait3A_210 = arith.constant 0 : i32
      %dma_wait3A_211 = tpu.memref_slice %arg2[%dma_wait3A_209, %dma_wait3A_210] : memref<10000x128xbf16, #tpu.memory_space<hbm>> -> memref<10000x128xbf16, #tpu.memory_space<hbm>>
      tpu.wait_indirect_dma semaphore(%arg23 : memref<!tpu.dma_semaphore, #tpu.memory_space<semaphore_mem>>) src(%dma_wait3A_211 : memref<10000x128xbf16, #tpu.memory_space<hbm>>) dst(%arg12 : memref<128x128xbf16, #tpu.memory_space<vmem>>)
      %dma_start3A_212 = arith.constant 0 : i32
      %dma_start3A_213 = arith.constant 0 : i32
      %dma_start3A_214 = tpu.memref_slice %arg18[%dma_start3A_212, %dma_start3A_213] : memref<10000x128xbf16, #tpu.memory_space<vmem_shared>> -> memref<10000x128xbf16, #tpu.memory_space<vmem_shared>>
      tpu.enqueue_indirect_dma source(%arg12 : memref<128x128xbf16, #tpu.memory_space<vmem>>) target(%dma_start3A_214 : memref<10000x128xbf16, #tpu.memory_space<vmem_shared>>) offsets(%arg6 : memref<128xi32, #tpu.memory_space<vmem>>) semaphore(%arg26 : memref<!tpu.dma_semaphore, #tpu.memory_space<semaphore_mem>>) {add = true}
      %add3A_215 = arith.constant 2 : i32
      %add3A_216 = arith.addi %add3A_158, %add3A_215 : i32
      %dma_wait3A_217 = arith.constant 0 : i32
      %dma_wait3A_218 = tpu.memref_slice %arg3[%dma_wait3A_217] : memref<640000xi32, #tpu.memory_space<hbm>> -> memref<128xi32, #tpu.memory_space<hbm>>
      %dma_wait3A_219 = arith.constant 0 : i32
      %dma_wait3A_220 = tpu.memref_slice %arg3[%dma_wait3A_219] : memref<640000xi32, #tpu.memory_space<hbm>> -> memref<128xi32, #tpu.memory_space<hbm>>
      tpu.wait_dma2 semaphore(%arg19 : memref<!tpu.dma_semaphore, #tpu.memory_space<semaphore_mem>>) src(%dma_wait3A_220 : memref<128xi32, #tpu.memory_space<hbm>>) dst(%arg5 : memref<128xi32, #tpu.memory_space<vmem>>)
      %dma_wait3A_221 = arith.constant 0 : i32
      %dma_wait3A_222 = tpu.memref_slice %arg3[%dma_wait3A_221] : memref<640000xi32, #tpu.memory_space<hbm>> -> memref<128xi32, #tpu.memory_space<hbm>>
      %dma_wait3A_223 = arith.constant 0 : i32
      %dma_wait3A_224 = tpu.memref_slice %arg3[%dma_wait3A_223] : memref<640000xi32, #tpu.memory_space<hbm>> -> memref<128xi32, #tpu.memory_space<hbm>>
      tpu.wait_dma2 semaphore(%arg19 : memref<!tpu.dma_semaphore, #tpu.memory_space<semaphore_mem>>) src(%dma_wait3A_224 : memref<128xi32, #tpu.memory_space<hbm>>) dst(%arg8 : memref<128xi32, #tpu.memory_space<vmem>>)
      %dma_wait3A_225 = arith.constant 0 : i32
      %dma_wait3A_226 = arith.constant 0 : i32
      %dma_wait3A_227 = tpu.memref_slice %arg18[%dma_wait3A_225, %dma_wait3A_226] : memref<10000x128xbf16, #tpu.memory_space<vmem_shared>> -> memref<10000x128xbf16, #tpu.memory_space<vmem_shared>>
      tpu.wait_indirect_dma semaphore(%arg26 : memref<!tpu.dma_semaphore, #tpu.memory_space<semaphore_mem>>) src(%arg12 : memref<128x128xbf16, #tpu.memory_space<vmem>>) dst(%dma_wait3A_227 : memref<10000x128xbf16, #tpu.memory_space<vmem_shared>>)
      %add3A_228 = arith.constant 2 : i32
      %add3A_229 = arith.addi %add3A_216, %add3A_228 : i32
      %mul3A_230 = arith.constant 128 : i32
      %mul3A_231 = arith.muli %add3A_229, %mul3A_230 : i32
      %add3A_232 = arith.addi %mul3A_37, %mul3A_231 : i32
      %dma_start3A_233 = tpu.memref_slice %arg3[%add3A_232] : memref<640000xi32, #tpu.memory_space<hbm>> -> memref<128xi32, #tpu.memory_space<hbm>>
      %dma_start3A_234 = tpu.memref_slice %arg3[%add3A_232] : memref<640000xi32, #tpu.memory_space<hbm>> -> memref<128xi32, #tpu.memory_space<hbm>>
      tpu.enqueue_dma source(%dma_start3A_234 : memref<128xi32, #tpu.memory_space<hbm>>) target(%arg6 : memref<128xi32, #tpu.memory_space<vmem>>) target_semaphore(%arg20 : memref<!tpu.dma_semaphore, #tpu.memory_space<semaphore_mem>>)
      %add3A_235 = arith.constant 320000 : i32
      %add3A_236 = arith.addi %add3A_235, %add3A_232 : i32
      %dma_start3A_237 = tpu.memref_slice %arg3[%add3A_236] : memref<640000xi32, #tpu.memory_space<hbm>> -> memref<128xi32, #tpu.memory_space<hbm>>
      %dma_start3A_238 = tpu.memref_slice %arg3[%add3A_236] : memref<640000xi32, #tpu.memory_space<hbm>> -> memref<128xi32, #tpu.memory_space<hbm>>
      tpu.enqueue_dma source(%dma_start3A_238 : memref<128xi32, #tpu.memory_space<hbm>>) target(%arg9 : memref<128xi32, #tpu.memory_space<vmem>>) target_semaphore(%arg20 : memref<!tpu.dma_semaphore, #tpu.memory_space<semaphore_mem>>)
      %dma_start3A_239 = arith.constant 0 : i32
      %dma_start3A_240 = arith.constant 0 : i32
      %dma_start3A_241 = tpu.memref_slice %arg2[%dma_start3A_239, %dma_start3A_240] : memref<10000x128xbf16, #tpu.memory_space<hbm>> -> memref<10000x128xbf16, #tpu.memory_space<hbm>>
      tpu.enqueue_indirect_dma source(%dma_start3A_241 : memref<10000x128xbf16, #tpu.memory_space<hbm>>) target(%arg11 : memref<128x128xbf16, #tpu.memory_space<vmem>>) offsets(%arg8 : memref<128xi32, #tpu.memory_space<vmem>>) semaphore(%arg22 : memref<!tpu.dma_semaphore, #tpu.memory_space<semaphore_mem>>)
      %dma_wait3A_242 = arith.constant 0 : i32
      %dma_wait3A_243 = arith.constant 0 : i32
      %dma_wait3A_244 = tpu.memref_slice %arg2[%dma_wait3A_242, %dma_wait3A_243] : memref<10000x128xbf16, #tpu.memory_space<hbm>> -> memref<10000x128xbf16, #tpu.memory_space<hbm>>
      tpu.wait_indirect_dma semaphore(%arg24 : memref<!tpu.dma_semaphore, #tpu.memory_space<semaphore_mem>>) src(%dma_wait3A_244 : memref<10000x128xbf16, #tpu.memory_space<hbm>>) dst(%arg13 : memref<128x128xbf16, #tpu.memory_space<vmem>>)
      %dma_start3A_245 = arith.constant 0 : i32
      %dma_start3A_246 = arith.constant 0 : i32
      %dma_start3A_247 = tpu.memref_slice %arg18[%dma_start3A_245, %dma_start3A_246] : memref<10000x128xbf16, #tpu.memory_space<vmem_shared>> -> memref<10000x128xbf16, #tpu.memory_space<vmem_shared>>
      tpu.enqueue_indirect_dma source(%arg13 : memref<128x128xbf16, #tpu.memory_space<vmem>>) target(%dma_start3A_247 : memref<10000x128xbf16, #tpu.memory_space<vmem_shared>>) offsets(%arg7 : memref<128xi32, #tpu.memory_space<vmem>>) semaphore(%arg27 : memref<!tpu.dma_semaphore, #tpu.memory_space<semaphore_mem>>) {add = true}
    }
    %scan3A_75 = arith.constant 25 : i32
    %dma_wait3A_76 = arith.constant 0 : i32
    %dma_wait3A_77 = tpu.memref_slice %arg3[%dma_wait3A_76] : memref<640000xi32, #tpu.memory_space<hbm>> -> memref<128xi32, #tpu.memory_space<hbm>>
    %dma_wait3A_78 = arith.constant 0 : i32
    %dma_wait3A_79 = tpu.memref_slice %arg3[%dma_wait3A_78] : memref<640000xi32, #tpu.memory_space<hbm>> -> memref<128xi32, #tpu.memory_space<hbm>>
    tpu.wait_dma2 semaphore(%arg20 : memref<!tpu.dma_semaphore, #tpu.memory_space<semaphore_mem>>) src(%dma_wait3A_79 : memref<128xi32, #tpu.memory_space<hbm>>) dst(%arg6 : memref<128xi32, #tpu.memory_space<vmem>>)
    %dma_wait3A_80 = arith.constant 0 : i32
    %dma_wait3A_81 = tpu.memref_slice %arg3[%dma_wait3A_80] : memref<640000xi32, #tpu.memory_space<hbm>> -> memref<128xi32, #tpu.memory_space<hbm>>
    %dma_wait3A_82 = arith.constant 0 : i32
    %dma_wait3A_83 = tpu.memref_slice %arg3[%dma_wait3A_82] : memref<640000xi32, #tpu.memory_space<hbm>> -> memref<128xi32, #tpu.memory_space<hbm>>
    tpu.wait_dma2 semaphore(%arg20 : memref<!tpu.dma_semaphore, #tpu.memory_space<semaphore_mem>>) src(%dma_wait3A_83 : memref<128xi32, #tpu.memory_space<hbm>>) dst(%arg9 : memref<128xi32, #tpu.memory_space<vmem>>)
    %dma_wait3A_84 = arith.constant 0 : i32
    %dma_wait3A_85 = arith.constant 0 : i32
    %dma_wait3A_86 = tpu.memref_slice %arg18[%dma_wait3A_84, %dma_wait3A_85] : memref<10000x128xbf16, #tpu.memory_space<vmem_shared>> -> memref<10000x128xbf16, #tpu.memory_space<vmem_shared>>
    tpu.wait_indirect_dma semaphore(%arg27 : memref<!tpu.dma_semaphore, #tpu.memory_space<semaphore_mem>>) src(%arg13 : memref<128x128xbf16, #tpu.memory_space<vmem>>) dst(%dma_wait3A_86 : memref<10000x128xbf16, #tpu.memory_space<vmem_shared>>)
    %add3A_87 = arith.constant 9856 : i32
    %add3A_88 = arith.addi %mul3A_37, %add3A_87 : i32
    %dma_start3A_89 = tpu.memref_slice %arg3[%add3A_88] : memref<640000xi32, #tpu.memory_space<hbm>> -> memref<128xi32, #tpu.memory_space<hbm>>
    %dma_start3A_90 = tpu.memref_slice %arg3[%add3A_88] : memref<640000xi32, #tpu.memory_space<hbm>> -> memref<128xi32, #tpu.memory_space<hbm>>
    tpu.enqueue_dma source(%dma_start3A_90 : memref<128xi32, #tpu.memory_space<hbm>>) target(%arg7 : memref<128xi32, #tpu.memory_space<vmem>>) target_semaphore(%arg21 : memref<!tpu.dma_semaphore, #tpu.memory_space<semaphore_mem>>)
    %add3A_91 = arith.constant 320000 : i32
    %add3A_92 = arith.addi %add3A_91, %add3A_88 : i32
    %dma_start3A_93 = tpu.memref_slice %arg3[%add3A_92] : memref<640000xi32, #tpu.memory_space<hbm>> -> memref<128xi32, #tpu.memory_space<hbm>>
    %dma_start3A_94 = tpu.memref_slice %arg3[%add3A_92] : memref<640000xi32, #tpu.memory_space<hbm>> -> memref<128xi32, #tpu.memory_space<hbm>>
    tpu.enqueue_dma source(%dma_start3A_94 : memref<128xi32, #tpu.memory_space<hbm>>) target(%arg10 : memref<128xi32, #tpu.memory_space<vmem>>) target_semaphore(%arg21 : memref<!tpu.dma_semaphore, #tpu.memory_space<semaphore_mem>>)
    %dma_start3A_95 = arith.constant 0 : i32
    %dma_start3A_96 = arith.constant 0 : i32
    %dma_start3A_97 = tpu.memref_slice %arg2[%dma_start3A_95, %dma_start3A_96] : memref<10000x128xbf16, #tpu.memory_space<hbm>> -> memref<10000x128xbf16, #tpu.memory_space<hbm>>
    tpu.enqueue_indirect_dma source(%dma_start3A_97 : memref<10000x128xbf16, #tpu.memory_space<hbm>>) target(%arg12 : memref<128x128xbf16, #tpu.memory_space<vmem>>) offsets(%arg9 : memref<128xi32, #tpu.memory_space<vmem>>) semaphore(%arg23 : memref<!tpu.dma_semaphore, #tpu.memory_space<semaphore_mem>>)
    %dma_wait3A_98 = arith.constant 0 : i32
    %dma_wait3A_99 = arith.constant 0 : i32
    %dma_wait3A_100 = tpu.memref_slice %arg2[%dma_wait3A_98, %dma_wait3A_99] : memref<10000x128xbf16, #tpu.memory_space<hbm>> -> memref<10000x128xbf16, #tpu.memory_space<hbm>>
    tpu.wait_indirect_dma semaphore(%arg22 : memref<!tpu.dma_semaphore, #tpu.memory_space<semaphore_mem>>) src(%dma_wait3A_100 : memref<10000x128xbf16, #tpu.memory_space<hbm>>) dst(%arg11 : memref<128x128xbf16, #tpu.memory_space<vmem>>)
    %dma_start3A_101 = arith.constant 0 : i32
    %dma_start3A_102 = arith.constant 0 : i32
    %dma_start3A_103 = tpu.memref_slice %arg18[%dma_start3A_101, %dma_start3A_102] : memref<10000x128xbf16, #tpu.memory_space<vmem_shared>> -> memref<10000x128xbf16, #tpu.memory_space<vmem_shared>>
    tpu.enqueue_indirect_dma source(%arg11 : memref<128x128xbf16, #tpu.memory_space<vmem>>) target(%dma_start3A_103 : memref<10000x128xbf16, #tpu.memory_space<vmem_shared>>) offsets(%arg5 : memref<128xi32, #tpu.memory_space<vmem>>) semaphore(%arg25 : memref<!tpu.dma_semaphore, #tpu.memory_space<semaphore_mem>>) {add = true}
    %dma_wait3A_104 = arith.constant 0 : i32
    %dma_wait3A_105 = tpu.memref_slice %arg3[%dma_wait3A_104] : memref<640000xi32, #tpu.memory_space<hbm>> -> memref<128xi32, #tpu.memory_space<hbm>>
    %dma_wait3A_106 = arith.constant 0 : i32
    %dma_wait3A_107 = tpu.memref_slice %arg3[%dma_wait3A_106] : memref<640000xi32, #tpu.memory_space<hbm>> -> memref<128xi32, #tpu.memory_space<hbm>>
    tpu.wait_dma2 semaphore(%arg21 : memref<!tpu.dma_semaphore, #tpu.memory_space<semaphore_mem>>) src(%dma_wait3A_107 : memref<128xi32, #tpu.memory_space<hbm>>) dst(%arg7 : memref<128xi32, #tpu.memory_space<vmem>>)
    %dma_wait3A_108 = arith.constant 0 : i32
    %dma_wait3A_109 = tpu.memref_slice %arg3[%dma_wait3A_108] : memref<640000xi32, #tpu.memory_space<hbm>> -> memref<128xi32, #tpu.memory_space<hbm>>
    %dma_wait3A_110 = arith.constant 0 : i32
    %dma_wait3A_111 = tpu.memref_slice %arg3[%dma_wait3A_110] : memref<640000xi32, #tpu.memory_space<hbm>> -> memref<128xi32, #tpu.memory_space<hbm>>
    tpu.wait_dma2 semaphore(%arg21 : memref<!tpu.dma_semaphore, #tpu.memory_space<semaphore_mem>>) src(%dma_wait3A_111 : memref<128xi32, #tpu.memory_space<hbm>>) dst(%arg10 : memref<128xi32, #tpu.memory_space<vmem>>)
    %dma_wait3A_112 = arith.constant 0 : i32
    %dma_wait3A_113 = arith.constant 0 : i32
    %dma_wait3A_114 = tpu.memref_slice %arg18[%dma_wait3A_112, %dma_wait3A_113] : memref<10000x128xbf16, #tpu.memory_space<vmem_shared>> -> memref<10000x128xbf16, #tpu.memory_space<vmem_shared>>
    tpu.wait_indirect_dma semaphore(%arg25 : memref<!tpu.dma_semaphore, #tpu.memory_space<semaphore_mem>>) src(%arg11 : memref<128x128xbf16, #tpu.memory_space<vmem>>) dst(%dma_wait3A_114 : memref<10000x128xbf16, #tpu.memory_space<vmem_shared>>)
    %dma_start3A_115 = arith.constant 0 : i32
    %dma_start3A_116 = arith.constant 0 : i32
    %dma_start3A_117 = tpu.memref_slice %arg2[%dma_start3A_115, %dma_start3A_116] : memref<10000x128xbf16, #tpu.memory_space<hbm>> -> memref<10000x128xbf16, #tpu.memory_space<hbm>>
    tpu.enqueue_indirect_dma source(%dma_start3A_117 : memref<10000x128xbf16, #tpu.memory_space<hbm>>) target(%arg13 : memref<128x128xbf16, #tpu.memory_space<vmem>>) offsets(%arg10 : memref<128xi32, #tpu.memory_space<vmem>>) semaphore(%arg24 : memref<!tpu.dma_semaphore, #tpu.memory_space<semaphore_mem>>)
    %dma_wait3A_118 = arith.constant 0 : i32
    %dma_wait3A_119 = arith.constant 0 : i32
    %dma_wait3A_120 = tpu.memref_slice %arg2[%dma_wait3A_118, %dma_wait3A_119] : memref<10000x128xbf16, #tpu.memory_space<hbm>> -> memref<10000x128xbf16, #tpu.memory_space<hbm>>
    tpu.wait_indirect_dma semaphore(%arg23 : memref<!tpu.dma_semaphore, #tpu.memory_space<semaphore_mem>>) src(%dma_wait3A_120 : memref<10000x128xbf16, #tpu.memory_space<hbm>>) dst(%arg12 : memref<128x128xbf16, #tpu.memory_space<vmem>>)
    %dma_start3A_121 = arith.constant 0 : i32
    %dma_start3A_122 = arith.constant 0 : i32
    %dma_start3A_123 = tpu.memref_slice %arg18[%dma_start3A_121, %dma_start3A_122] : memref<10000x128xbf16, #tpu.memory_space<vmem_shared>> -> memref<10000x128xbf16, #tpu.memory_space<vmem_shared>>
    tpu.enqueue_indirect_dma source(%arg12 : memref<128x128xbf16, #tpu.memory_space<vmem>>) target(%dma_start3A_123 : memref<10000x128xbf16, #tpu.memory_space<vmem_shared>>) offsets(%arg6 : memref<128xi32, #tpu.memory_space<vmem>>) semaphore(%arg26 : memref<!tpu.dma_semaphore, #tpu.memory_space<semaphore_mem>>) {add = true}
    %dma_wait3A_124 = arith.constant 0 : i32
    %dma_wait3A_125 = arith.constant 0 : i32
    %dma_wait3A_126 = tpu.memref_slice %arg18[%dma_wait3A_124, %dma_wait3A_125] : memref<10000x128xbf16, #tpu.memory_space<vmem_shared>> -> memref<10000x128xbf16, #tpu.memory_space<vmem_shared>>
    tpu.wait_indirect_dma semaphore(%arg26 : memref<!tpu.dma_semaphore, #tpu.memory_space<semaphore_mem>>) src(%arg12 : memref<128x128xbf16, #tpu.memory_space<vmem>>) dst(%dma_wait3A_126 : memref<10000x128xbf16, #tpu.memory_space<vmem_shared>>)
    %dma_wait3A_127 = arith.constant 0 : i32
    %dma_wait3A_128 = arith.constant 0 : i32
    %dma_wait3A_129 = tpu.memref_slice %arg2[%dma_wait3A_127, %dma_wait3A_128] : memref<10000x128xbf16, #tpu.memory_space<hbm>> -> memref<10000x128xbf16, #tpu.memory_space<hbm>>
    tpu.wait_indirect_dma semaphore(%arg24 : memref<!tpu.dma_semaphore, #tpu.memory_space<semaphore_mem>>) src(%dma_wait3A_129 : memref<10000x128xbf16, #tpu.memory_space<hbm>>) dst(%arg13 : memref<128x128xbf16, #tpu.memory_space<vmem>>)
    %dma_start3A_130 = arith.constant 0 : i32
    %dma_start3A_131 = arith.constant 0 : i32
    %dma_start3A_132 = tpu.memref_slice %arg18[%dma_start3A_130, %dma_start3A_131] : memref<10000x128xbf16, #tpu.memory_space<vmem_shared>> -> memref<10000x128xbf16, #tpu.memory_space<vmem_shared>>
    tpu.enqueue_indirect_dma source(%arg13 : memref<128x128xbf16, #tpu.memory_space<vmem>>) target(%dma_start3A_132 : memref<10000x128xbf16, #tpu.memory_space<vmem_shared>>) offsets(%arg7 : memref<128xi32, #tpu.memory_space<vmem>>) semaphore(%arg27 : memref<!tpu.dma_semaphore, #tpu.memory_space<semaphore_mem>>) {add = true}
    %add3A_133 = arith.constant 9984 : i32
    %add3A_134 = arith.addi %mul3A_37, %add3A_133 : i32
    "tpu.region"() ({
      %run_scoped3A = tpu.sem_alloc : memref<!tpu.dma_semaphore, #tpu.memory_space<semaphore_mem>>
      %dma_start3A_154 = tpu.memref_slice %arg3[%add3A_134] : memref<640000xi32, #tpu.memory_space<hbm>> -> memref<16xi32, #tpu.memory_space<hbm>>
      %dma_start3A_155 = tpu.memref_slice %arg3[%add3A_134] : memref<640000xi32, #tpu.memory_space<hbm>> -> memref<16xi32, #tpu.memory_space<hbm>>
      tpu.enqueue_dma source(%dma_start3A_155 : memref<16xi32, #tpu.memory_space<hbm>>) target(%arg14 : memref<16xi32, #tpu.memory_space<vmem>>) target_semaphore(%run_scoped3A : memref<!tpu.dma_semaphore, #tpu.memory_space<semaphore_mem>>)
      %dma_wait3A_156 = tpu.memref_slice %arg3[%add3A_134] : memref<640000xi32, #tpu.memory_space<hbm>> -> memref<16xi32, #tpu.memory_space<hbm>>
      %dma_wait3A_157 = tpu.memref_slice %arg3[%add3A_134] : memref<640000xi32, #tpu.memory_space<hbm>> -> memref<16xi32, #tpu.memory_space<hbm>>
      tpu.wait_dma2 semaphore(%run_scoped3A : memref<!tpu.dma_semaphore, #tpu.memory_space<semaphore_mem>>) src(%dma_wait3A_157 : memref<16xi32, #tpu.memory_space<hbm>>) dst(%arg14 : memref<16xi32, #tpu.memory_space<vmem>>)
      tpu.yield
    }) : () -> ()
    %add3A_135 = arith.constant 320000 : i32
    %add3A_136 = arith.addi %add3A_135, %add3A_134 : i32
    "tpu.region"() ({
      %run_scoped3A = tpu.sem_alloc : memref<!tpu.dma_semaphore, #tpu.memory_space<semaphore_mem>>
      %dma_start3A_154 = tpu.memref_slice %arg3[%add3A_136] : memref<640000xi32, #tpu.memory_space<hbm>> -> memref<16xi32, #tpu.memory_space<hbm>>
      %dma_start3A_155 = tpu.memref_slice %arg3[%add3A_136] : memref<640000xi32, #tpu.memory_space<hbm>> -> memref<16xi32, #tpu.memory_space<hbm>>
      tpu.enqueue_dma source(%dma_start3A_155 : memref<16xi32, #tpu.memory_space<hbm>>) target(%arg15 : memref<16xi32, #tpu.memory_space<vmem>>) target_semaphore(%run_scoped3A : memref<!tpu.dma_semaphore, #tpu.memory_space<semaphore_mem>>)
      %dma_wait3A_156 = tpu.memref_slice %arg3[%add3A_136] : memref<640000xi32, #tpu.memory_space<hbm>> -> memref<16xi32, #tpu.memory_space<hbm>>
      %dma_wait3A_157 = tpu.memref_slice %arg3[%add3A_136] : memref<640000xi32, #tpu.memory_space<hbm>> -> memref<16xi32, #tpu.memory_space<hbm>>
      tpu.wait_dma2 semaphore(%run_scoped3A : memref<!tpu.dma_semaphore, #tpu.memory_space<semaphore_mem>>) src(%dma_wait3A_157 : memref<16xi32, #tpu.memory_space<hbm>>) dst(%arg15 : memref<16xi32, #tpu.memory_space<vmem>>)
      tpu.yield
    }) : () -> ()
    %dma_start3A_137 = arith.constant 0 : i32
    %dma_start3A_138 = arith.constant 0 : i32
    %dma_start3A_139 = tpu.memref_slice %arg2[%dma_start3A_137, %dma_start3A_138] : memref<10000x128xbf16, #tpu.memory_space<hbm>> -> memref<10000x128xbf16, #tpu.memory_space<hbm>>
    tpu.enqueue_indirect_dma source(%dma_start3A_139 : memref<10000x128xbf16, #tpu.memory_space<hbm>>) target(%arg16 : memref<16x128xbf16, #tpu.memory_space<vmem>>) offsets(%arg15 : memref<16xi32, #tpu.memory_space<vmem>>) semaphore(%arg28 : memref<!tpu.dma_semaphore, #tpu.memory_space<semaphore_mem>>)
    %dma_wait3A_140 = arith.constant 0 : i32
    %dma_wait3A_141 = arith.constant 0 : i32
    %dma_wait3A_142 = tpu.memref_slice %arg2[%dma_wait3A_140, %dma_wait3A_141] : memref<10000x128xbf16, #tpu.memory_space<hbm>> -> memref<10000x128xbf16, #tpu.memory_space<hbm>>
    tpu.wait_indirect_dma semaphore(%arg28 : memref<!tpu.dma_semaphore, #tpu.memory_space<semaphore_mem>>) src(%dma_wait3A_142 : memref<10000x128xbf16, #tpu.memory_space<hbm>>) dst(%arg16 : memref<16x128xbf16, #tpu.memory_space<vmem>>)
    %dma_wait3A_143 = arith.constant 0 : i32
    %dma_wait3A_144 = arith.constant 0 : i32
    %dma_wait3A_145 = tpu.memref_slice %arg18[%dma_wait3A_143, %dma_wait3A_144] : memref<10000x128xbf16, #tpu.memory_space<vmem_shared>> -> memref<10000x128xbf16, #tpu.memory_space<vmem_shared>>
    tpu.wait_indirect_dma semaphore(%arg27 : memref<!tpu.dma_semaphore, #tpu.memory_space<semaphore_mem>>) src(%arg13 : memref<128x128xbf16, #tpu.memory_space<vmem>>) dst(%dma_wait3A_145 : memref<10000x128xbf16, #tpu.memory_space<vmem_shared>>)
    "tpu.region"() ({
      %run_scoped3A = tpu.sem_alloc : memref<!tpu.dma_semaphore, #tpu.memory_space<semaphore_mem>>
      %dma_start3A_154 = arith.constant 0 : i32
      %dma_start3A_155 = arith.constant 0 : i32
      %dma_start3A_156 = tpu.memref_slice %arg18[%dma_start3A_154, %dma_start3A_155] : memref<10000x128xbf16, #tpu.memory_space<vmem_shared>> -> memref<10000x128xbf16, #tpu.memory_space<vmem_shared>>
      tpu.enqueue_indirect_dma source(%arg16 : memref<16x128xbf16, #tpu.memory_space<vmem>>) target(%dma_start3A_156 : memref<10000x128xbf16, #tpu.memory_space<vmem_shared>>) offsets(%arg14 : memref<16xi32, #tpu.memory_space<vmem>>) semaphore(%run_scoped3A : memref<!tpu.dma_semaphore, #tpu.memory_space<semaphore_mem>>) {add = true}
      %dma_wait3A_157 = arith.constant 0 : i32
      %dma_wait3A_158 = arith.constant 0 : i32
      %dma_wait3A_159 = tpu.memref_slice %arg18[%dma_wait3A_157, %dma_wait3A_158] : memref<10000x128xbf16, #tpu.memory_space<vmem_shared>> -> memref<10000x128xbf16, #tpu.memory_space<vmem_shared>>
      tpu.wait_indirect_dma semaphore(%run_scoped3A : memref<!tpu.dma_semaphore, #tpu.memory_space<semaphore_mem>>) src(%arg16 : memref<16x128xbf16, #tpu.memory_space<vmem>>) dst(%dma_wait3A_159 : memref<10000x128xbf16, #tpu.memory_space<vmem_shared>>)
      tpu.yield
    }) : () -> ()
    %barrier3A_146 = arith.constant 0 : index
    tpu.barrier barrier_id(%barrier3A_146)
    %mul3A_147 = arith.constant 624 : i32
    %mul3A_148 = arith.muli %arg1, %mul3A_147 : i32
    "tpu.region"() ({
      %run_scoped3A = tpu.sem_alloc : memref<!tpu.dma_semaphore, #tpu.memory_space<semaphore_mem>>
      %dma_start3A_154 = arith.constant 0 : i32
      %dma_start3A_155 = tpu.memref_slice %arg4[%arg0, %mul3A_148, %dma_start3A_154] : memref<2x10000x128xbf16, #tpu.memory_space<hbm>> -> memref<1x624x128xbf16, #tpu.memory_space<hbm>>
      %dma_start3A_156 = tpu.memref_squeeze %dma_start3A_155 : memref<1x624x128xbf16, #tpu.memory_space<hbm>> -> memref<624x128xbf16, #tpu.memory_space<hbm>>
      %dma_start3A_157 = arith.constant 0 : i32
      %dma_start3A_158 = tpu.memref_slice %arg18[%mul3A_148, %dma_start3A_157] : memref<10000x128xbf16, #tpu.memory_space<vmem_shared>> -> memref<624x128xbf16, #tpu.memory_space<vmem_shared>>
      tpu.enqueue_dma source(%dma_start3A_158 : memref<624x128xbf16, #tpu.memory_space<vmem_shared>>) target(%dma_start3A_156 : memref<624x128xbf16, #tpu.memory_space<hbm>>) target_semaphore(%run_scoped3A : memref<!tpu.dma_semaphore, #tpu.memory_space<semaphore_mem>>)
      %dma_wait3A_159 = arith.constant 0 : i32
      %dma_wait3A_160 = tpu.memref_slice %arg4[%arg0, %mul3A_148, %dma_wait3A_159] : memref<2x10000x128xbf16, #tpu.memory_space<hbm>> -> memref<1x624x128xbf16, #tpu.memory_space<hbm>>
      %dma_wait3A_161 = tpu.memref_squeeze %dma_wait3A_160 : memref<1x624x128xbf16, #tpu.memory_space<hbm>> -> memref<624x128xbf16, #tpu.memory_space<hbm>>
      %dma_wait3A_162 = arith.constant 0 : i32
      %dma_wait3A_163 = tpu.memref_slice %arg18[%mul3A_148, %dma_wait3A_162] : memref<10000x128xbf16, #tpu.memory_space<vmem_shared>> -> memref<624x128xbf16, #tpu.memory_space<vmem_shared>>
      tpu.wait_dma2 semaphore(%run_scoped3A : memref<!tpu.dma_semaphore, #tpu.memory_space<semaphore_mem>>) src(%dma_wait3A_163 : memref<624x128xbf16, #tpu.memory_space<vmem_shared>>) dst(%dma_wait3A_161 : memref<624x128xbf16, #tpu.memory_space<hbm>>)
      tpu.yield
    }) : () -> ()
    %eq3A_149 = arith.constant 15 : i32
    %eq3A_150 = arith.cmpi eq, %arg1, %eq3A_149 : i32
    %convert_element_type3A_151 = arith.extui %eq3A_150 : i1 to i32
    %cond3A_152 = arith.constant 0 : i32
    %cond3A_153 = arith.cmpi ne, %convert_element_type3A_151, %cond3A_152 : i32
    scf.if %cond3A_153 {
      "tpu.region"() ({
        %run_scoped3A = tpu.sem_alloc : memref<!tpu.dma_semaphore, #tpu.memory_space<semaphore_mem>>
        %dma_start3A_154 = arith.constant 9984 : i32
        %dma_start3A_155 = arith.constant 0 : i32
        %dma_start3A_156 = tpu.memref_slice %arg4[%arg0, %dma_start3A_154, %dma_start3A_155] : memref<2x10000x128xbf16, #tpu.memory_space<hbm>> -> memref<1x16x128xbf16, #tpu.memory_space<hbm>>
        %dma_start3A_157 = tpu.memref_squeeze %dma_start3A_156 : memref<1x16x128xbf16, #tpu.memory_space<hbm>> -> memref<16x128xbf16, #tpu.memory_space<hbm>>
        %dma_start3A_158 = arith.constant 9984 : i32
        %dma_start3A_159 = arith.constant 0 : i32
        %dma_start3A_160 = tpu.memref_slice %arg18[%dma_start3A_158, %dma_start3A_159] : memref<10000x128xbf16, #tpu.memory_space<vmem_shared>> -> memref<16x128xbf16, #tpu.memory_space<vmem_shared>>
        tpu.enqueue_dma source(%dma_start3A_160 : memref<16x128xbf16, #tpu.memory_space<vmem_shared>>) target(%dma_start3A_157 : memref<16x128xbf16, #tpu.memory_space<hbm>>) target_semaphore(%run_scoped3A : memref<!tpu.dma_semaphore, #tpu.memory_space<semaphore_mem>>)
        %dma_wait3A_161 = arith.constant 9984 : i32
        %dma_wait3A_162 = arith.constant 0 : i32
        %dma_wait3A_163 = tpu.memref_slice %arg4[%arg0, %dma_wait3A_161, %dma_wait3A_162] : memref<2x10000x128xbf16, #tpu.memory_space<hbm>> -> memref<1x16x128xbf16, #tpu.memory_space<hbm>>
        %dma_wait3A_164 = tpu.memref_squeeze %dma_wait3A_163 : memref<1x16x128xbf16, #tpu.memory_space<hbm>> -> memref<16x128xbf16, #tpu.memory_space<hbm>>
        %dma_wait3A_165 = arith.constant 9984 : i32
        %dma_wait3A_166 = arith.constant 0 : i32
        %dma_wait3A_167 = tpu.memref_slice %arg18[%dma_wait3A_165, %dma_wait3A_166] : memref<10000x128xbf16, #tpu.memory_space<vmem_shared>> -> memref<16x128xbf16, #tpu.memory_space<vmem_shared>>
        tpu.wait_dma2 semaphore(%run_scoped3A : memref<!tpu.dma_semaphore, #tpu.memory_space<semaphore_mem>>) src(%dma_wait3A_167 : memref<16x128xbf16, #tpu.memory_space<vmem_shared>>) dst(%dma_wait3A_164 : memref<16x128xbf16, #tpu.memory_space<hbm>>)
        tpu.yield
      }) : () -> ()
    } else {
    }
    return
  }
}

#map = affine_map<(d0, d1) -> (0, 0)>
#map1 = affine_map<(d0, d1) -> (0)>
#map2 = affine_map<(d0, d1) -> (0, 0, 0)>
module attributes {stable_mosaic.version = 14 : i64} {
  func.func @body(%arg0: i32, %arg1: i32, %arg2: memref<10000x128xbf16, #tpu.memory_space<hbm>>, %arg3: memref<640000xi32, #tpu.memory_space<hbm>>, %arg4: memref<2x10000x128xbf16, #tpu.memory_space<hbm>>, %arg5: memref<128xi32, #tpu.memory_space<vmem>>, %arg6: memref<128xi32, #tpu.memory_space<vmem>>, %arg7: memref<128xi32, #tpu.memory_space<vmem>>, %arg8: memref<128xi32, #tpu.memory_space<vmem>>, %arg9: memref<128xi32, #tpu.memory_space<vmem>>, %arg10: memref<128xi32, #tpu.memory_space<vmem>>, %arg11: memref<128x128xbf16, #tpu.memory_space<vmem>>, %arg12: memref<128x128xbf16, #tpu.memory_space<vmem>>, %arg13: memref<128x128xbf16, #tpu.memory_space<vmem>>, %arg14: memref<16xi32, #tpu.memory_space<vmem>>, %arg15: memref<16xi32, #tpu.memory_space<vmem>>, %arg16: memref<16x128xbf16, #tpu.memory_space<vmem>>, %arg17: memref<48x128xbf16, #tpu.memory_space<vmem>>, %arg18: memref<10000x128xbf16, #tpu.memory_space<vmem_shared>>, %arg19: memref<!tpu.dma_semaphore, #tpu.memory_space<semaphore_mem>>, %arg20: memref<!tpu.dma_semaphore, #tpu.memory_space<semaphore_mem>>, %arg21: memref<!tpu.dma_semaphore, #tpu.memory_space<semaphore_mem>>, %arg22: memref<!tpu.dma_semaphore, #tpu.memory_space<semaphore_mem>>, %arg23: memref<!tpu.dma_semaphore, #tpu.memory_space<semaphore_mem>>, %arg24: memref<!tpu.dma_semaphore, #tpu.memory_space<semaphore_mem>>, %arg25: memref<!tpu.dma_semaphore, #tpu.memory_space<semaphore_mem>>, %arg26: memref<!tpu.dma_semaphore, #tpu.memory_space<semaphore_mem>>, %arg27: memref<!tpu.dma_semaphore, #tpu.memory_space<semaphore_mem>>, %arg28: memref<!tpu.dma_semaphore, #tpu.memory_space<semaphore_mem>>) attributes {dimension_semantics = [#tpu.dimension_semantics<core_parallel>, #tpu.dimension_semantics<subcore_parallel>], iteration_bounds = array<i64: 2, 16>, scalar_prefetch = 0 : i64, scratch_operands = 24 : i64, tpu.core_type = #tpu.core_type<sc_vector_subcore>, window_params = [{transform_indices = #map}, {transform_indices = #map1}, {transform_indices = #map2}]} {
    %broadcast_in_dim3A = arith.constant 0.000000e+00 : bf16
    %broadcast_in_dim3A_0 = vector.broadcast %broadcast_in_dim3A : bf16 to vector<32xbf16>
    %scan3A = arith.constant 0 : i32
    %scan3A_1 = arith.constant 48 : i32
    %scan3A_2 = arith.addi %scan3A, %scan3A_1 : i32
    %scan3A_3 = arith.constant 1 : i32
    scf.for %scan3A_154 = %scan3A to %scan3A_2 step %scan3A_3  : i32 {
      %mul3A_155 = arith.constant 1 : i32
      %mul3A_156 = arith.muli %scan3A_154, %mul3A_155 : i32
      %add3A_157 = arith.constant 0 : i32
      %add3A_158 = arith.addi %add3A_157, %mul3A_156 : i32
      %scan3A_159 = arith.constant 0 : i32
      %scan3A_160 = arith.constant 4 : i32
      %scan3A_161 = arith.addi %scan3A_159, %scan3A_160 : i32
      %scan3A_162 = arith.constant 1 : i32
      scf.for %scan3A_164 = %scan3A_159 to %scan3A_161 step %scan3A_162  : i32 {
        %mul3A_165 = arith.constant 1 : i32
        %mul3A_166 = arith.muli %scan3A_164, %mul3A_165 : i32
        %add3A_167 = arith.constant 0 : i32
        %add3A_168 = arith.addi %add3A_167, %mul3A_166 : i32
        %mul3A_169 = arith.constant 32 : i32
        %mul3A_170 = arith.muli %add3A_168, %mul3A_169 : i32
        %swap3A = arith.index_cast %add3A_158 : i32 to index
        %swap3A_171 = arith.index_cast %mul3A_170 : i32 to index
        %swap3A_172 = tpu.vector_load %arg17[%swap3A, %swap3A_171] {strides = array<i32>} : memref<48x128xbf16, #tpu.memory_space<vmem>>, vector<1x32xbf16>,
        %swap3A_173 = vector.shape_cast %swap3A_172 : vector<1x32xbf16> to vector<32xbf16>
        %swap3A_174 = vector.shape_cast %broadcast_in_dim3A_0 : vector<32xbf16> to vector<1x32xbf16>
        tpu.vector_store %arg17[%swap3A, %swap3A_171], %swap3A_174 {strides = array<i32>} : memref<48x128xbf16, #tpu.memory_space<vmem>>, vector<1x32xbf16>,
      }
      %scan3A_163 = arith.constant 4 : i32
    }
    %scan3A_4 = arith.constant 48 : i32
    %mul3A = arith.constant 624 : i32
    %mul3A_5 = arith.muli %arg1, %mul3A : i32
    %add3A = arith.constant 0 : i32
    %add3A_6 = arith.addi %mul3A_5, %add3A : i32
    "tpu.region"() ({
      %run_scoped3A = tpu.sem_alloc : memref<!tpu.dma_semaphore, #tpu.memory_space<semaphore_mem>>
      %dma_start3A_154 = arith.constant 0 : i32
      %dma_start3A_155 = tpu.memref_slice %arg18[%add3A_6, %dma_start3A_154] : memref<10000x128xbf16, #tpu.memory_space<vmem_shared>> -> memref<48x128xbf16, #tpu.memory_space<vmem_shared>>
      %dma_start3A_156 = arith.constant 0 : i32
      %dma_start3A_157 = tpu.memref_slice %arg18[%add3A_6, %dma_start3A_156] : memref<10000x128xbf16, #tpu.memory_space<vmem_shared>> -> memref<48x128xbf16, #tpu.memory_space<vmem_shared>>
      tpu.enqueue_dma source(%arg17 : memref<48x128xbf16, #tpu.memory_space<vmem>>) target(%dma_start3A_157 : memref<48x128xbf16, #tpu.memory_space<vmem_shared>>) target_semaphore(%run_scoped3A : memref<!tpu.dma_semaphore, #tpu.memory_space<semaphore_mem>>)
      %dma_wait3A_158 = arith.constant 0 : i32
      %dma_wait3A_159 = tpu.memref_slice %arg18[%add3A_6, %dma_wait3A_158] : memref<10000x128xbf16, #tpu.memory_space<vmem_shared>> -> memref<48x128xbf16, #tpu.memory_space<vmem_shared>>
      %dma_wait3A_160 = arith.constant 0 : i32
      %dma_wait3A_161 = tpu.memref_slice %arg18[%add3A_6, %dma_wait3A_160] : memref<10000x128xbf16, #tpu.memory_space<vmem_shared>> -> memref<48x128xbf16, #tpu.memory_space<vmem_shared>>
      tpu.wait_dma2 semaphore(%run_scoped3A : memref<!tpu.dma_semaphore, #tpu.memory_space<semaphore_mem>>) src(%arg17 : memref<48x128xbf16, #tpu.memory_space<vmem>>) dst(%dma_wait3A_161 : memref<48x128xbf16, #tpu.memory_space<vmem_shared>>)
      tpu.yield
    }) : () -> ()
    %add3A_7 = arith.constant 48 : i32
    %add3A_8 = arith.addi %mul3A_5, %add3A_7 : i32
    "tpu.region"() ({
      %run_scoped3A = tpu.sem_alloc : memref<!tpu.dma_semaphore, #tpu.memory_space<semaphore_mem>>
      %dma_start3A_154 = arith.constant 0 : i32
      %dma_start3A_155 = tpu.memref_slice %arg18[%add3A_8, %dma_start3A_154] : memref<10000x128xbf16, #tpu.memory_space<vmem_shared>> -> memref<48x128xbf16, #tpu.memory_space<vmem_shared>>
      %dma_start3A_156 = arith.constant 0 : i32
      %dma_start3A_157 = tpu.memref_slice %arg18[%add3A_8, %dma_start3A_156] : memref<10000x128xbf16, #tpu.memory_space<vmem_shared>> -> memref<48x128xbf16, #tpu.memory_space<vmem_shared>>
      tpu.enqueue_dma source(%arg17 : memref<48x128xbf16, #tpu.memory_space<vmem>>) target(%dma_start3A_157 : memref<48x128xbf16, #tpu.memory_space<vmem_shared>>) target_semaphore(%run_scoped3A : memref<!tpu.dma_semaphore, #tpu.memory_space<semaphore_mem>>)
      %dma_wait3A_158 = arith.constant 0 : i32
      %dma_wait3A_159 = tpu.memref_slice %arg18[%add3A_8, %dma_wait3A_158] : memref<10000x128xbf16, #tpu.memory_space<vmem_shared>> -> memref<48x128xbf16, #tpu.memory_space<vmem_shared>>
      %dma_wait3A_160 = arith.constant 0 : i32
      %dma_wait3A_161 = tpu.memref_slice %arg18[%add3A_8, %dma_wait3A_160] : memref<10000x128xbf16, #tpu.memory_space<vmem_shared>> -> memref<48x128xbf16, #tpu.memory_space<vmem_shared>>
      tpu.wait_dma2 semaphore(%run_scoped3A : memref<!tpu.dma_semaphore, #tpu.memory_space<semaphore_mem>>) src(%arg17 : memref<48x128xbf16, #tpu.memory_space<vmem>>) dst(%dma_wait3A_161 : memref<48x128xbf16, #tpu.memory_space<vmem_shared>>)
      tpu.yield
    }) : () -> ()
    %add3A_9 = arith.constant 96 : i32
    %add3A_10 = arith.addi %mul3A_5, %add3A_9 : i32
    "tpu.region"() ({
      %run_scoped3A = tpu.sem_alloc : memref<!tpu.dma_semaphore, #tpu.memory_space<semaphore_mem>>
      %dma_start3A_154 = arith.constant 0 : i32
      %dma_start3A_155 = tpu.memref_slice %arg18[%add3A_10, %dma_start3A_154] : memref<10000x128xbf16, #tpu.memory_space<vmem_shared>> -> memref<48x128xbf16, #tpu.memory_space<vmem_shared>>
      %dma_start3A_156 = arith.constant 0 : i32
      %dma_start3A_157 = tpu.memref_slice %arg18[%add3A_10, %dma_start3A_156] : memref<10000x128xbf16, #tpu.memory_space<vmem_shared>> -> memref<48x128xbf16, #tpu.memory_space<vmem_shared>>
      tpu.enqueue_dma source(%arg17 : memref<48x128xbf16, #tpu.memory_space<vmem>>) target(%dma_start3A_157 : memref<48x128xbf16, #tpu.memory_space<vmem_shared>>) target_semaphore(%run_scoped3A : memref<!tpu.dma_semaphore, #tpu.memory_space<semaphore_mem>>)
      %dma_wait3A_158 = arith.constant 0 : i32
      %dma_wait3A_159 = tpu.memref_slice %arg18[%add3A_10, %dma_wait3A_158] : memref<10000x128xbf16, #tpu.memory_space<vmem_shared>> -> memref<48x128xbf16, #tpu.memory_space<vmem_shared>>
      %dma_wait3A_160 = arith.constant 0 : i32
      %dma_wait3A_161 = tpu.memref_slice %arg18[%add3A_10, %dma_wait3A_160] : memref<10000x128xbf16, #tpu.memory_space<vmem_shared>> -> memref<48x128xbf16, #tpu.memory_space<vmem_shared>>
      tpu.wait_dma2 semaphore(%run_scoped3A : memref<!tpu.dma_semaphore, #tpu.memory_space<semaphore_mem>>) src(%arg17 : memref<48x128xbf16, #tpu.memory_space<vmem>>) dst(%dma_wait3A_161 : memref<48x128xbf16, #tpu.memory_space<vmem_shared>>)
      tpu.yield
    }) : () -> ()
    %add3A_11 = arith.constant 144 : i32
    %add3A_12 = arith.addi %mul3A_5, %add3A_11 : i32
    "tpu.region"() ({
      %run_scoped3A = tpu.sem_alloc : memref<!tpu.dma_semaphore, #tpu.memory_space<semaphore_mem>>
      %dma_start3A_154 = arith.constant 0 : i32
      %dma_start3A_155 = tpu.memref_slice %arg18[%add3A_12, %dma_start3A_154] : memref<10000x128xbf16, #tpu.memory_space<vmem_shared>> -> memref<48x128xbf16, #tpu.memory_space<vmem_shared>>
      %dma_start3A_156 = arith.constant 0 : i32
      %dma_start3A_157 = tpu.memref_slice %arg18[%add3A_12, %dma_start3A_156] : memref<10000x128xbf16, #tpu.memory_space<vmem_shared>> -> memref<48x128xbf16, #tpu.memory_space<vmem_shared>>
      tpu.enqueue_dma source(%arg17 : memref<48x128xbf16, #tpu.memory_space<vmem>>) target(%dma_start3A_157 : memref<48x128xbf16, #tpu.memory_space<vmem_shared>>) target_semaphore(%run_scoped3A : memref<!tpu.dma_semaphore, #tpu.memory_space<semaphore_mem>>)
      %dma_wait3A_158 = arith.constant 0 : i32
      %dma_wait3A_159 = tpu.memref_slice %arg18[%add3A_12, %dma_wait3A_158] : memref<10000x128xbf16, #tpu.memory_space<vmem_shared>> -> memref<48x128xbf16, #tpu.memory_space<vmem_shared>>
      %dma_wait3A_160 = arith.constant 0 : i32
      %dma_wait3A_161 = tpu.memref_slice %arg18[%add3A_12, %dma_wait3A_160] : memref<10000x128xbf16, #tpu.memory_space<vmem_shared>> -> memref<48x128xbf16, #tpu.memory_space<vmem_shared>>
      tpu.wait_dma2 semaphore(%run_scoped3A : memref<!tpu.dma_semaphore, #tpu.memory_space<semaphore_mem>>) src(%arg17 : memref<48x128xbf16, #tpu.memory_space<vmem>>) dst(%dma_wait3A_161 : memref<48x128xbf16, #tpu.memory_space<vmem_shared>>)
      tpu.yield
    }) : () -> ()
    %add3A_13 = arith.constant 192 : i32
    %add3A_14 = arith.addi %mul3A_5, %add3A_13 : i32
    "tpu.region"() ({
      %run_scoped3A = tpu.sem_alloc : memref<!tpu.dma_semaphore, #tpu.memory_space<semaphore_mem>>
      %dma_start3A_154 = arith.constant 0 : i32
      %dma_start3A_155 = tpu.memref_slice %arg18[%add3A_14, %dma_start3A_154] : memref<10000x128xbf16, #tpu.memory_space<vmem_shared>> -> memref<48x128xbf16, #tpu.memory_space<vmem_shared>>
      %dma_start3A_156 = arith.constant 0 : i32
      %dma_start3A_157 = tpu.memref_slice %arg18[%add3A_14, %dma_start3A_156] : memref<10000x128xbf16, #tpu.memory_space<vmem_shared>> -> memref<48x128xbf16, #tpu.memory_space<vmem_shared>>
      tpu.enqueue_dma source(%arg17 : memref<48x128xbf16, #tpu.memory_space<vmem>>) target(%dma_start3A_157 : memref<48x128xbf16, #tpu.memory_space<vmem_shared>>) target_semaphore(%run_scoped3A : memref<!tpu.dma_semaphore, #tpu.memory_space<semaphore_mem>>)
      %dma_wait3A_158 = arith.constant 0 : i32
      %dma_wait3A_159 = tpu.memref_slice %arg18[%add3A_14, %dma_wait3A_158] : memref<10000x128xbf16, #tpu.memory_space<vmem_shared>> -> memref<48x128xbf16, #tpu.memory_space<vmem_shared>>
      %dma_wait3A_160 = arith.constant 0 : i32
      %dma_wait3A_161 = tpu.memref_slice %arg18[%add3A_14, %dma_wait3A_160] : memref<10000x128xbf16, #tpu.memory_space<vmem_shared>> -> memref<48x128xbf16, #tpu.memory_space<vmem_shared>>
      tpu.wait_dma2 semaphore(%run_scoped3A : memref<!tpu.dma_semaphore, #tpu.memory_space<semaphore_mem>>) src(%arg17 : memref<48x128xbf16, #tpu.memory_space<vmem>>) dst(%dma_wait3A_161 : memref<48x128xbf16, #tpu.memory_space<vmem_shared>>)
      tpu.yield
    }) : () -> ()
    %add3A_15 = arith.constant 240 : i32
    %add3A_16 = arith.addi %mul3A_5, %add3A_15 : i32
    "tpu.region"() ({
      %run_scoped3A = tpu.sem_alloc : memref<!tpu.dma_semaphore, #tpu.memory_space<semaphore_mem>>
      %dma_start3A_154 = arith.constant 0 : i32
      %dma_start3A_155 = tpu.memref_slice %arg18[%add3A_16, %dma_start3A_154] : memref<10000x128xbf16, #tpu.memory_space<vmem_shared>> -> memref<48x128xbf16, #tpu.memory_space<vmem_shared>>
      %dma_start3A_156 = arith.constant 0 : i32
      %dma_start3A_157 = tpu.memref_slice %arg18[%add3A_16, %dma_start3A_156] : memref<10000x128xbf16, #tpu.memory_space<vmem_shared>> -> memref<48x128xbf16, #tpu.memory_space<vmem_shared>>
      tpu.enqueue_dma source(%arg17 : memref<48x128xbf16, #tpu.memory_space<vmem>>) target(%dma_start3A_157 : memref<48x128xbf16, #tpu.memory_space<vmem_shared>>) target_semaphore(%run_scoped3A : memref<!tpu.dma_semaphore, #tpu.memory_space<semaphore_mem>>)
      %dma_wait3A_158 = arith.constant 0 : i32
      %dma_wait3A_159 = tpu.memref_slice %arg18[%add3A_16, %dma_wait3A_158] : memref<10000x128xbf16, #tpu.memory_space<vmem_shared>> -> memref<48x128xbf16, #tpu.memory_space<vmem_shared>>
      %dma_wait3A_160 = arith.constant 0 : i32
      %dma_wait3A_161 = tpu.memref_slice %arg18[%add3A_16, %dma_wait3A_160] : memref<10000x128xbf16, #tpu.memory_space<vmem_shared>> -> memref<48x128xbf16, #tpu.memory_space<vmem_shared>>
      tpu.wait_dma2 semaphore(%run_scoped3A : memref<!tpu.dma_semaphore, #tpu.memory_space<semaphore_mem>>) src(%arg17 : memref<48x128xbf16, #tpu.memory_space<vmem>>) dst(%dma_wait3A_161 : memref<48x128xbf16, #tpu.memory_space<vmem_shared>>)
      tpu.yield
    }) : () -> ()
    %add3A_17 = arith.constant 288 : i32
    %add3A_18 = arith.addi %mul3A_5, %add3A_17 : i32
    "tpu.region"() ({
      %run_scoped3A = tpu.sem_alloc : memref<!tpu.dma_semaphore, #tpu.memory_space<semaphore_mem>>
      %dma_start3A_154 = arith.constant 0 : i32
      %dma_start3A_155 = tpu.memref_slice %arg18[%add3A_18, %dma_start3A_154] : memref<10000x128xbf16, #tpu.memory_space<vmem_shared>> -> memref<48x128xbf16, #tpu.memory_space<vmem_shared>>
      %dma_start3A_156 = arith.constant 0 : i32
      %dma_start3A_157 = tpu.memref_slice %arg18[%add3A_18, %dma_start3A_156] : memref<10000x128xbf16, #tpu.memory_space<vmem_shared>> -> memref<48x128xbf16, #tpu.memory_space<vmem_shared>>
      tpu.enqueue_dma source(%arg17 : memref<48x128xbf16, #tpu.memory_space<vmem>>) target(%dma_start3A_157 : memref<48x128xbf16, #tpu.memory_space<vmem_shared>>) target_semaphore(%run_scoped3A : memref<!tpu.dma_semaphore, #tpu.memory_space<semaphore_mem>>)
      %dma_wait3A_158 = arith.constant 0 : i32
      %dma_wait3A_159 = tpu.memref_slice %arg18[%add3A_18, %dma_wait3A_158] : memref<10000x128xbf16, #tpu.memory_space<vmem_shared>> -> memref<48x128xbf16, #tpu.memory_space<vmem_shared>>
      %dma_wait3A_160 = arith.constant 0 : i32
      %dma_wait3A_161 = tpu.memref_slice %arg18[%add3A_18, %dma_wait3A_160] : memref<10000x128xbf16, #tpu.memory_space<vmem_shared>> -> memref<48x128xbf16, #tpu.memory_space<vmem_shared>>
      tpu.wait_dma2 semaphore(%run_scoped3A : memref<!tpu.dma_semaphore, #tpu.memory_space<semaphore_mem>>) src(%arg17 : memref<48x128xbf16, #tpu.memory_space<vmem>>) dst(%dma_wait3A_161 : memref<48x128xbf16, #tpu.memory_space<vmem_shared>>)
      tpu.yield
    }) : () -> ()
    %add3A_19 = arith.constant 336 : i32
    %add3A_20 = arith.addi %mul3A_5, %add3A_19 : i32
    "tpu.region"() ({
      %run_scoped3A = tpu.sem_alloc : memref<!tpu.dma_semaphore, #tpu.memory_space<semaphore_mem>>
      %dma_start3A_154 = arith.constant 0 : i32
      %dma_start3A_155 = tpu.memref_slice %arg18[%add3A_20, %dma_start3A_154] : memref<10000x128xbf16, #tpu.memory_space<vmem_shared>> -> memref<48x128xbf16, #tpu.memory_space<vmem_shared>>
      %dma_start3A_156 = arith.constant 0 : i32
      %dma_start3A_157 = tpu.memref_slice %arg18[%add3A_20, %dma_start3A_156] : memref<10000x128xbf16, #tpu.memory_space<vmem_shared>> -> memref<48x128xbf16, #tpu.memory_space<vmem_shared>>
      tpu.enqueue_dma source(%arg17 : memref<48x128xbf16, #tpu.memory_space<vmem>>) target(%dma_start3A_157 : memref<48x128xbf16, #tpu.memory_space<vmem_shared>>) target_semaphore(%run_scoped3A : memref<!tpu.dma_semaphore, #tpu.memory_space<semaphore_mem>>)
      %dma_wait3A_158 = arith.constant 0 : i32
      %dma_wait3A_159 = tpu.memref_slice %arg18[%add3A_20, %dma_wait3A_158] : memref<10000x128xbf16, #tpu.memory_space<vmem_shared>> -> memref<48x128xbf16, #tpu.memory_space<vmem_shared>>
      %dma_wait3A_160 = arith.constant 0 : i32
      %dma_wait3A_161 = tpu.memref_slice %arg18[%add3A_20, %dma_wait3A_160] : memref<10000x128xbf16, #tpu.memory_space<vmem_shared>> -> memref<48x128xbf16, #tpu.memory_space<vmem_shared>>
      tpu.wait_dma2 semaphore(%run_scoped3A : memref<!tpu.dma_semaphore, #tpu.memory_space<semaphore_mem>>) src(%arg17 : memref<48x128xbf16, #tpu.memory_space<vmem>>) dst(%dma_wait3A_161 : memref<48x128xbf16, #tpu.memory_space<vmem_shared>>)
      tpu.yield
    }) : () -> ()
    %add3A_21 = arith.constant 384 : i32
    %add3A_22 = arith.addi %mul3A_5, %add3A_21 : i32
    "tpu.region"() ({
      %run_scoped3A = tpu.sem_alloc : memref<!tpu.dma_semaphore, #tpu.memory_space<semaphore_mem>>
      %dma_start3A_154 = arith.constant 0 : i32
      %dma_start3A_155 = tpu.memref_slice %arg18[%add3A_22, %dma_start3A_154] : memref<10000x128xbf16, #tpu.memory_space<vmem_shared>> -> memref<48x128xbf16, #tpu.memory_space<vmem_shared>>
      %dma_start3A_156 = arith.constant 0 : i32
      %dma_start3A_157 = tpu.memref_slice %arg18[%add3A_22, %dma_start3A_156] : memref<10000x128xbf16, #tpu.memory_space<vmem_shared>> -> memref<48x128xbf16, #tpu.memory_space<vmem_shared>>
      tpu.enqueue_dma source(%arg17 : memref<48x128xbf16, #tpu.memory_space<vmem>>) target(%dma_start3A_157 : memref<48x128xbf16, #tpu.memory_space<vmem_shared>>) target_semaphore(%run_scoped3A : memref<!tpu.dma_semaphore, #tpu.memory_space<semaphore_mem>>)
      %dma_wait3A_158 = arith.constant 0 : i32
      %dma_wait3A_159 = tpu.memref_slice %arg18[%add3A_22, %dma_wait3A_158] : memref<10000x128xbf16, #tpu.memory_space<vmem_shared>> -> memref<48x128xbf16, #tpu.memory_space<vmem_shared>>
      %dma_wait3A_160 = arith.constant 0 : i32
      %dma_wait3A_161 = tpu.memref_slice %arg18[%add3A_22, %dma_wait3A_160] : memref<10000x128xbf16, #tpu.memory_space<vmem_shared>> -> memref<48x128xbf16, #tpu.memory_space<vmem_shared>>
      tpu.wait_dma2 semaphore(%run_scoped3A : memref<!tpu.dma_semaphore, #tpu.memory_space<semaphore_mem>>) src(%arg17 : memref<48x128xbf16, #tpu.memory_space<vmem>>) dst(%dma_wait3A_161 : memref<48x128xbf16, #tpu.memory_space<vmem_shared>>)
      tpu.yield
    }) : () -> ()
    %add3A_23 = arith.constant 432 : i32
    %add3A_24 = arith.addi %mul3A_5, %add3A_23 : i32
    "tpu.region"() ({
      %run_scoped3A = tpu.sem_alloc : memref<!tpu.dma_semaphore, #tpu.memory_space<semaphore_mem>>
      %dma_start3A_154 = arith.constant 0 : i32
      %dma_start3A_155 = tpu.memref_slice %arg18[%add3A_24, %dma_start3A_154] : memref<10000x128xbf16, #tpu.memory_space<vmem_shared>> -> memref<48x128xbf16, #tpu.memory_space<vmem_shared>>
      %dma_start3A_156 = arith.constant 0 : i32
      %dma_start3A_157 = tpu.memref_slice %arg18[%add3A_24, %dma_start3A_156] : memref<10000x128xbf16, #tpu.memory_space<vmem_shared>> -> memref<48x128xbf16, #tpu.memory_space<vmem_shared>>
      tpu.enqueue_dma source(%arg17 : memref<48x128xbf16, #tpu.memory_space<vmem>>) target(%dma_start3A_157 : memref<48x128xbf16, #tpu.memory_space<vmem_shared>>) target_semaphore(%run_scoped3A : memref<!tpu.dma_semaphore, #tpu.memory_space<semaphore_mem>>)
      %dma_wait3A_158 = arith.constant 0 : i32
      %dma_wait3A_159 = tpu.memref_slice %arg18[%add3A_24, %dma_wait3A_158] : memref<10000x128xbf16, #tpu.memory_space<vmem_shared>> -> memref<48x128xbf16, #tpu.memory_space<vmem_shared>>
      %dma_wait3A_160 = arith.constant 0 : i32
      %dma_wait3A_161 = tpu.memref_slice %arg18[%add3A_24, %dma_wait3A_160] : memref<10000x128xbf16, #tpu.memory_space<vmem_shared>> -> memref<48x128xbf16, #tpu.memory_space<vmem_shared>>
      tpu.wait_dma2 semaphore(%run_scoped3A : memref<!tpu.dma_semaphore, #tpu.memory_space<semaphore_mem>>) src(%arg17 : memref<48x128xbf16, #tpu.memory_space<vmem>>) dst(%dma_wait3A_161 : memref<48x128xbf16, #tpu.memory_space<vmem_shared>>)
      tpu.yield
    }) : () -> ()
    %add3A_25 = arith.constant 480 : i32
    %add3A_26 = arith.addi %mul3A_5, %add3A_25 : i32
    "tpu.region"() ({
      %run_scoped3A = tpu.sem_alloc : memref<!tpu.dma_semaphore, #tpu.memory_space<semaphore_mem>>
      %dma_start3A_154 = arith.constant 0 : i32
      %dma_start3A_155 = tpu.memref_slice %arg18[%add3A_26, %dma_start3A_154] : memref<10000x128xbf16, #tpu.memory_space<vmem_shared>> -> memref<48x128xbf16, #tpu.memory_space<vmem_shared>>
      %dma_start3A_156 = arith.constant 0 : i32
      %dma_start3A_157 = tpu.memref_slice %arg18[%add3A_26, %dma_start3A_156] : memref<10000x128xbf16, #tpu.memory_space<vmem_shared>> -> memref<48x128xbf16, #tpu.memory_space<vmem_shared>>
      tpu.enqueue_dma source(%arg17 : memref<48x128xbf16, #tpu.memory_space<vmem>>) target(%dma_start3A_157 : memref<48x128xbf16, #tpu.memory_space<vmem_shared>>) target_semaphore(%run_scoped3A : memref<!tpu.dma_semaphore, #tpu.memory_space<semaphore_mem>>)
      %dma_wait3A_158 = arith.constant 0 : i32
      %dma_wait3A_159 = tpu.memref_slice %arg18[%add3A_26, %dma_wait3A_158] : memref<10000x128xbf16, #tpu.memory_space<vmem_shared>> -> memref<48x128xbf16, #tpu.memory_space<vmem_shared>>
      %dma_wait3A_160 = arith.constant 0 : i32
      %dma_wait3A_161 = tpu.memref_slice %arg18[%add3A_26, %dma_wait3A_160] : memref<10000x128xbf16, #tpu.memory_space<vmem_shared>> -> memref<48x128xbf16, #tpu.memory_space<vmem_shared>>
      tpu.wait_dma2 semaphore(%run_scoped3A : memref<!tpu.dma_semaphore, #tpu.memory_space<semaphore_mem>>) src(%arg17 : memref<48x128xbf16, #tpu.memory_space<vmem>>) dst(%dma_wait3A_161 : memref<48x128xbf16, #tpu.memory_space<vmem_shared>>)
      tpu.yield
    }) : () -> ()
    %add3A_27 = arith.constant 528 : i32
    %add3A_28 = arith.addi %mul3A_5, %add3A_27 : i32
    "tpu.region"() ({
      %run_scoped3A = tpu.sem_alloc : memref<!tpu.dma_semaphore, #tpu.memory_space<semaphore_mem>>
      %dma_start3A_154 = arith.constant 0 : i32
      %dma_start3A_155 = tpu.memref_slice %arg18[%add3A_28, %dma_start3A_154] : memref<10000x128xbf16, #tpu.memory_space<vmem_shared>> -> memref<48x128xbf16, #tpu.memory_space<vmem_shared>>
      %dma_start3A_156 = arith.constant 0 : i32
      %dma_start3A_157 = tpu.memref_slice %arg18[%add3A_28, %dma_start3A_156] : memref<10000x128xbf16, #tpu.memory_space<vmem_shared>> -> memref<48x128xbf16, #tpu.memory_space<vmem_shared>>
      tpu.enqueue_dma source(%arg17 : memref<48x128xbf16, #tpu.memory_space<vmem>>) target(%dma_start3A_157 : memref<48x128xbf16, #tpu.memory_space<vmem_shared>>) target_semaphore(%run_scoped3A : memref<!tpu.dma_semaphore, #tpu.memory_space<semaphore_mem>>)
      %dma_wait3A_158 = arith.constant 0 : i32
      %dma_wait3A_159 = tpu.memref_slice %arg18[%add3A_28, %dma_wait3A_158] : memref<10000x128xbf16, #tpu.memory_space<vmem_shared>> -> memref<48x128xbf16, #tpu.memory_space<vmem_shared>>
      %dma_wait3A_160 = arith.constant 0 : i32
      %dma_wait3A_161 = tpu.memref_slice %arg18[%add3A_28, %dma_wait3A_160] : memref<10000x128xbf16, #tpu.memory_space<vmem_shared>> -> memref<48x128xbf16, #tpu.memory_space<vmem_shared>>
      tpu.wait_dma2 semaphore(%run_scoped3A : memref<!tpu.dma_semaphore, #tpu.memory_space<semaphore_mem>>) src(%arg17 : memref<48x128xbf16, #tpu.memory_space<vmem>>) dst(%dma_wait3A_161 : memref<48x128xbf16, #tpu.memory_space<vmem_shared>>)
      tpu.yield
    }) : () -> ()
    %add3A_29 = arith.constant 576 : i32
    %add3A_30 = arith.addi %mul3A_5, %add3A_29 : i32
    "tpu.region"() ({
      %run_scoped3A = tpu.sem_alloc : memref<!tpu.dma_semaphore, #tpu.memory_space<semaphore_mem>>
      %dma_start3A_154 = arith.constant 0 : i32
      %dma_start3A_155 = tpu.memref_slice %arg18[%add3A_30, %dma_start3A_154] : memref<10000x128xbf16, #tpu.memory_space<vmem_shared>> -> memref<48x128xbf16, #tpu.memory_space<vmem_shared>>
      %dma_start3A_156 = arith.constant 0 : i32
      %dma_start3A_157 = tpu.memref_slice %arg18[%add3A_30, %dma_start3A_156] : memref<10000x128xbf16, #tpu.memory_space<vmem_shared>> -> memref<48x128xbf16, #tpu.memory_space<vmem_shared>>
      tpu.enqueue_dma source(%arg17 : memref<48x128xbf16, #tpu.memory_space<vmem>>) target(%dma_start3A_157 : memref<48x128xbf16, #tpu.memory_space<vmem_shared>>) target_semaphore(%run_scoped3A : memref<!tpu.dma_semaphore, #tpu.memory_space<semaphore_mem>>)
      %dma_wait3A_158 = arith.constant 0 : i32
      %dma_wait3A_159 = tpu.memref_slice %arg18[%add3A_30, %dma_wait3A_158] : memref<10000x128xbf16, #tpu.memory_space<vmem_shared>> -> memref<48x128xbf16, #tpu.memory_space<vmem_shared>>
      %dma_wait3A_160 = arith.constant 0 : i32
      %dma_wait3A_161 = tpu.memref_slice %arg18[%add3A_30, %dma_wait3A_160] : memref<10000x128xbf16, #tpu.memory_space<vmem_shared>> -> memref<48x128xbf16, #tpu.memory_space<vmem_shared>>
      tpu.wait_dma2 semaphore(%run_scoped3A : memref<!tpu.dma_semaphore, #tpu.memory_space<semaphore_mem>>) src(%arg17 : memref<48x128xbf16, #tpu.memory_space<vmem>>) dst(%dma_wait3A_161 : memref<48x128xbf16, #tpu.memory_space<vmem_shared>>)
      tpu.yield
    }) : () -> ()
    %eq3A = arith.constant 15 : i32
    %eq3A_31 = arith.cmpi eq, %arg1, %eq3A : i32
    %convert_element_type3A = arith.extui %eq3A_31 : i1 to i32
    %cond3A = arith.constant 0 : i32
    %cond3A_32 = arith.cmpi ne, %convert_element_type3A, %cond3A : i32
    scf.if %cond3A_32 {
      "tpu.region"() ({
        %run_scoped3A = tpu.sem_alloc : memref<!tpu.dma_semaphore, #tpu.memory_space<semaphore_mem>>
        %dma_start3A_154 = arith.constant 0 : i32
        %dma_start3A_155 = arith.constant 0 : i32
        %dma_start3A_156 = tpu.memref_slice %arg17[%dma_start3A_154, %dma_start3A_155] : memref<48x128xbf16, #tpu.memory_space<vmem>> -> memref<16x128xbf16, #tpu.memory_space<vmem>>
        %dma_start3A_157 = arith.constant 9984 : i32
        %dma_start3A_158 = arith.constant 0 : i32
        %dma_start3A_159 = tpu.memref_slice %arg18[%dma_start3A_157, %dma_start3A_158] : memref<10000x128xbf16, #tpu.memory_space<vmem_shared>> -> memref<16x128xbf16, #tpu.memory_space<vmem_shared>>
        %dma_start3A_160 = arith.constant 9984 : i32
        %dma_start3A_161 = arith.constant 0 : i32
        %dma_start3A_162 = tpu.memref_slice %arg18[%dma_start3A_160, %dma_start3A_161] : memref<10000x128xbf16, #tpu.memory_space<vmem_shared>> -> memref<16x128xbf16, #tpu.memory_space<vmem_shared>>
        %dma_start3A_163 = arith.constant 0 : i32
        %dma_start3A_164 = arith.constant 0 : i32
        %dma_start3A_165 = tpu.memref_slice %arg17[%dma_start3A_163, %dma_start3A_164] : memref<48x128xbf16, #tpu.memory_space<vmem>> -> memref<16x128xbf16, #tpu.memory_space<vmem>>
        tpu.enqueue_dma source(%dma_start3A_165 : memref<16x128xbf16, #tpu.memory_space<vmem>>) target(%dma_start3A_162 : memref<16x128xbf16, #tpu.memory_space<vmem_shared>>) target_semaphore(%run_scoped3A : memref<!tpu.dma_semaphore, #tpu.memory_space<semaphore_mem>>)
        %dma_wait3A_166 = arith.constant 0 : i32
        %dma_wait3A_167 = arith.constant 0 : i32
        %dma_wait3A_168 = tpu.memref_slice %arg17[%dma_wait3A_166, %dma_wait3A_167] : memref<48x128xbf16, #tpu.memory_space<vmem>> -> memref<16x128xbf16, #tpu.memory_space<vmem>>
        %dma_wait3A_169 = arith.constant 9984 : i32
        %dma_wait3A_170 = arith.constant 0 : i32
        %dma_wait3A_171 = tpu.memref_slice %arg18[%dma_wait3A_169, %dma_wait3A_170] : memref<10000x128xbf16, #tpu.memory_space<vmem_shared>> -> memref<16x128xbf16, #tpu.memory_space<vmem_shared>>
        %dma_wait3A_172 = arith.constant 9984 : i32
        %dma_wait3A_173 = arith.constant 0 : i32
        %dma_wait3A_174 = tpu.memref_slice %arg18[%dma_wait3A_172, %dma_wait3A_173] : memref<10000x128xbf16, #tpu.memory_space<vmem_shared>> -> memref<16x128xbf16, #tpu.memory_space<vmem_shared>>
        %dma_wait3A_175 = arith.constant 0 : i32
        %dma_wait3A_176 = arith.constant 0 : i32
        %dma_wait3A_177 = tpu.memref_slice %arg17[%dma_wait3A_175, %dma_wait3A_176] : memref<48x128xbf16, #tpu.memory_space<vmem>> -> memref<16x128xbf16, #tpu.memory_space<vmem>>
        tpu.wait_dma2 semaphore(%run_scoped3A : memref<!tpu.dma_semaphore, #tpu.memory_space<semaphore_mem>>) src(%dma_wait3A_177 : memref<16x128xbf16, #tpu.memory_space<vmem>>) dst(%dma_wait3A_174 : memref<16x128xbf16, #tpu.memory_space<vmem_shared>>)
        tpu.yield
      }) : () -> ()
    } else {
    }
    %barrier3A = arith.constant 0 : index
    tpu.barrier barrier_id(%barrier3A)
    %mul3A_33 = arith.constant 2 : i32
    %mul3A_34 = arith.muli %arg1, %mul3A_33 : i32
    %add3A_35 = arith.addi %mul3A_34, %arg0 : i32
    %mul3A_36 = arith.constant 10000 : i32
    %mul3A_37 = arith.muli %add3A_35, %mul3A_36 : i32
    %add3A_38 = arith.constant 0 : i32
    %add3A_39 = arith.addi %mul3A_37, %add3A_38 : i32
    %dma_start3A = tpu.memref_slice %arg3[%add3A_39] : memref<640000xi32, #tpu.memory_space<hbm>> -> memref<128xi32, #tpu.memory_space<hbm>>
    %dma_start3A_40 = tpu.memref_slice %arg3[%add3A_39] : memref<640000xi32, #tpu.memory_space<hbm>> -> memref<128xi32, #tpu.memory_space<hbm>>
    tpu.enqueue_dma source(%dma_start3A_40 : memref<128xi32, #tpu.memory_space<hbm>>) target(%arg5 : memref<128xi32, #tpu.memory_space<vmem>>) target_semaphore(%arg19 : memref<!tpu.dma_semaphore, #tpu.memory_space<semaphore_mem>>)
    %add3A_41 = arith.constant 320000 : i32
    %add3A_42 = arith.addi %add3A_41, %add3A_39 : i32
    %dma_start3A_43 = tpu.memref_slice %arg3[%add3A_42] : memref<640000xi32, #tpu.memory_space<hbm>> -> memref<128xi32, #tpu.memory_space<hbm>>
    %dma_start3A_44 = tpu.memref_slice %arg3[%add3A_42] : memref<640000xi32, #tpu.memory_space<hbm>> -> memref<128xi32, #tpu.memory_space<hbm>>
    tpu.enqueue_dma source(%dma_start3A_44 : memref<128xi32, #tpu.memory_space<hbm>>) target(%arg8 : memref<128xi32, #tpu.memory_space<vmem>>) target_semaphore(%arg19 : memref<!tpu.dma_semaphore, #tpu.memory_space<semaphore_mem>>)
    %add3A_45 = arith.constant 128 : i32
    %add3A_46 = arith.addi %mul3A_37, %add3A_45 : i32
    %dma_start3A_47 = tpu.memref_slice %arg3[%add3A_46] : memref<640000xi32, #tpu.memory_space<hbm>> -> memref<128xi32, #tpu.memory_space<hbm>>
    %dma_start3A_48 = tpu.memref_slice %arg3[%add3A_46] : memref<640000xi32, #tpu.memory_space<hbm>> -> memref<128xi32, #tpu.memory_space<hbm>>
    tpu.enqueue_dma source(%dma_start3A_48 : memref<128xi32, #tpu.memory_space<hbm>>) target(%arg6 : memref<128xi32, #tpu.memory_space<vmem>>) target_semaphore(%arg20 : memref<!tpu.dma_semaphore, #tpu.memory_space<semaphore_mem>>)
    %add3A_49 = arith.constant 320000 : i32
    %add3A_50 = arith.addi %add3A_49, %add3A_46 : i32
    %dma_start3A_51 = tpu.memref_slice %arg3[%add3A_50] : memref<640000xi32, #tpu.memory_space<hbm>> -> memref<128xi32, #tpu.memory_space<hbm>>
    %dma_start3A_52 = tpu.memref_slice %arg3[%add3A_50] : memref<640000xi32, #tpu.memory_space<hbm>> -> memref<128xi32, #tpu.memory_space<hbm>>
    tpu.enqueue_dma source(%dma_start3A_52 : memref<128xi32, #tpu.memory_space<hbm>>) target(%arg9 : memref<128xi32, #tpu.memory_space<vmem>>) target_semaphore(%arg20 : memref<!tpu.dma_semaphore, #tpu.memory_space<semaphore_mem>>)
    %add3A_53 = arith.constant 256 : i32
    %add3A_54 = arith.addi %mul3A_37, %add3A_53 : i32
    %dma_start3A_55 = tpu.memref_slice %arg3[%add3A_54] : memref<640000xi32, #tpu.memory_space<hbm>> -> memref<128xi32, #tpu.memory_space<hbm>>
    %dma_start3A_56 = tpu.memref_slice %arg3[%add3A_54] : memref<640000xi32, #tpu.memory_space<hbm>> -> memref<128xi32, #tpu.memory_space<hbm>>
    tpu.enqueue_dma source(%dma_start3A_56 : memref<128xi32, #tpu.memory_space<hbm>>) target(%arg7 : memref<128xi32, #tpu.memory_space<vmem>>) target_semaphore(%arg21 : memref<!tpu.dma_semaphore, #tpu.memory_space<semaphore_mem>>)
    %add3A_57 = arith.constant 320000 : i32
    %add3A_58 = arith.addi %add3A_57, %add3A_54 : i32
    %dma_start3A_59 = tpu.memref_slice %arg3[%add3A_58] : memref<640000xi32, #tpu.memory_space<hbm>> -> memref<128xi32, #tpu.memory_space<hbm>>
    %dma_start3A_60 = tpu.memref_slice %arg3[%add3A_58] : memref<640000xi32, #tpu.memory_space<hbm>> -> memref<128xi32, #tpu.memory_space<hbm>>
    tpu.enqueue_dma source(%dma_start3A_60 : memref<128xi32, #tpu.memory_space<hbm>>) target(%arg10 : memref<128xi32, #tpu.memory_space<vmem>>) target_semaphore(%arg21 : memref<!tpu.dma_semaphore, #tpu.memory_space<semaphore_mem>>)
    %dma_wait3A = arith.constant 0 : i32
    %dma_wait3A_61 = tpu.memref_slice %arg3[%dma_wait3A] : memref<640000xi32, #tpu.memory_space<hbm>> -> memref<128xi32, #tpu.memory_space<hbm>>
    %dma_wait3A_62 = arith.constant 0 : i32
    %dma_wait3A_63 = tpu.memref_slice %arg3[%dma_wait3A_62] : memref<640000xi32, #tpu.memory_space<hbm>> -> memref<128xi32, #tpu.memory_space<hbm>>
    tpu.wait_dma2 semaphore(%arg19 : memref<!tpu.dma_semaphore, #tpu.memory_space<semaphore_mem>>) src(%dma_wait3A_63 : memref<128xi32, #tpu.memory_space<hbm>>) dst(%arg5 : memref<128xi32, #tpu.memory_space<vmem>>)
    %dma_wait3A_64 = arith.constant 0 : i32
    %dma_wait3A_65 = tpu.memref_slice %arg3[%dma_wait3A_64] : memref<640000xi32, #tpu.memory_space<hbm>> -> memref<128xi32, #tpu.memory_space<hbm>>
    %dma_wait3A_66 = arith.constant 0 : i32
    %dma_wait3A_67 = tpu.memref_slice %arg3[%dma_wait3A_66] : memref<640000xi32, #tpu.memory_space<hbm>> -> memref<128xi32, #tpu.memory_space<hbm>>
    tpu.wait_dma2 semaphore(%arg19 : memref<!tpu.dma_semaphore, #tpu.memory_space<semaphore_mem>>) src(%dma_wait3A_67 : memref<128xi32, #tpu.memory_space<hbm>>) dst(%arg8 : memref<128xi32, #tpu.memory_space<vmem>>)
    %dma_start3A_68 = arith.constant 0 : i32
    %dma_start3A_69 = arith.constant 0 : i32
    %dma_start3A_70 = tpu.memref_slice %arg2[%dma_start3A_68, %dma_start3A_69] : memref<10000x128xbf16, #tpu.memory_space<hbm>> -> memref<10000x128xbf16, #tpu.memory_space<hbm>>
    tpu.enqueue_indirect_dma source(%dma_start3A_70 : memref<10000x128xbf16, #tpu.memory_space<hbm>>) target(%arg11 : memref<128x128xbf16, #tpu.memory_space<vmem>>) offsets(%arg8 : memref<128xi32, #tpu.memory_space<vmem>>) semaphore(%arg22 : memref<!tpu.dma_semaphore, #tpu.memory_space<semaphore_mem>>)
    %scan3A_71 = arith.constant 0 : i32
    %scan3A_72 = arith.constant 25 : i32
    %scan3A_73 = arith.addi %scan3A_71, %scan3A_72 : i32
    %scan3A_74 = arith.constant 1 : i32
    scf.for %scan3A_154 = %scan3A_71 to %scan3A_73 step %scan3A_74  : i32 {
      %mul3A_155 = arith.constant 3 : i32
      %mul3A_156 = arith.muli %scan3A_154, %mul3A_155 : i32
      %add3A_157 = arith.constant 0 : i32
      %add3A_158 = arith.addi %add3A_157, %mul3A_156 : i32
      %add3A_159 = arith.constant 0 : i32
      %add3A_160 = arith.addi %add3A_158, %add3A_159 : i32
      %dma_wait3A_161 = arith.constant 0 : i32
      %dma_wait3A_162 = tpu.memref_slice %arg3[%dma_wait3A_161] : memref<640000xi32, #tpu.memory_space<hbm>> -> memref<128xi32, #tpu.memory_space<hbm>>
      %dma_wait3A_163 = arith.constant 0 : i32
      %dma_wait3A_164 = tpu.memref_slice %arg3[%dma_wait3A_163] : memref<640000xi32, #tpu.memory_space<hbm>> -> memref<128xi32, #tpu.memory_space<hbm>>
      tpu.wait_dma2 semaphore(%arg20 : memref<!tpu.dma_semaphore, #tpu.memory_space<semaphore_mem>>) src(%dma_wait3A_164 : memref<128xi32, #tpu.memory_space<hbm>>) dst(%arg6 : memref<128xi32, #tpu.memory_space<vmem>>)
      %dma_wait3A_165 = arith.constant 0 : i32
      %dma_wait3A_166 = tpu.memref_slice %arg3[%dma_wait3A_165] : memref<640000xi32, #tpu.memory_space<hbm>> -> memref<128xi32, #tpu.memory_space<hbm>>
      %dma_wait3A_167 = arith.constant 0 : i32
      %dma_wait3A_168 = tpu.memref_slice %arg3[%dma_wait3A_167] : memref<640000xi32, #tpu.memory_space<hbm>> -> memref<128xi32, #tpu.memory_space<hbm>>
      tpu.wait_dma2 semaphore(%arg20 : memref<!tpu.dma_semaphore, #tpu.memory_space<semaphore_mem>>) src(%dma_wait3A_168 : memref<128xi32, #tpu.memory_space<hbm>>) dst(%arg9 : memref<128xi32, #tpu.memory_space<vmem>>)
      %ge3A = arith.constant 1 : i32
      %ge3A_169 = arith.cmpi sge, %add3A_160, %ge3A : i32
      %convert_element_type3A_170 = arith.extui %ge3A_169 : i1 to i32
      %cond3A_171 = arith.constant 0 : i32
      %cond3A_172 = arith.cmpi ne, %convert_element_type3A_170, %cond3A_171 : i32
      scf.if %cond3A_172 {
        %dma_wait3A_248 = arith.constant 0 : i32
        %dma_wait3A_249 = arith.constant 0 : i32
        %dma_wait3A_250 = tpu.memref_slice %arg18[%dma_wait3A_248, %dma_wait3A_249] : memref<10000x128xbf16, #tpu.memory_space<vmem_shared>> -> memref<10000x128xbf16, #tpu.memory_space<vmem_shared>>
        tpu.wait_indirect_dma semaphore(%arg27 : memref<!tpu.dma_semaphore, #tpu.memory_space<semaphore_mem>>) src(%arg13 : memref<128x128xbf16, #tpu.memory_space<vmem>>) dst(%dma_wait3A_250 : memref<10000x128xbf16, #tpu.memory_space<vmem_shared>>)
        %add3A_251 = arith.constant 2 : i32
        %add3A_252 = arith.addi %add3A_160, %add3A_251 : i32
        %mul3A_253 = arith.constant 128 : i32
        %mul3A_254 = arith.muli %add3A_252, %mul3A_253 : i32
        %add3A_255 = arith.addi %mul3A_37, %mul3A_254 : i32
        %dma_start3A_256 = tpu.memref_slice %arg3[%add3A_255] : memref<640000xi32, #tpu.memory_space<hbm>> -> memref<128xi32, #tpu.memory_space<hbm>>
        %dma_start3A_257 = tpu.memref_slice %arg3[%add3A_255] : memref<640000xi32, #tpu.memory_space<hbm>> -> memref<128xi32, #tpu.memory_space<hbm>>
        tpu.enqueue_dma source(%dma_start3A_257 : memref<128xi32, #tpu.memory_space<hbm>>) target(%arg7 : memref<128xi32, #tpu.memory_space<vmem>>) target_semaphore(%arg21 : memref<!tpu.dma_semaphore, #tpu.memory_space<semaphore_mem>>)
        %add3A_258 = arith.constant 320000 : i32
        %add3A_259 = arith.addi %add3A_258, %add3A_255 : i32
        %dma_start3A_260 = tpu.memref_slice %arg3[%add3A_259] : memref<640000xi32, #tpu.memory_space<hbm>> -> memref<128xi32, #tpu.memory_space<hbm>>
        %dma_start3A_261 = tpu.memref_slice %arg3[%add3A_259] : memref<640000xi32, #tpu.memory_space<hbm>> -> memref<128xi32, #tpu.memory_space<hbm>>
        tpu.enqueue_dma source(%dma_start3A_261 : memref<128xi32, #tpu.memory_space<hbm>>) target(%arg10 : memref<128xi32, #tpu.memory_space<vmem>>) target_semaphore(%arg21 : memref<!tpu.dma_semaphore, #tpu.memory_space<semaphore_mem>>)
      } else {
      }
      %dma_start3A_173 = arith.constant 0 : i32
      %dma_start3A_174 = arith.constant 0 : i32
      %dma_start3A_175 = tpu.memref_slice %arg2[%dma_start3A_173, %dma_start3A_174] : memref<10000x128xbf16, #tpu.memory_space<hbm>> -> memref<10000x128xbf16, #tpu.memory_space<hbm>>
      tpu.enqueue_indirect_dma source(%dma_start3A_175 : memref<10000x128xbf16, #tpu.memory_space<hbm>>) target(%arg12 : memref<128x128xbf16, #tpu.memory_space<vmem>>) offsets(%arg9 : memref<128xi32, #tpu.memory_space<vmem>>) semaphore(%arg23 : memref<!tpu.dma_semaphore, #tpu.memory_space<semaphore_mem>>)
      %dma_wait3A_176 = arith.constant 0 : i32
      %dma_wait3A_177 = arith.constant 0 : i32
      %dma_wait3A_178 = tpu.memref_slice %arg2[%dma_wait3A_176, %dma_wait3A_177] : memref<10000x128xbf16, #tpu.memory_space<hbm>> -> memref<10000x128xbf16, #tpu.memory_space<hbm>>
      tpu.wait_indirect_dma semaphore(%arg22 : memref<!tpu.dma_semaphore, #tpu.memory_space<semaphore_mem>>) src(%dma_wait3A_178 : memref<10000x128xbf16, #tpu.memory_space<hbm>>) dst(%arg11 : memref<128x128xbf16, #tpu.memory_space<vmem>>)
      %dma_start3A_179 = arith.constant 0 : i32
      %dma_start3A_180 = arith.constant 0 : i32
      %dma_start3A_181 = tpu.memref_slice %arg18[%dma_start3A_179, %dma_start3A_180] : memref<10000x128xbf16, #tpu.memory_space<vmem_shared>> -> memref<10000x128xbf16, #tpu.memory_space<vmem_shared>>
      tpu.enqueue_indirect_dma source(%arg11 : memref<128x128xbf16, #tpu.memory_space<vmem>>) target(%dma_start3A_181 : memref<10000x128xbf16, #tpu.memory_space<vmem_shared>>) offsets(%arg5 : memref<128xi32, #tpu.memory_space<vmem>>) semaphore(%arg25 : memref<!tpu.dma_semaphore, #tpu.memory_space<semaphore_mem>>) {add = true}
      %add3A_182 = arith.constant 1 : i32
      %add3A_183 = arith.addi %add3A_158, %add3A_182 : i32
      %dma_wait3A_184 = arith.constant 0 : i32
      %dma_wait3A_185 = tpu.memref_slice %arg3[%dma_wait3A_184] : memref<640000xi32, #tpu.memory_space<hbm>> -> memref<128xi32, #tpu.memory_space<hbm>>
      %dma_wait3A_186 = arith.constant 0 : i32
      %dma_wait3A_187 = tpu.memref_slice %arg3[%dma_wait3A_186] : memref<640000xi32, #tpu.memory_space<hbm>> -> memref<128xi32, #tpu.memory_space<hbm>>
      tpu.wait_dma2 semaphore(%arg21 : memref<!tpu.dma_semaphore, #tpu.memory_space<semaphore_mem>>) src(%dma_wait3A_187 : memref<128xi32, #tpu.memory_space<hbm>>) dst(%arg7 : memref<128xi32, #tpu.memory_space<vmem>>)
      %dma_wait3A_188 = arith.constant 0 : i32
      %dma_wait3A_189 = tpu.memref_slice %arg3[%dma_wait3A_188] : memref<640000xi32, #tpu.memory_space<hbm>> -> memref<128xi32, #tpu.memory_space<hbm>>
      %dma_wait3A_190 = arith.constant 0 : i32
      %dma_wait3A_191 = tpu.memref_slice %arg3[%dma_wait3A_190] : memref<640000xi32, #tpu.memory_space<hbm>> -> memref<128xi32, #tpu.memory_space<hbm>>
      tpu.wait_dma2 semaphore(%arg21 : memref<!tpu.dma_semaphore, #tpu.memory_space<semaphore_mem>>) src(%dma_wait3A_191 : memref<128xi32, #tpu.memory_space<hbm>>) dst(%arg10 : memref<128xi32, #tpu.memory_space<vmem>>)
      %dma_wait3A_192 = arith.constant 0 : i32
      %dma_wait3A_193 = arith.constant 0 : i32
      %dma_wait3A_194 = tpu.memref_slice %arg18[%dma_wait3A_192, %dma_wait3A_193] : memref<10000x128xbf16, #tpu.memory_space<vmem_shared>> -> memref<10000x128xbf16, #tpu.memory_space<vmem_shared>>
      tpu.wait_indirect_dma semaphore(%arg25 : memref<!tpu.dma_semaphore, #tpu.memory_space<semaphore_mem>>) src(%arg11 : memref<128x128xbf16, #tpu.memory_space<vmem>>) dst(%dma_wait3A_194 : memref<10000x128xbf16, #tpu.memory_space<vmem_shared>>)
      %add3A_195 = arith.constant 2 : i32
      %add3A_196 = arith.addi %add3A_183, %add3A_195 : i32
      %mul3A_197 = arith.constant 128 : i32
      %mul3A_198 = arith.muli %add3A_196, %mul3A_197 : i32
      %add3A_199 = arith.addi %mul3A_37, %mul3A_198 : i32
      %dma_start3A_200 = tpu.memref_slice %arg3[%add3A_199] : memref<640000xi32, #tpu.memory_space<hbm>> -> memref<128xi32, #tpu.memory_space<hbm>>
      %dma_start3A_201 = tpu.memref_slice %arg3[%add3A_199] : memref<640000xi32, #tpu.memory_space<hbm>> -> memref<128xi32, #tpu.memory_space<hbm>>
      tpu.enqueue_dma source(%dma_start3A_201 : memref<128xi32, #tpu.memory_space<hbm>>) target(%arg5 : memref<128xi32, #tpu.memory_space<vmem>>) target_semaphore(%arg19 : memref<!tpu.dma_semaphore, #tpu.memory_space<semaphore_mem>>)
      %add3A_202 = arith.constant 320000 : i32
      %add3A_203 = arith.addi %add3A_202, %add3A_199 : i32
      %dma_start3A_204 = tpu.memref_slice %arg3[%add3A_203] : memref<640000xi32, #tpu.memory_space<hbm>> -> memref<128xi32, #tpu.memory_space<hbm>>
      %dma_start3A_205 = tpu.memref_slice %arg3[%add3A_203] : memref<640000xi32, #tpu.memory_space<hbm>> -> memref<128xi32, #tpu.memory_space<hbm>>
      tpu.enqueue_dma source(%dma_start3A_205 : memref<128xi32, #tpu.memory_space<hbm>>) target(%arg8 : memref<128xi32, #tpu.memory_space<vmem>>) target_semaphore(%arg19 : memref<!tpu.dma_semaphore, #tpu.memory_space<semaphore_mem>>)
      %dma_start3A_206 = arith.constant 0 : i32
      %dma_start3A_207 = arith.constant 0 : i32
      %dma_start3A_208 = tpu.memref_slice %arg2[%dma_start3A_206, %dma_start3A_207] : memref<10000x128xbf16, #tpu.memory_space<hbm>> -> memref<10000x128xbf16, #tpu.memory_space<hbm>>
      tpu.enqueue_indirect_dma source(%dma_start3A_208 : memref<10000x128xbf16, #tpu.memory_space<hbm>>) target(%arg13 : memref<128x128xbf16, #tpu.memory_space<vmem>>) offsets(%arg10 : memref<128xi32, #tpu.memory_space<vmem>>) semaphore(%arg24 : memref<!tpu.dma_semaphore, #tpu.memory_space<semaphore_mem>>)
      %dma_wait3A_209 = arith.constant 0 : i32
      %dma_wait3A_210 = arith.constant 0 : i32
      %dma_wait3A_211 = tpu.memref_slice %arg2[%dma_wait3A_209, %dma_wait3A_210] : memref<10000x128xbf16, #tpu.memory_space<hbm>> -> memref<10000x128xbf16, #tpu.memory_space<hbm>>
      tpu.wait_indirect_dma semaphore(%arg23 : memref<!tpu.dma_semaphore, #tpu.memory_space<semaphore_mem>>) src(%dma_wait3A_211 : memref<10000x128xbf16, #tpu.memory_space<hbm>>) dst(%arg12 : memref<128x128xbf16, #tpu.memory_space<vmem>>)
      %dma_start3A_212 = arith.constant 0 : i32
      %dma_start3A_213 = arith.constant 0 : i32
      %dma_start3A_214 = tpu.memref_slice %arg18[%dma_start3A_212, %dma_start3A_213] : memref<10000x128xbf16, #tpu.memory_space<vmem_shared>> -> memref<10000x128xbf16, #tpu.memory_space<vmem_shared>>
      tpu.enqueue_indirect_dma source(%arg12 : memref<128x128xbf16, #tpu.memory_space<vmem>>) target(%dma_start3A_214 : memref<10000x128xbf16, #tpu.memory_space<vmem_shared>>) offsets(%arg6 : memref<128xi32, #tpu.memory_space<vmem>>) semaphore(%arg26 : memref<!tpu.dma_semaphore, #tpu.memory_space<semaphore_mem>>) {add = true}
      %add3A_215 = arith.constant 2 : i32
      %add3A_216 = arith.addi %add3A_158, %add3A_215 : i32
      %dma_wait3A_217 = arith.constant 0 : i32
      %dma_wait3A_218 = tpu.memref_slice %arg3[%dma_wait3A_217] : memref<640000xi32, #tpu.memory_space<hbm>> -> memref<128xi32, #tpu.memory_space<hbm>>
      %dma_wait3A_219 = arith.constant 0 : i32
      %dma_wait3A_220 = tpu.memref_slice %arg3[%dma_wait3A_219] : memref<640000xi32, #tpu.memory_space<hbm>> -> memref<128xi32, #tpu.memory_space<hbm>>
      tpu.wait_dma2 semaphore(%arg19 : memref<!tpu.dma_semaphore, #tpu.memory_space<semaphore_mem>>) src(%dma_wait3A_220 : memref<128xi32, #tpu.memory_space<hbm>>) dst(%arg5 : memref<128xi32, #tpu.memory_space<vmem>>)
      %dma_wait3A_221 = arith.constant 0 : i32
      %dma_wait3A_222 = tpu.memref_slice %arg3[%dma_wait3A_221] : memref<640000xi32, #tpu.memory_space<hbm>> -> memref<128xi32, #tpu.memory_space<hbm>>
      %dma_wait3A_223 = arith.constant 0 : i32
      %dma_wait3A_224 = tpu.memref_slice %arg3[%dma_wait3A_223] : memref<640000xi32, #tpu.memory_space<hbm>> -> memref<128xi32, #tpu.memory_space<hbm>>
      tpu.wait_dma2 semaphore(%arg19 : memref<!tpu.dma_semaphore, #tpu.memory_space<semaphore_mem>>) src(%dma_wait3A_224 : memref<128xi32, #tpu.memory_space<hbm>>) dst(%arg8 : memref<128xi32, #tpu.memory_space<vmem>>)
      %dma_wait3A_225 = arith.constant 0 : i32
      %dma_wait3A_226 = arith.constant 0 : i32
      %dma_wait3A_227 = tpu.memref_slice %arg18[%dma_wait3A_225, %dma_wait3A_226] : memref<10000x128xbf16, #tpu.memory_space<vmem_shared>> -> memref<10000x128xbf16, #tpu.memory_space<vmem_shared>>
      tpu.wait_indirect_dma semaphore(%arg26 : memref<!tpu.dma_semaphore, #tpu.memory_space<semaphore_mem>>) src(%arg12 : memref<128x128xbf16, #tpu.memory_space<vmem>>) dst(%dma_wait3A_227 : memref<10000x128xbf16, #tpu.memory_space<vmem_shared>>)
      %add3A_228 = arith.constant 2 : i32
      %add3A_229 = arith.addi %add3A_216, %add3A_228 : i32
      %mul3A_230 = arith.constant 128 : i32
      %mul3A_231 = arith.muli %add3A_229, %mul3A_230 : i32
      %add3A_232 = arith.addi %mul3A_37, %mul3A_231 : i32
      %dma_start3A_233 = tpu.memref_slice %arg3[%add3A_232] : memref<640000xi32, #tpu.memory_space<hbm>> -> memref<128xi32, #tpu.memory_space<hbm>>
      %dma_start3A_234 = tpu.memref_slice %arg3[%add3A_232] : memref<640000xi32, #tpu.memory_space<hbm>> -> memref<128xi32, #tpu.memory_space<hbm>>
      tpu.enqueue_dma source(%dma_start3A_234 : memref<128xi32, #tpu.memory_space<hbm>>) target(%arg6 : memref<128xi32, #tpu.memory_space<vmem>>) target_semaphore(%arg20 : memref<!tpu.dma_semaphore, #tpu.memory_space<semaphore_mem>>)
      %add3A_235 = arith.constant 320000 : i32
      %add3A_236 = arith.addi %add3A_235, %add3A_232 : i32
      %dma_start3A_237 = tpu.memref_slice %arg3[%add3A_236] : memref<640000xi32, #tpu.memory_space<hbm>> -> memref<128xi32, #tpu.memory_space<hbm>>
      %dma_start3A_238 = tpu.memref_slice %arg3[%add3A_236] : memref<640000xi32, #tpu.memory_space<hbm>> -> memref<128xi32, #tpu.memory_space<hbm>>
      tpu.enqueue_dma source(%dma_start3A_238 : memref<128xi32, #tpu.memory_space<hbm>>) target(%arg9 : memref<128xi32, #tpu.memory_space<vmem>>) target_semaphore(%arg20 : memref<!tpu.dma_semaphore, #tpu.memory_space<semaphore_mem>>)
      %dma_start3A_239 = arith.constant 0 : i32
      %dma_start3A_240 = arith.constant 0 : i32
      %dma_start3A_241 = tpu.memref_slice %arg2[%dma_start3A_239, %dma_start3A_240] : memref<10000x128xbf16, #tpu.memory_space<hbm>> -> memref<10000x128xbf16, #tpu.memory_space<hbm>>
      tpu.enqueue_indirect_dma source(%dma_start3A_241 : memref<10000x128xbf16, #tpu.memory_space<hbm>>) target(%arg11 : memref<128x128xbf16, #tpu.memory_space<vmem>>) offsets(%arg8 : memref<128xi32, #tpu.memory_space<vmem>>) semaphore(%arg22 : memref<!tpu.dma_semaphore, #tpu.memory_space<semaphore_mem>>)
      %dma_wait3A_242 = arith.constant 0 : i32
      %dma_wait3A_243 = arith.constant 0 : i32
      %dma_wait3A_244 = tpu.memref_slice %arg2[%dma_wait3A_242, %dma_wait3A_243] : memref<10000x128xbf16, #tpu.memory_space<hbm>> -> memref<10000x128xbf16, #tpu.memory_space<hbm>>
      tpu.wait_indirect_dma semaphore(%arg24 : memref<!tpu.dma_semaphore, #tpu.memory_space<semaphore_mem>>) src(%dma_wait3A_244 : memref<10000x128xbf16, #tpu.memory_space<hbm>>) dst(%arg13 : memref<128x128xbf16, #tpu.memory_space<vmem>>)
      %dma_start3A_245 = arith.constant 0 : i32
      %dma_start3A_246 = arith.constant 0 : i32
      %dma_start3A_247 = tpu.memref_slice %arg18[%dma_start3A_245, %dma_start3A_246] : memref<10000x128xbf16, #tpu.memory_space<vmem_shared>> -> memref<10000x128xbf16, #tpu.memory_space<vmem_shared>>
      tpu.enqueue_indirect_dma source(%arg13 : memref<128x128xbf16, #tpu.memory_space<vmem>>) target(%dma_start3A_247 : memref<10000x128xbf16, #tpu.memory_space<vmem_shared>>) offsets(%arg7 : memref<128xi32, #tpu.memory_space<vmem>>) semaphore(%arg27 : memref<!tpu.dma_semaphore, #tpu.memory_space<semaphore_mem>>) {add = true}
    }
    %scan3A_75 = arith.constant 25 : i32
    %dma_wait3A_76 = arith.constant 0 : i32
    %dma_wait3A_77 = tpu.memref_slice %arg3[%dma_wait3A_76] : memref<640000xi32, #tpu.memory_space<hbm>> -> memref<128xi32, #tpu.memory_space<hbm>>
    %dma_wait3A_78 = arith.constant 0 : i32
    %dma_wait3A_79 = tpu.memref_slice %arg3[%dma_wait3A_78] : memref<640000xi32, #tpu.memory_space<hbm>> -> memref<128xi32, #tpu.memory_space<hbm>>
    tpu.wait_dma2 semaphore(%arg20 : memref<!tpu.dma_semaphore, #tpu.memory_space<semaphore_mem>>) src(%dma_wait3A_79 : memref<128xi32, #tpu.memory_space<hbm>>) dst(%arg6 : memref<128xi32, #tpu.memory_space<vmem>>)
    %dma_wait3A_80 = arith.constant 0 : i32
    %dma_wait3A_81 = tpu.memref_slice %arg3[%dma_wait3A_80] : memref<640000xi32, #tpu.memory_space<hbm>> -> memref<128xi32, #tpu.memory_space<hbm>>
    %dma_wait3A_82 = arith.constant 0 : i32
    %dma_wait3A_83 = tpu.memref_slice %arg3[%dma_wait3A_82] : memref<640000xi32, #tpu.memory_space<hbm>> -> memref<128xi32, #tpu.memory_space<hbm>>
    tpu.wait_dma2 semaphore(%arg20 : memref<!tpu.dma_semaphore, #tpu.memory_space<semaphore_mem>>) src(%dma_wait3A_83 : memref<128xi32, #tpu.memory_space<hbm>>) dst(%arg9 : memref<128xi32, #tpu.memory_space<vmem>>)
    %dma_wait3A_84 = arith.constant 0 : i32
    %dma_wait3A_85 = arith.constant 0 : i32
    %dma_wait3A_86 = tpu.memref_slice %arg18[%dma_wait3A_84, %dma_wait3A_85] : memref<10000x128xbf16, #tpu.memory_space<vmem_shared>> -> memref<10000x128xbf16, #tpu.memory_space<vmem_shared>>
    tpu.wait_indirect_dma semaphore(%arg27 : memref<!tpu.dma_semaphore, #tpu.memory_space<semaphore_mem>>) src(%arg13 : memref<128x128xbf16, #tpu.memory_space<vmem>>) dst(%dma_wait3A_86 : memref<10000x128xbf16, #tpu.memory_space<vmem_shared>>)
    %add3A_87 = arith.constant 9856 : i32
    %add3A_88 = arith.addi %mul3A_37, %add3A_87 : i32
    %dma_start3A_89 = tpu.memref_slice %arg3[%add3A_88] : memref<640000xi32, #tpu.memory_space<hbm>> -> memref<128xi32, #tpu.memory_space<hbm>>
    %dma_start3A_90 = tpu.memref_slice %arg3[%add3A_88] : memref<640000xi32, #tpu.memory_space<hbm>> -> memref<128xi32, #tpu.memory_space<hbm>>
    tpu.enqueue_dma source(%dma_start3A_90 : memref<128xi32, #tpu.memory_space<hbm>>) target(%arg7 : memref<128xi32, #tpu.memory_space<vmem>>) target_semaphore(%arg21 : memref<!tpu.dma_semaphore, #tpu.memory_space<semaphore_mem>>)
    %add3A_91 = arith.constant 320000 : i32
    %add3A_92 = arith.addi %add3A_91, %add3A_88 : i32
    %dma_start3A_93 = tpu.memref_slice %arg3[%add3A_92] : memref<640000xi32, #tpu.memory_space<hbm>> -> memref<128xi32, #tpu.memory_space<hbm>>
    %dma_start3A_94 = tpu.memref_slice %arg3[%add3A_92] : memref<640000xi32, #tpu.memory_space<hbm>> -> memref<128xi32, #tpu.memory_space<hbm>>
    tpu.enqueue_dma source(%dma_start3A_94 : memref<128xi32, #tpu.memory_space<hbm>>) target(%arg10 : memref<128xi32, #tpu.memory_space<vmem>>) target_semaphore(%arg21 : memref<!tpu.dma_semaphore, #tpu.memory_space<semaphore_mem>>)
    %dma_start3A_95 = arith.constant 0 : i32
    %dma_start3A_96 = arith.constant 0 : i32
    %dma_start3A_97 = tpu.memref_slice %arg2[%dma_start3A_95, %dma_start3A_96] : memref<10000x128xbf16, #tpu.memory_space<hbm>> -> memref<10000x128xbf16, #tpu.memory_space<hbm>>
    tpu.enqueue_indirect_dma source(%dma_start3A_97 : memref<10000x128xbf16, #tpu.memory_space<hbm>>) target(%arg12 : memref<128x128xbf16, #tpu.memory_space<vmem>>) offsets(%arg9 : memref<128xi32, #tpu.memory_space<vmem>>) semaphore(%arg23 : memref<!tpu.dma_semaphore, #tpu.memory_space<semaphore_mem>>)
    %dma_wait3A_98 = arith.constant 0 : i32
    %dma_wait3A_99 = arith.constant 0 : i32
    %dma_wait3A_100 = tpu.memref_slice %arg2[%dma_wait3A_98, %dma_wait3A_99] : memref<10000x128xbf16, #tpu.memory_space<hbm>> -> memref<10000x128xbf16, #tpu.memory_space<hbm>>
    tpu.wait_indirect_dma semaphore(%arg22 : memref<!tpu.dma_semaphore, #tpu.memory_space<semaphore_mem>>) src(%dma_wait3A_100 : memref<10000x128xbf16, #tpu.memory_space<hbm>>) dst(%arg11 : memref<128x128xbf16, #tpu.memory_space<vmem>>)
    %dma_start3A_101 = arith.constant 0 : i32
    %dma_start3A_102 = arith.constant 0 : i32
    %dma_start3A_103 = tpu.memref_slice %arg18[%dma_start3A_101, %dma_start3A_102] : memref<10000x128xbf16, #tpu.memory_space<vmem_shared>> -> memref<10000x128xbf16, #tpu.memory_space<vmem_shared>>
    tpu.enqueue_indirect_dma source(%arg11 : memref<128x128xbf16, #tpu.memory_space<vmem>>) target(%dma_start3A_103 : memref<10000x128xbf16, #tpu.memory_space<vmem_shared>>) offsets(%arg5 : memref<128xi32, #tpu.memory_space<vmem>>) semaphore(%arg25 : memref<!tpu.dma_semaphore, #tpu.memory_space<semaphore_mem>>) {add = true}
    %dma_wait3A_104 = arith.constant 0 : i32
    %dma_wait3A_105 = tpu.memref_slice %arg3[%dma_wait3A_104] : memref<640000xi32, #tpu.memory_space<hbm>> -> memref<128xi32, #tpu.memory_space<hbm>>
    %dma_wait3A_106 = arith.constant 0 : i32
    %dma_wait3A_107 = tpu.memref_slice %arg3[%dma_wait3A_106] : memref<640000xi32, #tpu.memory_space<hbm>> -> memref<128xi32, #tpu.memory_space<hbm>>
    tpu.wait_dma2 semaphore(%arg21 : memref<!tpu.dma_semaphore, #tpu.memory_space<semaphore_mem>>) src(%dma_wait3A_107 : memref<128xi32, #tpu.memory_space<hbm>>) dst(%arg7 : memref<128xi32, #tpu.memory_space<vmem>>)
    %dma_wait3A_108 = arith.constant 0 : i32
    %dma_wait3A_109 = tpu.memref_slice %arg3[%dma_wait3A_108] : memref<640000xi32, #tpu.memory_space<hbm>> -> memref<128xi32, #tpu.memory_space<hbm>>
    %dma_wait3A_110 = arith.constant 0 : i32
    %dma_wait3A_111 = tpu.memref_slice %arg3[%dma_wait3A_110] : memref<640000xi32, #tpu.memory_space<hbm>> -> memref<128xi32, #tpu.memory_space<hbm>>
    tpu.wait_dma2 semaphore(%arg21 : memref<!tpu.dma_semaphore, #tpu.memory_space<semaphore_mem>>) src(%dma_wait3A_111 : memref<128xi32, #tpu.memory_space<hbm>>) dst(%arg10 : memref<128xi32, #tpu.memory_space<vmem>>)
    %dma_wait3A_112 = arith.constant 0 : i32
    %dma_wait3A_113 = arith.constant 0 : i32
    %dma_wait3A_114 = tpu.memref_slice %arg18[%dma_wait3A_112, %dma_wait3A_113] : memref<10000x128xbf16, #tpu.memory_space<vmem_shared>> -> memref<10000x128xbf16, #tpu.memory_space<vmem_shared>>
    tpu.wait_indirect_dma semaphore(%arg25 : memref<!tpu.dma_semaphore, #tpu.memory_space<semaphore_mem>>) src(%arg11 : memref<128x128xbf16, #tpu.memory_space<vmem>>) dst(%dma_wait3A_114 : memref<10000x128xbf16, #tpu.memory_space<vmem_shared>>)
    %dma_start3A_115 = arith.constant 0 : i32
    %dma_start3A_116 = arith.constant 0 : i32
    %dma_start3A_117 = tpu.memref_slice %arg2[%dma_start3A_115, %dma_start3A_116] : memref<10000x128xbf16, #tpu.memory_space<hbm>> -> memref<10000x128xbf16, #tpu.memory_space<hbm>>
    tpu.enqueue_indirect_dma source(%dma_start3A_117 : memref<10000x128xbf16, #tpu.memory_space<hbm>>) target(%arg13 : memref<128x128xbf16, #tpu.memory_space<vmem>>) offsets(%arg10 : memref<128xi32, #tpu.memory_space<vmem>>) semaphore(%arg24 : memref<!tpu.dma_semaphore, #tpu.memory_space<semaphore_mem>>)
    %dma_wait3A_118 = arith.constant 0 : i32
    %dma_wait3A_119 = arith.constant 0 : i32
    %dma_wait3A_120 = tpu.memref_slice %arg2[%dma_wait3A_118, %dma_wait3A_119] : memref<10000x128xbf16, #tpu.memory_space<hbm>> -> memref<10000x128xbf16, #tpu.memory_space<hbm>>
    tpu.wait_indirect_dma semaphore(%arg23 : memref<!tpu.dma_semaphore, #tpu.memory_space<semaphore_mem>>) src(%dma_wait3A_120 : memref<10000x128xbf16, #tpu.memory_space<hbm>>) dst(%arg12 : memref<128x128xbf16, #tpu.memory_space<vmem>>)
    %dma_start3A_121 = arith.constant 0 : i32
    %dma_start3A_122 = arith.constant 0 : i32
    %dma_start3A_123 = tpu.memref_slice %arg18[%dma_start3A_121, %dma_start3A_122] : memref<10000x128xbf16, #tpu.memory_space<vmem_shared>> -> memref<10000x128xbf16, #tpu.memory_space<vmem_shared>>
    tpu.enqueue_indirect_dma source(%arg12 : memref<128x128xbf16, #tpu.memory_space<vmem>>) target(%dma_start3A_123 : memref<10000x128xbf16, #tpu.memory_space<vmem_shared>>) offsets(%arg6 : memref<128xi32, #tpu.memory_space<vmem>>) semaphore(%arg26 : memref<!tpu.dma_semaphore, #tpu.memory_space<semaphore_mem>>) {add = true}
    %dma_wait3A_124 = arith.constant 0 : i32
    %dma_wait3A_125 = arith.constant 0 : i32
    %dma_wait3A_126 = tpu.memref_slice %arg18[%dma_wait3A_124, %dma_wait3A_125] : memref<10000x128xbf16, #tpu.memory_space<vmem_shared>> -> memref<10000x128xbf16, #tpu.memory_space<vmem_shared>>
    tpu.wait_indirect_dma semaphore(%arg26 : memref<!tpu.dma_semaphore, #tpu.memory_space<semaphore_mem>>) src(%arg12 : memref<128x128xbf16, #tpu.memory_space<vmem>>) dst(%dma_wait3A_126 : memref<10000x128xbf16, #tpu.memory_space<vmem_shared>>)
    %dma_wait3A_127 = arith.constant 0 : i32
    %dma_wait3A_128 = arith.constant 0 : i32
    %dma_wait3A_129 = tpu.memref_slice %arg2[%dma_wait3A_127, %dma_wait3A_128] : memref<10000x128xbf16, #tpu.memory_space<hbm>> -> memref<10000x128xbf16, #tpu.memory_space<hbm>>
    tpu.wait_indirect_dma semaphore(%arg24 : memref<!tpu.dma_semaphore, #tpu.memory_space<semaphore_mem>>) src(%dma_wait3A_129 : memref<10000x128xbf16, #tpu.memory_space<hbm>>) dst(%arg13 : memref<128x128xbf16, #tpu.memory_space<vmem>>)
    %dma_start3A_130 = arith.constant 0 : i32
    %dma_start3A_131 = arith.constant 0 : i32
    %dma_start3A_132 = tpu.memref_slice %arg18[%dma_start3A_130, %dma_start3A_131] : memref<10000x128xbf16, #tpu.memory_space<vmem_shared>> -> memref<10000x128xbf16, #tpu.memory_space<vmem_shared>>
    tpu.enqueue_indirect_dma source(%arg13 : memref<128x128xbf16, #tpu.memory_space<vmem>>) target(%dma_start3A_132 : memref<10000x128xbf16, #tpu.memory_space<vmem_shared>>) offsets(%arg7 : memref<128xi32, #tpu.memory_space<vmem>>) semaphore(%arg27 : memref<!tpu.dma_semaphore, #tpu.memory_space<semaphore_mem>>) {add = true}
    %add3A_133 = arith.constant 9984 : i32
    %add3A_134 = arith.addi %mul3A_37, %add3A_133 : i32
    "tpu.region"() ({
      %run_scoped3A = tpu.sem_alloc : memref<!tpu.dma_semaphore, #tpu.memory_space<semaphore_mem>>
      %dma_start3A_154 = tpu.memref_slice %arg3[%add3A_134] : memref<640000xi32, #tpu.memory_space<hbm>> -> memref<16xi32, #tpu.memory_space<hbm>>
      %dma_start3A_155 = tpu.memref_slice %arg3[%add3A_134] : memref<640000xi32, #tpu.memory_space<hbm>> -> memref<16xi32, #tpu.memory_space<hbm>>
      tpu.enqueue_dma source(%dma_start3A_155 : memref<16xi32, #tpu.memory_space<hbm>>) target(%arg14 : memref<16xi32, #tpu.memory_space<vmem>>) target_semaphore(%run_scoped3A : memref<!tpu.dma_semaphore, #tpu.memory_space<semaphore_mem>>)
      %dma_wait3A_156 = tpu.memref_slice %arg3[%add3A_134] : memref<640000xi32, #tpu.memory_space<hbm>> -> memref<16xi32, #tpu.memory_space<hbm>>
      %dma_wait3A_157 = tpu.memref_slice %arg3[%add3A_134] : memref<640000xi32, #tpu.memory_space<hbm>> -> memref<16xi32, #tpu.memory_space<hbm>>
      tpu.wait_dma2 semaphore(%run_scoped3A : memref<!tpu.dma_semaphore, #tpu.memory_space<semaphore_mem>>) src(%dma_wait3A_157 : memref<16xi32, #tpu.memory_space<hbm>>) dst(%arg14 : memref<16xi32, #tpu.memory_space<vmem>>)
      tpu.yield
    }) : () -> ()
    %add3A_135 = arith.constant 320000 : i32
    %add3A_136 = arith.addi %add3A_135, %add3A_134 : i32
    "tpu.region"() ({
      %run_scoped3A = tpu.sem_alloc : memref<!tpu.dma_semaphore, #tpu.memory_space<semaphore_mem>>
      %dma_start3A_154 = tpu.memref_slice %arg3[%add3A_136] : memref<640000xi32, #tpu.memory_space<hbm>> -> memref<16xi32, #tpu.memory_space<hbm>>
      %dma_start3A_155 = tpu.memref_slice %arg3[%add3A_136] : memref<640000xi32, #tpu.memory_space<hbm>> -> memref<16xi32, #tpu.memory_space<hbm>>
      tpu.enqueue_dma source(%dma_start3A_155 : memref<16xi32, #tpu.memory_space<hbm>>) target(%arg15 : memref<16xi32, #tpu.memory_space<vmem>>) target_semaphore(%run_scoped3A : memref<!tpu.dma_semaphore, #tpu.memory_space<semaphore_mem>>)
      %dma_wait3A_156 = tpu.memref_slice %arg3[%add3A_136] : memref<640000xi32, #tpu.memory_space<hbm>> -> memref<16xi32, #tpu.memory_space<hbm>>
      %dma_wait3A_157 = tpu.memref_slice %arg3[%add3A_136] : memref<640000xi32, #tpu.memory_space<hbm>> -> memref<16xi32, #tpu.memory_space<hbm>>
      tpu.wait_dma2 semaphore(%run_scoped3A : memref<!tpu.dma_semaphore, #tpu.memory_space<semaphore_mem>>) src(%dma_wait3A_157 : memref<16xi32, #tpu.memory_space<hbm>>) dst(%arg15 : memref<16xi32, #tpu.memory_space<vmem>>)
      tpu.yield
    }) : () -> ()
    %dma_start3A_137 = arith.constant 0 : i32
    %dma_start3A_138 = arith.constant 0 : i32
    %dma_start3A_139 = tpu.memref_slice %arg2[%dma_start3A_137, %dma_start3A_138] : memref<10000x128xbf16, #tpu.memory_space<hbm>> -> memref<10000x128xbf16, #tpu.memory_space<hbm>>
    tpu.enqueue_indirect_dma source(%dma_start3A_139 : memref<10000x128xbf16, #tpu.memory_space<hbm>>) target(%arg16 : memref<16x128xbf16, #tpu.memory_space<vmem>>) offsets(%arg15 : memref<16xi32, #tpu.memory_space<vmem>>) semaphore(%arg28 : memref<!tpu.dma_semaphore, #tpu.memory_space<semaphore_mem>>)
    %dma_wait3A_140 = arith.constant 0 : i32
    %dma_wait3A_141 = arith.constant 0 : i32
    %dma_wait3A_142 = tpu.memref_slice %arg2[%dma_wait3A_140, %dma_wait3A_141] : memref<10000x128xbf16, #tpu.memory_space<hbm>> -> memref<10000x128xbf16, #tpu.memory_space<hbm>>
    tpu.wait_indirect_dma semaphore(%arg28 : memref<!tpu.dma_semaphore, #tpu.memory_space<semaphore_mem>>) src(%dma_wait3A_142 : memref<10000x128xbf16, #tpu.memory_space<hbm>>) dst(%arg16 : memref<16x128xbf16, #tpu.memory_space<vmem>>)
    %dma_wait3A_143 = arith.constant 0 : i32
    %dma_wait3A_144 = arith.constant 0 : i32
    %dma_wait3A_145 = tpu.memref_slice %arg18[%dma_wait3A_143, %dma_wait3A_144] : memref<10000x128xbf16, #tpu.memory_space<vmem_shared>> -> memref<10000x128xbf16, #tpu.memory_space<vmem_shared>>
    tpu.wait_indirect_dma semaphore(%arg27 : memref<!tpu.dma_semaphore, #tpu.memory_space<semaphore_mem>>) src(%arg13 : memref<128x128xbf16, #tpu.memory_space<vmem>>) dst(%dma_wait3A_145 : memref<10000x128xbf16, #tpu.memory_space<vmem_shared>>)
    "tpu.region"() ({
      %run_scoped3A = tpu.sem_alloc : memref<!tpu.dma_semaphore, #tpu.memory_space<semaphore_mem>>
      %dma_start3A_154 = arith.constant 0 : i32
      %dma_start3A_155 = arith.constant 0 : i32
      %dma_start3A_156 = tpu.memref_slice %arg18[%dma_start3A_154, %dma_start3A_155] : memref<10000x128xbf16, #tpu.memory_space<vmem_shared>> -> memref<10000x128xbf16, #tpu.memory_space<vmem_shared>>
      tpu.enqueue_indirect_dma source(%arg16 : memref<16x128xbf16, #tpu.memory_space<vmem>>) target(%dma_start3A_156 : memref<10000x128xbf16, #tpu.memory_space<vmem_shared>>) offsets(%arg14 : memref<16xi32, #tpu.memory_space<vmem>>) semaphore(%run_scoped3A : memref<!tpu.dma_semaphore, #tpu.memory_space<semaphore_mem>>) {add = true}
      %dma_wait3A_157 = arith.constant 0 : i32
      %dma_wait3A_158 = arith.constant 0 : i32
      %dma_wait3A_159 = tpu.memref_slice %arg18[%dma_wait3A_157, %dma_wait3A_158] : memref<10000x128xbf16, #tpu.memory_space<vmem_shared>> -> memref<10000x128xbf16, #tpu.memory_space<vmem_shared>>
      tpu.wait_indirect_dma semaphore(%run_scoped3A : memref<!tpu.dma_semaphore, #tpu.memory_space<semaphore_mem>>) src(%arg16 : memref<16x128xbf16, #tpu.memory_space<vmem>>) dst(%dma_wait3A_159 : memref<10000x128xbf16, #tpu.memory_space<vmem_shared>>)
      tpu.yield
    }) : () -> ()
    %barrier3A_146 = arith.constant 0 : index
    tpu.barrier barrier_id(%barrier3A_146)
    %mul3A_147 = arith.constant 624 : i32
    %mul3A_148 = arith.muli %arg1, %mul3A_147 : i32
    "tpu.region"() ({
      %run_scoped3A = tpu.sem_alloc : memref<!tpu.dma_semaphore, #tpu.memory_space<semaphore_mem>>
      %dma_start3A_154 = arith.constant 0 : i32
      %dma_start3A_155 = tpu.memref_slice %arg4[%arg0, %mul3A_148, %dma_start3A_154] : memref<2x10000x128xbf16, #tpu.memory_space<hbm>> -> memref<1x624x128xbf16, #tpu.memory_space<hbm>>
      %dma_start3A_156 = tpu.memref_squeeze %dma_start3A_155 : memref<1x624x128xbf16, #tpu.memory_space<hbm>> -> memref<624x128xbf16, #tpu.memory_space<hbm>>
      %dma_start3A_157 = arith.constant 0 : i32
      %dma_start3A_158 = tpu.memref_slice %arg18[%mul3A_148, %dma_start3A_157] : memref<10000x128xbf16, #tpu.memory_space<vmem_shared>> -> memref<624x128xbf16, #tpu.memory_space<vmem_shared>>
      tpu.enqueue_dma source(%dma_start3A_158 : memref<624x128xbf16, #tpu.memory_space<vmem_shared>>) target(%dma_start3A_156 : memref<624x128xbf16, #tpu.memory_space<hbm>>) target_semaphore(%run_scoped3A : memref<!tpu.dma_semaphore, #tpu.memory_space<semaphore_mem>>)
      %dma_wait3A_159 = arith.constant 0 : i32
      %dma_wait3A_160 = tpu.memref_slice %arg4[%arg0, %mul3A_148, %dma_wait3A_159] : memref<2x10000x128xbf16, #tpu.memory_space<hbm>> -> memref<1x624x128xbf16, #tpu.memory_space<hbm>>
      %dma_wait3A_161 = tpu.memref_squeeze %dma_wait3A_160 : memref<1x624x128xbf16, #tpu.memory_space<hbm>> -> memref<624x128xbf16, #tpu.memory_space<hbm>>
      %dma_wait3A_162 = arith.constant 0 : i32
      %dma_wait3A_163 = tpu.memref_slice %arg18[%mul3A_148, %dma_wait3A_162] : memref<10000x128xbf16, #tpu.memory_space<vmem_shared>> -> memref<624x128xbf16, #tpu.memory_space<vmem_shared>>
      tpu.wait_dma2 semaphore(%run_scoped3A : memref<!tpu.dma_semaphore, #tpu.memory_space<semaphore_mem>>) src(%dma_wait3A_163 : memref<624x128xbf16, #tpu.memory_space<vmem_shared>>) dst(%dma_wait3A_161 : memref<624x128xbf16, #tpu.memory_space<hbm>>)
      tpu.yield
    }) : () -> ()
    %eq3A_149 = arith.constant 15 : i32
    %eq3A_150 = arith.cmpi eq, %arg1, %eq3A_149 : i32
    %convert_element_type3A_151 = arith.extui %eq3A_150 : i1 to i32
    %cond3A_152 = arith.constant 0 : i32
    %cond3A_153 = arith.cmpi ne, %convert_element_type3A_151, %cond3A_152 : i32
    scf.if %cond3A_153 {
      "tpu.region"() ({
        %run_scoped3A = tpu.sem_alloc : memref<!tpu.dma_semaphore, #tpu.memory_space<semaphore_mem>>
        %dma_start3A_154 = arith.constant 9984 : i32
        %dma_start3A_155 = arith.constant 0 : i32
        %dma_start3A_156 = tpu.memref_slice %arg4[%arg0, %dma_start3A_154, %dma_start3A_155] : memref<2x10000x128xbf16, #tpu.memory_space<hbm>> -> memref<1x16x128xbf16, #tpu.memory_space<hbm>>
        %dma_start3A_157 = tpu.memref_squeeze %dma_start3A_156 : memref<1x16x128xbf16, #tpu.memory_space<hbm>> -> memref<16x128xbf16, #tpu.memory_space<hbm>>
        %dma_start3A_158 = arith.constant 9984 : i32
        %dma_start3A_159 = arith.constant 0 : i32
        %dma_start3A_160 = tpu.memref_slice %arg18[%dma_start3A_158, %dma_start3A_159] : memref<10000x128xbf16, #tpu.memory_space<vmem_shared>> -> memref<16x128xbf16, #tpu.memory_space<vmem_shared>>
        tpu.enqueue_dma source(%dma_start3A_160 : memref<16x128xbf16, #tpu.memory_space<vmem_shared>>) target(%dma_start3A_157 : memref<16x128xbf16, #tpu.memory_space<hbm>>) target_semaphore(%run_scoped3A : memref<!tpu.dma_semaphore, #tpu.memory_space<semaphore_mem>>)
        %dma_wait3A_161 = arith.constant 9984 : i32
        %dma_wait3A_162 = arith.constant 0 : i32
        %dma_wait3A_163 = tpu.memref_slice %arg4[%arg0, %dma_wait3A_161, %dma_wait3A_162] : memref<2x10000x128xbf16, #tpu.memory_space<hbm>> -> memref<1x16x128xbf16, #tpu.memory_space<hbm>>
        %dma_wait3A_164 = tpu.memref_squeeze %dma_wait3A_163 : memref<1x16x128xbf16, #tpu.memory_space<hbm>> -> memref<16x128xbf16, #tpu.memory_space<hbm>>
        %dma_wait3A_165 = arith.constant 9984 : i32
        %dma_wait3A_166 = arith.constant 0 : i32
        %dma_wait3A_167 = tpu.memref_slice %arg18[%dma_wait3A_165, %dma_wait3A_166] : memref<10000x128xbf16, #tpu.memory_space<vmem_shared>> -> memref<16x128xbf16, #tpu.memory_space<vmem_shared>>
        tpu.wait_dma2 semaphore(%run_scoped3A : memref<!tpu.dma_semaphore, #tpu.memory_space<semaphore_mem>>) src(%dma_wait3A_167 : memref<16x128xbf16, #tpu.memory_space<vmem_shared>>) dst(%dma_wait3A_164 : memref<16x128xbf16, #tpu.memory_space<hbm>>)
        tpu.yield
      }) : () -> ()
    } else {
    }
    return
  }
}

#map = affine_map<(d0, d1) -> (0)>
#map1 = affine_map<(d0, d1) -> (0, 0)>
#map2 = affine_map<(d0, d1) -> (0, 0, 0, 0)>
module attributes {stable_mosaic.version = 14 : i64} {
  func.func @body(%arg0: i32, %arg1: i32, %arg2: memref<640000xi32, #tpu.memory_space<hbm>>, %arg3: memref<320000x16xf32, #tpu.memory_space<hbm>>, %arg4: memref<2x2x10000x16xf32, #tpu.memory_space<hbm>>, %arg5: memref<128xi32, #tpu.memory_space<vmem>>, %arg6: memref<128xi32, #tpu.memory_space<vmem>>, %arg7: memref<128xi32, #tpu.memory_space<vmem>>, %arg8: memref<128x16xf32, #tpu.memory_space<vmem>>, %arg9: memref<128x16xf32, #tpu.memory_space<vmem>>, %arg10: memref<128x16xf32, #tpu.memory_space<vmem>>, %arg11: memref<128x16xf32, #tpu.memory_space<vmem>>, %arg12: memref<16xi32, #tpu.memory_space<vmem>>, %arg13: memref<16x16xf32, #tpu.memory_space<vmem>>, %arg14: memref<16x16xf32, #tpu.memory_space<vmem>>, %arg15: memref<48x16xf32, #tpu.memory_space<vmem>>, %arg16: memref<10000x16xf32, #tpu.memory_space<vmem_shared>>, %arg17: memref<10000x16xf32, #tpu.memory_space<vmem_shared>>, %arg18: memref<!tpu.dma_semaphore, #tpu.memory_space<semaphore_mem>>, %arg19: memref<!tpu.dma_semaphore, #tpu.memory_space<semaphore_mem>>, %arg20: memref<!tpu.dma_semaphore, #tpu.memory_space<semaphore_mem>>, %arg21: memref<!tpu.dma_semaphore, #tpu.memory_space<semaphore_mem>>, %arg22: memref<!tpu.dma_semaphore, #tpu.memory_space<semaphore_mem>>, %arg23: memref<!tpu.dma_semaphore, #tpu.memory_space<semaphore_mem>>) attributes {dimension_semantics = [#tpu.dimension_semantics<core_parallel>, #tpu.dimension_semantics<subcore_parallel>], iteration_bounds = array<i64: 2, 16>, scalar_prefetch = 0 : i64, scratch_operands = 19 : i64, tpu.core_type = #tpu.core_type<sc_vector_subcore>, window_params = [{transform_indices = #map}, {transform_indices = #map1}, {transform_indices = #map2}]} {
    %broadcast_in_dim3A = arith.constant 1.000000e+00 : f32
    %broadcast_in_dim3A_0 = vector.broadcast %broadcast_in_dim3A : f32 to vector<16xf32>
    %scan3A = arith.constant 0 : i32
    %scan3A_1 = arith.constant 128 : i32
    %scan3A_2 = arith.addi %scan3A, %scan3A_1 : i32
    %scan3A_3 = arith.constant 1 : i32
    scf.for %scan3A_119 = %scan3A to %scan3A_2 step %scan3A_3  : i32 {
      %mul3A_120 = arith.constant 1 : i32
      %mul3A_121 = arith.muli %scan3A_119, %mul3A_120 : i32
      %add3A_122 = arith.constant 0 : i32
      %add3A_123 = arith.addi %add3A_122, %mul3A_121 : i32
      %swap3A = arith.index_cast %add3A_123 : i32 to index
      %swap3A_124 = arith.constant 0 : index
      %swap3A_125 = tpu.vector_load %arg11[%swap3A, %swap3A_124] {strides = array<i32>} : memref<128x16xf32, #tpu.memory_space<vmem>>, vector<1x16xf32>,
      %swap3A_126 = vector.shape_cast %swap3A_125 : vector<1x16xf32> to vector<16xf32>
      %swap3A_127 = vector.shape_cast %broadcast_in_dim3A_0 : vector<16xf32> to vector<1x16xf32>
      tpu.vector_store %arg11[%swap3A, %swap3A_124], %swap3A_127 {strides = array<i32>} : memref<128x16xf32, #tpu.memory_space<vmem>>, vector<1x16xf32>,
    }
    %scan3A_4 = arith.constant 128 : i32
    %scan3A_5 = arith.constant 0 : i32
    %scan3A_6 = arith.constant 16 : i32
    %scan3A_7 = arith.addi %scan3A_5, %scan3A_6 : i32
    %scan3A_8 = arith.constant 1 : i32
    scf.for %scan3A_119 = %scan3A_5 to %scan3A_7 step %scan3A_8  : i32 {
      %mul3A_120 = arith.constant 1 : i32
      %mul3A_121 = arith.muli %scan3A_119, %mul3A_120 : i32
      %add3A_122 = arith.constant 0 : i32
      %add3A_123 = arith.addi %add3A_122, %mul3A_121 : i32
      %swap3A = arith.index_cast %add3A_123 : i32 to index
      %swap3A_124 = arith.constant 0 : index
      %swap3A_125 = tpu.vector_load %arg14[%swap3A, %swap3A_124] {strides = array<i32>} : memref<16x16xf32, #tpu.memory_space<vmem>>, vector<1x16xf32>,
      %swap3A_126 = vector.shape_cast %swap3A_125 : vector<1x16xf32> to vector<16xf32>
      %swap3A_127 = vector.shape_cast %broadcast_in_dim3A_0 : vector<16xf32> to vector<1x16xf32>
      tpu.vector_store %arg14[%swap3A, %swap3A_124], %swap3A_127 {strides = array<i32>} : memref<16x16xf32, #tpu.memory_space<vmem>>, vector<1x16xf32>,
    }
    %scan3A_9 = arith.constant 16 : i32
    %broadcast_in_dim3A_10 = arith.constant 0.000000e+00 : f32
    %broadcast_in_dim3A_11 = vector.broadcast %broadcast_in_dim3A_10 : f32 to vector<16xf32>
    %scan3A_12 = arith.constant 0 : i32
    %scan3A_13 = arith.constant 48 : i32
    %scan3A_14 = arith.addi %scan3A_12, %scan3A_13 : i32
    %scan3A_15 = arith.constant 1 : i32
    scf.for %scan3A_119 = %scan3A_12 to %scan3A_14 step %scan3A_15  : i32 {
      %mul3A_120 = arith.constant 1 : i32
      %mul3A_121 = arith.muli %scan3A_119, %mul3A_120 : i32
      %add3A_122 = arith.constant 0 : i32
      %add3A_123 = arith.addi %add3A_122, %mul3A_121 : i32
      %scan3A_124 = arith.constant 0 : i32
      %mul3A_125 = arith.constant 1 : i32
      %mul3A_126 = arith.muli %scan3A_124, %mul3A_125 : i32
      %add3A_127 = arith.constant 0 : i32
      %add3A_128 = arith.addi %add3A_127, %mul3A_126 : i32
      %mul3A_129 = arith.constant 16 : i32
      %mul3A_130 = arith.muli %add3A_128, %mul3A_129 : i32
      %swap3A = arith.index_cast %add3A_123 : i32 to index
      %swap3A_131 = arith.index_cast %mul3A_130 : i32 to index
      %swap3A_132 = tpu.vector_load %arg15[%swap3A, %swap3A_131] {strides = array<i32>} : memref<48x16xf32, #tpu.memory_space<vmem>>, vector<1x16xf32>,
      %swap3A_133 = vector.shape_cast %swap3A_132 : vector<1x16xf32> to vector<16xf32>
      %swap3A_134 = vector.shape_cast %broadcast_in_dim3A_11 : vector<16xf32> to vector<1x16xf32>
      tpu.vector_store %arg15[%swap3A, %swap3A_131], %swap3A_134 {strides = array<i32>} : memref<48x16xf32, #tpu.memory_space<vmem>>, vector<1x16xf32>,
      %scan3A_135 = arith.constant 1 : i32
    }
    %scan3A_16 = arith.constant 48 : i32
    %mul3A = arith.constant 624 : i32
    %mul3A_17 = arith.muli %arg1, %mul3A : i32
    %add3A = arith.constant 0 : i32
    %add3A_18 = arith.addi %mul3A_17, %add3A : i32
    "tpu.region"() ({
      %run_scoped3A_119 = tpu.sem_alloc : memref<!tpu.dma_semaphore, #tpu.memory_space<semaphore_mem>>
      %dma_start3A_120 = arith.constant 0 : i32
      %dma_start3A_121 = tpu.memref_slice %arg16[%add3A_18, %dma_start3A_120] : memref<10000x16xf32, #tpu.memory_space<vmem_shared>> -> memref<48x16xf32, #tpu.memory_space<vmem_shared>>
      %dma_start3A_122 = arith.constant 0 : i32
      %dma_start3A_123 = tpu.memref_slice %arg16[%add3A_18, %dma_start3A_122] : memref<10000x16xf32, #tpu.memory_space<vmem_shared>> -> memref<48x16xf32, #tpu.memory_space<vmem_shared>>
      tpu.enqueue_dma source(%arg15 : memref<48x16xf32, #tpu.memory_space<vmem>>) target(%dma_start3A_123 : memref<48x16xf32, #tpu.memory_space<vmem_shared>>) target_semaphore(%run_scoped3A_119 : memref<!tpu.dma_semaphore, #tpu.memory_space<semaphore_mem>>)
      %dma_wait3A_124 = arith.constant 0 : i32
      %dma_wait3A_125 = tpu.memref_slice %arg16[%add3A_18, %dma_wait3A_124] : memref<10000x16xf32, #tpu.memory_space<vmem_shared>> -> memref<48x16xf32, #tpu.memory_space<vmem_shared>>
      %dma_wait3A_126 = arith.constant 0 : i32
      %dma_wait3A_127 = tpu.memref_slice %arg16[%add3A_18, %dma_wait3A_126] : memref<10000x16xf32, #tpu.memory_space<vmem_shared>> -> memref<48x16xf32, #tpu.memory_space<vmem_shared>>
      tpu.wait_dma2 semaphore(%run_scoped3A_119 : memref<!tpu.dma_semaphore, #tpu.memory_space<semaphore_mem>>) src(%arg15 : memref<48x16xf32, #tpu.memory_space<vmem>>) dst(%dma_wait3A_127 : memref<48x16xf32, #tpu.memory_space<vmem_shared>>)
      tpu.yield
    }) : () -> ()
    %add3A_19 = arith.constant 48 : i32
    %add3A_20 = arith.addi %mul3A_17, %add3A_19 : i32
    "tpu.region"() ({
      %run_scoped3A_119 = tpu.sem_alloc : memref<!tpu.dma_semaphore, #tpu.memory_space<semaphore_mem>>
      %dma_start3A_120 = arith.constant 0 : i32
      %dma_start3A_121 = tpu.memref_slice %arg16[%add3A_20, %dma_start3A_120] : memref<10000x16xf32, #tpu.memory_space<vmem_shared>> -> memref<48x16xf32, #tpu.memory_space<vmem_shared>>
      %dma_start3A_122 = arith.constant 0 : i32
      %dma_start3A_123 = tpu.memref_slice %arg16[%add3A_20, %dma_start3A_122] : memref<10000x16xf32, #tpu.memory_space<vmem_shared>> -> memref<48x16xf32, #tpu.memory_space<vmem_shared>>
      tpu.enqueue_dma source(%arg15 : memref<48x16xf32, #tpu.memory_space<vmem>>) target(%dma_start3A_123 : memref<48x16xf32, #tpu.memory_space<vmem_shared>>) target_semaphore(%run_scoped3A_119 : memref<!tpu.dma_semaphore, #tpu.memory_space<semaphore_mem>>)
      %dma_wait3A_124 = arith.constant 0 : i32
      %dma_wait3A_125 = tpu.memref_slice %arg16[%add3A_20, %dma_wait3A_124] : memref<10000x16xf32, #tpu.memory_space<vmem_shared>> -> memref<48x16xf32, #tpu.memory_space<vmem_shared>>
      %dma_wait3A_126 = arith.constant 0 : i32
      %dma_wait3A_127 = tpu.memref_slice %arg16[%add3A_20, %dma_wait3A_126] : memref<10000x16xf32, #tpu.memory_space<vmem_shared>> -> memref<48x16xf32, #tpu.memory_space<vmem_shared>>
      tpu.wait_dma2 semaphore(%run_scoped3A_119 : memref<!tpu.dma_semaphore, #tpu.memory_space<semaphore_mem>>) src(%arg15 : memref<48x16xf32, #tpu.memory_space<vmem>>) dst(%dma_wait3A_127 : memref<48x16xf32, #tpu.memory_space<vmem_shared>>)
      tpu.yield
    }) : () -> ()
    %add3A_21 = arith.constant 96 : i32
    %add3A_22 = arith.addi %mul3A_17, %add3A_21 : i32
    "tpu.region"() ({
      %run_scoped3A_119 = tpu.sem_alloc : memref<!tpu.dma_semaphore, #tpu.memory_space<semaphore_mem>>
      %dma_start3A_120 = arith.constant 0 : i32
      %dma_start3A_121 = tpu.memref_slice %arg16[%add3A_22, %dma_start3A_120] : memref<10000x16xf32, #tpu.memory_space<vmem_shared>> -> memref<48x16xf32, #tpu.memory_space<vmem_shared>>
      %dma_start3A_122 = arith.constant 0 : i32
      %dma_start3A_123 = tpu.memref_slice %arg16[%add3A_22, %dma_start3A_122] : memref<10000x16xf32, #tpu.memory_space<vmem_shared>> -> memref<48x16xf32, #tpu.memory_space<vmem_shared>>
      tpu.enqueue_dma source(%arg15 : memref<48x16xf32, #tpu.memory_space<vmem>>) target(%dma_start3A_123 : memref<48x16xf32, #tpu.memory_space<vmem_shared>>) target_semaphore(%run_scoped3A_119 : memref<!tpu.dma_semaphore, #tpu.memory_space<semaphore_mem>>)
      %dma_wait3A_124 = arith.constant 0 : i32
      %dma_wait3A_125 = tpu.memref_slice %arg16[%add3A_22, %dma_wait3A_124] : memref<10000x16xf32, #tpu.memory_space<vmem_shared>> -> memref<48x16xf32, #tpu.memory_space<vmem_shared>>
      %dma_wait3A_126 = arith.constant 0 : i32
      %dma_wait3A_127 = tpu.memref_slice %arg16[%add3A_22, %dma_wait3A_126] : memref<10000x16xf32, #tpu.memory_space<vmem_shared>> -> memref<48x16xf32, #tpu.memory_space<vmem_shared>>
      tpu.wait_dma2 semaphore(%run_scoped3A_119 : memref<!tpu.dma_semaphore, #tpu.memory_space<semaphore_mem>>) src(%arg15 : memref<48x16xf32, #tpu.memory_space<vmem>>) dst(%dma_wait3A_127 : memref<48x16xf32, #tpu.memory_space<vmem_shared>>)
      tpu.yield
    }) : () -> ()
    %add3A_23 = arith.constant 144 : i32
    %add3A_24 = arith.addi %mul3A_17, %add3A_23 : i32
    "tpu.region"() ({
      %run_scoped3A_119 = tpu.sem_alloc : memref<!tpu.dma_semaphore, #tpu.memory_space<semaphore_mem>>
      %dma_start3A_120 = arith.constant 0 : i32
      %dma_start3A_121 = tpu.memref_slice %arg16[%add3A_24, %dma_start3A_120] : memref<10000x16xf32, #tpu.memory_space<vmem_shared>> -> memref<48x16xf32, #tpu.memory_space<vmem_shared>>
      %dma_start3A_122 = arith.constant 0 : i32
      %dma_start3A_123 = tpu.memref_slice %arg16[%add3A_24, %dma_start3A_122] : memref<10000x16xf32, #tpu.memory_space<vmem_shared>> -> memref<48x16xf32, #tpu.memory_space<vmem_shared>>
      tpu.enqueue_dma source(%arg15 : memref<48x16xf32, #tpu.memory_space<vmem>>) target(%dma_start3A_123 : memref<48x16xf32, #tpu.memory_space<vmem_shared>>) target_semaphore(%run_scoped3A_119 : memref<!tpu.dma_semaphore, #tpu.memory_space<semaphore_mem>>)
      %dma_wait3A_124 = arith.constant 0 : i32
      %dma_wait3A_125 = tpu.memref_slice %arg16[%add3A_24, %dma_wait3A_124] : memref<10000x16xf32, #tpu.memory_space<vmem_shared>> -> memref<48x16xf32, #tpu.memory_space<vmem_shared>>
      %dma_wait3A_126 = arith.constant 0 : i32
      %dma_wait3A_127 = tpu.memref_slice %arg16[%add3A_24, %dma_wait3A_126] : memref<10000x16xf32, #tpu.memory_space<vmem_shared>> -> memref<48x16xf32, #tpu.memory_space<vmem_shared>>
      tpu.wait_dma2 semaphore(%run_scoped3A_119 : memref<!tpu.dma_semaphore, #tpu.memory_space<semaphore_mem>>) src(%arg15 : memref<48x16xf32, #tpu.memory_space<vmem>>) dst(%dma_wait3A_127 : memref<48x16xf32, #tpu.memory_space<vmem_shared>>)
      tpu.yield
    }) : () -> ()
    %add3A_25 = arith.constant 192 : i32
    %add3A_26 = arith.addi %mul3A_17, %add3A_25 : i32
    "tpu.region"() ({
      %run_scoped3A_119 = tpu.sem_alloc : memref<!tpu.dma_semaphore, #tpu.memory_space<semaphore_mem>>
      %dma_start3A_120 = arith.constant 0 : i32
      %dma_start3A_121 = tpu.memref_slice %arg16[%add3A_26, %dma_start3A_120] : memref<10000x16xf32, #tpu.memory_space<vmem_shared>> -> memref<48x16xf32, #tpu.memory_space<vmem_shared>>
      %dma_start3A_122 = arith.constant 0 : i32
      %dma_start3A_123 = tpu.memref_slice %arg16[%add3A_26, %dma_start3A_122] : memref<10000x16xf32, #tpu.memory_space<vmem_shared>> -> memref<48x16xf32, #tpu.memory_space<vmem_shared>>
      tpu.enqueue_dma source(%arg15 : memref<48x16xf32, #tpu.memory_space<vmem>>) target(%dma_start3A_123 : memref<48x16xf32, #tpu.memory_space<vmem_shared>>) target_semaphore(%run_scoped3A_119 : memref<!tpu.dma_semaphore, #tpu.memory_space<semaphore_mem>>)
      %dma_wait3A_124 = arith.constant 0 : i32
      %dma_wait3A_125 = tpu.memref_slice %arg16[%add3A_26, %dma_wait3A_124] : memref<10000x16xf32, #tpu.memory_space<vmem_shared>> -> memref<48x16xf32, #tpu.memory_space<vmem_shared>>
      %dma_wait3A_126 = arith.constant 0 : i32
      %dma_wait3A_127 = tpu.memref_slice %arg16[%add3A_26, %dma_wait3A_126] : memref<10000x16xf32, #tpu.memory_space<vmem_shared>> -> memref<48x16xf32, #tpu.memory_space<vmem_shared>>
      tpu.wait_dma2 semaphore(%run_scoped3A_119 : memref<!tpu.dma_semaphore, #tpu.memory_space<semaphore_mem>>) src(%arg15 : memref<48x16xf32, #tpu.memory_space<vmem>>) dst(%dma_wait3A_127 : memref<48x16xf32, #tpu.memory_space<vmem_shared>>)
      tpu.yield
    }) : () -> ()
    %add3A_27 = arith.constant 240 : i32
    %add3A_28 = arith.addi %mul3A_17, %add3A_27 : i32
    "tpu.region"() ({
      %run_scoped3A_119 = tpu.sem_alloc : memref<!tpu.dma_semaphore, #tpu.memory_space<semaphore_mem>>
      %dma_start3A_120 = arith.constant 0 : i32
      %dma_start3A_121 = tpu.memref_slice %arg16[%add3A_28, %dma_start3A_120] : memref<10000x16xf32, #tpu.memory_space<vmem_shared>> -> memref<48x16xf32, #tpu.memory_space<vmem_shared>>
      %dma_start3A_122 = arith.constant 0 : i32
      %dma_start3A_123 = tpu.memref_slice %arg16[%add3A_28, %dma_start3A_122] : memref<10000x16xf32, #tpu.memory_space<vmem_shared>> -> memref<48x16xf32, #tpu.memory_space<vmem_shared>>
      tpu.enqueue_dma source(%arg15 : memref<48x16xf32, #tpu.memory_space<vmem>>) target(%dma_start3A_123 : memref<48x16xf32, #tpu.memory_space<vmem_shared>>) target_semaphore(%run_scoped3A_119 : memref<!tpu.dma_semaphore, #tpu.memory_space<semaphore_mem>>)
      %dma_wait3A_124 = arith.constant 0 : i32
      %dma_wait3A_125 = tpu.memref_slice %arg16[%add3A_28, %dma_wait3A_124] : memref<10000x16xf32, #tpu.memory_space<vmem_shared>> -> memref<48x16xf32, #tpu.memory_space<vmem_shared>>
      %dma_wait3A_126 = arith.constant 0 : i32
      %dma_wait3A_127 = tpu.memref_slice %arg16[%add3A_28, %dma_wait3A_126] : memref<10000x16xf32, #tpu.memory_space<vmem_shared>> -> memref<48x16xf32, #tpu.memory_space<vmem_shared>>
      tpu.wait_dma2 semaphore(%run_scoped3A_119 : memref<!tpu.dma_semaphore, #tpu.memory_space<semaphore_mem>>) src(%arg15 : memref<48x16xf32, #tpu.memory_space<vmem>>) dst(%dma_wait3A_127 : memref<48x16xf32, #tpu.memory_space<vmem_shared>>)
      tpu.yield
    }) : () -> ()
    %add3A_29 = arith.constant 288 : i32
    %add3A_30 = arith.addi %mul3A_17, %add3A_29 : i32
    "tpu.region"() ({
      %run_scoped3A_119 = tpu.sem_alloc : memref<!tpu.dma_semaphore, #tpu.memory_space<semaphore_mem>>
      %dma_start3A_120 = arith.constant 0 : i32
      %dma_start3A_121 = tpu.memref_slice %arg16[%add3A_30, %dma_start3A_120] : memref<10000x16xf32, #tpu.memory_space<vmem_shared>> -> memref<48x16xf32, #tpu.memory_space<vmem_shared>>
      %dma_start3A_122 = arith.constant 0 : i32
      %dma_start3A_123 = tpu.memref_slice %arg16[%add3A_30, %dma_start3A_122] : memref<10000x16xf32, #tpu.memory_space<vmem_shared>> -> memref<48x16xf32, #tpu.memory_space<vmem_shared>>
      tpu.enqueue_dma source(%arg15 : memref<48x16xf32, #tpu.memory_space<vmem>>) target(%dma_start3A_123 : memref<48x16xf32, #tpu.memory_space<vmem_shared>>) target_semaphore(%run_scoped3A_119 : memref<!tpu.dma_semaphore, #tpu.memory_space<semaphore_mem>>)
      %dma_wait3A_124 = arith.constant 0 : i32
      %dma_wait3A_125 = tpu.memref_slice %arg16[%add3A_30, %dma_wait3A_124] : memref<10000x16xf32, #tpu.memory_space<vmem_shared>> -> memref<48x16xf32, #tpu.memory_space<vmem_shared>>
      %dma_wait3A_126 = arith.constant 0 : i32
      %dma_wait3A_127 = tpu.memref_slice %arg16[%add3A_30, %dma_wait3A_126] : memref<10000x16xf32, #tpu.memory_space<vmem_shared>> -> memref<48x16xf32, #tpu.memory_space<vmem_shared>>
      tpu.wait_dma2 semaphore(%run_scoped3A_119 : memref<!tpu.dma_semaphore, #tpu.memory_space<semaphore_mem>>) src(%arg15 : memref<48x16xf32, #tpu.memory_space<vmem>>) dst(%dma_wait3A_127 : memref<48x16xf32, #tpu.memory_space<vmem_shared>>)
      tpu.yield
    }) : () -> ()
    %add3A_31 = arith.constant 336 : i32
    %add3A_32 = arith.addi %mul3A_17, %add3A_31 : i32
    "tpu.region"() ({
      %run_scoped3A_119 = tpu.sem_alloc : memref<!tpu.dma_semaphore, #tpu.memory_space<semaphore_mem>>
      %dma_start3A_120 = arith.constant 0 : i32
      %dma_start3A_121 = tpu.memref_slice %arg16[%add3A_32, %dma_start3A_120] : memref<10000x16xf32, #tpu.memory_space<vmem_shared>> -> memref<48x16xf32, #tpu.memory_space<vmem_shared>>
      %dma_start3A_122 = arith.constant 0 : i32
      %dma_start3A_123 = tpu.memref_slice %arg16[%add3A_32, %dma_start3A_122] : memref<10000x16xf32, #tpu.memory_space<vmem_shared>> -> memref<48x16xf32, #tpu.memory_space<vmem_shared>>
      tpu.enqueue_dma source(%arg15 : memref<48x16xf32, #tpu.memory_space<vmem>>) target(%dma_start3A_123 : memref<48x16xf32, #tpu.memory_space<vmem_shared>>) target_semaphore(%run_scoped3A_119 : memref<!tpu.dma_semaphore, #tpu.memory_space<semaphore_mem>>)
      %dma_wait3A_124 = arith.constant 0 : i32
      %dma_wait3A_125 = tpu.memref_slice %arg16[%add3A_32, %dma_wait3A_124] : memref<10000x16xf32, #tpu.memory_space<vmem_shared>> -> memref<48x16xf32, #tpu.memory_space<vmem_shared>>
      %dma_wait3A_126 = arith.constant 0 : i32
      %dma_wait3A_127 = tpu.memref_slice %arg16[%add3A_32, %dma_wait3A_126] : memref<10000x16xf32, #tpu.memory_space<vmem_shared>> -> memref<48x16xf32, #tpu.memory_space<vmem_shared>>
      tpu.wait_dma2 semaphore(%run_scoped3A_119 : memref<!tpu.dma_semaphore, #tpu.memory_space<semaphore_mem>>) src(%arg15 : memref<48x16xf32, #tpu.memory_space<vmem>>) dst(%dma_wait3A_127 : memref<48x16xf32, #tpu.memory_space<vmem_shared>>)
      tpu.yield
    }) : () -> ()
    %add3A_33 = arith.constant 384 : i32
    %add3A_34 = arith.addi %mul3A_17, %add3A_33 : i32
    "tpu.region"() ({
      %run_scoped3A_119 = tpu.sem_alloc : memref<!tpu.dma_semaphore, #tpu.memory_space<semaphore_mem>>
      %dma_start3A_120 = arith.constant 0 : i32
      %dma_start3A_121 = tpu.memref_slice %arg16[%add3A_34, %dma_start3A_120] : memref<10000x16xf32, #tpu.memory_space<vmem_shared>> -> memref<48x16xf32, #tpu.memory_space<vmem_shared>>
      %dma_start3A_122 = arith.constant 0 : i32
      %dma_start3A_123 = tpu.memref_slice %arg16[%add3A_34, %dma_start3A_122] : memref<10000x16xf32, #tpu.memory_space<vmem_shared>> -> memref<48x16xf32, #tpu.memory_space<vmem_shared>>
      tpu.enqueue_dma source(%arg15 : memref<48x16xf32, #tpu.memory_space<vmem>>) target(%dma_start3A_123 : memref<48x16xf32, #tpu.memory_space<vmem_shared>>) target_semaphore(%run_scoped3A_119 : memref<!tpu.dma_semaphore, #tpu.memory_space<semaphore_mem>>)
      %dma_wait3A_124 = arith.constant 0 : i32
      %dma_wait3A_125 = tpu.memref_slice %arg16[%add3A_34, %dma_wait3A_124] : memref<10000x16xf32, #tpu.memory_space<vmem_shared>> -> memref<48x16xf32, #tpu.memory_space<vmem_shared>>
      %dma_wait3A_126 = arith.constant 0 : i32
      %dma_wait3A_127 = tpu.memref_slice %arg16[%add3A_34, %dma_wait3A_126] : memref<10000x16xf32, #tpu.memory_space<vmem_shared>> -> memref<48x16xf32, #tpu.memory_space<vmem_shared>>
      tpu.wait_dma2 semaphore(%run_scoped3A_119 : memref<!tpu.dma_semaphore, #tpu.memory_space<semaphore_mem>>) src(%arg15 : memref<48x16xf32, #tpu.memory_space<vmem>>) dst(%dma_wait3A_127 : memref<48x16xf32, #tpu.memory_space<vmem_shared>>)
      tpu.yield
    }) : () -> ()
    %add3A_35 = arith.constant 432 : i32
    %add3A_36 = arith.addi %mul3A_17, %add3A_35 : i32
    "tpu.region"() ({
      %run_scoped3A_119 = tpu.sem_alloc : memref<!tpu.dma_semaphore, #tpu.memory_space<semaphore_mem>>
      %dma_start3A_120 = arith.constant 0 : i32
      %dma_start3A_121 = tpu.memref_slice %arg16[%add3A_36, %dma_start3A_120] : memref<10000x16xf32, #tpu.memory_space<vmem_shared>> -> memref<48x16xf32, #tpu.memory_space<vmem_shared>>
      %dma_start3A_122 = arith.constant 0 : i32
      %dma_start3A_123 = tpu.memref_slice %arg16[%add3A_36, %dma_start3A_122] : memref<10000x16xf32, #tpu.memory_space<vmem_shared>> -> memref<48x16xf32, #tpu.memory_space<vmem_shared>>
      tpu.enqueue_dma source(%arg15 : memref<48x16xf32, #tpu.memory_space<vmem>>) target(%dma_start3A_123 : memref<48x16xf32, #tpu.memory_space<vmem_shared>>) target_semaphore(%run_scoped3A_119 : memref<!tpu.dma_semaphore, #tpu.memory_space<semaphore_mem>>)
      %dma_wait3A_124 = arith.constant 0 : i32
      %dma_wait3A_125 = tpu.memref_slice %arg16[%add3A_36, %dma_wait3A_124] : memref<10000x16xf32, #tpu.memory_space<vmem_shared>> -> memref<48x16xf32, #tpu.memory_space<vmem_shared>>
      %dma_wait3A_126 = arith.constant 0 : i32
      %dma_wait3A_127 = tpu.memref_slice %arg16[%add3A_36, %dma_wait3A_126] : memref<10000x16xf32, #tpu.memory_space<vmem_shared>> -> memref<48x16xf32, #tpu.memory_space<vmem_shared>>
      tpu.wait_dma2 semaphore(%run_scoped3A_119 : memref<!tpu.dma_semaphore, #tpu.memory_space<semaphore_mem>>) src(%arg15 : memref<48x16xf32, #tpu.memory_space<vmem>>) dst(%dma_wait3A_127 : memref<48x16xf32, #tpu.memory_space<vmem_shared>>)
      tpu.yield
    }) : () -> ()
    %add3A_37 = arith.constant 480 : i32
    %add3A_38 = arith.addi %mul3A_17, %add3A_37 : i32
    "tpu.region"() ({
      %run_scoped3A_119 = tpu.sem_alloc : memref<!tpu.dma_semaphore, #tpu.memory_space<semaphore_mem>>
      %dma_start3A_120 = arith.constant 0 : i32
      %dma_start3A_121 = tpu.memref_slice %arg16[%add3A_38, %dma_start3A_120] : memref<10000x16xf32, #tpu.memory_space<vmem_shared>> -> memref<48x16xf32, #tpu.memory_space<vmem_shared>>
      %dma_start3A_122 = arith.constant 0 : i32
      %dma_start3A_123 = tpu.memref_slice %arg16[%add3A_38, %dma_start3A_122] : memref<10000x16xf32, #tpu.memory_space<vmem_shared>> -> memref<48x16xf32, #tpu.memory_space<vmem_shared>>
      tpu.enqueue_dma source(%arg15 : memref<48x16xf32, #tpu.memory_space<vmem>>) target(%dma_start3A_123 : memref<48x16xf32, #tpu.memory_space<vmem_shared>>) target_semaphore(%run_scoped3A_119 : memref<!tpu.dma_semaphore, #tpu.memory_space<semaphore_mem>>)
      %dma_wait3A_124 = arith.constant 0 : i32
      %dma_wait3A_125 = tpu.memref_slice %arg16[%add3A_38, %dma_wait3A_124] : memref<10000x16xf32, #tpu.memory_space<vmem_shared>> -> memref<48x16xf32, #tpu.memory_space<vmem_shared>>
      %dma_wait3A_126 = arith.constant 0 : i32
      %dma_wait3A_127 = tpu.memref_slice %arg16[%add3A_38, %dma_wait3A_126] : memref<10000x16xf32, #tpu.memory_space<vmem_shared>> -> memref<48x16xf32, #tpu.memory_space<vmem_shared>>
      tpu.wait_dma2 semaphore(%run_scoped3A_119 : memref<!tpu.dma_semaphore, #tpu.memory_space<semaphore_mem>>) src(%arg15 : memref<48x16xf32, #tpu.memory_space<vmem>>) dst(%dma_wait3A_127 : memref<48x16xf32, #tpu.memory_space<vmem_shared>>)
      tpu.yield
    }) : () -> ()
    %add3A_39 = arith.constant 528 : i32
    %add3A_40 = arith.addi %mul3A_17, %add3A_39 : i32
    "tpu.region"() ({
      %run_scoped3A_119 = tpu.sem_alloc : memref<!tpu.dma_semaphore, #tpu.memory_space<semaphore_mem>>
      %dma_start3A_120 = arith.constant 0 : i32
      %dma_start3A_121 = tpu.memref_slice %arg16[%add3A_40, %dma_start3A_120] : memref<10000x16xf32, #tpu.memory_space<vmem_shared>> -> memref<48x16xf32, #tpu.memory_space<vmem_shared>>
      %dma_start3A_122 = arith.constant 0 : i32
      %dma_start3A_123 = tpu.memref_slice %arg16[%add3A_40, %dma_start3A_122] : memref<10000x16xf32, #tpu.memory_space<vmem_shared>> -> memref<48x16xf32, #tpu.memory_space<vmem_shared>>
      tpu.enqueue_dma source(%arg15 : memref<48x16xf32, #tpu.memory_space<vmem>>) target(%dma_start3A_123 : memref<48x16xf32, #tpu.memory_space<vmem_shared>>) target_semaphore(%run_scoped3A_119 : memref<!tpu.dma_semaphore, #tpu.memory_space<semaphore_mem>>)
      %dma_wait3A_124 = arith.constant 0 : i32
      %dma_wait3A_125 = tpu.memref_slice %arg16[%add3A_40, %dma_wait3A_124] : memref<10000x16xf32, #tpu.memory_space<vmem_shared>> -> memref<48x16xf32, #tpu.memory_space<vmem_shared>>
      %dma_wait3A_126 = arith.constant 0 : i32
      %dma_wait3A_127 = tpu.memref_slice %arg16[%add3A_40, %dma_wait3A_126] : memref<10000x16xf32, #tpu.memory_space<vmem_shared>> -> memref<48x16xf32, #tpu.memory_space<vmem_shared>>
      tpu.wait_dma2 semaphore(%run_scoped3A_119 : memref<!tpu.dma_semaphore, #tpu.memory_space<semaphore_mem>>) src(%arg15 : memref<48x16xf32, #tpu.memory_space<vmem>>) dst(%dma_wait3A_127 : memref<48x16xf32, #tpu.memory_space<vmem_shared>>)
      tpu.yield
    }) : () -> ()
    %add3A_41 = arith.constant 576 : i32
    %add3A_42 = arith.addi %mul3A_17, %add3A_41 : i32
    "tpu.region"() ({
      %run_scoped3A_119 = tpu.sem_alloc : memref<!tpu.dma_semaphore, #tpu.memory_space<semaphore_mem>>
      %dma_start3A_120 = arith.constant 0 : i32
      %dma_start3A_121 = tpu.memref_slice %arg16[%add3A_42, %dma_start3A_120] : memref<10000x16xf32, #tpu.memory_space<vmem_shared>> -> memref<48x16xf32, #tpu.memory_space<vmem_shared>>
      %dma_start3A_122 = arith.constant 0 : i32
      %dma_start3A_123 = tpu.memref_slice %arg16[%add3A_42, %dma_start3A_122] : memref<10000x16xf32, #tpu.memory_space<vmem_shared>> -> memref<48x16xf32, #tpu.memory_space<vmem_shared>>
      tpu.enqueue_dma source(%arg15 : memref<48x16xf32, #tpu.memory_space<vmem>>) target(%dma_start3A_123 : memref<48x16xf32, #tpu.memory_space<vmem_shared>>) target_semaphore(%run_scoped3A_119 : memref<!tpu.dma_semaphore, #tpu.memory_space<semaphore_mem>>)
      %dma_wait3A_124 = arith.constant 0 : i32
      %dma_wait3A_125 = tpu.memref_slice %arg16[%add3A_42, %dma_wait3A_124] : memref<10000x16xf32, #tpu.memory_space<vmem_shared>> -> memref<48x16xf32, #tpu.memory_space<vmem_shared>>
      %dma_wait3A_126 = arith.constant 0 : i32
      %dma_wait3A_127 = tpu.memref_slice %arg16[%add3A_42, %dma_wait3A_126] : memref<10000x16xf32, #tpu.memory_space<vmem_shared>> -> memref<48x16xf32, #tpu.memory_space<vmem_shared>>
      tpu.wait_dma2 semaphore(%run_scoped3A_119 : memref<!tpu.dma_semaphore, #tpu.memory_space<semaphore_mem>>) src(%arg15 : memref<48x16xf32, #tpu.memory_space<vmem>>) dst(%dma_wait3A_127 : memref<48x16xf32, #tpu.memory_space<vmem_shared>>)
      tpu.yield
    }) : () -> ()
    %eq3A = arith.constant 15 : i32
    %eq3A_43 = arith.cmpi eq, %arg1, %eq3A : i32
    %convert_element_type3A = arith.extui %eq3A_43 : i1 to i32
    %cond3A = arith.constant 0 : i32
    %cond3A_44 = arith.cmpi ne, %convert_element_type3A, %cond3A : i32
    scf.if %cond3A_44 {
      "tpu.region"() ({
        %run_scoped3A_119 = tpu.sem_alloc : memref<!tpu.dma_semaphore, #tpu.memory_space<semaphore_mem>>
        %dma_start3A_120 = arith.constant 0 : i32
        %dma_start3A_121 = arith.constant 0 : i32
        %dma_start3A_122 = tpu.memref_slice %arg15[%dma_start3A_120, %dma_start3A_121] : memref<48x16xf32, #tpu.memory_space<vmem>> -> memref<16x16xf32, #tpu.memory_space<vmem>>
        %dma_start3A_123 = arith.constant 9984 : i32
        %dma_start3A_124 = arith.constant 0 : i32
        %dma_start3A_125 = tpu.memref_slice %arg16[%dma_start3A_123, %dma_start3A_124] : memref<10000x16xf32, #tpu.memory_space<vmem_shared>> -> memref<16x16xf32, #tpu.memory_space<vmem_shared>>
        %dma_start3A_126 = arith.constant 9984 : i32
        %dma_start3A_127 = arith.constant 0 : i32
        %dma_start3A_128 = tpu.memref_slice %arg16[%dma_start3A_126, %dma_start3A_127] : memref<10000x16xf32, #tpu.memory_space<vmem_shared>> -> memref<16x16xf32, #tpu.memory_space<vmem_shared>>
        %dma_start3A_129 = arith.constant 0 : i32
        %dma_start3A_130 = arith.constant 0 : i32
        %dma_start3A_131 = tpu.memref_slice %arg15[%dma_start3A_129, %dma_start3A_130] : memref<48x16xf32, #tpu.memory_space<vmem>> -> memref<16x16xf32, #tpu.memory_space<vmem>>
        tpu.enqueue_dma source(%dma_start3A_131 : memref<16x16xf32, #tpu.memory_space<vmem>>) target(%dma_start3A_128 : memref<16x16xf32, #tpu.memory_space<vmem_shared>>) target_semaphore(%run_scoped3A_119 : memref<!tpu.dma_semaphore, #tpu.memory_space<semaphore_mem>>)
        %dma_wait3A_132 = arith.constant 0 : i32
        %dma_wait3A_133 = arith.constant 0 : i32
        %dma_wait3A_134 = tpu.memref_slice %arg15[%dma_wait3A_132, %dma_wait3A_133] : memref<48x16xf32, #tpu.memory_space<vmem>> -> memref<16x16xf32, #tpu.memory_space<vmem>>
        %dma_wait3A_135 = arith.constant 9984 : i32
        %dma_wait3A_136 = arith.constant 0 : i32
        %dma_wait3A_137 = tpu.memref_slice %arg16[%dma_wait3A_135, %dma_wait3A_136] : memref<10000x16xf32, #tpu.memory_space<vmem_shared>> -> memref<16x16xf32, #tpu.memory_space<vmem_shared>>
        %dma_wait3A_138 = arith.constant 9984 : i32
        %dma_wait3A_139 = arith.constant 0 : i32
        %dma_wait3A_140 = tpu.memref_slice %arg16[%dma_wait3A_138, %dma_wait3A_139] : memref<10000x16xf32, #tpu.memory_space<vmem_shared>> -> memref<16x16xf32, #tpu.memory_space<vmem_shared>>
        %dma_wait3A_141 = arith.constant 0 : i32
        %dma_wait3A_142 = arith.constant 0 : i32
        %dma_wait3A_143 = tpu.memref_slice %arg15[%dma_wait3A_141, %dma_wait3A_142] : memref<48x16xf32, #tpu.memory_space<vmem>> -> memref<16x16xf32, #tpu.memory_space<vmem>>
        tpu.wait_dma2 semaphore(%run_scoped3A_119 : memref<!tpu.dma_semaphore, #tpu.memory_space<semaphore_mem>>) src(%dma_wait3A_143 : memref<16x16xf32, #tpu.memory_space<vmem>>) dst(%dma_wait3A_140 : memref<16x16xf32, #tpu.memory_space<vmem_shared>>)
        tpu.yield
      }) : () -> ()
    } else {
    }
    %mul3A_45 = arith.constant 624 : i32
    %mul3A_46 = arith.muli %arg1, %mul3A_45 : i32
    %add3A_47 = arith.constant 0 : i32
    %add3A_48 = arith.addi %mul3A_46, %add3A_47 : i32
    "tpu.region"() ({
      %run_scoped3A_119 = tpu.sem_alloc : memref<!tpu.dma_semaphore, #tpu.memory_space<semaphore_mem>>
      %dma_start3A_120 = arith.constant 0 : i32
      %dma_start3A_121 = tpu.memref_slice %arg17[%add3A_48, %dma_start3A_120] : memref<10000x16xf32, #tpu.memory_space<vmem_shared>> -> memref<48x16xf32, #tpu.memory_space<vmem_shared>>
      %dma_start3A_122 = arith.constant 0 : i32
      %dma_start3A_123 = tpu.memref_slice %arg17[%add3A_48, %dma_start3A_122] : memref<10000x16xf32, #tpu.memory_space<vmem_shared>> -> memref<48x16xf32, #tpu.memory_space<vmem_shared>>
      tpu.enqueue_dma source(%arg15 : memref<48x16xf32, #tpu.memory_space<vmem>>) target(%dma_start3A_123 : memref<48x16xf32, #tpu.memory_space<vmem_shared>>) target_semaphore(%run_scoped3A_119 : memref<!tpu.dma_semaphore, #tpu.memory_space<semaphore_mem>>)
      %dma_wait3A_124 = arith.constant 0 : i32
      %dma_wait3A_125 = tpu.memref_slice %arg17[%add3A_48, %dma_wait3A_124] : memref<10000x16xf32, #tpu.memory_space<vmem_shared>> -> memref<48x16xf32, #tpu.memory_space<vmem_shared>>
      %dma_wait3A_126 = arith.constant 0 : i32
      %dma_wait3A_127 = tpu.memref_slice %arg17[%add3A_48, %dma_wait3A_126] : memref<10000x16xf32, #tpu.memory_space<vmem_shared>> -> memref<48x16xf32, #tpu.memory_space<vmem_shared>>
      tpu.wait_dma2 semaphore(%run_scoped3A_119 : memref<!tpu.dma_semaphore, #tpu.memory_space<semaphore_mem>>) src(%arg15 : memref<48x16xf32, #tpu.memory_space<vmem>>) dst(%dma_wait3A_127 : memref<48x16xf32, #tpu.memory_space<vmem_shared>>)
      tpu.yield
    }) : () -> ()
    %add3A_49 = arith.constant 48 : i32
    %add3A_50 = arith.addi %mul3A_46, %add3A_49 : i32
    "tpu.region"() ({
      %run_scoped3A_119 = tpu.sem_alloc : memref<!tpu.dma_semaphore, #tpu.memory_space<semaphore_mem>>
      %dma_start3A_120 = arith.constant 0 : i32
      %dma_start3A_121 = tpu.memref_slice %arg17[%add3A_50, %dma_start3A_120] : memref<10000x16xf32, #tpu.memory_space<vmem_shared>> -> memref<48x16xf32, #tpu.memory_space<vmem_shared>>
      %dma_start3A_122 = arith.constant 0 : i32
      %dma_start3A_123 = tpu.memref_slice %arg17[%add3A_50, %dma_start3A_122] : memref<10000x16xf32, #tpu.memory_space<vmem_shared>> -> memref<48x16xf32, #tpu.memory_space<vmem_shared>>
      tpu.enqueue_dma source(%arg15 : memref<48x16xf32, #tpu.memory_space<vmem>>) target(%dma_start3A_123 : memref<48x16xf32, #tpu.memory_space<vmem_shared>>) target_semaphore(%run_scoped3A_119 : memref<!tpu.dma_semaphore, #tpu.memory_space<semaphore_mem>>)
      %dma_wait3A_124 = arith.constant 0 : i32
      %dma_wait3A_125 = tpu.memref_slice %arg17[%add3A_50, %dma_wait3A_124] : memref<10000x16xf32, #tpu.memory_space<vmem_shared>> -> memref<48x16xf32, #tpu.memory_space<vmem_shared>>
      %dma_wait3A_126 = arith.constant 0 : i32
      %dma_wait3A_127 = tpu.memref_slice %arg17[%add3A_50, %dma_wait3A_126] : memref<10000x16xf32, #tpu.memory_space<vmem_shared>> -> memref<48x16xf32, #tpu.memory_space<vmem_shared>>
      tpu.wait_dma2 semaphore(%run_scoped3A_119 : memref<!tpu.dma_semaphore, #tpu.memory_space<semaphore_mem>>) src(%arg15 : memref<48x16xf32, #tpu.memory_space<vmem>>) dst(%dma_wait3A_127 : memref<48x16xf32, #tpu.memory_space<vmem_shared>>)
      tpu.yield
    }) : () -> ()
    %add3A_51 = arith.constant 96 : i32
    %add3A_52 = arith.addi %mul3A_46, %add3A_51 : i32
    "tpu.region"() ({
      %run_scoped3A_119 = tpu.sem_alloc : memref<!tpu.dma_semaphore, #tpu.memory_space<semaphore_mem>>
      %dma_start3A_120 = arith.constant 0 : i32
      %dma_start3A_121 = tpu.memref_slice %arg17[%add3A_52, %dma_start3A_120] : memref<10000x16xf32, #tpu.memory_space<vmem_shared>> -> memref<48x16xf32, #tpu.memory_space<vmem_shared>>
      %dma_start3A_122 = arith.constant 0 : i32
      %dma_start3A_123 = tpu.memref_slice %arg17[%add3A_52, %dma_start3A_122] : memref<10000x16xf32, #tpu.memory_space<vmem_shared>> -> memref<48x16xf32, #tpu.memory_space<vmem_shared>>
      tpu.enqueue_dma source(%arg15 : memref<48x16xf32, #tpu.memory_space<vmem>>) target(%dma_start3A_123 : memref<48x16xf32, #tpu.memory_space<vmem_shared>>) target_semaphore(%run_scoped3A_119 : memref<!tpu.dma_semaphore, #tpu.memory_space<semaphore_mem>>)
      %dma_wait3A_124 = arith.constant 0 : i32
      %dma_wait3A_125 = tpu.memref_slice %arg17[%add3A_52, %dma_wait3A_124] : memref<10000x16xf32, #tpu.memory_space<vmem_shared>> -> memref<48x16xf32, #tpu.memory_space<vmem_shared>>
      %dma_wait3A_126 = arith.constant 0 : i32
      %dma_wait3A_127 = tpu.memref_slice %arg17[%add3A_52, %dma_wait3A_126] : memref<10000x16xf32, #tpu.memory_space<vmem_shared>> -> memref<48x16xf32, #tpu.memory_space<vmem_shared>>
      tpu.wait_dma2 semaphore(%run_scoped3A_119 : memref<!tpu.dma_semaphore, #tpu.memory_space<semaphore_mem>>) src(%arg15 : memref<48x16xf32, #tpu.memory_space<vmem>>) dst(%dma_wait3A_127 : memref<48x16xf32, #tpu.memory_space<vmem_shared>>)
      tpu.yield
    }) : () -> ()
    %add3A_53 = arith.constant 144 : i32
    %add3A_54 = arith.addi %mul3A_46, %add3A_53 : i32
    "tpu.region"() ({
      %run_scoped3A_119 = tpu.sem_alloc : memref<!tpu.dma_semaphore, #tpu.memory_space<semaphore_mem>>
      %dma_start3A_120 = arith.constant 0 : i32
      %dma_start3A_121 = tpu.memref_slice %arg17[%add3A_54, %dma_start3A_120] : memref<10000x16xf32, #tpu.memory_space<vmem_shared>> -> memref<48x16xf32, #tpu.memory_space<vmem_shared>>
      %dma_start3A_122 = arith.constant 0 : i32
      %dma_start3A_123 = tpu.memref_slice %arg17[%add3A_54, %dma_start3A_122] : memref<10000x16xf32, #tpu.memory_space<vmem_shared>> -> memref<48x16xf32, #tpu.memory_space<vmem_shared>>
      tpu.enqueue_dma source(%arg15 : memref<48x16xf32, #tpu.memory_space<vmem>>) target(%dma_start3A_123 : memref<48x16xf32, #tpu.memory_space<vmem_shared>>) target_semaphore(%run_scoped3A_119 : memref<!tpu.dma_semaphore, #tpu.memory_space<semaphore_mem>>)
      %dma_wait3A_124 = arith.constant 0 : i32
      %dma_wait3A_125 = tpu.memref_slice %arg17[%add3A_54, %dma_wait3A_124] : memref<10000x16xf32, #tpu.memory_space<vmem_shared>> -> memref<48x16xf32, #tpu.memory_space<vmem_shared>>
      %dma_wait3A_126 = arith.constant 0 : i32
      %dma_wait3A_127 = tpu.memref_slice %arg17[%add3A_54, %dma_wait3A_126] : memref<10000x16xf32, #tpu.memory_space<vmem_shared>> -> memref<48x16xf32, #tpu.memory_space<vmem_shared>>
      tpu.wait_dma2 semaphore(%run_scoped3A_119 : memref<!tpu.dma_semaphore, #tpu.memory_space<semaphore_mem>>) src(%arg15 : memref<48x16xf32, #tpu.memory_space<vmem>>) dst(%dma_wait3A_127 : memref<48x16xf32, #tpu.memory_space<vmem_shared>>)
      tpu.yield
    }) : () -> ()
    %add3A_55 = arith.constant 192 : i32
    %add3A_56 = arith.addi %mul3A_46, %add3A_55 : i32
    "tpu.region"() ({
      %run_scoped3A_119 = tpu.sem_alloc : memref<!tpu.dma_semaphore, #tpu.memory_space<semaphore_mem>>
      %dma_start3A_120 = arith.constant 0 : i32
      %dma_start3A_121 = tpu.memref_slice %arg17[%add3A_56, %dma_start3A_120] : memref<10000x16xf32, #tpu.memory_space<vmem_shared>> -> memref<48x16xf32, #tpu.memory_space<vmem_shared>>
      %dma_start3A_122 = arith.constant 0 : i32
      %dma_start3A_123 = tpu.memref_slice %arg17[%add3A_56, %dma_start3A_122] : memref<10000x16xf32, #tpu.memory_space<vmem_shared>> -> memref<48x16xf32, #tpu.memory_space<vmem_shared>>
      tpu.enqueue_dma source(%arg15 : memref<48x16xf32, #tpu.memory_space<vmem>>) target(%dma_start3A_123 : memref<48x16xf32, #tpu.memory_space<vmem_shared>>) target_semaphore(%run_scoped3A_119 : memref<!tpu.dma_semaphore, #tpu.memory_space<semaphore_mem>>)
      %dma_wait3A_124 = arith.constant 0 : i32
      %dma_wait3A_125 = tpu.memref_slice %arg17[%add3A_56, %dma_wait3A_124] : memref<10000x16xf32, #tpu.memory_space<vmem_shared>> -> memref<48x16xf32, #tpu.memory_space<vmem_shared>>
      %dma_wait3A_126 = arith.constant 0 : i32
      %dma_wait3A_127 = tpu.memref_slice %arg17[%add3A_56, %dma_wait3A_126] : memref<10000x16xf32, #tpu.memory_space<vmem_shared>> -> memref<48x16xf32, #tpu.memory_space<vmem_shared>>
      tpu.wait_dma2 semaphore(%run_scoped3A_119 : memref<!tpu.dma_semaphore, #tpu.memory_space<semaphore_mem>>) src(%arg15 : memref<48x16xf32, #tpu.memory_space<vmem>>) dst(%dma_wait3A_127 : memref<48x16xf32, #tpu.memory_space<vmem_shared>>)
      tpu.yield
    }) : () -> ()
    %add3A_57 = arith.constant 240 : i32
    %add3A_58 = arith.addi %mul3A_46, %add3A_57 : i32
    "tpu.region"() ({
      %run_scoped3A_119 = tpu.sem_alloc : memref<!tpu.dma_semaphore, #tpu.memory_space<semaphore_mem>>
      %dma_start3A_120 = arith.constant 0 : i32
      %dma_start3A_121 = tpu.memref_slice %arg17[%add3A_58, %dma_start3A_120] : memref<10000x16xf32, #tpu.memory_space<vmem_shared>> -> memref<48x16xf32, #tpu.memory_space<vmem_shared>>
      %dma_start3A_122 = arith.constant 0 : i32
      %dma_start3A_123 = tpu.memref_slice %arg17[%add3A_58, %dma_start3A_122] : memref<10000x16xf32, #tpu.memory_space<vmem_shared>> -> memref<48x16xf32, #tpu.memory_space<vmem_shared>>
      tpu.enqueue_dma source(%arg15 : memref<48x16xf32, #tpu.memory_space<vmem>>) target(%dma_start3A_123 : memref<48x16xf32, #tpu.memory_space<vmem_shared>>) target_semaphore(%run_scoped3A_119 : memref<!tpu.dma_semaphore, #tpu.memory_space<semaphore_mem>>)
      %dma_wait3A_124 = arith.constant 0 : i32
      %dma_wait3A_125 = tpu.memref_slice %arg17[%add3A_58, %dma_wait3A_124] : memref<10000x16xf32, #tpu.memory_space<vmem_shared>> -> memref<48x16xf32, #tpu.memory_space<vmem_shared>>
      %dma_wait3A_126 = arith.constant 0 : i32
      %dma_wait3A_127 = tpu.memref_slice %arg17[%add3A_58, %dma_wait3A_126] : memref<10000x16xf32, #tpu.memory_space<vmem_shared>> -> memref<48x16xf32, #tpu.memory_space<vmem_shared>>
      tpu.wait_dma2 semaphore(%run_scoped3A_119 : memref<!tpu.dma_semaphore, #tpu.memory_space<semaphore_mem>>) src(%arg15 : memref<48x16xf32, #tpu.memory_space<vmem>>) dst(%dma_wait3A_127 : memref<48x16xf32, #tpu.memory_space<vmem_shared>>)
      tpu.yield
    }) : () -> ()
    %add3A_59 = arith.constant 288 : i32
    %add3A_60 = arith.addi %mul3A_46, %add3A_59 : i32
    "tpu.region"() ({
      %run_scoped3A_119 = tpu.sem_alloc : memref<!tpu.dma_semaphore, #tpu.memory_space<semaphore_mem>>
      %dma_start3A_120 = arith.constant 0 : i32
      %dma_start3A_121 = tpu.memref_slice %arg17[%add3A_60, %dma_start3A_120] : memref<10000x16xf32, #tpu.memory_space<vmem_shared>> -> memref<48x16xf32, #tpu.memory_space<vmem_shared>>
      %dma_start3A_122 = arith.constant 0 : i32
      %dma_start3A_123 = tpu.memref_slice %arg17[%add3A_60, %dma_start3A_122] : memref<10000x16xf32, #tpu.memory_space<vmem_shared>> -> memref<48x16xf32, #tpu.memory_space<vmem_shared>>
      tpu.enqueue_dma source(%arg15 : memref<48x16xf32, #tpu.memory_space<vmem>>) target(%dma_start3A_123 : memref<48x16xf32, #tpu.memory_space<vmem_shared>>) target_semaphore(%run_scoped3A_119 : memref<!tpu.dma_semaphore, #tpu.memory_space<semaphore_mem>>)
      %dma_wait3A_124 = arith.constant 0 : i32
      %dma_wait3A_125 = tpu.memref_slice %arg17[%add3A_60, %dma_wait3A_124] : memref<10000x16xf32, #tpu.memory_space<vmem_shared>> -> memref<48x16xf32, #tpu.memory_space<vmem_shared>>
      %dma_wait3A_126 = arith.constant 0 : i32
      %dma_wait3A_127 = tpu.memref_slice %arg17[%add3A_60, %dma_wait3A_126] : memref<10000x16xf32, #tpu.memory_space<vmem_shared>> -> memref<48x16xf32, #tpu.memory_space<vmem_shared>>
      tpu.wait_dma2 semaphore(%run_scoped3A_119 : memref<!tpu.dma_semaphore, #tpu.memory_space<semaphore_mem>>) src(%arg15 : memref<48x16xf32, #tpu.memory_space<vmem>>) dst(%dma_wait3A_127 : memref<48x16xf32, #tpu.memory_space<vmem_shared>>)
      tpu.yield
    }) : () -> ()
    %add3A_61 = arith.constant 336 : i32
    %add3A_62 = arith.addi %mul3A_46, %add3A_61 : i32
    "tpu.region"() ({
      %run_scoped3A_119 = tpu.sem_alloc : memref<!tpu.dma_semaphore, #tpu.memory_space<semaphore_mem>>
      %dma_start3A_120 = arith.constant 0 : i32
      %dma_start3A_121 = tpu.memref_slice %arg17[%add3A_62, %dma_start3A_120] : memref<10000x16xf32, #tpu.memory_space<vmem_shared>> -> memref<48x16xf32, #tpu.memory_space<vmem_shared>>
      %dma_start3A_122 = arith.constant 0 : i32
      %dma_start3A_123 = tpu.memref_slice %arg17[%add3A_62, %dma_start3A_122] : memref<10000x16xf32, #tpu.memory_space<vmem_shared>> -> memref<48x16xf32, #tpu.memory_space<vmem_shared>>
      tpu.enqueue_dma source(%arg15 : memref<48x16xf32, #tpu.memory_space<vmem>>) target(%dma_start3A_123 : memref<48x16xf32, #tpu.memory_space<vmem_shared>>) target_semaphore(%run_scoped3A_119 : memref<!tpu.dma_semaphore, #tpu.memory_space<semaphore_mem>>)
      %dma_wait3A_124 = arith.constant 0 : i32
      %dma_wait3A_125 = tpu.memref_slice %arg17[%add3A_62, %dma_wait3A_124] : memref<10000x16xf32, #tpu.memory_space<vmem_shared>> -> memref<48x16xf32, #tpu.memory_space<vmem_shared>>
      %dma_wait3A_126 = arith.constant 0 : i32
      %dma_wait3A_127 = tpu.memref_slice %arg17[%add3A_62, %dma_wait3A_126] : memref<10000x16xf32, #tpu.memory_space<vmem_shared>> -> memref<48x16xf32, #tpu.memory_space<vmem_shared>>
      tpu.wait_dma2 semaphore(%run_scoped3A_119 : memref<!tpu.dma_semaphore, #tpu.memory_space<semaphore_mem>>) src(%arg15 : memref<48x16xf32, #tpu.memory_space<vmem>>) dst(%dma_wait3A_127 : memref<48x16xf32, #tpu.memory_space<vmem_shared>>)
      tpu.yield
    }) : () -> ()
    %add3A_63 = arith.constant 384 : i32
    %add3A_64 = arith.addi %mul3A_46, %add3A_63 : i32
    "tpu.region"() ({
      %run_scoped3A_119 = tpu.sem_alloc : memref<!tpu.dma_semaphore, #tpu.memory_space<semaphore_mem>>
      %dma_start3A_120 = arith.constant 0 : i32
      %dma_start3A_121 = tpu.memref_slice %arg17[%add3A_64, %dma_start3A_120] : memref<10000x16xf32, #tpu.memory_space<vmem_shared>> -> memref<48x16xf32, #tpu.memory_space<vmem_shared>>
      %dma_start3A_122 = arith.constant 0 : i32
      %dma_start3A_123 = tpu.memref_slice %arg17[%add3A_64, %dma_start3A_122] : memref<10000x16xf32, #tpu.memory_space<vmem_shared>> -> memref<48x16xf32, #tpu.memory_space<vmem_shared>>
      tpu.enqueue_dma source(%arg15 : memref<48x16xf32, #tpu.memory_space<vmem>>) target(%dma_start3A_123 : memref<48x16xf32, #tpu.memory_space<vmem_shared>>) target_semaphore(%run_scoped3A_119 : memref<!tpu.dma_semaphore, #tpu.memory_space<semaphore_mem>>)
      %dma_wait3A_124 = arith.constant 0 : i32
      %dma_wait3A_125 = tpu.memref_slice %arg17[%add3A_64, %dma_wait3A_124] : memref<10000x16xf32, #tpu.memory_space<vmem_shared>> -> memref<48x16xf32, #tpu.memory_space<vmem_shared>>
      %dma_wait3A_126 = arith.constant 0 : i32
      %dma_wait3A_127 = tpu.memref_slice %arg17[%add3A_64, %dma_wait3A_126] : memref<10000x16xf32, #tpu.memory_space<vmem_shared>> -> memref<48x16xf32, #tpu.memory_space<vmem_shared>>
      tpu.wait_dma2 semaphore(%run_scoped3A_119 : memref<!tpu.dma_semaphore, #tpu.memory_space<semaphore_mem>>) src(%arg15 : memref<48x16xf32, #tpu.memory_space<vmem>>) dst(%dma_wait3A_127 : memref<48x16xf32, #tpu.memory_space<vmem_shared>>)
      tpu.yield
    }) : () -> ()
    %add3A_65 = arith.constant 432 : i32
    %add3A_66 = arith.addi %mul3A_46, %add3A_65 : i32
    "tpu.region"() ({
      %run_scoped3A_119 = tpu.sem_alloc : memref<!tpu.dma_semaphore, #tpu.memory_space<semaphore_mem>>
      %dma_start3A_120 = arith.constant 0 : i32
      %dma_start3A_121 = tpu.memref_slice %arg17[%add3A_66, %dma_start3A_120] : memref<10000x16xf32, #tpu.memory_space<vmem_shared>> -> memref<48x16xf32, #tpu.memory_space<vmem_shared>>
      %dma_start3A_122 = arith.constant 0 : i32
      %dma_start3A_123 = tpu.memref_slice %arg17[%add3A_66, %dma_start3A_122] : memref<10000x16xf32, #tpu.memory_space<vmem_shared>> -> memref<48x16xf32, #tpu.memory_space<vmem_shared>>
      tpu.enqueue_dma source(%arg15 : memref<48x16xf32, #tpu.memory_space<vmem>>) target(%dma_start3A_123 : memref<48x16xf32, #tpu.memory_space<vmem_shared>>) target_semaphore(%run_scoped3A_119 : memref<!tpu.dma_semaphore, #tpu.memory_space<semaphore_mem>>)
      %dma_wait3A_124 = arith.constant 0 : i32
      %dma_wait3A_125 = tpu.memref_slice %arg17[%add3A_66, %dma_wait3A_124] : memref<10000x16xf32, #tpu.memory_space<vmem_shared>> -> memref<48x16xf32, #tpu.memory_space<vmem_shared>>
      %dma_wait3A_126 = arith.constant 0 : i32
      %dma_wait3A_127 = tpu.memref_slice %arg17[%add3A_66, %dma_wait3A_126] : memref<10000x16xf32, #tpu.memory_space<vmem_shared>> -> memref<48x16xf32, #tpu.memory_space<vmem_shared>>
      tpu.wait_dma2 semaphore(%run_scoped3A_119 : memref<!tpu.dma_semaphore, #tpu.memory_space<semaphore_mem>>) src(%arg15 : memref<48x16xf32, #tpu.memory_space<vmem>>) dst(%dma_wait3A_127 : memref<48x16xf32, #tpu.memory_space<vmem_shared>>)
      tpu.yield
    }) : () -> ()
    %add3A_67 = arith.constant 480 : i32
    %add3A_68 = arith.addi %mul3A_46, %add3A_67 : i32
    "tpu.region"() ({
      %run_scoped3A_119 = tpu.sem_alloc : memref<!tpu.dma_semaphore, #tpu.memory_space<semaphore_mem>>
      %dma_start3A_120 = arith.constant 0 : i32
      %dma_start3A_121 = tpu.memref_slice %arg17[%add3A_68, %dma_start3A_120] : memref<10000x16xf32, #tpu.memory_space<vmem_shared>> -> memref<48x16xf32, #tpu.memory_space<vmem_shared>>
      %dma_start3A_122 = arith.constant 0 : i32
      %dma_start3A_123 = tpu.memref_slice %arg17[%add3A_68, %dma_start3A_122] : memref<10000x16xf32, #tpu.memory_space<vmem_shared>> -> memref<48x16xf32, #tpu.memory_space<vmem_shared>>
      tpu.enqueue_dma source(%arg15 : memref<48x16xf32, #tpu.memory_space<vmem>>) target(%dma_start3A_123 : memref<48x16xf32, #tpu.memory_space<vmem_shared>>) target_semaphore(%run_scoped3A_119 : memref<!tpu.dma_semaphore, #tpu.memory_space<semaphore_mem>>)
      %dma_wait3A_124 = arith.constant 0 : i32
      %dma_wait3A_125 = tpu.memref_slice %arg17[%add3A_68, %dma_wait3A_124] : memref<10000x16xf32, #tpu.memory_space<vmem_shared>> -> memref<48x16xf32, #tpu.memory_space<vmem_shared>>
      %dma_wait3A_126 = arith.constant 0 : i32
      %dma_wait3A_127 = tpu.memref_slice %arg17[%add3A_68, %dma_wait3A_126] : memref<10000x16xf32, #tpu.memory_space<vmem_shared>> -> memref<48x16xf32, #tpu.memory_space<vmem_shared>>
      tpu.wait_dma2 semaphore(%run_scoped3A_119 : memref<!tpu.dma_semaphore, #tpu.memory_space<semaphore_mem>>) src(%arg15 : memref<48x16xf32, #tpu.memory_space<vmem>>) dst(%dma_wait3A_127 : memref<48x16xf32, #tpu.memory_space<vmem_shared>>)
      tpu.yield
    }) : () -> ()
    %add3A_69 = arith.constant 528 : i32
    %add3A_70 = arith.addi %mul3A_46, %add3A_69 : i32
    "tpu.region"() ({
      %run_scoped3A_119 = tpu.sem_alloc : memref<!tpu.dma_semaphore, #tpu.memory_space<semaphore_mem>>
      %dma_start3A_120 = arith.constant 0 : i32
      %dma_start3A_121 = tpu.memref_slice %arg17[%add3A_70, %dma_start3A_120] : memref<10000x16xf32, #tpu.memory_space<vmem_shared>> -> memref<48x16xf32, #tpu.memory_space<vmem_shared>>
      %dma_start3A_122 = arith.constant 0 : i32
      %dma_start3A_123 = tpu.memref_slice %arg17[%add3A_70, %dma_start3A_122] : memref<10000x16xf32, #tpu.memory_space<vmem_shared>> -> memref<48x16xf32, #tpu.memory_space<vmem_shared>>
      tpu.enqueue_dma source(%arg15 : memref<48x16xf32, #tpu.memory_space<vmem>>) target(%dma_start3A_123 : memref<48x16xf32, #tpu.memory_space<vmem_shared>>) target_semaphore(%run_scoped3A_119 : memref<!tpu.dma_semaphore, #tpu.memory_space<semaphore_mem>>)
      %dma_wait3A_124 = arith.constant 0 : i32
      %dma_wait3A_125 = tpu.memref_slice %arg17[%add3A_70, %dma_wait3A_124] : memref<10000x16xf32, #tpu.memory_space<vmem_shared>> -> memref<48x16xf32, #tpu.memory_space<vmem_shared>>
      %dma_wait3A_126 = arith.constant 0 : i32
      %dma_wait3A_127 = tpu.memref_slice %arg17[%add3A_70, %dma_wait3A_126] : memref<10000x16xf32, #tpu.memory_space<vmem_shared>> -> memref<48x16xf32, #tpu.memory_space<vmem_shared>>
      tpu.wait_dma2 semaphore(%run_scoped3A_119 : memref<!tpu.dma_semaphore, #tpu.memory_space<semaphore_mem>>) src(%arg15 : memref<48x16xf32, #tpu.memory_space<vmem>>) dst(%dma_wait3A_127 : memref<48x16xf32, #tpu.memory_space<vmem_shared>>)
      tpu.yield
    }) : () -> ()
    %add3A_71 = arith.constant 576 : i32
    %add3A_72 = arith.addi %mul3A_46, %add3A_71 : i32
    "tpu.region"() ({
      %run_scoped3A_119 = tpu.sem_alloc : memref<!tpu.dma_semaphore, #tpu.memory_space<semaphore_mem>>
      %dma_start3A_120 = arith.constant 0 : i32
      %dma_start3A_121 = tpu.memref_slice %arg17[%add3A_72, %dma_start3A_120] : memref<10000x16xf32, #tpu.memory_space<vmem_shared>> -> memref<48x16xf32, #tpu.memory_space<vmem_shared>>
      %dma_start3A_122 = arith.constant 0 : i32
      %dma_start3A_123 = tpu.memref_slice %arg17[%add3A_72, %dma_start3A_122] : memref<10000x16xf32, #tpu.memory_space<vmem_shared>> -> memref<48x16xf32, #tpu.memory_space<vmem_shared>>
      tpu.enqueue_dma source(%arg15 : memref<48x16xf32, #tpu.memory_space<vmem>>) target(%dma_start3A_123 : memref<48x16xf32, #tpu.memory_space<vmem_shared>>) target_semaphore(%run_scoped3A_119 : memref<!tpu.dma_semaphore, #tpu.memory_space<semaphore_mem>>)
      %dma_wait3A_124 = arith.constant 0 : i32
      %dma_wait3A_125 = tpu.memref_slice %arg17[%add3A_72, %dma_wait3A_124] : memref<10000x16xf32, #tpu.memory_space<vmem_shared>> -> memref<48x16xf32, #tpu.memory_space<vmem_shared>>
      %dma_wait3A_126 = arith.constant 0 : i32
      %dma_wait3A_127 = tpu.memref_slice %arg17[%add3A_72, %dma_wait3A_126] : memref<10000x16xf32, #tpu.memory_space<vmem_shared>> -> memref<48x16xf32, #tpu.memory_space<vmem_shared>>
      tpu.wait_dma2 semaphore(%run_scoped3A_119 : memref<!tpu.dma_semaphore, #tpu.memory_space<semaphore_mem>>) src(%arg15 : memref<48x16xf32, #tpu.memory_space<vmem>>) dst(%dma_wait3A_127 : memref<48x16xf32, #tpu.memory_space<vmem_shared>>)
      tpu.yield
    }) : () -> ()
    %eq3A_73 = arith.constant 15 : i32
    %eq3A_74 = arith.cmpi eq, %arg1, %eq3A_73 : i32
    %convert_element_type3A_75 = arith.extui %eq3A_74 : i1 to i32
    %cond3A_76 = arith.constant 0 : i32
    %cond3A_77 = arith.cmpi ne, %convert_element_type3A_75, %cond3A_76 : i32
    scf.if %cond3A_77 {
      "tpu.region"() ({
        %run_scoped3A_119 = tpu.sem_alloc : memref<!tpu.dma_semaphore, #tpu.memory_space<semaphore_mem>>
        %dma_start3A_120 = arith.constant 0 : i32
        %dma_start3A_121 = arith.constant 0 : i32
        %dma_start3A_122 = tpu.memref_slice %arg15[%dma_start3A_120, %dma_start3A_121] : memref<48x16xf32, #tpu.memory_space<vmem>> -> memref<16x16xf32, #tpu.memory_space<vmem>>
        %dma_start3A_123 = arith.constant 9984 : i32
        %dma_start3A_124 = arith.constant 0 : i32
        %dma_start3A_125 = tpu.memref_slice %arg17[%dma_start3A_123, %dma_start3A_124] : memref<10000x16xf32, #tpu.memory_space<vmem_shared>> -> memref<16x16xf32, #tpu.memory_space<vmem_shared>>
        %dma_start3A_126 = arith.constant 9984 : i32
        %dma_start3A_127 = arith.constant 0 : i32
        %dma_start3A_128 = tpu.memref_slice %arg17[%dma_start3A_126, %dma_start3A_127] : memref<10000x16xf32, #tpu.memory_space<vmem_shared>> -> memref<16x16xf32, #tpu.memory_space<vmem_shared>>
        %dma_start3A_129 = arith.constant 0 : i32
        %dma_start3A_130 = arith.constant 0 : i32
        %dma_start3A_131 = tpu.memref_slice %arg15[%dma_start3A_129, %dma_start3A_130] : memref<48x16xf32, #tpu.memory_space<vmem>> -> memref<16x16xf32, #tpu.memory_space<vmem>>
        tpu.enqueue_dma source(%dma_start3A_131 : memref<16x16xf32, #tpu.memory_space<vmem>>) target(%dma_start3A_128 : memref<16x16xf32, #tpu.memory_space<vmem_shared>>) target_semaphore(%run_scoped3A_119 : memref<!tpu.dma_semaphore, #tpu.memory_space<semaphore_mem>>)
        %dma_wait3A_132 = arith.constant 0 : i32
        %dma_wait3A_133 = arith.constant 0 : i32
        %dma_wait3A_134 = tpu.memref_slice %arg15[%dma_wait3A_132, %dma_wait3A_133] : memref<48x16xf32, #tpu.memory_space<vmem>> -> memref<16x16xf32, #tpu.memory_space<vmem>>
        %dma_wait3A_135 = arith.constant 9984 : i32
        %dma_wait3A_136 = arith.constant 0 : i32
        %dma_wait3A_137 = tpu.memref_slice %arg17[%dma_wait3A_135, %dma_wait3A_136] : memref<10000x16xf32, #tpu.memory_space<vmem_shared>> -> memref<16x16xf32, #tpu.memory_space<vmem_shared>>
        %dma_wait3A_138 = arith.constant 9984 : i32
        %dma_wait3A_139 = arith.constant 0 : i32
        %dma_wait3A_140 = tpu.memref_slice %arg17[%dma_wait3A_138, %dma_wait3A_139] : memref<10000x16xf32, #tpu.memory_space<vmem_shared>> -> memref<16x16xf32, #tpu.memory_space<vmem_shared>>
        %dma_wait3A_141 = arith.constant 0 : i32
        %dma_wait3A_142 = arith.constant 0 : i32
        %dma_wait3A_143 = tpu.memref_slice %arg15[%dma_wait3A_141, %dma_wait3A_142] : memref<48x16xf32, #tpu.memory_space<vmem>> -> memref<16x16xf32, #tpu.memory_space<vmem>>
        tpu.wait_dma2 semaphore(%run_scoped3A_119 : memref<!tpu.dma_semaphore, #tpu.memory_space<semaphore_mem>>) src(%dma_wait3A_143 : memref<16x16xf32, #tpu.memory_space<vmem>>) dst(%dma_wait3A_140 : memref<16x16xf32, #tpu.memory_space<vmem_shared>>)
        tpu.yield
      }) : () -> ()
    } else {
    }
    %barrier3A = arith.constant 0 : index
    tpu.barrier barrier_id(%barrier3A)
    %mul3A_78 = arith.constant 2 : i32
    %mul3A_79 = arith.muli %arg1, %mul3A_78 : i32
    %add3A_80 = arith.addi %mul3A_79, %arg0 : i32
    %mul3A_81 = arith.constant 10000 : i32
    %mul3A_82 = arith.muli %add3A_80, %mul3A_81 : i32
    %add3A_83 = arith.constant 0 : i32
    %add3A_84 = arith.addi %mul3A_82, %add3A_83 : i32
    %dma_start3A = tpu.memref_slice %arg2[%add3A_84] : memref<640000xi32, #tpu.memory_space<hbm>> -> memref<128xi32, #tpu.memory_space<hbm>>
    %dma_start3A_85 = tpu.memref_slice %arg2[%add3A_84] : memref<640000xi32, #tpu.memory_space<hbm>> -> memref<128xi32, #tpu.memory_space<hbm>>
    tpu.enqueue_dma source(%dma_start3A_85 : memref<128xi32, #tpu.memory_space<hbm>>) target(%arg5 : memref<128xi32, #tpu.memory_space<vmem>>) target_semaphore(%arg18 : memref<!tpu.dma_semaphore, #tpu.memory_space<semaphore_mem>>)
    %dma_start3A_86 = arith.constant 0 : i32
    %dma_start3A_87 = tpu.memref_slice %arg3[%add3A_84, %dma_start3A_86] : memref<320000x16xf32, #tpu.memory_space<hbm>> -> memref<128x16xf32, #tpu.memory_space<hbm>>
    %dma_start3A_88 = arith.constant 0 : i32
    %dma_start3A_89 = tpu.memref_slice %arg3[%add3A_84, %dma_start3A_88] : memref<320000x16xf32, #tpu.memory_space<hbm>> -> memref<128x16xf32, #tpu.memory_space<hbm>>
    tpu.enqueue_dma source(%dma_start3A_89 : memref<128x16xf32, #tpu.memory_space<hbm>>) target(%arg8 : memref<128x16xf32, #tpu.memory_space<vmem>>) target_semaphore(%arg18 : memref<!tpu.dma_semaphore, #tpu.memory_space<semaphore_mem>>)
    %add3A_90 = arith.constant 128 : i32
    %add3A_91 = arith.addi %mul3A_82, %add3A_90 : i32
    %dma_start3A_92 = tpu.memref_slice %arg2[%add3A_91] : memref<640000xi32, #tpu.memory_space<hbm>> -> memref<128xi32, #tpu.memory_space<hbm>>
    %dma_start3A_93 = tpu.memref_slice %arg2[%add3A_91] : memref<640000xi32, #tpu.memory_space<hbm>> -> memref<128xi32, #tpu.memory_space<hbm>>
    tpu.enqueue_dma source(%dma_start3A_93 : memref<128xi32, #tpu.memory_space<hbm>>) target(%arg6 : memref<128xi32, #tpu.memory_space<vmem>>) target_semaphore(%arg19 : memref<!tpu.dma_semaphore, #tpu.memory_space<semaphore_mem>>)
    %dma_start3A_94 = arith.constant 0 : i32
    %dma_start3A_95 = tpu.memref_slice %arg3[%add3A_91, %dma_start3A_94] : memref<320000x16xf32, #tpu.memory_space<hbm>> -> memref<128x16xf32, #tpu.memory_space<hbm>>
    %dma_start3A_96 = arith.constant 0 : i32
    %dma_start3A_97 = tpu.memref_slice %arg3[%add3A_91, %dma_start3A_96] : memref<320000x16xf32, #tpu.memory_space<hbm>> -> memref<128x16xf32, #tpu.memory_space<hbm>>
    tpu.enqueue_dma source(%dma_start3A_97 : memref<128x16xf32, #tpu.memory_space<hbm>>) target(%arg9 : memref<128x16xf32, #tpu.memory_space<vmem>>) target_semaphore(%arg19 : memref<!tpu.dma_semaphore, #tpu.memory_space<semaphore_mem>>)
    %scan3A_98 = arith.constant 0 : i32
    %scan3A_99 = arith.constant 26 : i32
    %scan3A_100 = arith.addi %scan3A_98, %scan3A_99 : i32
    %scan3A_101 = arith.constant 1 : i32
    scf.for %scan3A_119 = %scan3A_98 to %scan3A_100 step %scan3A_101  : i32 {
      %mul3A_120 = arith.constant 3 : i32
      %mul3A_121 = arith.muli %scan3A_119, %mul3A_120 : i32
      %add3A_122 = arith.constant 0 : i32
      %add3A_123 = arith.addi %add3A_122, %mul3A_121 : i32
      %add3A_124 = arith.constant 0 : i32
      %add3A_125 = arith.addi %add3A_123, %add3A_124 : i32
      %dma_wait3A_126 = arith.constant 0 : i32
      %dma_wait3A_127 = tpu.memref_slice %arg2[%dma_wait3A_126] : memref<640000xi32, #tpu.memory_space<hbm>> -> memref<128xi32, #tpu.memory_space<hbm>>
      %dma_wait3A_128 = arith.constant 0 : i32
      %dma_wait3A_129 = tpu.memref_slice %arg2[%dma_wait3A_128] : memref<640000xi32, #tpu.memory_space<hbm>> -> memref<128xi32, #tpu.memory_space<hbm>>
      tpu.wait_dma2 semaphore(%arg18 : memref<!tpu.dma_semaphore, #tpu.memory_space<semaphore_mem>>) src(%dma_wait3A_129 : memref<128xi32, #tpu.memory_space<hbm>>) dst(%arg5 : memref<128xi32, #tpu.memory_space<vmem>>)
      %dma_wait3A_130 = arith.constant 0 : i32
      %dma_wait3A_131 = arith.constant 0 : i32
      %dma_wait3A_132 = tpu.memref_slice %arg3[%dma_wait3A_130, %dma_wait3A_131] : memref<320000x16xf32, #tpu.memory_space<hbm>> -> memref<128x16xf32, #tpu.memory_space<hbm>>
      %dma_wait3A_133 = arith.constant 0 : i32
      %dma_wait3A_134 = arith.constant 0 : i32
      %dma_wait3A_135 = tpu.memref_slice %arg3[%dma_wait3A_133, %dma_wait3A_134] : memref<320000x16xf32, #tpu.memory_space<hbm>> -> memref<128x16xf32, #tpu.memory_space<hbm>>
      tpu.wait_dma2 semaphore(%arg18 : memref<!tpu.dma_semaphore, #tpu.memory_space<semaphore_mem>>) src(%dma_wait3A_135 : memref<128x16xf32, #tpu.memory_space<hbm>>) dst(%arg8 : memref<128x16xf32, #tpu.memory_space<vmem>>)
      %dma_start3A_136 = arith.constant 0 : i32
      %dma_start3A_137 = arith.constant 0 : i32
      %dma_start3A_138 = tpu.memref_slice %arg16[%dma_start3A_136, %dma_start3A_137] : memref<10000x16xf32, #tpu.memory_space<vmem_shared>> -> memref<10000x16xf32, #tpu.memory_space<vmem_shared>>
      tpu.enqueue_indirect_dma source(%arg8 : memref<128x16xf32, #tpu.memory_space<vmem>>) target(%dma_start3A_138 : memref<10000x16xf32, #tpu.memory_space<vmem_shared>>) offsets(%arg5 : memref<128xi32, #tpu.memory_space<vmem>>) semaphore(%arg21 : memref<!tpu.dma_semaphore, #tpu.memory_space<semaphore_mem>>) {add = true}
      %dma_start3A_139 = arith.constant 0 : i32
      %dma_start3A_140 = arith.constant 0 : i32
      %dma_start3A_141 = tpu.memref_slice %arg17[%dma_start3A_139, %dma_start3A_140] : memref<10000x16xf32, #tpu.memory_space<vmem_shared>> -> memref<10000x16xf32, #tpu.memory_space<vmem_shared>>
      tpu.enqueue_indirect_dma source(%arg11 : memref<128x16xf32, #tpu.memory_space<vmem>>) target(%dma_start3A_141 : memref<10000x16xf32, #tpu.memory_space<vmem_shared>>) offsets(%arg5 : memref<128xi32, #tpu.memory_space<vmem>>) semaphore(%arg21 : memref<!tpu.dma_semaphore, #tpu.memory_space<semaphore_mem>>) {add = true}
      %add3A_142 = arith.constant 2 : i32
      %add3A_143 = arith.addi %add3A_125, %add3A_142 : i32
      %lt3A = arith.constant 78 : i32
      %lt3A_144 = arith.cmpi slt, %add3A_143, %lt3A : i32
      %ge3A = arith.constant 1 : i32
      %ge3A_145 = arith.cmpi sge, %add3A_125, %ge3A : i32
      %and3A = arith.andi %ge3A_145, %lt3A_144 : i1
      %convert_element_type3A_146 = arith.extui %and3A : i1 to i32
      %cond3A_147 = arith.constant 0 : i32
      %cond3A_148 = arith.cmpi ne, %convert_element_type3A_146, %cond3A_147 : i32
      scf.if %cond3A_148 {
        %dma_wait3A_246 = arith.constant 0 : i32
        %dma_wait3A_247 = arith.constant 0 : i32
        %dma_wait3A_248 = tpu.memref_slice %arg16[%dma_wait3A_246, %dma_wait3A_247] : memref<10000x16xf32, #tpu.memory_space<vmem_shared>> -> memref<10000x16xf32, #tpu.memory_space<vmem_shared>>
        tpu.wait_indirect_dma semaphore(%arg23 : memref<!tpu.dma_semaphore, #tpu.memory_space<semaphore_mem>>) src(%arg10 : memref<128x16xf32, #tpu.memory_space<vmem>>) dst(%dma_wait3A_248 : memref<10000x16xf32, #tpu.memory_space<vmem_shared>>)
        %dma_wait3A_249 = arith.constant 0 : i32
        %dma_wait3A_250 = arith.constant 0 : i32
        %dma_wait3A_251 = tpu.memref_slice %arg17[%dma_wait3A_249, %dma_wait3A_250] : memref<10000x16xf32, #tpu.memory_space<vmem_shared>> -> memref<10000x16xf32, #tpu.memory_space<vmem_shared>>
        tpu.wait_indirect_dma semaphore(%arg23 : memref<!tpu.dma_semaphore, #tpu.memory_space<semaphore_mem>>) src(%arg11 : memref<128x16xf32, #tpu.memory_space<vmem>>) dst(%dma_wait3A_251 : memref<10000x16xf32, #tpu.memory_space<vmem_shared>>)
        %add3A_252 = arith.constant 2 : i32
        %add3A_253 = arith.addi %add3A_125, %add3A_252 : i32
        %mul3A_254 = arith.constant 128 : i32
        %mul3A_255 = arith.muli %add3A_253, %mul3A_254 : i32
        %add3A_256 = arith.addi %mul3A_82, %mul3A_255 : i32
        %dma_start3A_257 = tpu.memref_slice %arg2[%add3A_256] : memref<640000xi32, #tpu.memory_space<hbm>> -> memref<128xi32, #tpu.memory_space<hbm>>
        %dma_start3A_258 = tpu.memref_slice %arg2[%add3A_256] : memref<640000xi32, #tpu.memory_space<hbm>> -> memref<128xi32, #tpu.memory_space<hbm>>
        tpu.enqueue_dma source(%dma_start3A_258 : memref<128xi32, #tpu.memory_space<hbm>>) target(%arg7 : memref<128xi32, #tpu.memory_space<vmem>>) target_semaphore(%arg20 : memref<!tpu.dma_semaphore, #tpu.memory_space<semaphore_mem>>)
        %dma_start3A_259 = arith.constant 0 : i32
        %dma_start3A_260 = tpu.memref_slice %arg3[%add3A_256, %dma_start3A_259] : memref<320000x16xf32, #tpu.memory_space<hbm>> -> memref<128x16xf32, #tpu.memory_space<hbm>>
        %dma_start3A_261 = arith.constant 0 : i32
        %dma_start3A_262 = tpu.memref_slice %arg3[%add3A_256, %dma_start3A_261] : memref<320000x16xf32, #tpu.memory_space<hbm>> -> memref<128x16xf32, #tpu.memory_space<hbm>>
        tpu.enqueue_dma source(%dma_start3A_262 : memref<128x16xf32, #tpu.memory_space<hbm>>) target(%arg10 : memref<128x16xf32, #tpu.memory_space<vmem>>) target_semaphore(%arg20 : memref<!tpu.dma_semaphore, #tpu.memory_space<semaphore_mem>>)
      } else {
      }
      %lt3A_149 = arith.constant 1 : i32
      %lt3A_150 = arith.cmpi slt, %add3A_125, %lt3A_149 : i32
      %and3A_151 = arith.andi %lt3A_150, %lt3A_144 : i1
      %convert_element_type3A_152 = arith.extui %and3A_151 : i1 to i32
      %cond3A_153 = arith.constant 0 : i32
      %cond3A_154 = arith.cmpi ne, %convert_element_type3A_152, %cond3A_153 : i32
      scf.if %cond3A_154 {
        %add3A_246 = arith.constant 2 : i32
        %add3A_247 = arith.addi %add3A_125, %add3A_246 : i32
        %mul3A_248 = arith.constant 128 : i32
        %mul3A_249 = arith.muli %add3A_247, %mul3A_248 : i32
        %add3A_250 = arith.addi %mul3A_82, %mul3A_249 : i32
        %dma_start3A_251 = tpu.memref_slice %arg2[%add3A_250] : memref<640000xi32, #tpu.memory_space<hbm>> -> memref<128xi32, #tpu.memory_space<hbm>>
        %dma_start3A_252 = tpu.memref_slice %arg2[%add3A_250] : memref<640000xi32, #tpu.memory_space<hbm>> -> memref<128xi32, #tpu.memory_space<hbm>>
        tpu.enqueue_dma source(%dma_start3A_252 : memref<128xi32, #tpu.memory_space<hbm>>) target(%arg7 : memref<128xi32, #tpu.memory_space<vmem>>) target_semaphore(%arg20 : memref<!tpu.dma_semaphore, #tpu.memory_space<semaphore_mem>>)
        %dma_start3A_253 = arith.constant 0 : i32
        %dma_start3A_254 = tpu.memref_slice %arg3[%add3A_250, %dma_start3A_253] : memref<320000x16xf32, #tpu.memory_space<hbm>> -> memref<128x16xf32, #tpu.memory_space<hbm>>
        %dma_start3A_255 = arith.constant 0 : i32
        %dma_start3A_256 = tpu.memref_slice %arg3[%add3A_250, %dma_start3A_255] : memref<320000x16xf32, #tpu.memory_space<hbm>> -> memref<128x16xf32, #tpu.memory_space<hbm>>
        tpu.enqueue_dma source(%dma_start3A_256 : memref<128x16xf32, #tpu.memory_space<hbm>>) target(%arg10 : memref<128x16xf32, #tpu.memory_space<vmem>>) target_semaphore(%arg20 : memref<!tpu.dma_semaphore, #tpu.memory_space<semaphore_mem>>)
      } else {
      }
      %ge3A_155 = arith.constant 1 : i32
      %ge3A_156 = arith.cmpi sge, %add3A_125, %ge3A_155 : i32
      %not3A = arith.constant true
      %not3A_157 = arith.xori %lt3A_144, %not3A : i1
      %and3A_158 = arith.andi %ge3A_156, %not3A_157 : i1
      %convert_element_type3A_159 = arith.extui %and3A_158 : i1 to i32
      %cond3A_160 = arith.constant 0 : i32
      %cond3A_161 = arith.cmpi ne, %convert_element_type3A_159, %cond3A_160 : i32
      scf.if %cond3A_161 {
        %dma_wait3A_246 = arith.constant 0 : i32
        %dma_wait3A_247 = arith.constant 0 : i32
        %dma_wait3A_248 = tpu.memref_slice %arg16[%dma_wait3A_246, %dma_wait3A_247] : memref<10000x16xf32, #tpu.memory_space<vmem_shared>> -> memref<10000x16xf32, #tpu.memory_space<vmem_shared>>
        tpu.wait_indirect_dma semaphore(%arg23 : memref<!tpu.dma_semaphore, #tpu.memory_space<semaphore_mem>>) src(%arg10 : memref<128x16xf32, #tpu.memory_space<vmem>>) dst(%dma_wait3A_248 : memref<10000x16xf32, #tpu.memory_space<vmem_shared>>)
        %dma_wait3A_249 = arith.constant 0 : i32
        %dma_wait3A_250 = arith.constant 0 : i32
        %dma_wait3A_251 = tpu.memref_slice %arg17[%dma_wait3A_249, %dma_wait3A_250] : memref<10000x16xf32, #tpu.memory_space<vmem_shared>> -> memref<10000x16xf32, #tpu.memory_space<vmem_shared>>
        tpu.wait_indirect_dma semaphore(%arg23 : memref<!tpu.dma_semaphore, #tpu.memory_space<semaphore_mem>>) src(%arg11 : memref<128x16xf32, #tpu.memory_space<vmem>>) dst(%dma_wait3A_251 : memref<10000x16xf32, #tpu.memory_space<vmem_shared>>)
      } else {
      }
      %add3A_162 = arith.constant 1 : i32
      %add3A_163 = arith.addi %add3A_123, %add3A_162 : i32
      %dma_wait3A_164 = arith.constant 0 : i32
      %dma_wait3A_165 = tpu.memref_slice %arg2[%dma_wait3A_164] : memref<640000xi32, #tpu.memory_space<hbm>> -> memref<128xi32, #tpu.memory_space<hbm>>
      %dma_wait3A_166 = arith.constant 0 : i32
      %dma_wait3A_167 = tpu.memref_slice %arg2[%dma_wait3A_166] : memref<640000xi32, #tpu.memory_space<hbm>> -> memref<128xi32, #tpu.memory_space<hbm>>
      tpu.wait_dma2 semaphore(%arg19 : memref<!tpu.dma_semaphore, #tpu.memory_space<semaphore_mem>>) src(%dma_wait3A_167 : memref<128xi32, #tpu.memory_space<hbm>>) dst(%arg6 : memref<128xi32, #tpu.memory_space<vmem>>)
      %dma_wait3A_168 = arith.constant 0 : i32
      %dma_wait3A_169 = arith.constant 0 : i32
      %dma_wait3A_170 = tpu.memref_slice %arg3[%dma_wait3A_168, %dma_wait3A_169] : memref<320000x16xf32, #tpu.memory_space<hbm>> -> memref<128x16xf32, #tpu.memory_space<hbm>>
      %dma_wait3A_171 = arith.constant 0 : i32
      %dma_wait3A_172 = arith.constant 0 : i32
      %dma_wait3A_173 = tpu.memref_slice %arg3[%dma_wait3A_171, %dma_wait3A_172] : memref<320000x16xf32, #tpu.memory_space<hbm>> -> memref<128x16xf32, #tpu.memory_space<hbm>>
      tpu.wait_dma2 semaphore(%arg19 : memref<!tpu.dma_semaphore, #tpu.memory_space<semaphore_mem>>) src(%dma_wait3A_173 : memref<128x16xf32, #tpu.memory_space<hbm>>) dst(%arg9 : memref<128x16xf32, #tpu.memory_space<vmem>>)
      %dma_start3A_174 = arith.constant 0 : i32
      %dma_start3A_175 = arith.constant 0 : i32
      %dma_start3A_176 = tpu.memref_slice %arg16[%dma_start3A_174, %dma_start3A_175] : memref<10000x16xf32, #tpu.memory_space<vmem_shared>> -> memref<10000x16xf32, #tpu.memory_space<vmem_shared>>
      tpu.enqueue_indirect_dma source(%arg9 : memref<128x16xf32, #tpu.memory_space<vmem>>) target(%dma_start3A_176 : memref<10000x16xf32, #tpu.memory_space<vmem_shared>>) offsets(%arg6 : memref<128xi32, #tpu.memory_space<vmem>>) semaphore(%arg22 : memref<!tpu.dma_semaphore, #tpu.memory_space<semaphore_mem>>) {add = true}
      %dma_start3A_177 = arith.constant 0 : i32
      %dma_start3A_178 = arith.constant 0 : i32
      %dma_start3A_179 = tpu.memref_slice %arg17[%dma_start3A_177, %dma_start3A_178] : memref<10000x16xf32, #tpu.memory_space<vmem_shared>> -> memref<10000x16xf32, #tpu.memory_space<vmem_shared>>
      tpu.enqueue_indirect_dma source(%arg11 : memref<128x16xf32, #tpu.memory_space<vmem>>) target(%dma_start3A_179 : memref<10000x16xf32, #tpu.memory_space<vmem_shared>>) offsets(%arg6 : memref<128xi32, #tpu.memory_space<vmem>>) semaphore(%arg22 : memref<!tpu.dma_semaphore, #tpu.memory_space<semaphore_mem>>) {add = true}
      %add3A_180 = arith.constant 2 : i32
      %add3A_181 = arith.addi %add3A_163, %add3A_180 : i32
      %lt3A_182 = arith.constant 78 : i32
      %lt3A_183 = arith.cmpi slt, %add3A_181, %lt3A_182 : i32
      %ge3A_184 = arith.constant 1 : i32
      %ge3A_185 = arith.cmpi sge, %add3A_163, %ge3A_184 : i32
      %and3A_186 = arith.andi %ge3A_185, %lt3A_183 : i1
      %convert_element_type3A_187 = arith.extui %and3A_186 : i1 to i32
      %cond3A_188 = arith.constant 0 : i32
      %cond3A_189 = arith.cmpi ne, %convert_element_type3A_187, %cond3A_188 : i32
      scf.if %cond3A_189 {
        %dma_wait3A_246 = arith.constant 0 : i32
        %dma_wait3A_247 = arith.constant 0 : i32
        %dma_wait3A_248 = tpu.memref_slice %arg16[%dma_wait3A_246, %dma_wait3A_247] : memref<10000x16xf32, #tpu.memory_space<vmem_shared>> -> memref<10000x16xf32, #tpu.memory_space<vmem_shared>>
        tpu.wait_indirect_dma semaphore(%arg21 : memref<!tpu.dma_semaphore, #tpu.memory_space<semaphore_mem>>) src(%arg8 : memref<128x16xf32, #tpu.memory_space<vmem>>) dst(%dma_wait3A_248 : memref<10000x16xf32, #tpu.memory_space<vmem_shared>>)
        %dma_wait3A_249 = arith.constant 0 : i32
        %dma_wait3A_250 = arith.constant 0 : i32
        %dma_wait3A_251 = tpu.memref_slice %arg17[%dma_wait3A_249, %dma_wait3A_250] : memref<10000x16xf32, #tpu.memory_space<vmem_shared>> -> memref<10000x16xf32, #tpu.memory_space<vmem_shared>>
        tpu.wait_indirect_dma semaphore(%arg21 : memref<!tpu.dma_semaphore, #tpu.memory_space<semaphore_mem>>) src(%arg11 : memref<128x16xf32, #tpu.memory_space<vmem>>) dst(%dma_wait3A_251 : memref<10000x16xf32, #tpu.memory_space<vmem_shared>>)
        %add3A_252 = arith.constant 2 : i32
        %add3A_253 = arith.addi %add3A_163, %add3A_252 : i32
        %mul3A_254 = arith.constant 128 : i32
        %mul3A_255 = arith.muli %add3A_253, %mul3A_254 : i32
        %add3A_256 = arith.addi %mul3A_82, %mul3A_255 : i32
        %dma_start3A_257 = tpu.memref_slice %arg2[%add3A_256] : memref<640000xi32, #tpu.memory_space<hbm>> -> memref<128xi32, #tpu.memory_space<hbm>>
        %dma_start3A_258 = tpu.memref_slice %arg2[%add3A_256] : memref<640000xi32, #tpu.memory_space<hbm>> -> memref<128xi32, #tpu.memory_space<hbm>>
        tpu.enqueue_dma source(%dma_start3A_258 : memref<128xi32, #tpu.memory_space<hbm>>) target(%arg5 : memref<128xi32, #tpu.memory_space<vmem>>) target_semaphore(%arg18 : memref<!tpu.dma_semaphore, #tpu.memory_space<semaphore_mem>>)
        %dma_start3A_259 = arith.constant 0 : i32
        %dma_start3A_260 = tpu.memref_slice %arg3[%add3A_256, %dma_start3A_259] : memref<320000x16xf32, #tpu.memory_space<hbm>> -> memref<128x16xf32, #tpu.memory_space<hbm>>
        %dma_start3A_261 = arith.constant 0 : i32
        %dma_start3A_262 = tpu.memref_slice %arg3[%add3A_256, %dma_start3A_261] : memref<320000x16xf32, #tpu.memory_space<hbm>> -> memref<128x16xf32, #tpu.memory_space<hbm>>
        tpu.enqueue_dma source(%dma_start3A_262 : memref<128x16xf32, #tpu.memory_space<hbm>>) target(%arg8 : memref<128x16xf32, #tpu.memory_space<vmem>>) target_semaphore(%arg18 : memref<!tpu.dma_semaphore, #tpu.memory_space<semaphore_mem>>)
      } else {
      }
      %lt3A_190 = arith.constant 1 : i32
      %lt3A_191 = arith.cmpi slt, %add3A_163, %lt3A_190 : i32
      %and3A_192 = arith.andi %lt3A_191, %lt3A_183 : i1
      %convert_element_type3A_193 = arith.extui %and3A_192 : i1 to i32
      %cond3A_194 = arith.constant 0 : i32
      %cond3A_195 = arith.cmpi ne, %convert_element_type3A_193, %cond3A_194 : i32
      scf.if %cond3A_195 {
        %add3A_246 = arith.constant 2 : i32
        %add3A_247 = arith.addi %add3A_163, %add3A_246 : i32
        %mul3A_248 = arith.constant 128 : i32
        %mul3A_249 = arith.muli %add3A_247, %mul3A_248 : i32
        %add3A_250 = arith.addi %mul3A_82, %mul3A_249 : i32
        %dma_start3A_251 = tpu.memref_slice %arg2[%add3A_250] : memref<640000xi32, #tpu.memory_space<hbm>> -> memref<128xi32, #tpu.memory_space<hbm>>
        %dma_start3A_252 = tpu.memref_slice %arg2[%add3A_250] : memref<640000xi32, #tpu.memory_space<hbm>> -> memref<128xi32, #tpu.memory_space<hbm>>
        tpu.enqueue_dma source(%dma_start3A_252 : memref<128xi32, #tpu.memory_space<hbm>>) target(%arg5 : memref<128xi32, #tpu.memory_space<vmem>>) target_semaphore(%arg18 : memref<!tpu.dma_semaphore, #tpu.memory_space<semaphore_mem>>)
        %dma_start3A_253 = arith.constant 0 : i32
        %dma_start3A_254 = tpu.memref_slice %arg3[%add3A_250, %dma_start3A_253] : memref<320000x16xf32, #tpu.memory_space<hbm>> -> memref<128x16xf32, #tpu.memory_space<hbm>>
        %dma_start3A_255 = arith.constant 0 : i32
        %dma_start3A_256 = tpu.memref_slice %arg3[%add3A_250, %dma_start3A_255] : memref<320000x16xf32, #tpu.memory_space<hbm>> -> memref<128x16xf32, #tpu.memory_space<hbm>>
        tpu.enqueue_dma source(%dma_start3A_256 : memref<128x16xf32, #tpu.memory_space<hbm>>) target(%arg8 : memref<128x16xf32, #tpu.memory_space<vmem>>) target_semaphore(%arg18 : memref<!tpu.dma_semaphore, #tpu.memory_space<semaphore_mem>>)
      } else {
      }
      %ge3A_196 = arith.constant 1 : i32
      %ge3A_197 = arith.cmpi sge, %add3A_163, %ge3A_196 : i32
      %not3A_198 = arith.constant true
      %not3A_199 = arith.xori %lt3A_183, %not3A_198 : i1
      %and3A_200 = arith.andi %ge3A_197, %not3A_199 : i1
      %convert_element_type3A_201 = arith.extui %and3A_200 : i1 to i32
      %cond3A_202 = arith.constant 0 : i32
      %cond3A_203 = arith.cmpi ne, %convert_element_type3A_201, %cond3A_202 : i32
      scf.if %cond3A_203 {
        %dma_wait3A_246 = arith.constant 0 : i32
        %dma_wait3A_247 = arith.constant 0 : i32
        %dma_wait3A_248 = tpu.memref_slice %arg16[%dma_wait3A_246, %dma_wait3A_247] : memref<10000x16xf32, #tpu.memory_space<vmem_shared>> -> memref<10000x16xf32, #tpu.memory_space<vmem_shared>>
        tpu.wait_indirect_dma semaphore(%arg21 : memref<!tpu.dma_semaphore, #tpu.memory_space<semaphore_mem>>) src(%arg8 : memref<128x16xf32, #tpu.memory_space<vmem>>) dst(%dma_wait3A_248 : memref<10000x16xf32, #tpu.memory_space<vmem_shared>>)
        %dma_wait3A_249 = arith.constant 0 : i32
        %dma_wait3A_250 = arith.constant 0 : i32
        %dma_wait3A_251 = tpu.memref_slice %arg17[%dma_wait3A_249, %dma_wait3A_250] : memref<10000x16xf32, #tpu.memory_space<vmem_shared>> -> memref<10000x16xf32, #tpu.memory_space<vmem_shared>>
        tpu.wait_indirect_dma semaphore(%arg21 : memref<!tpu.dma_semaphore, #tpu.memory_space<semaphore_mem>>) src(%arg11 : memref<128x16xf32, #tpu.memory_space<vmem>>) dst(%dma_wait3A_251 : memref<10000x16xf32, #tpu.memory_space<vmem_shared>>)
      } else {
      }
      %add3A_204 = arith.constant 2 : i32
      %add3A_205 = arith.addi %add3A_123, %add3A_204 : i32
      %dma_wait3A_206 = arith.constant 0 : i32
      %dma_wait3A_207 = tpu.memref_slice %arg2[%dma_wait3A_206] : memref<640000xi32, #tpu.memory_space<hbm>> -> memref<128xi32, #tpu.memory_space<hbm>>
      %dma_wait3A_208 = arith.constant 0 : i32
      %dma_wait3A_209 = tpu.memref_slice %arg2[%dma_wait3A_208] : memref<640000xi32, #tpu.memory_space<hbm>> -> memref<128xi32, #tpu.memory_space<hbm>>
      tpu.wait_dma2 semaphore(%arg20 : memref<!tpu.dma_semaphore, #tpu.memory_space<semaphore_mem>>) src(%dma_wait3A_209 : memref<128xi32, #tpu.memory_space<hbm>>) dst(%arg7 : memref<128xi32, #tpu.memory_space<vmem>>)
      %dma_wait3A_210 = arith.constant 0 : i32
      %dma_wait3A_211 = arith.constant 0 : i32
      %dma_wait3A_212 = tpu.memref_slice %arg3[%dma_wait3A_210, %dma_wait3A_211] : memref<320000x16xf32, #tpu.memory_space<hbm>> -> memref<128x16xf32, #tpu.memory_space<hbm>>
      %dma_wait3A_213 = arith.constant 0 : i32
      %dma_wait3A_214 = arith.constant 0 : i32
      %dma_wait3A_215 = tpu.memref_slice %arg3[%dma_wait3A_213, %dma_wait3A_214] : memref<320000x16xf32, #tpu.memory_space<hbm>> -> memref<128x16xf32, #tpu.memory_space<hbm>>
      tpu.wait_dma2 semaphore(%arg20 : memref<!tpu.dma_semaphore, #tpu.memory_space<semaphore_mem>>) src(%dma_wait3A_215 : memref<128x16xf32, #tpu.memory_space<hbm>>) dst(%arg10 : memref<128x16xf32, #tpu.memory_space<vmem>>)
      %dma_start3A_216 = arith.constant 0 : i32
      %dma_start3A_217 = arith.constant 0 : i32
      %dma_start3A_218 = tpu.memref_slice %arg16[%dma_start3A_216, %dma_start3A_217] : memref<10000x16xf32, #tpu.memory_space<vmem_shared>> -> memref<10000x16xf32, #tpu.memory_space<vmem_shared>>
      tpu.enqueue_indirect_dma source(%arg10 : memref<128x16xf32, #tpu.memory_space<vmem>>) target(%dma_start3A_218 : memref<10000x16xf32, #tpu.memory_space<vmem_shared>>) offsets(%arg7 : memref<128xi32, #tpu.memory_space<vmem>>) semaphore(%arg23 : memref<!tpu.dma_semaphore, #tpu.memory_space<semaphore_mem>>) {add = true}
      %dma_start3A_219 = arith.constant 0 : i32
      %dma_start3A_220 = arith.constant 0 : i32
      %dma_start3A_221 = tpu.memref_slice %arg17[%dma_start3A_219, %dma_start3A_220] : memref<10000x16xf32, #tpu.memory_space<vmem_shared>> -> memref<10000x16xf32, #tpu.memory_space<vmem_shared>>
      tpu.enqueue_indirect_dma source(%arg11 : memref<128x16xf32, #tpu.memory_space<vmem>>) target(%dma_start3A_221 : memref<10000x16xf32, #tpu.memory_space<vmem_shared>>) offsets(%arg7 : memref<128xi32, #tpu.memory_space<vmem>>) semaphore(%arg23 : memref<!tpu.dma_semaphore, #tpu.memory_space<semaphore_mem>>) {add = true}
      %add3A_222 = arith.constant 2 : i32
      %add3A_223 = arith.addi %add3A_205, %add3A_222 : i32
      %lt3A_224 = arith.constant 78 : i32
      %lt3A_225 = arith.cmpi slt, %add3A_223, %lt3A_224 : i32
      %ge3A_226 = arith.constant 1 : i32
      %ge3A_227 = arith.cmpi sge, %add3A_205, %ge3A_226 : i32
      %and3A_228 = arith.andi %ge3A_227, %lt3A_225 : i1
      %convert_element_type3A_229 = arith.extui %and3A_228 : i1 to i32
      %cond3A_230 = arith.constant 0 : i32
      %cond3A_231 = arith.cmpi ne, %convert_element_type3A_229, %cond3A_230 : i32
      scf.if %cond3A_231 {
        %dma_wait3A_246 = arith.constant 0 : i32
        %dma_wait3A_247 = arith.constant 0 : i32
        %dma_wait3A_248 = tpu.memref_slice %arg16[%dma_wait3A_246, %dma_wait3A_247] : memref<10000x16xf32, #tpu.memory_space<vmem_shared>> -> memref<10000x16xf32, #tpu.memory_space<vmem_shared>>
        tpu.wait_indirect_dma semaphore(%arg22 : memref<!tpu.dma_semaphore, #tpu.memory_space<semaphore_mem>>) src(%arg9 : memref<128x16xf32, #tpu.memory_space<vmem>>) dst(%dma_wait3A_248 : memref<10000x16xf32, #tpu.memory_space<vmem_shared>>)
        %dma_wait3A_249 = arith.constant 0 : i32
        %dma_wait3A_250 = arith.constant 0 : i32
        %dma_wait3A_251 = tpu.memref_slice %arg17[%dma_wait3A_249, %dma_wait3A_250] : memref<10000x16xf32, #tpu.memory_space<vmem_shared>> -> memref<10000x16xf32, #tpu.memory_space<vmem_shared>>
        tpu.wait_indirect_dma semaphore(%arg22 : memref<!tpu.dma_semaphore, #tpu.memory_space<semaphore_mem>>) src(%arg11 : memref<128x16xf32, #tpu.memory_space<vmem>>) dst(%dma_wait3A_251 : memref<10000x16xf32, #tpu.memory_space<vmem_shared>>)
        %add3A_252 = arith.constant 2 : i32
        %add3A_253 = arith.addi %add3A_205, %add3A_252 : i32
        %mul3A_254 = arith.constant 128 : i32
        %mul3A_255 = arith.muli %add3A_253, %mul3A_254 : i32
        %add3A_256 = arith.addi %mul3A_82, %mul3A_255 : i32
        %dma_start3A_257 = tpu.memref_slice %arg2[%add3A_256] : memref<640000xi32, #tpu.memory_space<hbm>> -> memref<128xi32, #tpu.memory_space<hbm>>
        %dma_start3A_258 = tpu.memref_slice %arg2[%add3A_256] : memref<640000xi32, #tpu.memory_space<hbm>> -> memref<128xi32, #tpu.memory_space<hbm>>
        tpu.enqueue_dma source(%dma_start3A_258 : memref<128xi32, #tpu.memory_space<hbm>>) target(%arg6 : memref<128xi32, #tpu.memory_space<vmem>>) target_semaphore(%arg19 : memref<!tpu.dma_semaphore, #tpu.memory_space<semaphore_mem>>)
        %dma_start3A_259 = arith.constant 0 : i32
        %dma_start3A_260 = tpu.memref_slice %arg3[%add3A_256, %dma_start3A_259] : memref<320000x16xf32, #tpu.memory_space<hbm>> -> memref<128x16xf32, #tpu.memory_space<hbm>>
        %dma_start3A_261 = arith.constant 0 : i32
        %dma_start3A_262 = tpu.memref_slice %arg3[%add3A_256, %dma_start3A_261] : memref<320000x16xf32, #tpu.memory_space<hbm>> -> memref<128x16xf32, #tpu.memory_space<hbm>>
        tpu.enqueue_dma source(%dma_start3A_262 : memref<128x16xf32, #tpu.memory_space<hbm>>) target(%arg9 : memref<128x16xf32, #tpu.memory_space<vmem>>) target_semaphore(%arg19 : memref<!tpu.dma_semaphore, #tpu.memory_space<semaphore_mem>>)
      } else {
      }
      %lt3A_232 = arith.constant 1 : i32
      %lt3A_233 = arith.cmpi slt, %add3A_205, %lt3A_232 : i32
      %and3A_234 = arith.andi %lt3A_233, %lt3A_225 : i1
      %convert_element_type3A_235 = arith.extui %and3A_234 : i1 to i32
      %cond3A_236 = arith.constant 0 : i32
      %cond3A_237 = arith.cmpi ne, %convert_element_type3A_235, %cond3A_236 : i32
      scf.if %cond3A_237 {
        %add3A_246 = arith.constant 2 : i32
        %add3A_247 = arith.addi %add3A_205, %add3A_246 : i32
        %mul3A_248 = arith.constant 128 : i32
        %mul3A_249 = arith.muli %add3A_247, %mul3A_248 : i32
        %add3A_250 = arith.addi %mul3A_82, %mul3A_249 : i32
        %dma_start3A_251 = tpu.memref_slice %arg2[%add3A_250] : memref<640000xi32, #tpu.memory_space<hbm>> -> memref<128xi32, #tpu.memory_space<hbm>>
        %dma_start3A_252 = tpu.memref_slice %arg2[%add3A_250] : memref<640000xi32, #tpu.memory_space<hbm>> -> memref<128xi32, #tpu.memory_space<hbm>>
        tpu.enqueue_dma source(%dma_start3A_252 : memref<128xi32, #tpu.memory_space<hbm>>) target(%arg6 : memref<128xi32, #tpu.memory_space<vmem>>) target_semaphore(%arg19 : memref<!tpu.dma_semaphore, #tpu.memory_space<semaphore_mem>>)
        %dma_start3A_253 = arith.constant 0 : i32
        %dma_start3A_254 = tpu.memref_slice %arg3[%add3A_250, %dma_start3A_253] : memref<320000x16xf32, #tpu.memory_space<hbm>> -> memref<128x16xf32, #tpu.memory_space<hbm>>
        %dma_start3A_255 = arith.constant 0 : i32
        %dma_start3A_256 = tpu.memref_slice %arg3[%add3A_250, %dma_start3A_255] : memref<320000x16xf32, #tpu.memory_space<hbm>> -> memref<128x16xf32, #tpu.memory_space<hbm>>
        tpu.enqueue_dma source(%dma_start3A_256 : memref<128x16xf32, #tpu.memory_space<hbm>>) target(%arg9 : memref<128x16xf32, #tpu.memory_space<vmem>>) target_semaphore(%arg19 : memref<!tpu.dma_semaphore, #tpu.memory_space<semaphore_mem>>)
      } else {
      }
      %ge3A_238 = arith.constant 1 : i32
      %ge3A_239 = arith.cmpi sge, %add3A_205, %ge3A_238 : i32
      %not3A_240 = arith.constant true
      %not3A_241 = arith.xori %lt3A_225, %not3A_240 : i1
      %and3A_242 = arith.andi %ge3A_239, %not3A_241 : i1
      %convert_element_type3A_243 = arith.extui %and3A_242 : i1 to i32
      %cond3A_244 = arith.constant 0 : i32
      %cond3A_245 = arith.cmpi ne, %convert_element_type3A_243, %cond3A_244 : i32
      scf.if %cond3A_245 {
        %dma_wait3A_246 = arith.constant 0 : i32
        %dma_wait3A_247 = arith.constant 0 : i32
        %dma_wait3A_248 = tpu.memref_slice %arg16[%dma_wait3A_246, %dma_wait3A_247] : memref<10000x16xf32, #tpu.memory_space<vmem_shared>> -> memref<10000x16xf32, #tpu.memory_space<vmem_shared>>
        tpu.wait_indirect_dma semaphore(%arg22 : memref<!tpu.dma_semaphore, #tpu.memory_space<semaphore_mem>>) src(%arg9 : memref<128x16xf32, #tpu.memory_space<vmem>>) dst(%dma_wait3A_248 : memref<10000x16xf32, #tpu.memory_space<vmem_shared>>)
        %dma_wait3A_249 = arith.constant 0 : i32
        %dma_wait3A_250 = arith.constant 0 : i32
        %dma_wait3A_251 = tpu.memref_slice %arg17[%dma_wait3A_249, %dma_wait3A_250] : memref<10000x16xf32, #tpu.memory_space<vmem_shared>> -> memref<10000x16xf32, #tpu.memory_space<vmem_shared>>
        tpu.wait_indirect_dma semaphore(%arg22 : memref<!tpu.dma_semaphore, #tpu.memory_space<semaphore_mem>>) src(%arg11 : memref<128x16xf32, #tpu.memory_space<vmem>>) dst(%dma_wait3A_251 : memref<10000x16xf32, #tpu.memory_space<vmem_shared>>)
      } else {
      }
    }
    %scan3A_102 = arith.constant 26 : i32
    %add3A_103 = arith.constant 9984 : i32
    %add3A_104 = arith.addi %mul3A_82, %add3A_103 : i32
    "tpu.region"() ({
      %run_scoped3A_119 = tpu.sem_alloc : memref<!tpu.dma_semaphore, #tpu.memory_space<semaphore_mem>>
      %dma_start3A_120 = tpu.memref_slice %arg2[%add3A_104] : memref<640000xi32, #tpu.memory_space<hbm>> -> memref<16xi32, #tpu.memory_space<hbm>>
      %dma_start3A_121 = tpu.memref_slice %arg2[%add3A_104] : memref<640000xi32, #tpu.memory_space<hbm>> -> memref<16xi32, #tpu.memory_space<hbm>>
      tpu.enqueue_dma source(%dma_start3A_121 : memref<16xi32, #tpu.memory_space<hbm>>) target(%arg12 : memref<16xi32, #tpu.memory_space<vmem>>) target_semaphore(%run_scoped3A_119 : memref<!tpu.dma_semaphore, #tpu.memory_space<semaphore_mem>>)
      %dma_wait3A_122 = tpu.memref_slice %arg2[%add3A_104] : memref<640000xi32, #tpu.memory_space<hbm>> -> memref<16xi32, #tpu.memory_space<hbm>>
      %dma_wait3A_123 = tpu.memref_slice %arg2[%add3A_104] : memref<640000xi32, #tpu.memory_space<hbm>> -> memref<16xi32, #tpu.memory_space<hbm>>
      tpu.wait_dma2 semaphore(%run_scoped3A_119 : memref<!tpu.dma_semaphore, #tpu.memory_space<semaphore_mem>>) src(%dma_wait3A_123 : memref<16xi32, #tpu.memory_space<hbm>>) dst(%arg12 : memref<16xi32, #tpu.memory_space<vmem>>)
      tpu.yield
    }) : () -> ()
    "tpu.region"() ({
      %run_scoped3A_119 = tpu.sem_alloc : memref<!tpu.dma_semaphore, #tpu.memory_space<semaphore_mem>>
      %dma_start3A_120 = arith.constant 0 : i32
      %dma_start3A_121 = tpu.memref_slice %arg3[%add3A_104, %dma_start3A_120] : memref<320000x16xf32, #tpu.memory_space<hbm>> -> memref<16x16xf32, #tpu.memory_space<hbm>>
      %dma_start3A_122 = arith.constant 0 : i32
      %dma_start3A_123 = tpu.memref_slice %arg3[%add3A_104, %dma_start3A_122] : memref<320000x16xf32, #tpu.memory_space<hbm>> -> memref<16x16xf32, #tpu.memory_space<hbm>>
      tpu.enqueue_dma source(%dma_start3A_123 : memref<16x16xf32, #tpu.memory_space<hbm>>) target(%arg13 : memref<16x16xf32, #tpu.memory_space<vmem>>) target_semaphore(%run_scoped3A_119 : memref<!tpu.dma_semaphore, #tpu.memory_space<semaphore_mem>>)
      %dma_wait3A_124 = arith.constant 0 : i32
      %dma_wait3A_125 = tpu.memref_slice %arg3[%add3A_104, %dma_wait3A_124] : memref<320000x16xf32, #tpu.memory_space<hbm>> -> memref<16x16xf32, #tpu.memory_space<hbm>>
      %dma_wait3A_126 = arith.constant 0 : i32
      %dma_wait3A_127 = tpu.memref_slice %arg3[%add3A_104, %dma_wait3A_126] : memref<320000x16xf32, #tpu.memory_space<hbm>> -> memref<16x16xf32, #tpu.memory_space<hbm>>
      tpu.wait_dma2 semaphore(%run_scoped3A_119 : memref<!tpu.dma_semaphore, #tpu.memory_space<semaphore_mem>>) src(%dma_wait3A_127 : memref<16x16xf32, #tpu.memory_space<hbm>>) dst(%arg13 : memref<16x16xf32, #tpu.memory_space<vmem>>)
      tpu.yield
    }) : () -> ()
    %dma_wait3A = arith.constant 0 : i32
    %dma_wait3A_105 = arith.constant 0 : i32
    %dma_wait3A_106 = tpu.memref_slice %arg16[%dma_wait3A, %dma_wait3A_105] : memref<10000x16xf32, #tpu.memory_space<vmem_shared>> -> memref<10000x16xf32, #tpu.memory_space<vmem_shared>>
    tpu.wait_indirect_dma semaphore(%arg23 : memref<!tpu.dma_semaphore, #tpu.memory_space<semaphore_mem>>) src(%arg10 : memref<128x16xf32, #tpu.memory_space<vmem>>) dst(%dma_wait3A_106 : memref<10000x16xf32, #tpu.memory_space<vmem_shared>>)
    %dma_wait3A_107 = arith.constant 0 : i32
    %dma_wait3A_108 = arith.constant 0 : i32
    %dma_wait3A_109 = tpu.memref_slice %arg17[%dma_wait3A_107, %dma_wait3A_108] : memref<10000x16xf32, #tpu.memory_space<vmem_shared>> -> memref<10000x16xf32, #tpu.memory_space<vmem_shared>>
    tpu.wait_indirect_dma semaphore(%arg23 : memref<!tpu.dma_semaphore, #tpu.memory_space<semaphore_mem>>) src(%arg11 : memref<128x16xf32, #tpu.memory_space<vmem>>) dst(%dma_wait3A_109 : memref<10000x16xf32, #tpu.memory_space<vmem_shared>>)
    "tpu.region"() ({
      %run_scoped3A_119 = tpu.sem_alloc : memref<!tpu.dma_semaphore, #tpu.memory_space<semaphore_mem>>
      %dma_start3A_120 = arith.constant 0 : i32
      %dma_start3A_121 = arith.constant 0 : i32
      %dma_start3A_122 = tpu.memref_slice %arg16[%dma_start3A_120, %dma_start3A_121] : memref<10000x16xf32, #tpu.memory_space<vmem_shared>> -> memref<10000x16xf32, #tpu.memory_space<vmem_shared>>
      tpu.enqueue_indirect_dma source(%arg13 : memref<16x16xf32, #tpu.memory_space<vmem>>) target(%dma_start3A_122 : memref<10000x16xf32, #tpu.memory_space<vmem_shared>>) offsets(%arg12 : memref<16xi32, #tpu.memory_space<vmem>>) semaphore(%run_scoped3A_119 : memref<!tpu.dma_semaphore, #tpu.memory_space<semaphore_mem>>) {add = true}
      %dma_wait3A_123 = arith.constant 0 : i32
      %dma_wait3A_124 = arith.constant 0 : i32
      %dma_wait3A_125 = tpu.memref_slice %arg16[%dma_wait3A_123, %dma_wait3A_124] : memref<10000x16xf32, #tpu.memory_space<vmem_shared>> -> memref<10000x16xf32, #tpu.memory_space<vmem_shared>>
      tpu.wait_indirect_dma semaphore(%run_scoped3A_119 : memref<!tpu.dma_semaphore, #tpu.memory_space<semaphore_mem>>) src(%arg13 : memref<16x16xf32, #tpu.memory_space<vmem>>) dst(%dma_wait3A_125 : memref<10000x16xf32, #tpu.memory_space<vmem_shared>>)
      tpu.yield
    }) : () -> ()
    "tpu.region"() ({
      %run_scoped3A_119 = tpu.sem_alloc : memref<!tpu.dma_semaphore, #tpu.memory_space<semaphore_mem>>
      %dma_start3A_120 = arith.constant 0 : i32
      %dma_start3A_121 = arith.constant 0 : i32
      %dma_start3A_122 = tpu.memref_slice %arg17[%dma_start3A_120, %dma_start3A_121] : memref<10000x16xf32, #tpu.memory_space<vmem_shared>> -> memref<10000x16xf32, #tpu.memory_space<vmem_shared>>
      tpu.enqueue_indirect_dma source(%arg14 : memref<16x16xf32, #tpu.memory_space<vmem>>) target(%dma_start3A_122 : memref<10000x16xf32, #tpu.memory_space<vmem_shared>>) offsets(%arg12 : memref<16xi32, #tpu.memory_space<vmem>>) semaphore(%run_scoped3A_119 : memref<!tpu.dma_semaphore, #tpu.memory_space<semaphore_mem>>) {add = true}
      %dma_wait3A_123 = arith.constant 0 : i32
      %dma_wait3A_124 = arith.constant 0 : i32
      %dma_wait3A_125 = tpu.memref_slice %arg17[%dma_wait3A_123, %dma_wait3A_124] : memref<10000x16xf32, #tpu.memory_space<vmem_shared>> -> memref<10000x16xf32, #tpu.memory_space<vmem_shared>>
      tpu.wait_indirect_dma semaphore(%run_scoped3A_119 : memref<!tpu.dma_semaphore, #tpu.memory_space<semaphore_mem>>) src(%arg14 : memref<16x16xf32, #tpu.memory_space<vmem>>) dst(%dma_wait3A_125 : memref<10000x16xf32, #tpu.memory_space<vmem_shared>>)
      tpu.yield
    }) : () -> ()
    %barrier3A_110 = arith.constant 0 : index
    tpu.barrier barrier_id(%barrier3A_110)
    %mul3A_111 = arith.constant 624 : i32
    %mul3A_112 = arith.muli %arg1, %mul3A_111 : i32
    %run_scoped3A = arith.constant 0 : i32
    "tpu.region"() ({
      %run_scoped3A_119 = tpu.sem_alloc : memref<!tpu.dma_semaphore, #tpu.memory_space<semaphore_mem>>
      %dma_start3A_120 = arith.constant 0 : i32
      %dma_start3A_121 = tpu.memref_slice %arg4[%arg0, %run_scoped3A, %mul3A_112, %dma_start3A_120] : memref<2x2x10000x16xf32, #tpu.memory_space<hbm>> -> memref<1x1x624x16xf32, #tpu.memory_space<hbm>>
      %dma_start3A_122 = tpu.memref_squeeze %dma_start3A_121 : memref<1x1x624x16xf32, #tpu.memory_space<hbm>> -> memref<624x16xf32, #tpu.memory_space<hbm>>
      %dma_start3A_123 = arith.constant 0 : i32
      %dma_start3A_124 = tpu.memref_slice %arg16[%mul3A_112, %dma_start3A_123] : memref<10000x16xf32, #tpu.memory_space<vmem_shared>> -> memref<624x16xf32, #tpu.memory_space<vmem_shared>>
      tpu.enqueue_dma source(%dma_start3A_124 : memref<624x16xf32, #tpu.memory_space<vmem_shared>>) target(%dma_start3A_122 : memref<624x16xf32, #tpu.memory_space<hbm>>) target_semaphore(%run_scoped3A_119 : memref<!tpu.dma_semaphore, #tpu.memory_space<semaphore_mem>>)
      %dma_wait3A_125 = arith.constant 0 : i32
      %dma_wait3A_126 = tpu.memref_slice %arg4[%arg0, %run_scoped3A, %mul3A_112, %dma_wait3A_125] : memref<2x2x10000x16xf32, #tpu.memory_space<hbm>> -> memref<1x1x624x16xf32, #tpu.memory_space<hbm>>
      %dma_wait3A_127 = tpu.memref_squeeze %dma_wait3A_126 : memref<1x1x624x16xf32, #tpu.memory_space<hbm>> -> memref<624x16xf32, #tpu.memory_space<hbm>>
      %dma_wait3A_128 = arith.constant 0 : i32
      %dma_wait3A_129 = tpu.memref_slice %arg16[%mul3A_112, %dma_wait3A_128] : memref<10000x16xf32, #tpu.memory_space<vmem_shared>> -> memref<624x16xf32, #tpu.memory_space<vmem_shared>>
      tpu.wait_dma2 semaphore(%run_scoped3A_119 : memref<!tpu.dma_semaphore, #tpu.memory_space<semaphore_mem>>) src(%dma_wait3A_129 : memref<624x16xf32, #tpu.memory_space<vmem_shared>>) dst(%dma_wait3A_127 : memref<624x16xf32, #tpu.memory_space<hbm>>)
      tpu.yield
    }) : () -> ()
    %run_scoped3A_113 = arith.constant 1 : i32
    "tpu.region"() ({
      %run_scoped3A_119 = tpu.sem_alloc : memref<!tpu.dma_semaphore, #tpu.memory_space<semaphore_mem>>
      %dma_start3A_120 = arith.constant 0 : i32
      %dma_start3A_121 = tpu.memref_slice %arg4[%arg0, %run_scoped3A_113, %mul3A_112, %dma_start3A_120] : memref<2x2x10000x16xf32, #tpu.memory_space<hbm>> -> memref<1x1x624x16xf32, #tpu.memory_space<hbm>>
      %dma_start3A_122 = tpu.memref_squeeze %dma_start3A_121 : memref<1x1x624x16xf32, #tpu.memory_space<hbm>> -> memref<624x16xf32, #tpu.memory_space<hbm>>
      %dma_start3A_123 = arith.constant 0 : i32
      %dma_start3A_124 = tpu.memref_slice %arg17[%mul3A_112, %dma_start3A_123] : memref<10000x16xf32, #tpu.memory_space<vmem_shared>> -> memref<624x16xf32, #tpu.memory_space<vmem_shared>>
      tpu.enqueue_dma source(%dma_start3A_124 : memref<624x16xf32, #tpu.memory_space<vmem_shared>>) target(%dma_start3A_122 : memref<624x16xf32, #tpu.memory_space<hbm>>) target_semaphore(%run_scoped3A_119 : memref<!tpu.dma_semaphore, #tpu.memory_space<semaphore_mem>>)
      %dma_wait3A_125 = arith.constant 0 : i32
      %dma_wait3A_126 = tpu.memref_slice %arg4[%arg0, %run_scoped3A_113, %mul3A_112, %dma_wait3A_125] : memref<2x2x10000x16xf32, #tpu.memory_space<hbm>> -> memref<1x1x624x16xf32, #tpu.memory_space<hbm>>
      %dma_wait3A_127 = tpu.memref_squeeze %dma_wait3A_126 : memref<1x1x624x16xf32, #tpu.memory_space<hbm>> -> memref<624x16xf32, #tpu.memory_space<hbm>>
      %dma_wait3A_128 = arith.constant 0 : i32
      %dma_wait3A_129 = tpu.memref_slice %arg17[%mul3A_112, %dma_wait3A_128] : memref<10000x16xf32, #tpu.memory_space<vmem_shared>> -> memref<624x16xf32, #tpu.memory_space<vmem_shared>>
      tpu.wait_dma2 semaphore(%run_scoped3A_119 : memref<!tpu.dma_semaphore, #tpu.memory_space<semaphore_mem>>) src(%dma_wait3A_129 : memref<624x16xf32, #tpu.memory_space<vmem_shared>>) dst(%dma_wait3A_127 : memref<624x16xf32, #tpu.memory_space<hbm>>)
      tpu.yield
    }) : () -> ()
    %eq3A_114 = arith.constant 15 : i32
    %eq3A_115 = arith.cmpi eq, %arg1, %eq3A_114 : i32
    %convert_element_type3A_116 = arith.extui %eq3A_115 : i1 to i32
    %cond3A_117 = arith.constant 0 : i32
    %cond3A_118 = arith.cmpi ne, %convert_element_type3A_116, %cond3A_117 : i32
    scf.if %cond3A_118 {
      %run_scoped3A_119 = arith.constant 0 : i32
      "tpu.region"() ({
        %run_scoped3A_121 = tpu.sem_alloc : memref<!tpu.dma_semaphore, #tpu.memory_space<semaphore_mem>>
        %dma_start3A_122 = arith.constant 9984 : i32
        %dma_start3A_123 = arith.constant 0 : i32
        %dma_start3A_124 = tpu.memref_slice %arg4[%arg0, %run_scoped3A_119, %dma_start3A_122, %dma_start3A_123] : memref<2x2x10000x16xf32, #tpu.memory_space<hbm>> -> memref<1x1x16x16xf32, #tpu.memory_space<hbm>>
        %dma_start3A_125 = tpu.memref_squeeze %dma_start3A_124 : memref<1x1x16x16xf32, #tpu.memory_space<hbm>> -> memref<16x16xf32, #tpu.memory_space<hbm>>
        %dma_start3A_126 = arith.constant 9984 : i32
        %dma_start3A_127 = arith.constant 0 : i32
        %dma_start3A_128 = tpu.memref_slice %arg16[%dma_start3A_126, %dma_start3A_127] : memref<10000x16xf32, #tpu.memory_space<vmem_shared>> -> memref<16x16xf32, #tpu.memory_space<vmem_shared>>
        tpu.enqueue_dma source(%dma_start3A_128 : memref<16x16xf32, #tpu.memory_space<vmem_shared>>) target(%dma_start3A_125 : memref<16x16xf32, #tpu.memory_space<hbm>>) target_semaphore(%run_scoped3A_121 : memref<!tpu.dma_semaphore, #tpu.memory_space<semaphore_mem>>)
        %dma_wait3A_129 = arith.constant 9984 : i32
        %dma_wait3A_130 = arith.constant 0 : i32
        %dma_wait3A_131 = tpu.memref_slice %arg4[%arg0, %run_scoped3A_119, %dma_wait3A_129, %dma_wait3A_130] : memref<2x2x10000x16xf32, #tpu.memory_space<hbm>> -> memref<1x1x16x16xf32, #tpu.memory_space<hbm>>
        %dma_wait3A_132 = tpu.memref_squeeze %dma_wait3A_131 : memref<1x1x16x16xf32, #tpu.memory_space<hbm>> -> memref<16x16xf32, #tpu.memory_space<hbm>>
        %dma_wait3A_133 = arith.constant 9984 : i32
        %dma_wait3A_134 = arith.constant 0 : i32
        %dma_wait3A_135 = tpu.memref_slice %arg16[%dma_wait3A_133, %dma_wait3A_134] : memref<10000x16xf32, #tpu.memory_space<vmem_shared>> -> memref<16x16xf32, #tpu.memory_space<vmem_shared>>
        tpu.wait_dma2 semaphore(%run_scoped3A_121 : memref<!tpu.dma_semaphore, #tpu.memory_space<semaphore_mem>>) src(%dma_wait3A_135 : memref<16x16xf32, #tpu.memory_space<vmem_shared>>) dst(%dma_wait3A_132 : memref<16x16xf32, #tpu.memory_space<hbm>>)
        tpu.yield
      }) : () -> ()
      %run_scoped3A_120 = arith.constant 1 : i32
      "tpu.region"() ({
        %run_scoped3A_121 = tpu.sem_alloc : memref<!tpu.dma_semaphore, #tpu.memory_space<semaphore_mem>>
        %dma_start3A_122 = arith.constant 9984 : i32
        %dma_start3A_123 = arith.constant 0 : i32
        %dma_start3A_124 = tpu.memref_slice %arg4[%arg0, %run_scoped3A_120, %dma_start3A_122, %dma_start3A_123] : memref<2x2x10000x16xf32, #tpu.memory_space<hbm>> -> memref<1x1x16x16xf32, #tpu.memory_space<hbm>>
        %dma_start3A_125 = tpu.memref_squeeze %dma_start3A_124 : memref<1x1x16x16xf32, #tpu.memory_space<hbm>> -> memref<16x16xf32, #tpu.memory_space<hbm>>
        %dma_start3A_126 = arith.constant 9984 : i32
        %dma_start3A_127 = arith.constant 0 : i32
        %dma_start3A_128 = tpu.memref_slice %arg17[%dma_start3A_126, %dma_start3A_127] : memref<10000x16xf32, #tpu.memory_space<vmem_shared>> -> memref<16x16xf32, #tpu.memory_space<vmem_shared>>
        tpu.enqueue_dma source(%dma_start3A_128 : memref<16x16xf32, #tpu.memory_space<vmem_shared>>) target(%dma_start3A_125 : memref<16x16xf32, #tpu.memory_space<hbm>>) target_semaphore(%run_scoped3A_121 : memref<!tpu.dma_semaphore, #tpu.memory_space<semaphore_mem>>)
        %dma_wait3A_129 = arith.constant 9984 : i32
        %dma_wait3A_130 = arith.constant 0 : i32
        %dma_wait3A_131 = tpu.memref_slice %arg4[%arg0, %run_scoped3A_120, %dma_wait3A_129, %dma_wait3A_130] : memref<2x2x10000x16xf32, #tpu.memory_space<hbm>> -> memref<1x1x16x16xf32, #tpu.memory_space<hbm>>
        %dma_wait3A_132 = tpu.memref_squeeze %dma_wait3A_131 : memref<1x1x16x16xf32, #tpu.memory_space<hbm>> -> memref<16x16xf32, #tpu.memory_space<hbm>>
        %dma_wait3A_133 = arith.constant 9984 : i32
        %dma_wait3A_134 = arith.constant 0 : i32
        %dma_wait3A_135 = tpu.memref_slice %arg17[%dma_wait3A_133, %dma_wait3A_134] : memref<10000x16xf32, #tpu.memory_space<vmem_shared>> -> memref<16x16xf32, #tpu.memory_space<vmem_shared>>
        tpu.wait_dma2 semaphore(%run_scoped3A_121 : memref<!tpu.dma_semaphore, #tpu.memory_space<semaphore_mem>>) src(%dma_wait3A_135 : memref<16x16xf32, #tpu.memory_space<vmem_shared>>) dst(%dma_wait3A_132 : memref<16x16xf32, #tpu.memory_space<hbm>>)
        tpu.yield
      }) : () -> ()
    } else {
    }
    return
  }
}

module attributes {stable_mosaic.version = 14 : i64} {
  func.func @body(%arg0: i32, %arg1: memref<2x2000x128xbf16, #tpu.memory_space<vmem>>, %arg2: memref<2000x128xf32, #tpu.memory_space<vmem>>, %arg3: memref<2x2x2000x16xf32, #tpu.memory_space<vmem>>, %arg4: memref<128x256xf32, #tpu.memory_space<vmem>>, %arg5: memref<16x256xf32, #tpu.memory_space<vmem>>, %arg6: memref<1x256xf32, #tpu.memory_space<vmem>>, %arg7: memref<1x256xf32, #tpu.memory_space<vmem>>, %arg8: memref<256x128xf32, #tpu.memory_space<vmem>>, %arg9: memref<1x128xf32, #tpu.memory_space<vmem>>, %arg10: memref<2000x128xf32, #tpu.memory_space<vmem>>) attributes {dimension_semantics = [#tpu.dimension_semantics<arbitrary>], iteration_bounds = array<i64: 5>, scalar_prefetch = 0 : i64, scratch_operands = 0 : i64, tpu.core_type = #tpu.core_type<tc>, window_params = [{transform_indices = @transform_0, window_bounds = array<i64: 2, 2000, 128>}, {transform_indices = @transform_1, window_bounds = array<i64: 2000, 128>}, {transform_indices = @transform_2, window_bounds = array<i64: 2, 2, 2000, 16>}, {pipeline_mode = #tpu.pipeline_mode<synchronous>, transform_indices = @transform_3, window_bounds = array<i64: 128, 256>}, {pipeline_mode = #tpu.pipeline_mode<synchronous>, transform_indices = @transform_4, window_bounds = array<i64: 16, 256>}, {pipeline_mode = #tpu.pipeline_mode<synchronous>, transform_indices = @transform_5, window_bounds = array<i64: 1, 256>}, {pipeline_mode = #tpu.pipeline_mode<synchronous>, transform_indices = @transform_6, window_bounds = array<i64: 1, 256>}, {pipeline_mode = #tpu.pipeline_mode<synchronous>, transform_indices = @transform_7, window_bounds = array<i64: 256, 128>}, {pipeline_mode = #tpu.pipeline_mode<synchronous>, transform_indices = @transform_8, window_bounds = array<i64: 1, 128>}, {transform_indices = @transform_9, window_bounds = array<i64: 2000, 128>}]} {
    %get3A = arith.constant 0 : index
    %get3A_0 = arith.constant 0 : index
    %get3A_1 = arith.constant 0 : index
    %get3A_2 = vector.load %arg1[%get3A, %get3A_0, %get3A_1] : memref<2x2000x128xbf16, #tpu.memory_space<vmem>>, vector<1x2000x128xbf16>
    %get3A_3 = vector.shape_cast %get3A_2 : vector<1x2000x128xbf16> to vector<2000x128xbf16>
    %convert_element_type3A = arith.extf %get3A_3 : vector<2000x128xbf16> to vector<2000x128xf32>
    %get3A_4 = arith.constant 1 : index
    %get3A_5 = arith.constant 0 : index
    %get3A_6 = arith.constant 0 : index
    %get3A_7 = vector.load %arg1[%get3A_4, %get3A_5, %get3A_6] : memref<2x2000x128xbf16, #tpu.memory_space<vmem>>, vector<1x2000x128xbf16>
    %get3A_8 = vector.shape_cast %get3A_7 : vector<1x2000x128xbf16> to vector<2000x128xbf16>
    %convert_element_type3A_9 = arith.extf %get3A_8 : vector<2000x128xbf16> to vector<2000x128xf32>
    %add3A = arith.addf %convert_element_type3A, %convert_element_type3A_9 : vector<2000x128xf32>
    %get3A_10 = arith.constant 0 : index
    %get3A_11 = arith.constant 0 : index
    %get3A_12 = vector.load %arg2[%get3A_10, %get3A_11] : memref<2000x128xf32, #tpu.memory_space<vmem>>, vector<2000x128xf32>
    %add3A_13 = arith.addf %add3A, %get3A_12 : vector<2000x128xf32>
    %get3A_14 = arith.constant 0 : index
    %get3A_15 = arith.constant 0 : index
    %get3A_16 = arith.constant 0 : index
    %get3A_17 = arith.constant 0 : index
    %get3A_18 = vector.load %arg3[%get3A_14, %get3A_15, %get3A_16, %get3A_17] : memref<2x2x2000x16xf32, #tpu.memory_space<vmem>>, vector<1x1x2000x16xf32>
    %get3A_19 = vector.shape_cast %get3A_18 : vector<1x1x2000x16xf32> to vector<2000x16xf32>
    %get3A_20 = arith.constant 1 : index
    %get3A_21 = arith.constant 0 : index
    %get3A_22 = arith.constant 0 : index
    %get3A_23 = arith.constant 0 : index
    %get3A_24 = vector.load %arg3[%get3A_20, %get3A_21, %get3A_22, %get3A_23] : memref<2x2x2000x16xf32, #tpu.memory_space<vmem>>, vector<1x1x2000x16xf32>
    %get3A_25 = vector.shape_cast %get3A_24 : vector<1x1x2000x16xf32> to vector<2000x16xf32>
    %add3A_26 = arith.addf %get3A_19, %get3A_25 : vector<2000x16xf32>
    %get3A_27 = arith.constant 0 : index
    %get3A_28 = arith.constant 1 : index
    %get3A_29 = arith.constant 0 : index
    %get3A_30 = arith.constant 0 : index
    %get3A_31 = vector.load %arg3[%get3A_27, %get3A_28, %get3A_29, %get3A_30] : memref<2x2x2000x16xf32, #tpu.memory_space<vmem>>, vector<1x1x2000x16xf32>
    %get3A_32 = vector.shape_cast %get3A_31 : vector<1x1x2000x16xf32> to vector<2000x16xf32>
    %get3A_33 = arith.constant 1 : index
    %get3A_34 = arith.constant 1 : index
    %get3A_35 = arith.constant 0 : index
    %get3A_36 = arith.constant 0 : index
    %get3A_37 = vector.load %arg3[%get3A_33, %get3A_34, %get3A_35, %get3A_36] : memref<2x2x2000x16xf32, #tpu.memory_space<vmem>>, vector<1x1x2000x16xf32>
    %get3A_38 = vector.shape_cast %get3A_37 : vector<1x1x2000x16xf32> to vector<2000x16xf32>
    %add3A_39 = arith.addf %get3A_32, %get3A_38 : vector<2000x16xf32>
    %slice3A = vector.extract_strided_slice %add3A_39 {offsets = [0, 0], sizes = [2000, 1], strides = [1, 1]} : vector<2000x16xf32> to vector<2000x1xf32>
    %convert_element_type3A_40 = arith.truncf %add3A_13 : vector<2000x128xf32> to vector<2000x128xbf16>
    %get3A_41 = arith.constant 0 : index
    %get3A_42 = arith.constant 0 : index
    %get3A_43 = vector.load %arg4[%get3A_41, %get3A_42] : memref<128x256xf32, #tpu.memory_space<vmem>>, vector<128x256xf32>
    %convert_element_type3A_44 = arith.truncf %get3A_43 : vector<128x256xf32> to vector<128x256xbf16>
    %dot_general3A = arith.constant dense<0.000000e+00> : vector<2000x256xf32>
    %dot_general3A_45 = tpu.matmul %convert_element_type3A_40, %convert_element_type3A_44, %dot_general3A {dimension_numbers = #tpu.dot_dimension_numbers<[1], [0], [0], [1], [0, 0, 1, 1], [], []>, transpose_lhs_hint = false} : vector<2000x128xbf16>, vector<128x256xbf16>, vector<2000x256xf32> -> vector<2000x256xf32>
    %get3A_46 = arith.constant 0 : index
    %get3A_47 = arith.constant 0 : index
    %get3A_48 = vector.load %arg5[%get3A_46, %get3A_47] : memref<16x256xf32, #tpu.memory_space<vmem>>, vector<16x256xf32>
    %dot_general3A_49 = arith.constant dense<0.000000e+00> : vector<2000x256xf32>
    %dot_general3A_50 = tpu.matmul %add3A_26, %get3A_48, %dot_general3A_49 {dimension_numbers = #tpu.dot_dimension_numbers<[1], [0], [0], [1], [0, 0, 1, 1], [], []>, transpose_lhs_hint = false} : vector<2000x16xf32>, vector<16x256xf32>, vector<2000x256xf32> -> vector<2000x256xf32>
    %add3A_51 = arith.addf %dot_general3A_45, %dot_general3A_50 : vector<2000x256xf32>
    %get3A_52 = arith.constant 0 : index
    %get3A_53 = arith.constant 0 : index
    %get3A_54 = vector.load %arg6[%get3A_52, %get3A_53] : memref<1x256xf32, #tpu.memory_space<vmem>>, vector<1x256xf32>
    %mul3A = vector.broadcast %slice3A : vector<2000x1xf32> to vector<2000x256xf32>
    %mul3A_55 = vector.broadcast %get3A_54 : vector<1x256xf32> to vector<2000x256xf32>
    %mul3A_56 = arith.mulf %mul3A, %mul3A_55 : vector<2000x256xf32>
    %add3A_57 = arith.addf %add3A_51, %mul3A_56 : vector<2000x256xf32>
    %get3A_58 = arith.constant 0 : index
    %get3A_59 = arith.constant 0 : index
    %get3A_60 = vector.load %arg7[%get3A_58, %get3A_59] : memref<1x256xf32, #tpu.memory_space<vmem>>, vector<1x256xf32>
    %add3A_61 = vector.broadcast %get3A_60 : vector<1x256xf32> to vector<2000x256xf32>
    %add3A_62 = arith.addf %add3A_57, %add3A_61 : vector<2000x256xf32>
    %max3A = arith.constant 0.000000e+00 : f32
    %max3A_63 = vector.broadcast %max3A : f32 to vector<2000x256xf32>
    %max3A_64 = arith.maximumf %add3A_62, %max3A_63 : vector<2000x256xf32>
    %convert_element_type3A_65 = arith.truncf %max3A_64 : vector<2000x256xf32> to vector<2000x256xbf16>
    %get3A_66 = arith.constant 0 : index
    %get3A_67 = arith.constant 0 : index
    %get3A_68 = vector.load %arg8[%get3A_66, %get3A_67] : memref<256x128xf32, #tpu.memory_space<vmem>>, vector<256x128xf32>
    %convert_element_type3A_69 = arith.truncf %get3A_68 : vector<256x128xf32> to vector<256x128xbf16>
    %dot_general3A_70 = arith.constant dense<0.000000e+00> : vector<2000x128xf32>
    %dot_general3A_71 = tpu.matmul %convert_element_type3A_65, %convert_element_type3A_69, %dot_general3A_70 {dimension_numbers = #tpu.dot_dimension_numbers<[1], [0], [0], [1], [0, 0, 1, 1], [], []>, transpose_lhs_hint = false} : vector<2000x256xbf16>, vector<256x128xbf16>, vector<2000x128xf32> -> vector<2000x128xf32>
    %get3A_72 = arith.constant 0 : index
    %get3A_73 = arith.constant 0 : index
    %get3A_74 = vector.load %arg9[%get3A_72, %get3A_73] : memref<1x128xf32, #tpu.memory_space<vmem>>, vector<1x128xf32>
    %add3A_75 = vector.broadcast %get3A_74 : vector<1x128xf32> to vector<2000x128xf32>
    %add3A_76 = arith.addf %dot_general3A_71, %add3A_75 : vector<2000x128xf32>
    %max3A_77 = arith.constant 0.000000e+00 : f32
    %max3A_78 = vector.broadcast %max3A_77 : f32 to vector<2000x128xf32>
    %max3A_79 = arith.maximumf %add3A_76, %max3A_78 : vector<2000x128xf32>
    %swap3A = arith.constant 0 : index
    %swap3A_80 = arith.constant 0 : index
    %swap3A_81 = vector.load %arg10[%swap3A, %swap3A_80] : memref<2000x128xf32, #tpu.memory_space<vmem>>, vector<2000x128xf32>
    tpu.vector_store %arg10[%swap3A, %swap3A_80], %max3A_79 {strides = array<i32>} : memref<2000x128xf32, #tpu.memory_space<vmem>>, vector<2000x128xf32>,
    return
  }
  func.func @transform_0(%arg0: i32) -> (i32, i32, i32) {
    %c0_i32 = arith.constant 0 : i32
    %c0_i32_0 = arith.constant 0 : i32
    %c0_i32_1 = arith.constant 0 : i32
    return %c0_i32, %arg0, %c0_i32_0 : i32, i32, i32
  }
  func.func @transform_1(%arg0: i32) -> (i32, i32) {
    %c0_i32 = arith.constant 0 : i32
    %c0_i32_0 = arith.constant 0 : i32
    return %arg0, %c0_i32 : i32, i32
  }
  func.func @transform_2(%arg0: i32) -> (i32, i32, i32, i32) {
    %c0_i32 = arith.constant 0 : i32
    %c0_i32_0 = arith.constant 0 : i32
    %c0_i32_1 = arith.constant 0 : i32
    %c0_i32_2 = arith.constant 0 : i32
    return %c0_i32, %c0_i32_0, %arg0, %c0_i32_1 : i32, i32, i32, i32
  }
  func.func @transform_3(%arg0: i32) -> (i32, i32) {
    %c0_i32 = arith.constant 0 : i32
    %c0_i32_0 = arith.constant 0 : i32
    %c0_i32_1 = arith.constant 0 : i32
    return %c0_i32, %c0_i32_0 : i32, i32
  }
  func.func @transform_4(%arg0: i32) -> (i32, i32) {
    %c0_i32 = arith.constant 0 : i32
    %c0_i32_0 = arith.constant 0 : i32
    %c0_i32_1 = arith.constant 0 : i32
    return %c0_i32, %c0_i32_0 : i32, i32
  }
  func.func @transform_5(%arg0: i32) -> (i32, i32) {
    %c0_i32 = arith.constant 0 : i32
    %c0_i32_0 = arith.constant 0 : i32
    %c0_i32_1 = arith.constant 0 : i32
    return %c0_i32, %c0_i32_0 : i32, i32
  }
  func.func @transform_6(%arg0: i32) -> (i32, i32) {
    %c0_i32 = arith.constant 0 : i32
    %c0_i32_0 = arith.constant 0 : i32
    %c0_i32_1 = arith.constant 0 : i32
    return %c0_i32, %c0_i32_0 : i32, i32
  }
  func.func @transform_7(%arg0: i32) -> (i32, i32) {
    %c0_i32 = arith.constant 0 : i32
    %c0_i32_0 = arith.constant 0 : i32
    %c0_i32_1 = arith.constant 0 : i32
    return %c0_i32, %c0_i32_0 : i32, i32
  }
  func.func @transform_8(%arg0: i32) -> (i32, i32) {
    %c0_i32 = arith.constant 0 : i32
    %c0_i32_0 = arith.constant 0 : i32
    %c0_i32_1 = arith.constant 0 : i32
    return %c0_i32, %c0_i32_0 : i32, i32
  }
  func.func @transform_9(%arg0: i32) -> (i32, i32) {
    %c0_i32 = arith.constant 0 : i32
    %c0_i32_0 = arith.constant 0 : i32
    return %arg0, %c0_i32 : i32, i32
  }
}

module attributes {stable_mosaic.version = 14 : i64} {
  func.func @body(%arg0: i32, %arg1: memref<2x2000x128xbf16, #tpu.memory_space<vmem>>, %arg2: memref<2000x128xf32, #tpu.memory_space<vmem>>, %arg3: memref<2x2x2000x16xf32, #tpu.memory_space<vmem>>, %arg4: memref<128x256xf32, #tpu.memory_space<vmem>>, %arg5: memref<16x256xf32, #tpu.memory_space<vmem>>, %arg6: memref<1x256xf32, #tpu.memory_space<vmem>>, %arg7: memref<1x256xf32, #tpu.memory_space<vmem>>, %arg8: memref<256x128xf32, #tpu.memory_space<vmem>>, %arg9: memref<1x128xf32, #tpu.memory_space<vmem>>, %arg10: memref<2000x128xf32, #tpu.memory_space<vmem>>) attributes {dimension_semantics = [#tpu.dimension_semantics<arbitrary>], iteration_bounds = array<i64: 5>, scalar_prefetch = 0 : i64, scratch_operands = 0 : i64, tpu.core_type = #tpu.core_type<tc>, window_params = [{transform_indices = @transform_0, window_bounds = array<i64: 2, 2000, 128>}, {transform_indices = @transform_1, window_bounds = array<i64: 2000, 128>}, {transform_indices = @transform_2, window_bounds = array<i64: 2, 2, 2000, 16>}, {pipeline_mode = #tpu.pipeline_mode<synchronous>, transform_indices = @transform_3, window_bounds = array<i64: 128, 256>}, {pipeline_mode = #tpu.pipeline_mode<synchronous>, transform_indices = @transform_4, window_bounds = array<i64: 16, 256>}, {pipeline_mode = #tpu.pipeline_mode<synchronous>, transform_indices = @transform_5, window_bounds = array<i64: 1, 256>}, {pipeline_mode = #tpu.pipeline_mode<synchronous>, transform_indices = @transform_6, window_bounds = array<i64: 1, 256>}, {pipeline_mode = #tpu.pipeline_mode<synchronous>, transform_indices = @transform_7, window_bounds = array<i64: 256, 128>}, {pipeline_mode = #tpu.pipeline_mode<synchronous>, transform_indices = @transform_8, window_bounds = array<i64: 1, 128>}, {transform_indices = @transform_9, window_bounds = array<i64: 2000, 128>}]} {
    %get3A = arith.constant 0 : index
    %get3A_0 = arith.constant 0 : index
    %get3A_1 = arith.constant 0 : index
    %get3A_2 = vector.load %arg1[%get3A, %get3A_0, %get3A_1] : memref<2x2000x128xbf16, #tpu.memory_space<vmem>>, vector<1x2000x128xbf16>
    %get3A_3 = vector.shape_cast %get3A_2 : vector<1x2000x128xbf16> to vector<2000x128xbf16>
    %convert_element_type3A = arith.extf %get3A_3 : vector<2000x128xbf16> to vector<2000x128xf32>
    %get3A_4 = arith.constant 1 : index
    %get3A_5 = arith.constant 0 : index
    %get3A_6 = arith.constant 0 : index
    %get3A_7 = vector.load %arg1[%get3A_4, %get3A_5, %get3A_6] : memref<2x2000x128xbf16, #tpu.memory_space<vmem>>, vector<1x2000x128xbf16>
    %get3A_8 = vector.shape_cast %get3A_7 : vector<1x2000x128xbf16> to vector<2000x128xbf16>
    %convert_element_type3A_9 = arith.extf %get3A_8 : vector<2000x128xbf16> to vector<2000x128xf32>
    %add3A = arith.addf %convert_element_type3A, %convert_element_type3A_9 : vector<2000x128xf32>
    %get3A_10 = arith.constant 0 : index
    %get3A_11 = arith.constant 0 : index
    %get3A_12 = vector.load %arg2[%get3A_10, %get3A_11] : memref<2000x128xf32, #tpu.memory_space<vmem>>, vector<2000x128xf32>
    %add3A_13 = arith.addf %add3A, %get3A_12 : vector<2000x128xf32>
    %get3A_14 = arith.constant 0 : index
    %get3A_15 = arith.constant 0 : index
    %get3A_16 = arith.constant 0 : index
    %get3A_17 = arith.constant 0 : index
    %get3A_18 = vector.load %arg3[%get3A_14, %get3A_15, %get3A_16, %get3A_17] : memref<2x2x2000x16xf32, #tpu.memory_space<vmem>>, vector<1x1x2000x16xf32>
    %get3A_19 = vector.shape_cast %get3A_18 : vector<1x1x2000x16xf32> to vector<2000x16xf32>
    %get3A_20 = arith.constant 1 : index
    %get3A_21 = arith.constant 0 : index
    %get3A_22 = arith.constant 0 : index
    %get3A_23 = arith.constant 0 : index
    %get3A_24 = vector.load %arg3[%get3A_20, %get3A_21, %get3A_22, %get3A_23] : memref<2x2x2000x16xf32, #tpu.memory_space<vmem>>, vector<1x1x2000x16xf32>
    %get3A_25 = vector.shape_cast %get3A_24 : vector<1x1x2000x16xf32> to vector<2000x16xf32>
    %add3A_26 = arith.addf %get3A_19, %get3A_25 : vector<2000x16xf32>
    %get3A_27 = arith.constant 0 : index
    %get3A_28 = arith.constant 1 : index
    %get3A_29 = arith.constant 0 : index
    %get3A_30 = arith.constant 0 : index
    %get3A_31 = vector.load %arg3[%get3A_27, %get3A_28, %get3A_29, %get3A_30] : memref<2x2x2000x16xf32, #tpu.memory_space<vmem>>, vector<1x1x2000x16xf32>
    %get3A_32 = vector.shape_cast %get3A_31 : vector<1x1x2000x16xf32> to vector<2000x16xf32>
    %get3A_33 = arith.constant 1 : index
    %get3A_34 = arith.constant 1 : index
    %get3A_35 = arith.constant 0 : index
    %get3A_36 = arith.constant 0 : index
    %get3A_37 = vector.load %arg3[%get3A_33, %get3A_34, %get3A_35, %get3A_36] : memref<2x2x2000x16xf32, #tpu.memory_space<vmem>>, vector<1x1x2000x16xf32>
    %get3A_38 = vector.shape_cast %get3A_37 : vector<1x1x2000x16xf32> to vector<2000x16xf32>
    %add3A_39 = arith.addf %get3A_32, %get3A_38 : vector<2000x16xf32>
    %slice3A = vector.extract_strided_slice %add3A_39 {offsets = [0, 0], sizes = [2000, 1], strides = [1, 1]} : vector<2000x16xf32> to vector<2000x1xf32>
    %convert_element_type3A_40 = arith.truncf %add3A_13 : vector<2000x128xf32> to vector<2000x128xbf16>
    %get3A_41 = arith.constant 0 : index
    %get3A_42 = arith.constant 0 : index
    %get3A_43 = vector.load %arg4[%get3A_41, %get3A_42] : memref<128x256xf32, #tpu.memory_space<vmem>>, vector<128x256xf32>
    %convert_element_type3A_44 = arith.truncf %get3A_43 : vector<128x256xf32> to vector<128x256xbf16>
    %dot_general3A = arith.constant dense<0.000000e+00> : vector<2000x256xf32>
    %dot_general3A_45 = tpu.matmul %convert_element_type3A_40, %convert_element_type3A_44, %dot_general3A {dimension_numbers = #tpu.dot_dimension_numbers<[1], [0], [0], [1], [0, 0, 1, 1], [], []>, transpose_lhs_hint = false} : vector<2000x128xbf16>, vector<128x256xbf16>, vector<2000x256xf32> -> vector<2000x256xf32>
    %get3A_46 = arith.constant 0 : index
    %get3A_47 = arith.constant 0 : index
    %get3A_48 = vector.load %arg5[%get3A_46, %get3A_47] : memref<16x256xf32, #tpu.memory_space<vmem>>, vector<16x256xf32>
    %dot_general3A_49 = arith.constant dense<0.000000e+00> : vector<2000x256xf32>
    %dot_general3A_50 = tpu.matmul %add3A_26, %get3A_48, %dot_general3A_49 {dimension_numbers = #tpu.dot_dimension_numbers<[1], [0], [0], [1], [0, 0, 1, 1], [], []>, transpose_lhs_hint = false} : vector<2000x16xf32>, vector<16x256xf32>, vector<2000x256xf32> -> vector<2000x256xf32>
    %add3A_51 = arith.addf %dot_general3A_45, %dot_general3A_50 : vector<2000x256xf32>
    %get3A_52 = arith.constant 0 : index
    %get3A_53 = arith.constant 0 : index
    %get3A_54 = vector.load %arg6[%get3A_52, %get3A_53] : memref<1x256xf32, #tpu.memory_space<vmem>>, vector<1x256xf32>
    %mul3A = vector.broadcast %slice3A : vector<2000x1xf32> to vector<2000x256xf32>
    %mul3A_55 = vector.broadcast %get3A_54 : vector<1x256xf32> to vector<2000x256xf32>
    %mul3A_56 = arith.mulf %mul3A, %mul3A_55 : vector<2000x256xf32>
    %add3A_57 = arith.addf %add3A_51, %mul3A_56 : vector<2000x256xf32>
    %get3A_58 = arith.constant 0 : index
    %get3A_59 = arith.constant 0 : index
    %get3A_60 = vector.load %arg7[%get3A_58, %get3A_59] : memref<1x256xf32, #tpu.memory_space<vmem>>, vector<1x256xf32>
    %add3A_61 = vector.broadcast %get3A_60 : vector<1x256xf32> to vector<2000x256xf32>
    %add3A_62 = arith.addf %add3A_57, %add3A_61 : vector<2000x256xf32>
    %max3A = arith.constant 0.000000e+00 : f32
    %max3A_63 = vector.broadcast %max3A : f32 to vector<2000x256xf32>
    %max3A_64 = arith.maximumf %add3A_62, %max3A_63 : vector<2000x256xf32>
    %convert_element_type3A_65 = arith.truncf %max3A_64 : vector<2000x256xf32> to vector<2000x256xbf16>
    %get3A_66 = arith.constant 0 : index
    %get3A_67 = arith.constant 0 : index
    %get3A_68 = vector.load %arg8[%get3A_66, %get3A_67] : memref<256x128xf32, #tpu.memory_space<vmem>>, vector<256x128xf32>
    %convert_element_type3A_69 = arith.truncf %get3A_68 : vector<256x128xf32> to vector<256x128xbf16>
    %dot_general3A_70 = arith.constant dense<0.000000e+00> : vector<2000x128xf32>
    %dot_general3A_71 = tpu.matmul %convert_element_type3A_65, %convert_element_type3A_69, %dot_general3A_70 {dimension_numbers = #tpu.dot_dimension_numbers<[1], [0], [0], [1], [0, 0, 1, 1], [], []>, transpose_lhs_hint = false} : vector<2000x256xbf16>, vector<256x128xbf16>, vector<2000x128xf32> -> vector<2000x128xf32>
    %get3A_72 = arith.constant 0 : index
    %get3A_73 = arith.constant 0 : index
    %get3A_74 = vector.load %arg9[%get3A_72, %get3A_73] : memref<1x128xf32, #tpu.memory_space<vmem>>, vector<1x128xf32>
    %add3A_75 = vector.broadcast %get3A_74 : vector<1x128xf32> to vector<2000x128xf32>
    %add3A_76 = arith.addf %dot_general3A_71, %add3A_75 : vector<2000x128xf32>
    %swap3A = arith.constant 0 : index
    %swap3A_77 = arith.constant 0 : index
    %swap3A_78 = vector.load %arg10[%swap3A, %swap3A_77] : memref<2000x128xf32, #tpu.memory_space<vmem>>, vector<2000x128xf32>
    tpu.vector_store %arg10[%swap3A, %swap3A_77], %add3A_76 {strides = array<i32>} : memref<2000x128xf32, #tpu.memory_space<vmem>>, vector<2000x128xf32>,
    return
  }
  func.func @transform_0(%arg0: i32) -> (i32, i32, i32) {
    %c0_i32 = arith.constant 0 : i32
    %c0_i32_0 = arith.constant 0 : i32
    %c0_i32_1 = arith.constant 0 : i32
    return %c0_i32, %arg0, %c0_i32_0 : i32, i32, i32
  }
  func.func @transform_1(%arg0: i32) -> (i32, i32) {
    %c0_i32 = arith.constant 0 : i32
    %c0_i32_0 = arith.constant 0 : i32
    return %arg0, %c0_i32 : i32, i32
  }
  func.func @transform_2(%arg0: i32) -> (i32, i32, i32, i32) {
    %c0_i32 = arith.constant 0 : i32
    %c0_i32_0 = arith.constant 0 : i32
    %c0_i32_1 = arith.constant 0 : i32
    %c0_i32_2 = arith.constant 0 : i32
    return %c0_i32, %c0_i32_0, %arg0, %c0_i32_1 : i32, i32, i32, i32
  }
  func.func @transform_3(%arg0: i32) -> (i32, i32) {
    %c0_i32 = arith.constant 0 : i32
    %c0_i32_0 = arith.constant 0 : i32
    %c0_i32_1 = arith.constant 0 : i32
    return %c0_i32, %c0_i32_0 : i32, i32
  }
  func.func @transform_4(%arg0: i32) -> (i32, i32) {
    %c0_i32 = arith.constant 0 : i32
    %c0_i32_0 = arith.constant 0 : i32
    %c0_i32_1 = arith.constant 0 : i32
    return %c0_i32, %c0_i32_0 : i32, i32
  }
  func.func @transform_5(%arg0: i32) -> (i32, i32) {
    %c0_i32 = arith.constant 0 : i32
    %c0_i32_0 = arith.constant 0 : i32
    %c0_i32_1 = arith.constant 0 : i32
    return %c0_i32, %c0_i32_0 : i32, i32
  }
  func.func @transform_6(%arg0: i32) -> (i32, i32) {
    %c0_i32 = arith.constant 0 : i32
    %c0_i32_0 = arith.constant 0 : i32
    %c0_i32_1 = arith.constant 0 : i32
    return %c0_i32, %c0_i32_0 : i32, i32
  }
  func.func @transform_7(%arg0: i32) -> (i32, i32) {
    %c0_i32 = arith.constant 0 : i32
    %c0_i32_0 = arith.constant 0 : i32
    %c0_i32_1 = arith.constant 0 : i32
    return %c0_i32, %c0_i32_0 : i32, i32
  }
  func.func @transform_8(%arg0: i32) -> (i32, i32) {
    %c0_i32 = arith.constant 0 : i32
    %c0_i32_0 = arith.constant 0 : i32
    %c0_i32_1 = arith.constant 0 : i32
    return %c0_i32, %c0_i32_0 : i32, i32
  }
  func.func @transform_9(%arg0: i32) -> (i32, i32) {
    %c0_i32 = arith.constant 0 : i32
    %c0_i32_0 = arith.constant 0 : i32
    return %arg0, %c0_i32 : i32, i32
  }
}

</mosaic_0001>

<sc_bundles>
// kernel: kernel.10.cloned.1.call-start
scs
__scs_entry_jumppad:
0x0: {  	(pc) =	sbr.rel $0x88, $3  }
0x1: {  	(tag) =	ssettag $0x0;
	lr =	simm.s32 $0x1  }
0x2: {  	[smem:$0x3F8C] =	sst lr;
	_ =	strace $0xD0000000  }
0x3: {  	_ = 	snop  }
0x4: {  	_ = 	snop  }
0x5: {  	_ = 	snop  }
0x6: {  	_ = 	snop  }
0x7: {  	_ = 	snop  }
__scs_overlays_trampoline_lowered:
0x8: {  	[smem:$0x3F9B] =	sst s0  }
0x9: {  	[smem:$0x3F9C] =	sst s1  }
0xa: {  	[smem:$0x3F9D] =	sst s2  }
0xb: {  	[smem:$0x3F9E] =	sst s3  }
0xc: {  	[smem:$0x3F9F] =	sst s4  }
0xd: {  	[smem:$0x3FA0] =	sst s5  }
0xe: {  	[smem:$0x3FA1] =	sst s6  }
0xf: {  	[smem:$0x3FA2] =	sst s7  }
0x10: {  	[smem:$0x3FA3] =	sst s8  }
0x11: {  	[smem:$0x3FA4] =	sst s9;
	s0 =	simm.s32 @!p0 $0x0  }
0x12: {  	s1 =	sld [smem:$0x3F8A];
	s0 =	simm.s32 @p0 $0x1  }
0x13: {  	[smem:$0x3FA5] =	sst s0;
	s0 =	simm.s32 @!p1 $0x0  }
0x14: {  	s2 =	sld [smem:$0x3F89];
	s0 =	simm.s32 @p1 $0x1  }
0x15: {  	[smem:$0x3FA6] =	sst s0;
	s0 =	simm.s32 @!p2 $0x0  }
0x16: {  	s3 =	sld [smem:$0x3FDB];
	s0 =	simm.s32 @p2 $0x1  }
0x17: {  	s4 =	simm.s32 $0x1BF5;
	[smem:$0x3FA8] =	sst s0  }
0x18: {  	s0 =	sld [smem:$0x3F8B];
	_ =	swait.ge [sflag:s4], $0x0  }
0x19: {  	s7 =	sld [smem:$0x3F8C]  }
0x1a: {  	s8 =	sadd.s32 $0xFFFFE003, lr  }
0x1b: {  	s9 =	sadd.s32 $0xFFFFFEF7, lr;
	s5 =	simm.s32 $0xFFFFFFFF;
	p2 =	slt.u32 s8, $0xFFFFF086  }
0x1c: {  	p1 =	slt.u32 s9, $0xF7A;
	s5 =	simm.s32 @!p2 $0x0  }
0x1d: {  	s5 =	simm.s32 @p1 $0x1;
	p0 =	seq.s32 s7, s2  }
0x1e: {  	s7 =	smul.u32 @!p0 $0xF7A, s2;
	p2 =	seq.s32 @!p0 s5, $0x0  }
0x1f: {  	s9 =	smul.u32 $0xF7A, s1;
	s8 =	simm.s32 @!p0 $0x1BF5;
	p2 =	por !p2, p0  }
0x20: {  	[sflag:s8] =	ssyncset.s32 @!p0 $0xFFFFF086;
	s6 =	sadd.s32 @!p0 s3, s7;
	s7 =	simm.s32 @!p0 $0x108  }
0x21: {  	s3 =	sadd.s32 s3, s9;
	s6 =	sadd.s32 @!p0 $0x88, s6;
	s7 =	simm.s32 @p2 $0x1082  }
0x22: {  	[simem:s7], [sflag:s8] =	dma.local @!p0 [hbm:s6], $0xF7A  }
0x23: {  	s9 =	sor.u32 $0xD0000000, s2;
	s6 =	simm.s32 $0x108;
	_ =	swait.ge @!p0 [sflag:s8], $0x0  }
0x24: {  	s3 =	sadd.s32 $0x88, s3;
	s6 =	simm.s32 @!p1 $0x1082;
	[sflag:s4] =	ssyncset.s32 $0xFFFFF086  }
0x25: {  	[simem:s6], [sflag:s4] =	dma.local [hbm:s3], $0xF7A  }
0x26: {  	[smem:$0x3F8C] =	sst s1;
	(tag) =	ssettag s2;
	_ =	strace s9  }
0x27: {  	s1 =	sld [smem:$0x3F9C]  }
0x28: {  	s2 =	sld [smem:$0x3F9D]  }
0x29: {  	s4 =	sld [smem:$0x3F9F]  }
0x2a: {  	p0 =	seq.s32 s5, $0x0;
	s5 =	sld [smem:$0x3FA0]  }
0x2b: {  	s6 =	sld [smem:$0x3FA1]  }
0x2c: {  	s7 =	sld [smem:$0x3FA2]  }
0x2d: {  	s3 =	simm.s32 $0x108;
	s8 =	sld [smem:$0x3FA3]  }
0x2e: {  	s3 =	simm.s32 @!p0 $0x1082;
	s9 =	sld [smem:$0x3FA4]  }
0x2f: {  	lr =	sadd.s32 s0, s3;
	s0 =	sld [smem:$0x3F9B]  }
0x30: {  	s3 =	sld [smem:$0x3F9E]  }
0x31: {  	[smem:$0x3FA7] =	sst s10  }
0x32: {  	s10 =	sld [smem:$0x3FA5];
	_ =	sdelay $0x3  }
0x33: {  	p0 =	seq.s32 s10, $0x1;
	s10 =	sld [smem:$0x3FA7];
	_ =	sdelay $0x3  }
0x34: {  	[smem:$0x3FA7] =	sst s10  }
0x35: {  	s10 =	sld [smem:$0x3FA6];
	_ =	sdelay $0x3  }
0x36: {  	p1 =	seq.s32 s10, $0x1;
	s10 =	sld [smem:$0x3FA7];
	_ =	sdelay $0x3  }
0x37: {  	[smem:$0x3FA7] =	sst s10  }
0x38: {  	s10 =	sld [smem:$0x3FA8]  }
0x39: {  	_ = 	snop;
	(pc) =	sbr.ind lr, $3  }
0x3a: {  	_ = 	snop  }
0x3b: {  	_ = 	snop  }
0x3c: {  	p2 =	seq.s32 s10, $0x1;
	s10 =	sld [smem:$0x3FA7]  }
0x3d: {  	_ =	shalt  }
0x3e: {  	_ =	shalt  }
0x3f: {  	_ =	shalt  }
0x40: {  	_ =	shalt  }
0x41: {  	_ =	shalt  }
0x42: {  	_ =	shalt  }
0x43: {  	_ =	shalt  }
0x44: {  	_ =	shalt  }
0x45: {  	_ =	shalt  }
0x46: {  	_ =	shalt  }
0x47: {  	_ =	shalt  }
0x48: {  	_ =	shalt  }
0x49: {  	_ =	shalt  }
0x4a: {  	_ =	shalt  }
0x4b: {  	_ =	shalt  }
0x4c: {  	_ =	shalt  }
0x4d: {  	_ =	shalt  }
0x4e: {  	_ =	shalt  }
0x4f: {  	_ =	shalt  }
0x50: {  	_ =	shalt  }
0x51: {  	_ =	shalt  }
0x52: {  	_ =	shalt  }
0x53: {  	_ =	shalt  }
0x54: {  	_ =	shalt  }
0x55: {  	_ =	shalt  }
0x56: {  	_ =	shalt  }
0x57: {  	_ =	shalt  }
0x58: {  	_ =	shalt  }
0x59: {  	_ =	shalt  }
0x5a: {  	_ =	shalt  }
0x5b: {  	_ =	shalt  }
0x5c: {  	_ =	shalt  }
0x5d: {  	_ =	shalt  }
0x5e: {  	_ =	shalt  }
0x5f: {  	_ =	shalt  }
0x60: {  	_ =	shalt  }
0x61: {  	_ =	shalt  }
0x62: {  	_ =	shalt  }
0x63: {  	_ =	shalt  }
0x64: {  	_ =	shalt  }
0x65: {  	_ =	shalt  }
0x66: {  	_ =	shalt  }
0x67: {  	_ =	shalt  }
0x68: {  	_ =	shalt  }
0x69: {  	_ =	shalt  }
0x6a: {  	_ =	shalt  }
0x6b: {  	_ =	shalt  }
0x6c: {  	_ =	shalt  }
0x6d: {  	_ =	shalt  }
0x6e: {  	_ =	shalt  }
0x6f: {  	_ =	shalt  }
0x70: {  	_ =	shalt  }
0x71: {  	_ =	shalt  }
0x72: {  	_ =	shalt  }
0x73: {  	_ =	shalt  }
0x74: {  	_ =	shalt  }
0x75: {  	_ =	shalt  }
0x76: {  	_ =	shalt  }
0x77: {  	_ =	shalt  }
0x78: {  	_ =	shalt  }
0x79: {  	_ =	shalt  }
0x7a: {  	_ =	shalt  }
0x7b: {  	_ =	shalt  }
0x7c: {  	_ =	shalt  }
0x7d: {  	_ =	shalt  }
0x7e: {  	_ =	shalt  }
0x7f: {  	_ =	shalt  }
0x80: {  	_ =	shalt  }
0x81: {  	_ =	shalt  }
0x82: {  	_ =	shalt  }
0x83: {  	_ =	shalt  }
0x84: {  	_ =	shalt  }
0x85: {  	_ =	shalt  }
0x86: {  	_ =	shalt  }
0x87: {  	_ =	shalt  }
.Lfunc_end0:
.L_simem_size_0:
called_computation.1_lowered:
.L_overlay_start_0:
0x88: {  	s2 =	sld [smem:$0x3FD9]  }
0x89: {  	s3 =	sld [smem:$0x3FFE];
	_ =	sdelay $0x1  }
0x8a: {  	s1 =	srdreg.scid  }
0x8b: {  	s0 =	sand.u32 $0x1, s1  }
0x8c: {  	s17 =	sshll.u32 s0, $0xA;
	s2 =	sadd.s32 s3, s2  }
0x8d: {  	s2 =	sadd.s32 s2, s17  }
0x8e: {  	[smem:$0x3FB3] =	sst s2  }
0x8f: {  	_ = 	snop  }
0x90: {  	s2 =	sld [smem:$0x3FD0];
	(tm) =	ssettm $0x1  }
0x91: {  	s18 =	sld [smem:$0x3FFB];
	_ =	sdelay $0x3  }
0x92: {  	_ =	strace s18  }
0x93: {  	s3 =	sld [smem:$0x3FFC];
	_ =	sdelay $0x3  }
0x94: {  	_ =	strace s3  }
0x95: {  	s3 =	sld [smem:$0x3FFD];
	_ =	sdelay $0x3  }
0x96: {  	_ =	strace s3  }
0x97: {  	_ =	strace $0x8FFFFFFF  }
0x98: {  	s19 =	sld [smem:$0x3FDB];
	_ =	sdelay $0x1  }
0x99: {  	s4 =	simm.s32 $_scs_section_size  }
0x9a: {  	s5 =	simm.s32 $_size__tile_overlayer_lowered;
	s6 =	simm.s32 $_tile_overlayer_lowered  }
0x9b: {  	s22 =	simm.s32 $0x1BFF;
	s21 =	sshll.u32 s6, $0x1;
	s3 =	sadd.s32 s4, s19  }
0x9c: {  	s7 =	simm.s32 $0x0;
	s20 =	sshll.u32 s5, $0x1;
	s5 =	sadd.s32 s21, s3  }
0x9d: {  	[timem:s7], [sflag:s22] =	dma.local [hbm:s5], s20  }
0x9e: {  	_ =	swait.ge [sflag:s22], s20  }
0x9f: {  	s4 =	ssub.s32 $0x0, s20;
	[sflag:s22] =	ssyncset.done $0x0  }
0xa0: {  	[sflag:s22] =	ssyncadd.s32 s4;
	_ =	sdelay $0x1  }
0xa1: {  	s23 =	simm.s32 $0x1B8B  }
0xa2: {  	_ =	swait.ge [sflag:s23], $0x1  }
0xa3: {  	[sflag:s23] =	ssyncset.done $0x0  }
0xa4: {  	s25 =	simm.s32 $0x1B8E;
	s24 =	sld [smem:$0x3FFE];
	[sflag:s23] =	ssyncadd.s32 $0xFFFFFFFF  }
0xa5: {  	s26 =	simm.s32 $execute0_lowered;
	[smem:$0x3FD2] =	sst s25  }
0xa6: {  	s5 =	sshll.u32 s26, $0x1;
	_ =	strace $0x80000049;
	[dreg:$0x1] =	wrdreg $0xFFFFFFFF  }
0xa7: {  	s28 =	simm.s32 $_size_execute0_lowered;
	s3 =	sadd.s32 s3, s5;
	[dreg:$0x0] =	wrdreg $0x0  }
0xa8: {  	s5 =	sshll.u32 s28, $0x1;
	[dreg:$0x2] =	wrdreg s3  }
0xa9: {  	[dreg:$0x3] =	wrdreg s5  }
0xaa: {  	[dreg:$0x4] =	wrdreg $0xC0  }
0xab: {  	_ =	task [dreg:s7], $0x5FFFF  }
0xac: {  	[dreg:$0x1] =	wrdreg $0xFFFFFFFF  }
0xad: {  	[dreg:$0x0] =	wrdreg $0x60  }
0xae: {  	[dreg:$0x2] =	wrdreg s24  }
0xaf: {  	[dreg:$0x3] =	wrdreg s2  }
0xb0: {  	[dreg:$0x4] =	wrdreg $0x26900  }
0xb1: {  	[dreg:$0x5] =	wrdreg $0x4DA00  }
0xb2: {  	[dreg:$0x6] =	wrdreg $0x9  }
0xb3: {  	_ =	task.clear_ibuf [dreg:s7], $0x7FFFF;
	_ =	strace $0x90000049  }
0xb4: {  	s29 =	simm.s32 $0x9;
	_ =	strace $0x8000004B  }
0xb5: {  	_ =	swait.ge [sflag:s29], $0x1  }
0xb6: {  	[sflag:s29] =	ssyncadd.s32 $0xFFFFFFFF  }
0xb7: {  	_ =	strace $0x9000004B  }
0xb8: {  	_ =	sfence  }
0xb9: {  	s30 =	sld [smem:$0x0];
	_ =	sdelay $0x2  }
0xba: {  	s31 =	sshll.u32 s1, $0xD;
	s1 =	sshrl.u32 s1, $0x2  }
0xbb: {  	s3 =	sand.u32 $0x4000, s31;
	s1 =	sadd.s32 s1, s30  }
0xbc: {  	s0 =	sor.u32 s3, s0;
	s1 =	sshll.u32 s1, $0x11  }
0xbd: {  	s0 =	sor.u32 s1, s0  }
0xbe: {  	s0 =	sadd.s32 $0x8F2B, s0  }
0xbf: {  	[sflag:s0] =	ssyncadd.remote.s32 $0x1  }
0xc0: {  	_ =	sfence.sel $0xFFFF  }
0xc1: {  	[dreg:$0x0] =	wrdreg $0xFFFFFFFF;
	(pc) =	sbr.abs _section_cstart, $3  }
0xc2: {  	[dreg:$0x1] =	wrdreg $0xFFFFFFFF  }
0xc3: {  	_ =	task.clear_ibuf [dreg:s7], $0x2FFFF;
	_ =	strace $0x9FFFFFFF  }
0xc4: {  	(tm) =	ssettm $0x7FFFFFFF  }
0xc5: {  	_ =	shalt  }
tec
execute0_lowered:
.L_overlay_start_1:
0x0: {  	(tag) =	ssettag $0x1  }
0x1: {  	s0 =	rddreg [dreg:$0x0]  }
0x2: {  	s3 =	rddreg [dreg:$0x1]  }
0x3: {  	s1 =	rddreg [dreg:$0x2]  }
0x4: {  	s2 =	rddreg [dreg:$0x3];
	s5 =	srdreg.scid  }
0x5: {  	s4 =	simm.s32 $0x0;
	s24 =	stileid.u32;
	s7 =	sand.u32 $0x1, s5  }
0x6: {  	[smem:$0x7FF] =	sst s4;
	s10 =	smul.u32 $0x2700, s24;
	s5 =	sadd.s32 $0x4A00, s0  }
0x7: {  	s6 =	sadd.s32 $0x50DE00, s0;
	s19 =	sshll.u32 s24, $0x1;
	s21 =	smul.u32 $0x4E20, s24  }
0x8: {  	s8 =	ssub.s32 $0x2, s7;
	_ =	strace $0x8000004A;
	s23 =	smul.u32 $0x4E200, s7  }
0x9: {  	s19 =	sor.u32 s7, s19;
	s7 =	smul.u32 $0x2710, s7;
	s9 =	sshrl.u32 s8, $0x1  }
0xa: {  	s22 =	sadd.s32 s10, s1;
	s11 =	sadd.s32 $0x600, s10;
	s12 =	sadd.s32 $0x900, s10  }
0xb: {  	s13 =	sadd.s32 $0xC00, s10;
	s14 =	sadd.s32 $0xF00, s10;
	s15 =	sadd.s32 $0x1200, s10  }
0xc: {  	s16 =	sadd.s32 $0x1500, s10;
	s17 =	sadd.s32 $0x1800, s10;
	s25 =	sadd.s32 s10, s2  }
0xd: {  	s0 =	ssub.s32 s8, s9;
	[dreg:$0x5] =	wrdreg s22;
	s20 =	sadd.s32 s10, s23  }
0xe: {  	s9 =	sshrl.u32 s23, $0x3;
	[dreg:$0x7] =	wrdreg s25;
	s23 =	sadd.s32 s11, s1  }
0xf: {  	s18 =	sadd.s32 $0x1B00, s10;
	s25 =	sadd.s32 s11, s2;
	[dreg:$0xa] =	wrdreg s23  }
0x10: {  	s8 =	sadd.s32 $0x300, s10;
	s11 =	sadd.s32 s13, s1;
	[dreg:$0xb] =	wrdreg s25  }
0x11: {  	s22 =	sadd.s32 $0x1E00, s10;
	[dreg:$0xe] =	wrdreg s11;
	s23 =	sadd.s32 s15, s1  }
0x12: {  	s7 =	sadd.s32 s7, s21;
	s25 =	sadd.s32 s15, s2;
	[dreg:$0x12] =	wrdreg s23  }
0x13: {  	s21 =	sadd.s32 $0x2400, s10;
	s11 =	sadd.s32 s17, s1;
	[dreg:$0x13] =	wrdreg s25  }
0x14: {  	s20 =	sshrl.u32 s20, $0x3;
	s15 =	sadd.s32 s22, s1;
	[dreg:$0x16] =	wrdreg s11  }
0x15: {  	s0 =	smax.u32 s0, $0x1;
	s26 =	sadd.s32 s3, s20;
	[dreg:$0x1a] =	wrdreg s15  }
0x16: {  	s20 =	sadd.s32 $0x2100, s10;
	s10 =	sadd.s32 s8, s1;
	[smem:$0x7FA] =	sst s0  }
0x17: {  	s8 =	sadd.s32 s8, s2;
	[dreg:$0x8] =	wrdreg s10  }
0x18: {  	s3 =	sadd.s32 s3, s9;
	s9 =	sadd.s32 s12, s1;
	[dreg:$0x9] =	wrdreg s8  }
0x19: {  	s25 =	sadd.s32 s21, s2;
	[dreg:$0xc] =	wrdreg s9  }
0x1a: {  	[dreg:$0x1f] =	wrdreg s25  }
0x1b: {  	s10 =	sadd.s32 s12, s2;
	[dreg:$0x6] =	wrdreg s26  }
0x1c: {  	s12 =	sadd.s32 s13, s2;
	[dreg:$0xd] =	wrdreg s10  }
0x1d: {  	s13 =	sadd.s32 s14, s1;
	[dreg:$0xf] =	wrdreg s12  }
0x1e: {  	s14 =	sadd.s32 s14, s2;
	[dreg:$0x10] =	wrdreg s13  }
0x1f: {  	s9 =	sadd.s32 s16, s1;
	[dreg:$0x11] =	wrdreg s14  }
0x20: {  	s28 =	simm.s32 $0x2390;
	s26 =	sadd.s32 $0x4E20, s26;
	[dreg:$0x14] =	wrdreg s9  }
0x21: {  	s29 =	simm.s32 $0x7;
	s10 =	sadd.s32 s16, s2;
	[smem:$0x7FD] =	sst s26  }
0x22: {  	s30 =	simm.s32 $0x180;
	s12 =	sadd.s32 s17, s2;
	[dreg:$0x15] =	wrdreg s10  }
0x23: {  	s31 =	simm.s32 $0x80;
	s13 =	sadd.s32 s18, s1;
	[dreg:$0x17] =	wrdreg s12  }
0x24: {  	p0 =	sne.s32 s24, $0xF;
	s14 =	sadd.s32 s18, s2;
	[dreg:$0x18] =	wrdreg s13  }
0x25: {  	s8 =	smul.u32 $0x2710, s19;
	s16 =	sadd.s32 s22, s2;
	[dreg:$0x19] =	wrdreg s14  }
0x26: {  	s17 =	sadd.s32 s20, s1;
	s18 =	sadd.s32 s20, s2;
	[dreg:$0x1b] =	wrdreg s16  }
0x27: {  	s20 =	smul.u32 $0x4E20, s19;
	s22 =	sadd.s32 s21, s1;
	[dreg:$0x1c] =	wrdreg s17  }
0x28: {  	s21 =	sadd.s32 $0x4E00, s3;
	s3 =	sadd.s32 $0x9C20, s3;
	[dreg:$0x1d] =	wrdreg s18  }
0x29: {  	s26 =	simm.s32 $0x0;
	[dreg:$0x1e] =	wrdreg s22;
	s23 =	sshrl.u32 s8, $0x3  }
0x2a: {  	s13 =	sadd.s32 $0x80, s8;
	s18 =	sadd.s32 $0x2700, s8;
	[smem:$0x7F8] =	sst s21  }
0x2b: {  	[smem:$0x7F9] =	sst s3;
	s22 =	sadd.s32 $0x200, s7;
	s7 =	sadd.s32 $0x180, s7  }
0x2c: {  	s3 =	simm.s32 $0x1;
	s12 =	sadd.s32 s5, s23;
	s14 =	sadd.s32 s6, s20  }
0x2d: {  	s15 =	sshrl.u32 s13, $0x3;
	s11 =	sshll.u32 s13, $0x1;
	s19 =	sshrl.u32 s18, $0x3  }
0x2e: {  	s10 =	sshll.u32 s18, $0x1;
	s23 =	sshll.u32 s22, $0x1;
	[smem:$0x7FC] =	sst s7  }
0x2f: {  	s0 =	sshrl.u32 s22, $0x3;
	s25 =	sshll.u32 s7, $0x1;
	[smem:$0x7F2] =	sst s12  }
0x30: {  	s22 =	sadd.s32 $0x27000, s2;
	s13 =	simm.s32 $0x2;
	[smem:$0x7F3] =	sst s14  }
0x31: {  	s16 =	sadd.s32 s5, s15;
	s17 =	sadd.s32 s6, s11;
	s15 =	sadd.s32 $0x100, s8  }
0x32: {  	s8 =	sadd.s32 s5, s19;
	s20 =	sadd.s32 s6, s10;
	[smem:$0x7F4] =	sst s16  }
0x33: {  	s21 =	sadd.s32 s23, s6;
	s0 =	sadd.s32 s0, s5;
	[smem:$0x7F5] =	sst s17  }
0x34: {  	s23 =	sadd.s32 s25, s6;
	s10 =	simm.s32 $0x1980;
	[smem:$0x7F6] =	sst s8  }
0x35: {  	s11 =	simm.s32 $0x100;
	s12 =	simm.s32 $0x1180;
	[smem:$0x7F7] =	sst s20  }
0x36: {  	s14 =	simm.s32 $0x4;
	[smem:$0x7FB] =	sst s0;
	s20 =	sadd.s32 $0x27000, s1  }
0x37: {  	v0 =	vimm.f32 $1.000000000e+00;
	v1 =	vimm.f32 $0.0e+00;
	s0 =	simm.s32 $0x980;
	s16 =	simm.s32 $0x3;
	s17 =	simm.s32 $0x5  }
.LBB2_1:
0x38: {  	s7 =	simm.s32 $0x40;
	s8 =	simm.s32 $0x0  }
.LBB2_2:
0x39: {  	p1 =	sne.s32 s7, $0x1FC0;
	[tilespmem:s8+$0x1980] =	vst v0;
	s8 =	smov.u32 s7;
	s7 =	sadd.s32 $0x40, s7  }
.Ltmp0:
0x3a: {  	(pc) =	sbr.rel @p1 .LBB2_2-.Ltmp0, $2  }
0x3b: {  	_ =	sdelay $0x2  }
0x3c: {  	s8 =	sshra.s32 s8, $0x2  }
0x3d: {  	[tilespmem:s8+$0x1980] =	vst v0  }
0x3e: {  	[tilespmem:$0x2290] =	vst v0  }
0x3f: {  	[tilespmem:$0x22A0] =	vst v0  }
0x40: {  	[tilespmem:$0x22B0] =	vst v0  }
0x41: {  	[tilespmem:$0x22C0] =	vst v0  }
0x42: {  	[tilespmem:$0x22D0] =	vst v0  }
0x43: {  	[tilespmem:$0x22E0] =	vst v0  }
0x44: {  	[tilespmem:$0x22F0] =	vst v0  }
0x45: {  	[tilespmem:$0x2300] =	vst v0  }
0x46: {  	[tilespmem:$0x2310] =	vst v0  }
0x47: {  	[tilespmem:$0x2320] =	vst v0  }
0x48: {  	[tilespmem:$0x2330] =	vst v0  }
0x49: {  	[tilespmem:$0x2340] =	vst v0  }
0x4a: {  	[tilespmem:$0x2350] =	vst v0  }
0x4b: {  	[tilespmem:$0x2360] =	vst v0  }
0x4c: {  	[tilespmem:$0x2370] =	vst v0  }
0x4d: {  	[tilespmem:$0x2380] =	vst v0  }
0x4e: {  	[tilespmem:$0x2390] =	vst v1  }
0x4f: {  	[tilespmem:$0x23A0] =	vst v1  }
0x50: {  	[tilespmem:$0x23B0] =	vst v1  }
0x51: {  	[tilespmem:$0x23C0] =	vst v1  }
0x52: {  	[tilespmem:$0x23D0] =	vst v1  }
0x53: {  	[tilespmem:$0x23E0] =	vst v1  }
0x54: {  	[tilespmem:$0x23F0] =	vst v1  }
0x55: {  	[tilespmem:$0x2400] =	vst v1  }
0x56: {  	[tilespmem:$0x2410] =	vst v1  }
0x57: {  	[tilespmem:$0x2420] =	vst v1  }
0x58: {  	[tilespmem:$0x2430] =	vst v1  }
0x59: {  	[tilespmem:$0x2440] =	vst v1  }
0x5a: {  	[tilespmem:$0x2450] =	vst v1  }
0x5b: {  	[tilespmem:$0x2460] =	vst v1  }
0x5c: {  	[tilespmem:$0x2470] =	vst v1  }
0x5d: {  	[tilespmem:$0x2480] =	vst v1  }
0x5e: {  	[tilespmem:$0x2490] =	vst v1  }
0x5f: {  	[tilespmem:$0x24A0] =	vst v1  }
0x60: {  	[tilespmem:$0x24B0] =	vst v1  }
0x61: {  	[tilespmem:$0x24C0] =	vst v1  }
0x62: {  	[tilespmem:$0x24D0] =	vst v1  }
0x63: {  	[tilespmem:$0x24E0] =	vst v1  }
0x64: {  	[tilespmem:$0x24F0] =	vst v1  }
0x65: {  	[tilespmem:$0x2500] =	vst v1  }
0x66: {  	[tilespmem:$0x2510] =	vst v1  }
0x67: {  	[tilespmem:$0x2520] =	vst v1  }
0x68: {  	[tilespmem:$0x2530] =	vst v1  }
0x69: {  	[tilespmem:$0x2540] =	vst v1  }
0x6a: {  	[tilespmem:$0x2550] =	vst v1  }
0x6b: {  	[tilespmem:$0x2560] =	vst v1  }
0x6c: {  	[tilespmem:$0x2570] =	vst v1  }
0x6d: {  	[tilespmem:$0x2580] =	vst v1  }
0x6e: {  	[tilespmem:$0x2590] =	vst v1  }
0x6f: {  	[tilespmem:$0x25A0] =	vst v1  }
0x70: {  	[tilespmem:$0x25B0] =	vst v1  }
0x71: {  	[tilespmem:$0x25C0] =	vst v1  }
0x72: {  	[tilespmem:$0x25D0] =	vst v1  }
0x73: {  	[tilespmem:$0x25E0] =	vst v1  }
0x74: {  	[tilespmem:$0x25F0] =	vst v1  }
0x75: {  	[tilespmem:$0x2600] =	vst v1  }
0x76: {  	[tilespmem:$0x2610] =	vst v1  }
0x77: {  	[tilespmem:$0x2620] =	vst v1  }
0x78: {  	[tilespmem:$0x2630] =	vst v1  }
0x79: {  	[tilespmem:$0x2640] =	vst v1  }
0x7a: {  	[tilespmem:$0x2650] =	vst v1  }
0x7b: {  	[tilespmem:$0x2660] =	vst v1  }
0x7c: {  	[tilespmem:$0x2670] =	vst v1  }
0x7d: {  	s7 =	rddreg [dreg:$0x5];
	[tilespmem:$0x2680] =	vst v1  }
0x7e: {  	[spmem:s7] =	stream.linear.scatter [tilespmem:s28], [sflag:$0x7], $0x300, $0x38;
	[tilespmem:$0x74B0] =	vst v63  }
0x7f: {  	_ =	swait.ge [sflag:s29], $0x300  }
0x80: {  	[sflag:s29] =	ssyncset.done $0x0  }
0x81: {  	s18 =	rddreg [dreg:$0x8];
	[sflag:s29] =	ssyncadd.s32 $0xFFFFFD00  }
0x82: {  	[spmem:s18] =	stream.linear.scatter [tilespmem:s28], [sflag:$0x7], $0x300, $0x38;
	[tilespmem:$0x74B0] =	vst v63  }
0x83: {  	_ =	swait.ge [sflag:s29], $0x300  }
0x84: {  	[sflag:s29] =	ssyncset.done $0x0  }
0x85: {  	s19 =	rddreg [dreg:$0xa];
	[sflag:s29] =	ssyncadd.s32 $0xFFFFFD00  }
0x86: {  	[spmem:s19] =	stream.linear.scatter [tilespmem:s28], [sflag:$0x7], $0x300, $0x38;
	[tilespmem:$0x74B0] =	vst v63  }
0x87: {  	_ =	swait.ge [sflag:s29], $0x300  }
0x88: {  	[sflag:s29] =	ssyncset.done $0x0  }
0x89: {  	s24 =	rddreg [dreg:$0xc];
	[sflag:s29] =	ssyncadd.s32 $0xFFFFFD00  }
0x8a: {  	[spmem:s24] =	stream.linear.scatter [tilespmem:s28], [sflag:$0x7], $0x300, $0x38;
	[tilespmem:$0x74B0] =	vst v63  }
0x8b: {  	_ =	swait.ge [sflag:s29], $0x300  }
0x8c: {  	[sflag:s29] =	ssyncset.done $0x0  }
0x8d: {  	s25 =	rddreg [dreg:$0xe];
	[sflag:s29] =	ssyncadd.s32 $0xFFFFFD00  }
0x8e: {  	[spmem:s25] =	stream.linear.scatter [tilespmem:s28], [sflag:$0x7], $0x300, $0x38;
	[tilespmem:$0x74B0] =	vst v63  }
0x8f: {  	_ =	swait.ge [sflag:s29], $0x300  }
0x90: {  	[sflag:s29] =	ssyncset.done $0x0  }
0x91: {  	s8 =	rddreg [dreg:$0x10];
	[sflag:s29] =	ssyncadd.s32 $0xFFFFFD00  }
0x92: {  	[spmem:s8] =	stream.linear.scatter [tilespmem:s28], [sflag:$0x7], $0x300, $0x38;
	[tilespmem:$0x74B0] =	vst v63  }
0x93: {  	_ =	swait.ge [sflag:s29], $0x300  }
0x94: {  	[sflag:s29] =	ssyncset.done $0x0  }
0x95: {  	s9 =	rddreg [dreg:$0x12];
	[sflag:s29] =	ssyncadd.s32 $0xFFFFFD00  }
0x96: {  	[spmem:s9] =	stream.linear.scatter [tilespmem:s28], [sflag:$0x7], $0x300, $0x38;
	[tilespmem:$0x74B0] =	vst v63  }
0x97: {  	_ =	swait.ge [sflag:s29], $0x300  }
0x98: {  	[sflag:s29] =	ssyncset.done $0x0  }
0x99: {  	s18 =	rddreg [dreg:$0x14];
	[sflag:s29] =	ssyncadd.s32 $0xFFFFFD00  }
0x9a: {  	[spmem:s18] =	stream.linear.scatter [tilespmem:s28], [sflag:$0x7], $0x300, $0x38;
	[tilespmem:$0x74B0] =	vst v63  }
0x9b: {  	_ =	swait.ge [sflag:s29], $0x300  }
0x9c: {  	[sflag:s29] =	ssyncset.done $0x0  }
0x9d: {  	s19 =	rddreg [dreg:$0x16];
	[sflag:s29] =	ssyncadd.s32 $0xFFFFFD00  }
0x9e: {  	[spmem:s19] =	stream.linear.scatter [tilespmem:s28], [sflag:$0x7], $0x300, $0x38;
	[tilespmem:$0x74B0] =	vst v63  }
0x9f: {  	_ =	swait.ge [sflag:s29], $0x300  }
0xa0: {  	[sflag:s29] =	ssyncset.done $0x0  }
0xa1: {  	s24 =	rddreg [dreg:$0x18];
	[sflag:s29] =	ssyncadd.s32 $0xFFFFFD00  }
0xa2: {  	[spmem:s24] =	stream.linear.scatter [tilespmem:s28], [sflag:$0x7], $0x300, $0x38;
	[tilespmem:$0x74B0] =	vst v63  }
0xa3: {  	_ =	swait.ge [sflag:s29], $0x300  }
0xa4: {  	[sflag:s29] =	ssyncset.done $0x0  }
0xa5: {  	s25 =	rddreg [dreg:$0x1a];
	[sflag:s29] =	ssyncadd.s32 $0xFFFFFD00  }
0xa6: {  	[spmem:s25] =	stream.linear.scatter [tilespmem:s28], [sflag:$0x7], $0x300, $0x38;
	[tilespmem:$0x74B0] =	vst v63  }
0xa7: {  	_ =	swait.ge [sflag:s29], $0x300  }
0xa8: {  	[sflag:s29] =	ssyncset.done $0x0  }
0xa9: {  	s8 =	rddreg [dreg:$0x1c];
	[sflag:s29] =	ssyncadd.s32 $0xFFFFFD00  }
0xaa: {  	[spmem:s8] =	stream.linear.scatter [tilespmem:s28], [sflag:$0x7], $0x300, $0x38;
	[tilespmem:$0x74B0] =	vst v63  }
0xab: {  	_ =	swait.ge [sflag:s29], $0x300  }
0xac: {  	[sflag:s29] =	ssyncset.done $0x0  }
0xad: {  	s9 =	rddreg [dreg:$0x1e];
	[sflag:s29] =	ssyncadd.s32 $0xFFFFFD00  }
0xae: {  	[spmem:s9] =	stream.linear.scatter [tilespmem:s28], [sflag:$0x7], $0x300, $0x38;
	[tilespmem:$0x74B0] =	vst v63  }
0xaf: {  	_ =	swait.ge [sflag:s29], $0x300  }
0xb0: {  	[sflag:s29] =	ssyncset.done $0x0  }
0xb1: {  	s7 =	simm.s32 @!p0 $0x2390;
	s8 =	simm.s32 @!p0 $0x7;
	[sflag:s29] =	ssyncadd.s32 $0xFFFFFD00  }
0xb2: {  	[spmem:s20] =	stream.linear.scatter @!p0 [tilespmem:s7], [sflag:$0x7], $0x100, $0x38;
	[tilespmem:$0x74B0] =	vst v63  }
0xb3: {  	_ =	swait.ge @!p0 [sflag:s8], $0x100  }
0xb4: {  	[sflag:s8] =	ssyncset.done @!p0 $0x0  }
0xb5: {  	s9 =	rddreg [dreg:$0x7];
	[sflag:s8] =	ssyncadd.s32 @!p0 $0xFFFFFF00  }
0xb6: {  	[spmem:s9] =	stream.linear.scatter [tilespmem:s28], [sflag:$0x7], $0x300, $0x38;
	[tilespmem:$0x74B0] =	vst v63  }
0xb7: {  	_ =	swait.ge [sflag:s29], $0x300  }
0xb8: {  	[sflag:s29] =	ssyncset.done $0x0  }
0xb9: {  	s18 =	rddreg [dreg:$0x9];
	[sflag:s29] =	ssyncadd.s32 $0xFFFFFD00  }
0xba: {  	[spmem:s18] =	stream.linear.scatter [tilespmem:s28], [sflag:$0x7], $0x300, $0x38;
	[tilespmem:$0x74B0] =	vst v63  }
0xbb: {  	_ =	swait.ge [sflag:s29], $0x300  }
0xbc: {  	[sflag:s29] =	ssyncset.done $0x0  }
0xbd: {  	s19 =	rddreg [dreg:$0xb];
	[sflag:s29] =	ssyncadd.s32 $0xFFFFFD00  }
0xbe: {  	[spmem:s19] =	stream.linear.scatter [tilespmem:s28], [sflag:$0x7], $0x300, $0x38;
	[tilespmem:$0x74B0] =	vst v63  }
0xbf: {  	_ =	swait.ge [sflag:s29], $0x300  }
0xc0: {  	[sflag:s29] =	ssyncset.done $0x0  }
0xc1: {  	s25 =	smov.u32 s20;
	s20 =	rddreg [dreg:$0xd];
	[sflag:s29] =	ssyncadd.s32 $0xFFFFFD00  }
0xc2: {  	[spmem:s20] =	stream.linear.scatter [tilespmem:s28], [sflag:$0x7], $0x300, $0x38;
	[tilespmem:$0x74B0] =	vst v63  }
0xc3: {  	_ =	swait.ge [sflag:s29], $0x300  }
0xc4: {  	[sflag:s29] =	ssyncset.done $0x0  }
0xc5: {  	s24 =	rddreg [dreg:$0xf];
	[sflag:s29] =	ssyncadd.s32 $0xFFFFFD00  }
0xc6: {  	[spmem:s24] =	stream.linear.scatter [tilespmem:s28], [sflag:$0x7], $0x300, $0x38;
	[tilespmem:$0x74B0] =	vst v63  }
0xc7: {  	_ =	swait.ge [sflag:s29], $0x300  }
0xc8: {  	[sflag:s29] =	ssyncset.done $0x0  }
0xc9: {  	s18 =	rddreg [dreg:$0x11];
	[sflag:s29] =	ssyncadd.s32 $0xFFFFFD00  }
0xca: {  	[spmem:s18] =	stream.linear.scatter [tilespmem:s28], [sflag:$0x7], $0x300, $0x38;
	[tilespmem:$0x74B0] =	vst v63  }
0xcb: {  	_ =	swait.ge [sflag:s29], $0x300  }
0xcc: {  	[sflag:s29] =	ssyncset.done $0x0  }
0xcd: {  	s19 =	rddreg [dreg:$0x13];
	[sflag:s29] =	ssyncadd.s32 $0xFFFFFD00  }
0xce: {  	[spmem:s19] =	stream.linear.scatter [tilespmem:s28], [sflag:$0x7], $0x300, $0x38;
	[tilespmem:$0x74B0] =	vst v63  }
0xcf: {  	_ =	swait.ge [sflag:s29], $0x300  }
0xd0: {  	[sflag:s29] =	ssyncset.done $0x0  }
0xd1: {  	s20 =	rddreg [dreg:$0x15];
	[sflag:s29] =	ssyncadd.s32 $0xFFFFFD00  }
0xd2: {  	[spmem:s20] =	stream.linear.scatter [tilespmem:s28], [sflag:$0x7], $0x300, $0x38;
	[tilespmem:$0x74B0] =	vst v63  }
0xd3: {  	_ =	swait.ge [sflag:s29], $0x300  }
0xd4: {  	[sflag:s29] =	ssyncset.done $0x0  }
0xd5: {  	s24 =	rddreg [dreg:$0x17];
	[sflag:s29] =	ssyncadd.s32 $0xFFFFFD00  }
0xd6: {  	[spmem:s24] =	stream.linear.scatter [tilespmem:s28], [sflag:$0x7], $0x300, $0x38;
	[tilespmem:$0x74B0] =	vst v63  }
0xd7: {  	_ =	swait.ge [sflag:s29], $0x300  }
0xd8: {  	[sflag:s29] =	ssyncset.done $0x0  }
0xd9: {  	s18 =	rddreg [dreg:$0x19];
	[sflag:s29] =	ssyncadd.s32 $0xFFFFFD00  }
0xda: {  	[spmem:s18] =	stream.linear.scatter [tilespmem:s28], [sflag:$0x7], $0x300, $0x38;
	[tilespmem:$0x74B0] =	vst v63  }
0xdb: {  	_ =	swait.ge [sflag:s29], $0x300  }
0xdc: {  	[sflag:s29] =	ssyncset.done $0x0  }
0xdd: {  	s19 =	rddreg [dreg:$0x1b];
	[sflag:s29] =	ssyncadd.s32 $0xFFFFFD00  }
0xde: {  	[spmem:s19] =	stream.linear.scatter [tilespmem:s28], [sflag:$0x7], $0x300, $0x38;
	[tilespmem:$0x74B0] =	vst v63  }
0xdf: {  	_ =	swait.ge [sflag:s29], $0x300  }
0xe0: {  	[sflag:s29] =	ssyncset.done $0x0  }
0xe1: {  	s20 =	rddreg [dreg:$0x1d];
	[sflag:s29] =	ssyncadd.s32 $0xFFFFFD00  }
0xe2: {  	[spmem:s20] =	stream.linear.scatter [tilespmem:s28], [sflag:$0x7], $0x300, $0x38;
	[tilespmem:$0x74B0] =	vst v63  }
0xe3: {  	_ =	swait.ge [sflag:s29], $0x300  }
0xe4: {  	[sflag:s29] =	ssyncset.done $0x0  }
0xe5: {  	s24 =	rddreg [dreg:$0x1f];
	[sflag:s29] =	ssyncadd.s32 $0xFFFFFD00  }
0xe6: {  	[spmem:s24] =	stream.linear.scatter [tilespmem:s28], [sflag:$0x7], $0x300, $0x38;
	[tilespmem:$0x74B0] =	vst v63  }
0xe7: {  	_ =	swait.ge [sflag:s29], $0x300  }
0xe8: {  	[sflag:s29] =	ssyncset.done $0x0  }
0xe9: {  	[sflag:s29] =	ssyncadd.s32 $0xFFFFFD00  }
0xea: {  	[spmem:s22] =	stream.linear.scatter @!p0 [tilespmem:s7], [sflag:$0x7], $0x100, $0x38;
	[tilespmem:$0x74B0] =	vst v63  }
0xeb: {  	_ =	swait.ge @!p0 [sflag:s8], $0x100  }
0xec: {  	[sflag:s8] =	ssyncset.done @!p0 $0x0  }
0xed: {  	[sflag:s8] =	ssyncadd.s32 @!p0 $0xFFFFFF00  }
0xee: {  	[bflag:$0x0] =	sbarrier.arrive $0xFFFF  }
0xef: {  	s9 =	sld [smem:$0x7F2]  }
0xf0: {  	s18 =	sld [smem:$0x7F3]  }
0xf1: {  	s19 =	smov.u32 s22;
	s20 =	simm.s32 $0x0;
	s22 =	sld [smem:$0x7F4]  }
0xf2: {  	[tilespmem:s20], [sflag:$0x1] =	stream.linear.gather [hbm4b:s9+s20], $0x80, $0x38;
	[tilespmem:$0x74B0] =	vst v63  }
0xf3: {  	s24 =	sld [smem:$0x7F5]  }
0xf4: {  	[tilespmem:s30], [sflag:$0x1] =	stream.linear.gather [hbm4b:s18+s20], $0x800, $0x38;
	[tilespmem:$0x74B0] =	vst v63  }
0xf5: {  	s18 =	sld [smem:$0x7FC]  }
0xf6: {  	[tilespmem:s31], [sflag:$0x2] =	stream.linear.gather [hbm4b:s22+s20], $0x80, $0x38;
	[tilespmem:$0x74B0] =	vst v63  }
0xf7: {  	s8 =	simm.s32 $0x0;
	s22 =	sld [smem:$0x7FB]  }
0xf8: {  	[tilespmem:s0], [sflag:$0x2] =	stream.linear.gather [hbm4b:s24+s20], $0x800, $0x38;
	[tilespmem:$0x74B0] =	vst v63  }
.LBB2_4:
0xf9: {  	_ =	swait.ge [sflag:s3], $0x80  }
0xfa: {  	[sflag:s3] =	ssyncset.done $0x0  }
0xfb: {  	[sflag:s3] =	ssyncadd.s32 $0xFFFFFF80  }
0xfc: {  	_ =	swait.ge [sflag:s3], $0x800  }
0xfd: {  	[sflag:s3] =	ssyncset.done $0x0  }
0xfe: {  	p1 =	seq.s32 s8, $0x0;
	[sflag:s3] =	ssyncadd.s32 $0xFFFFF800  }
0xff: {  	[spmem:s1] =	stream.indirect.scatter.add.f32 [tilespmem:s30], [sflag:$0x4], $0x10, s4, s31, $0xb8;
	[tilespmem:$0x74B0] =	vst v63  }
0x100: {  	s7 =	simm.s32 @!p1 $0x6  }
0x101: {  	[spmem:s2] =	stream.indirect.scatter.add.f32 [tilespmem:s10], [sflag:$0x4], $0x10, s4, s31, $0xb8;
	[tilespmem:$0x74B0] =	vst v63  }
0x102: {  	_ =	swait.ge @!p1 [sflag:s7], $0x800  }
0x103: {  	[sflag:s7] =	ssyncset.done @!p1 $0x0  }
0x104: {  	s9 =	sadd.s32 @!p1 $0xFFFFFF80, s18;
	[sflag:s7] =	ssyncadd.s32 @!p1 $0xFFFFF800  }
0x105: {  	s9 =	smov.u32 @p1 s15;
	_ =	swait.ge @!p1 [sflag:s7], $0x800  }
0x106: {  	s24 =	sshrl.u32 s9, $0x3;
	[sflag:s7] =	ssyncset.done @!p1 $0x0  }
0x107: {  	s24 =	sadd.s32 s5, s24;
	[sflag:s7] =	ssyncadd.s32 @!p1 $0xFFFFF800  }
0x108: {  	[tilespmem:s11], [sflag:$0x3] =	stream.linear.gather [hbm4b:s24+s4], $0x80, $0x38;
	[tilespmem:$0x74B0] =	vst v63  }
0x109: {  	s24 =	sshll.u32 s9, $0x1  }
0x10a: {  	s7 =	sand.u32 $0x1FFFFFE0, s24  }
0x10b: {  	s7 =	sadd.s32 s6, s7  }
0x10c: {  	[tilespmem:s12], [sflag:$0x3] =	stream.linear.gather [hbm4b:s7+s4], $0x800, $0x38;
	[tilespmem:$0x74B0] =	vst v63  }
0x10d: {  	_ =	swait.ge [sflag:s13], $0x80  }
0x10e: {  	[sflag:s13] =	ssyncset.done $0x0  }
0x10f: {  	[sflag:s13] =	ssyncadd.s32 $0xFFFFFF80  }
0x110: {  	_ =	swait.ge [sflag:s13], $0x800  }
0x111: {  	[sflag:s13] =	ssyncset.done $0x0  }
0x112: {  	p1 =	seq.s32 s8, $0x4B00;
	[sflag:s13] =	ssyncadd.s32 $0xFFFFF800  }
0x113: {  	[spmem:s1] =	stream.indirect.scatter.add.f32 [tilespmem:s0], [sflag:$0x5], $0x10, s31, s31, $0xb8;
	[tilespmem:$0x74B0] =	vst v63  }
0x114: {  	s7 =	simm.s32 @!p1 $0x4  }
0x115: {  	[spmem:s2] =	stream.indirect.scatter.add.f32 [tilespmem:s10], [sflag:$0x5], $0x10, s31, s31, $0xb8;
	[tilespmem:$0x74B0] =	vst v63  }
0x116: {  	_ =	swait.ge @!p1 [sflag:s7], $0x800  }
0x117: {  	[sflag:s7] =	ssyncset.done @!p1 $0x0  }
0x118: {  	[sflag:s7] =	ssyncadd.s32 @!p1 $0xFFFFF800  }
0x119: {  	_ =	swait.ge @!p1 [sflag:s7], $0x800  }
0x11a: {  	s9 =	sshrl.u32 @!p1 s18, $0x3;
	[sflag:s7] =	ssyncset.done @!p1 $0x0  }
0x11b: {  	s9 =	sadd.s32 @!p1 s5, s9;
	[sflag:s7] =	ssyncadd.s32 @!p1 $0xFFFFF800;
	s7 =	simm.s32 @!p1 $0x0  }
0x11c: {  	[tilespmem:s7], [sflag:$0x1] =	stream.linear.gather @!p1 [hbm4b:s9+s7], $0x80, $0x38;
	[tilespmem:$0x74B0] =	vst v63  }
0x11d: {  	s24 =	simm.s32 @!p1 $0x180;
	s9 =	sadd.s32 @!p1 s8, s23  }
0x11e: {  	[tilespmem:s24], [sflag:$0x1] =	stream.linear.gather @!p1 [hbm4b:s9+s7], $0x800, $0x38;
	[tilespmem:$0x74B0] =	vst v63  }
0x11f: {  	s9 =	sadd.s32 @!p1 $0xFFFFFFB5, s20  }
0x120: {  	p2 =	sgt.u32 @!p1 s9, $0x7FFFFFB1  }
0x121: {  	p2 =	por p1, !p2  }
0x122: {  	_ =	swait.ge @p2 [sflag:s14], $0x800  }
0x123: {  	[sflag:s14] =	ssyncset.done @p2 $0x0  }
0x124: {  	[sflag:s14] =	ssyncadd.s32 @p2 $0xFFFFF800  }
0x125: {  	_ =	swait.ge @p2 [sflag:s14], $0x800  }
0x126: {  	[sflag:s14] =	ssyncset.done @p2 $0x0  }
0x127: {  	[sflag:s14] =	ssyncadd.s32 @p2 $0xFFFFF800  }
0x128: {  	_ =	swait.ge [sflag:s16], $0x80  }
0x129: {  	[sflag:s16] =	ssyncset.done $0x0  }
0x12a: {  	[sflag:s16] =	ssyncadd.s32 $0xFFFFFF80  }
0x12b: {  	_ =	swait.ge [sflag:s16], $0x800  }
0x12c: {  	[sflag:s16] =	ssyncset.done $0x0  }
0x12d: {  	[sflag:s16] =	ssyncadd.s32 $0xFFFFF800  }
0x12e: {  	[spmem:s1] =	stream.indirect.scatter.add.f32 [tilespmem:s12], [sflag:$0x6], $0x10, s11, s31, $0xb8;
	[tilespmem:$0x74B0] =	vst v63  }
0x12f: {  	s9 =	simm.s32 @!p1 $0x5  }
0x130: {  	[spmem:s2] =	stream.indirect.scatter.add.f32 [tilespmem:s10], [sflag:$0x6], $0x10, s11, s31, $0xb8;
	[tilespmem:$0x74B0] =	vst v63  }
0x131: {  	_ =	swait.ge @!p1 [sflag:s9], $0x800  }
0x132: {  	[sflag:s9] =	ssyncset.done @!p1 $0x0  }
0x133: {  	[sflag:s9] =	ssyncadd.s32 @!p1 $0xFFFFF800  }
0x134: {  	_ =	swait.ge @!p1 [sflag:s9], $0x800  }
0x135: {  	[sflag:s9] =	ssyncset.done @!p1 $0x0  }
0x136: {  	[sflag:s9] =	ssyncadd.s32 @!p1 $0xFFFFF800;
	s9 =	simm.s32 @!p1 $0x80  }
0x137: {  	[tilespmem:s9], [sflag:$0x2] =	stream.linear.gather @!p1 [hbm4b:s22+s7], $0x80, $0x38;
	[tilespmem:$0x74B0] =	vst v63  }
0x138: {  	s24 =	simm.s32 @!p1 $0x980;
	s9 =	sadd.s32 @!p1 s8, s21  }
0x139: {  	[tilespmem:s24], [sflag:$0x2] =	stream.linear.gather @!p1 [hbm4b:s9+s7], $0x800, $0x38;
	[tilespmem:$0x74B0] =	vst v63  }
0x13a: {  	s7 =	sadd.s32 @!p1 $0xFFFFFFB6, s20  }
0x13b: {  	p2 =	sgt.u32 @!p1 s7, $0x7FFFFFB1  }
0x13c: {  	p1 =	por p1, !p2  }
0x13d: {  	_ =	swait.ge @p1 [sflag:s17], $0x800  }
0x13e: {  	[sflag:s17] =	ssyncset.done @p1 $0x0  }
0x13f: {  	[sflag:s17] =	ssyncadd.s32 @p1 $0xFFFFF800  }
0x140: {  	_ =	swait.ge @p1 [sflag:s17], $0x800  }
0x141: {  	s8 =	sadd.s32 $0x300, s8;
	[sflag:s17] =	ssyncset.done @p1 $0x0  }
0x142: {  	[sflag:s17] =	ssyncadd.s32 @p1 $0xFFFFF800;
	p1 =	sne.s32 s8, $0x4E00  }
.Ltmp1:
0x143: {  	_ = 	snop;
	(pc) =	sbr.rel @p1 .LBB2_4-.Ltmp1, $2  }
0x144: {  	_ =	sdelay $0x2  }
0x145: {  	s18 =	sadd.s32 $0x180, s18;
	s22 =	sadd.s32 $0x30, s22;
	s20 =	sadd.s32 $0x3, s20  }
0x146: {  	s7 =	sld [smem:$0x7F6];
	_ =	sdelay $0x1  }
0x147: {  	s8 =	simm.s32 $0x2180  }
0x148: {  	[tilespmem:s8], [sflag:$0x7] =	stream.linear.gather [hbm4b:s7+s4], $0x10, $0x38;
	[tilespmem:$0x74B0] =	vst v63  }
0x149: {  	_ =	swait.ge [sflag:s29], $0x10  }
0x14a: {  	s18 =	sld [smem:$0x7F7]  }
0x14b: {  	[sflag:s29] =	ssyncset.done $0x0  }
0x14c: {  	s9 =	simm.s32 $0x2190;
	[sflag:s29] =	ssyncadd.s32 $0xFFFFFFF0  }
0x14d: {  	[tilespmem:s9], [sflag:$0x7] =	stream.linear.gather [hbm4b:s18+s4], $0x100, $0x38;
	[tilespmem:$0x74B0] =	vst v63  }
0x14e: {  	_ =	swait.ge [sflag:s29], $0x100  }
0x14f: {  	[sflag:s29] =	ssyncset.done $0x0  }
0x150: {  	s20 =	simm.s32 $0x6;
	[sflag:s29] =	ssyncadd.s32 $0xFFFFFF00  }
0x151: {  	_ =	swait.ge [sflag:s20], $0x800  }
0x152: {  	[sflag:s20] =	ssyncset.done $0x0  }
0x153: {  	[sflag:s20] =	ssyncadd.s32 $0xFFFFF800  }
0x154: {  	_ =	swait.ge [sflag:s20], $0x800  }
0x155: {  	[sflag:s20] =	ssyncset.done $0x0  }
0x156: {  	s22 =	simm.s32 $0x10;
	[sflag:s20] =	ssyncadd.s32 $0xFFFFF800  }
0x157: {  	[spmem:s1] =	stream.indirect.scatter.add.f32 [tilespmem:s9], [sflag:$0x7], $0x10, s8, s22, $0xb8;
	[tilespmem:$0x74B0] =	vst v63  }
0x158: {  	_ =	swait.ge [sflag:s29], $0x100  }
0x159: {  	[sflag:s29] =	ssyncset.done $0x0  }
0x15a: {  	s24 =	simm.s32 $0x2290;
	[sflag:s29] =	ssyncadd.s32 $0xFFFFFF00  }
0x15b: {  	[spmem:s2] =	stream.indirect.scatter.add.f32 [tilespmem:s24], [sflag:$0x7], $0x10, s8, s22, $0xb8;
	[tilespmem:$0x74B0] =	vst v63  }
0x15c: {  	_ =	swait.ge [sflag:s29], $0x100  }
0x15d: {  	[sflag:s29] =	ssyncset.done $0x0  }
0x15e: {  	[sflag:s29] =	ssyncadd.s32 $0xFFFFFF00  }
0x15f: {  	s9 =	stileid.u32;
	[bflag:$0x0] =	sbarrier.arrive $0xFFFF  }
0x160: {  	s7 =	sshll.u32 s9, $0x6;
	s18 =	rddreg [dreg:$0x5]  }
0x161: {  	s7 =	sor.u32 $0x1C07, s7;
	s20 =	rddreg [dreg:$0x6];
	s8 =	sshrl.u32 s18, $0x3  }
0x162: {  	[hbm:s20], [sflag:s7] =	dma.local [spmem:s8], $0x4E0  }
0x163: {  	_ =	swait.ge [sflag:s29], $0x4E0  }
0x164: {  	s24 =	sld [smem:$0x7FD]  }
0x165: {  	[sflag:s29] =	ssyncset.done $0x0;
	s22 =	rddreg [dreg:$0x7]  }
0x166: {  	[sflag:s29] =	ssyncadd.s32 $0xFFFFFB20;
	s8 =	sshrl.u32 s22, $0x3  }
0x167: {  	[hbm:s24], [sflag:s7] =	dma.local [spmem:s8], $0x4E0  }
0x168: {  	_ =	swait.ge [sflag:s29], $0x4E0  }
0x169: {  	s9 =	sld [smem:$0x7F8]  }
0x16a: {  	[sflag:s29] =	ssyncset.done $0x0  }
0x16b: {  	s8 =	sshrl.u32 @!p0 s25, $0x3;
	[sflag:s29] =	ssyncadd.s32 $0xFFFFFB20  }
0x16c: {  	[hbm:s9], [sflag:s7] =	dma.local @!p0 [spmem:s8], $0x20  }
0x16d: {  	s8 =	simm.s32 @!p0 $0x7  }
0x16e: {  	_ =	swait.ge @!p0 [sflag:s8], $0x20  }
0x16f: {  	s18 =	sld [smem:$0x7F9]  }
0x170: {  	[sflag:s8] =	ssyncset.done @!p0 $0x0  }
0x171: {  	s9 =	sshrl.u32 @!p0 s19, $0x3;
	[sflag:s8] =	ssyncadd.s32 @!p0 $0xFFFFFFE0  }
0x172: {  	[hbm:s18], [sflag:s7] =	dma.local @!p0 [spmem:s9], $0x20  }
0x173: {  	_ =	swait.ge @!p0 [sflag:s8], $0x20  }
0x174: {  	s20 =	smov.u32 s25;
	s25 =	sld [smem:$0x7FA];
	_ =	sdelay $0x1  }
0x175: {  	s26 =	sadd.s32 $0x1, s26  }
0x176: {  	p1 =	sne.s32 s26, s25  }
.Ltmp2:
0x177: {  	_ = 	snop;
	(pc) =	sbr.rel @p1 .LBB2_1-.Ltmp2, $3  }
0x178: {  	_ =	sdelay $0x1  }
0x179: {  	[sflag:s8] =	ssyncset.done @!p0 $0x0  }
0x17a: {  	s22 =	smov.u32 s19;
	[sflag:s8] =	ssyncadd.s32 @!p0 $0xFFFFFFE0  }
0x17b: {  	_ =	sfence.sel $0x180000  }
0x17c: {  	[bflag:$0x0] =	sbarrier.arrive $0xFFFF  }
0x17d: {  	_ =	strace $0x9000004A  }
0x17e: {  	s0 =	stileid.u32;
	[bflag:$0x2] =	sbarrier.arrive $0xFFFF  }
0x17f: {  	p0 =	sne.s32 s0, $0x0;
	s0 =	rddreg [dreg:$0x4]  }
0x180: {  	s0 =	sadd.s32 @!p0 $0x100000, s0  }
0x181: {  	[sflag:s0] =	ssyncadd.tile.s32 @!p0 $0x1;
	_ =	shalt  }
.Lfunc_end2:
_tile_overlayer_lowered:
.L_overlay_start_2:
0x182: {  	(tag) =	ssettag $0x2  }
0x183: {  	s0 =	rddreg [dreg:$0x0];
	s2 =	stileid.u32  }
0x184: {  	s1 =	rddreg [dreg:$0x1];
	p0 =	sne.s32 s2, $0x0  }
0x185: {  	s3 =	rddreg [dreg:$0x2];
	[bflag:$0x3] =	sbarrier.arrive $0xFFFF;
	s2 =	simm.s32 @!p0 $0x1C07  }
0x186: {  	[timem:s3], [sflag:s2] =	dma.local @!p0 [hbm:s0], s1  }
0x187: {  	s0 =	simm.s32 @!p0 $0x7  }
0x188: {  	_ =	swait.ge @!p0 [sflag:s0], s1  }
0x189: {  	s1 =	ssub.s32 @!p0 $0x0, s1;
	[sflag:s0] =	ssyncset.done @!p0 $0x0  }
0x18a: {  	[sflag:s0] =	ssyncadd.s32 @!p0 s1  }
0x18b: {  	[bflag:$0x3] =	sbarrier.arrive $0xFFFF  }
0x18c: {  	_ =	shalt  }

// kernel: kernel.13.cloned.1.call-start
scs
__scs_entry_jumppad:
0x0: {  	(pc) =	sbr.rel $0x88, $3  }
0x1: {  	(tag) =	ssettag $0x0;
	lr =	simm.s32 $0x1  }
0x2: {  	[smem:$0x3F8C] =	sst lr;
	_ =	strace $0xD0000000  }
0x3: {  	_ = 	snop  }
0x4: {  	_ = 	snop  }
0x5: {  	_ = 	snop  }
0x6: {  	_ = 	snop  }
0x7: {  	_ = 	snop  }
__scs_overlays_trampoline_lowered:
0x8: {  	[smem:$0x3F9B] =	sst s0  }
0x9: {  	[smem:$0x3F9C] =	sst s1  }
0xa: {  	[smem:$0x3F9D] =	sst s2  }
0xb: {  	[smem:$0x3F9E] =	sst s3  }
0xc: {  	[smem:$0x3F9F] =	sst s4  }
0xd: {  	[smem:$0x3FA0] =	sst s5  }
0xe: {  	[smem:$0x3FA1] =	sst s6  }
0xf: {  	[smem:$0x3FA2] =	sst s7  }
0x10: {  	[smem:$0x3FA3] =	sst s8  }
0x11: {  	[smem:$0x3FA4] =	sst s9;
	s0 =	simm.s32 @!p0 $0x0  }
0x12: {  	s1 =	sld [smem:$0x3F8A];
	s0 =	simm.s32 @p0 $0x1  }
0x13: {  	[smem:$0x3FA5] =	sst s0;
	s0 =	simm.s32 @!p1 $0x0  }
0x14: {  	s2 =	sld [smem:$0x3F89];
	s0 =	simm.s32 @p1 $0x1  }
0x15: {  	[smem:$0x3FA6] =	sst s0;
	s0 =	simm.s32 @!p2 $0x0  }
0x16: {  	s3 =	sld [smem:$0x3FDB];
	s0 =	simm.s32 @p2 $0x1  }
0x17: {  	s4 =	simm.s32 $0x1BF5;
	[smem:$0x3FA8] =	sst s0  }
0x18: {  	s0 =	sld [smem:$0x3F8B];
	_ =	swait.ge [sflag:s4], $0x0  }
0x19: {  	s7 =	sld [smem:$0x3F8C]  }
0x1a: {  	s8 =	sadd.s32 $0xFFFFE003, lr  }
0x1b: {  	s9 =	sadd.s32 $0xFFFFFEF7, lr;
	s5 =	simm.s32 $0xFFFFFFFF;
	p2 =	slt.u32 s8, $0xFFFFF086  }
0x1c: {  	p1 =	slt.u32 s9, $0xF7A;
	s5 =	simm.s32 @!p2 $0x0  }
0x1d: {  	s5 =	simm.s32 @p1 $0x1;
	p0 =	seq.s32 s7, s2  }
0x1e: {  	s7 =	smul.u32 @!p0 $0xF7A, s2;
	p2 =	seq.s32 @!p0 s5, $0x0  }
0x1f: {  	s9 =	smul.u32 $0xF7A, s1;
	s8 =	simm.s32 @!p0 $0x1BF5;
	p2 =	por !p2, p0  }
0x20: {  	[sflag:s8] =	ssyncset.s32 @!p0 $0xFFFFF086;
	s6 =	sadd.s32 @!p0 s3, s7;
	s7 =	simm.s32 @!p0 $0x108  }
0x21: {  	s3 =	sadd.s32 s3, s9;
	s6 =	sadd.s32 @!p0 $0x88, s6;
	s7 =	simm.s32 @p2 $0x1082  }
0x22: {  	[simem:s7], [sflag:s8] =	dma.local @!p0 [hbm:s6], $0xF7A  }
0x23: {  	s9 =	sor.u32 $0xD0000000, s2;
	s6 =	simm.s32 $0x108;
	_ =	swait.ge @!p0 [sflag:s8], $0x0  }
0x24: {  	s3 =	sadd.s32 $0x88, s3;
	s6 =	simm.s32 @!p1 $0x1082;
	[sflag:s4] =	ssyncset.s32 $0xFFFFF086  }
0x25: {  	[simem:s6], [sflag:s4] =	dma.local [hbm:s3], $0xF7A  }
0x26: {  	[smem:$0x3F8C] =	sst s1;
	(tag) =	ssettag s2;
	_ =	strace s9  }
0x27: {  	s1 =	sld [smem:$0x3F9C]  }
0x28: {  	s2 =	sld [smem:$0x3F9D]  }
0x29: {  	s4 =	sld [smem:$0x3F9F]  }
0x2a: {  	p0 =	seq.s32 s5, $0x0;
	s5 =	sld [smem:$0x3FA0]  }
0x2b: {  	s6 =	sld [smem:$0x3FA1]  }
0x2c: {  	s7 =	sld [smem:$0x3FA2]  }
0x2d: {  	s3 =	simm.s32 $0x108;
	s8 =	sld [smem:$0x3FA3]  }
0x2e: {  	s3 =	simm.s32 @!p0 $0x1082;
	s9 =	sld [smem:$0x3FA4]  }
0x2f: {  	lr =	sadd.s32 s0, s3;
	s0 =	sld [smem:$0x3F9B]  }
0x30: {  	s3 =	sld [smem:$0x3F9E]  }
0x31: {  	[smem:$0x3FA7] =	sst s10  }
0x32: {  	s10 =	sld [smem:$0x3FA5];
	_ =	sdelay $0x3  }
0x33: {  	p0 =	seq.s32 s10, $0x1;
	s10 =	sld [smem:$0x3FA7];
	_ =	sdelay $0x3  }
0x34: {  	[smem:$0x3FA7] =	sst s10  }
0x35: {  	s10 =	sld [smem:$0x3FA6];
	_ =	sdelay $0x3  }
0x36: {  	p1 =	seq.s32 s10, $0x1;
	s10 =	sld [smem:$0x3FA7];
	_ =	sdelay $0x3  }
0x37: {  	[smem:$0x3FA7] =	sst s10  }
0x38: {  	s10 =	sld [smem:$0x3FA8]  }
0x39: {  	_ = 	snop;
	(pc) =	sbr.ind lr, $3  }
0x3a: {  	_ = 	snop  }
0x3b: {  	_ = 	snop  }
0x3c: {  	p2 =	seq.s32 s10, $0x1;
	s10 =	sld [smem:$0x3FA7]  }
0x3d: {  	_ =	shalt  }
0x3e: {  	_ =	shalt  }
0x3f: {  	_ =	shalt  }
0x40: {  	_ =	shalt  }
0x41: {  	_ =	shalt  }
0x42: {  	_ =	shalt  }
0x43: {  	_ =	shalt  }
0x44: {  	_ =	shalt  }
0x45: {  	_ =	shalt  }
0x46: {  	_ =	shalt  }
0x47: {  	_ =	shalt  }
0x48: {  	_ =	shalt  }
0x49: {  	_ =	shalt  }
0x4a: {  	_ =	shalt  }
0x4b: {  	_ =	shalt  }
0x4c: {  	_ =	shalt  }
0x4d: {  	_ =	shalt  }
0x4e: {  	_ =	shalt  }
0x4f: {  	_ =	shalt  }
0x50: {  	_ =	shalt  }
0x51: {  	_ =	shalt  }
0x52: {  	_ =	shalt  }
0x53: {  	_ =	shalt  }
0x54: {  	_ =	shalt  }
0x55: {  	_ =	shalt  }
0x56: {  	_ =	shalt  }
0x57: {  	_ =	shalt  }
0x58: {  	_ =	shalt  }
0x59: {  	_ =	shalt  }
0x5a: {  	_ =	shalt  }
0x5b: {  	_ =	shalt  }
0x5c: {  	_ =	shalt  }
0x5d: {  	_ =	shalt  }
0x5e: {  	_ =	shalt  }
0x5f: {  	_ =	shalt  }
0x60: {  	_ =	shalt  }
0x61: {  	_ =	shalt  }
0x62: {  	_ =	shalt  }
0x63: {  	_ =	shalt  }
0x64: {  	_ =	shalt  }
0x65: {  	_ =	shalt  }
0x66: {  	_ =	shalt  }
0x67: {  	_ =	shalt  }
0x68: {  	_ =	shalt  }
0x69: {  	_ =	shalt  }
0x6a: {  	_ =	shalt  }
0x6b: {  	_ =	shalt  }
0x6c: {  	_ =	shalt  }
0x6d: {  	_ =	shalt  }
0x6e: {  	_ =	shalt  }
0x6f: {  	_ =	shalt  }
0x70: {  	_ =	shalt  }
0x71: {  	_ =	shalt  }
0x72: {  	_ =	shalt  }
0x73: {  	_ =	shalt  }
0x74: {  	_ =	shalt  }
0x75: {  	_ =	shalt  }
0x76: {  	_ =	shalt  }
0x77: {  	_ =	shalt  }
0x78: {  	_ =	shalt  }
0x79: {  	_ =	shalt  }
0x7a: {  	_ =	shalt  }
0x7b: {  	_ =	shalt  }
0x7c: {  	_ =	shalt  }
0x7d: {  	_ =	shalt  }
0x7e: {  	_ =	shalt  }
0x7f: {  	_ =	shalt  }
0x80: {  	_ =	shalt  }
0x81: {  	_ =	shalt  }
0x82: {  	_ =	shalt  }
0x83: {  	_ =	shalt  }
0x84: {  	_ =	shalt  }
0x85: {  	_ =	shalt  }
0x86: {  	_ =	shalt  }
0x87: {  	_ =	shalt  }
.Lfunc_end0:
.L_simem_size_0:
called_computation.2_lowered:
.L_overlay_start_0:
0x88: {  	s2 =	sld [smem:$0x3FD9]  }
0x89: {  	s3 =	sld [smem:$0x3FFE];
	_ =	sdelay $0x1  }
0x8a: {  	s1 =	srdreg.scid  }
0x8b: {  	s0 =	sand.u32 $0x1, s1  }
0x8c: {  	s17 =	sshll.u32 s0, $0xA;
	s2 =	sadd.s32 s3, s2  }
0x8d: {  	s2 =	sadd.s32 s2, s17  }
0x8e: {  	[smem:$0x3FB3] =	sst s2  }
0x8f: {  	_ = 	snop  }
0x90: {  	s2 =	sld [smem:$0x3FD0];
	(tm) =	ssettm $0x1  }
0x91: {  	s18 =	sld [smem:$0x3FFB];
	_ =	sdelay $0x3  }
0x92: {  	_ =	strace s18  }
0x93: {  	s3 =	sld [smem:$0x3FFC];
	_ =	sdelay $0x3  }
0x94: {  	_ =	strace s3  }
0x95: {  	s3 =	sld [smem:$0x3FFD];
	_ =	sdelay $0x3  }
0x96: {  	_ =	strace s3  }
0x97: {  	_ =	strace $0x8FFFFFFF  }
0x98: {  	s19 =	sld [smem:$0x3FDB];
	_ =	sdelay $0x1  }
0x99: {  	s4 =	simm.s32 $_scs_section_size  }
0x9a: {  	s5 =	simm.s32 $_size__tile_overlayer_lowered;
	s6 =	simm.s32 $_tile_overlayer_lowered  }
0x9b: {  	s22 =	simm.s32 $0x1BFF;
	s21 =	sshll.u32 s6, $0x1;
	s3 =	sadd.s32 s4, s19  }
0x9c: {  	s7 =	simm.s32 $0x0;
	s20 =	sshll.u32 s5, $0x1;
	s5 =	sadd.s32 s21, s3  }
0x9d: {  	[timem:s7], [sflag:s22] =	dma.local [hbm:s5], s20  }
0x9e: {  	_ =	swait.ge [sflag:s22], s20  }
0x9f: {  	s4 =	ssub.s32 $0x0, s20;
	[sflag:s22] =	ssyncset.done $0x0  }
0xa0: {  	[sflag:s22] =	ssyncadd.s32 s4;
	_ =	sdelay $0x1  }
0xa1: {  	s23 =	simm.s32 $0x1B8B  }
0xa2: {  	_ =	swait.ge [sflag:s23], $0x1  }
0xa3: {  	[sflag:s23] =	ssyncset.done $0x0  }
0xa4: {  	s25 =	simm.s32 $0x1B8E;
	s24 =	sld [smem:$0x3FFE];
	[sflag:s23] =	ssyncadd.s32 $0xFFFFFFFF  }
0xa5: {  	s26 =	simm.s32 $execute0_lowered;
	[smem:$0x3FD2] =	sst s25  }
0xa6: {  	s5 =	sshll.u32 s26, $0x1;
	_ =	strace $0x8000004C;
	[dreg:$0x1] =	wrdreg $0xFFFFFFFF  }
0xa7: {  	s28 =	simm.s32 $_size_execute0_lowered;
	s3 =	sadd.s32 s3, s5;
	[dreg:$0x0] =	wrdreg $0x0  }
0xa8: {  	s5 =	sshll.u32 s28, $0x1;
	[dreg:$0x2] =	wrdreg s3  }
0xa9: {  	[dreg:$0x3] =	wrdreg s5  }
0xaa: {  	[dreg:$0x4] =	wrdreg $0xC0  }
0xab: {  	_ =	task [dreg:s7], $0x5FFFF  }
0xac: {  	[dreg:$0x1] =	wrdreg $0xFFFFFFFF  }
0xad: {  	[dreg:$0x0] =	wrdreg $0x60  }
0xae: {  	[dreg:$0x2] =	wrdreg s24  }
0xaf: {  	[dreg:$0x3] =	wrdreg s2  }
0xb0: {  	[dreg:$0x4] =	wrdreg $0x73200  }
0xb1: {  	[dreg:$0x5] =	wrdreg $0x9  }
0xb2: {  	_ =	task.clear_ibuf [dreg:s7], $0x6FFFF;
	_ =	strace $0x9000004C  }
0xb3: {  	s29 =	simm.s32 $0x9;
	_ =	strace $0x8000004E  }
0xb4: {  	_ =	swait.ge [sflag:s29], $0x1  }
0xb5: {  	[sflag:s29] =	ssyncadd.s32 $0xFFFFFFFF  }
0xb6: {  	_ =	strace $0x9000004E  }
0xb7: {  	_ =	sfence  }
0xb8: {  	s30 =	sld [smem:$0x0];
	_ =	sdelay $0x2  }
0xb9: {  	s31 =	sshll.u32 s1, $0xD;
	s1 =	sshrl.u32 s1, $0x2  }
0xba: {  	s3 =	sand.u32 $0x4000, s31;
	s1 =	sadd.s32 s1, s30  }
0xbb: {  	s0 =	sor.u32 s3, s0;
	s1 =	sshll.u32 s1, $0x11  }
0xbc: {  	s0 =	sor.u32 s1, s0  }
0xbd: {  	s0 =	sadd.s32 $0x8F2B, s0  }
0xbe: {  	[sflag:s0] =	ssyncadd.remote.s32 $0x1  }
0xbf: {  	_ =	sfence.sel $0xFFFF  }
0xc0: {  	[dreg:$0x0] =	wrdreg $0xFFFFFFFF;
	(pc) =	sbr.abs _section_cstart, $3  }
0xc1: {  	[dreg:$0x1] =	wrdreg $0xFFFFFFFF  }
0xc2: {  	_ =	task.clear_ibuf [dreg:s7], $0x2FFFF;
	_ =	strace $0x9FFFFFFF  }
0xc3: {  	(tm) =	ssettm $0x7FFFFFFF  }
tec
execute0_lowered:
.L_overlay_start_1:
0x0: {  	(tag) =	ssettag $0x1  }
0x1: {  	s0 =	rddreg [dreg:$0x0]  }
0x2: {  	s2 =	rddreg [dreg:$0x1];
	s13 =	stileid.u32  }
0x3: {  	s1 =	rddreg [dreg:$0x2];
	s3 =	simm.s32 $0x0;
	s7 =	smul.u32 $0x27000, s13  }
0x4: {  	s4 =	srdreg.scid;
	s28 =	simm.s32 $0x4300;
	s9 =	smul.u32 $0x13800, s13  }
0x5: {  	s29 =	simm.s32 $0x5;
	s30 =	simm.s32 $0x8;
	s31 =	simm.s32 $0x6  }
0x6: {  	[smem:$0x7FF] =	sst s3;
	s7 =	sshrl.u32 s7, $0x2;
	s10 =	sshrl.u32 s9, $0x1  }
0x7: {  	s6 =	sand.u32 $0x1, s4;
	s7 =	sadd.s32 s7, s1;
	s19 =	sadd.s32 s10, s1  }
0x8: {  	_ =	strace $0x8000004D;
	s11 =	sadd.s32 $0xC00, s7;
	[dreg:$0x12] =	wrdreg s19  }
0x9: {  	s4 =	sadd.s32 $0xB4800, s0;
	s10 =	sadd.s32 $0x1800, s7;
	[dreg:$0x6] =	wrdreg s11  }
0xa: {  	s5 =	sadd.s32 $0x4A00, s0;
	s14 =	sadd.s32 $0x2400, s7;
	[dreg:$0x7] =	wrdreg s10  }
0xb: {  	s12 =	sshll.u32 s13, $0x1;
	s15 =	sadd.s32 $0x3000, s7;
	[dreg:$0x8] =	wrdreg s14  }
0xc: {  	s8 =	ssub.s32 $0x2, s6;
	s16 =	sadd.s32 $0x3C00, s7;
	[dreg:$0x9] =	wrdreg s15  }
0xd: {  	s26 =	sshrl.u32 s8, $0x1;
	s17 =	sadd.s32 $0x4800, s7;
	[dreg:$0xa] =	wrdreg s16  }
0xe: {  	s0 =	ssub.s32 s8, s26;
	s18 =	sadd.s32 $0x5400, s7;
	[dreg:$0xb] =	wrdreg s17  }
0xf: {  	s8 =	sor.u32 s6, s12;
	s20 =	sadd.s32 $0x6000, s7;
	[dreg:$0xc] =	wrdreg s18  }
0x10: {  	s12 =	smul.u32 $0x2710, s6;
	s21 =	sadd.s32 $0x6C00, s7;
	[dreg:$0xd] =	wrdreg s20  }
0x11: {  	s6 =	smul.u32 $0x138800, s6;
	s24 =	sadd.s32 $0x8400, s7;
	[dreg:$0xe] =	wrdreg s21  }
0x12: {  	s8 =	smul.u32 $0x2710, s8;
	s0 =	smax.u32 s0, $0x1;
	[dreg:$0x10] =	wrdreg s24  }
0x13: {  	s14 =	sadd.s32 $0x7800, s7;
	s7 =	sadd.s32 $0x9000, s7;
	[dreg:$0x16] =	wrdreg s0  }
0x14: {  	s9 =	sadd.s32 s9, s6;
	s6 =	sshrl.u32 s6, $0x4;
	[dreg:$0xf] =	wrdreg s14  }
0x15: {  	s22 =	sadd.s32 $0x180, s8;
	s23 =	sadd.s32 $0x200, s8;
	[dreg:$0x11] =	wrdreg s7  }
0x16: {  	s8 =	sshrl.u32 s8, $0x3;
	s26 =	sshrl.u32 s9, $0x4;
	[dreg:$0x4] =	wrdreg s22  }
0x17: {  	[dreg:$0x5] =	wrdreg s23;
	s10 =	sadd.s32 s5, s8;
	s8 =	sadd.s32 s2, s26  }
0x18: {  	p0 =	sne.s32 s13, $0xF;
	s2 =	sadd.s32 s2, s6;
	[dreg:$0x14] =	wrdreg s8  }
0x19: {  	s11 =	smul.u32 $0x4E20, s13;
	s2 =	sadd.s32 $0x13800, s2;
	[dreg:$0x13] =	wrdreg s10  }
0x1a: {  	s20 =	sadd.s32 $0x9C000, s1;
	s16 =	sadd.s32 $0x9C40, s10;
	[dreg:$0x15] =	wrdreg s2  }
0x1b: {  	s13 =	simm.s32 $0x200;
	s17 =	sadd.s32 $0x10, s10;
	[dreg:$0x19] =	wrdreg s16  }
0x1c: {  	s25 =	sadd.s32 s12, s11;
	s18 =	sadd.s32 $0x9C50, s10;
	[dreg:$0x1a] =	wrdreg s17  }
0x1d: {  	s9 =	sadd.s32 $0x100, s25;
	s21 =	sadd.s32 $0x20, s10;
	[dreg:$0x1b] =	wrdreg s18  }
0x1e: {  	s12 =	sadd.s32 $0x4E300, s25;
	s22 =	sadd.s32 $0x9C60, s10;
	[dreg:$0x1c] =	wrdreg s21  }
0x1f: {  	s23 =	sadd.s32 $0x4D0, s10;
	s24 =	sadd.s32 $0xA110, s10;
	[dreg:$0x1d] =	wrdreg s22  }
0x20: {  	s25 =	sadd.s32 $0x4E0, s10;
	s26 =	sadd.s32 $0xA120, s10;
	[dreg:$0x1e] =	wrdreg s23  }
0x21: {  	s10 =	simm.s32 $0xB;
	s8 =	simm.s32 $0x0;
	[dreg:$0x1f] =	wrdreg s24  }
0x22: {  	s11 =	sshrl.u32 s9, $0x3;
	s15 =	sshrl.u32 s12, $0x3;
	[smem:$0x7FC] =	sst s25  }
0x23: {  	[smem:$0x7FD] =	sst s26;
	s9 =	simm.s32 $0x6720;
	s12 =	simm.s32 $0x80  }
0x24: {  	s16 =	simm.s32 $0x1;
	s17 =	simm.s32 $0x300;
	s18 =	simm.s32 $0x2  }
0x25: {  	s21 =	simm.s32 $0x2300;
	s22 =	simm.s32 $0x4;
	s23 =	simm.s32 $0x3  }
0x26: {  	s26 =	simm.s32 $0x7;
	s14 =	sadd.s32 s11, s5;
	s0 =	sadd.s32 s15, s5  }
0x27: {  	s11 =	simm.s32 $0x180;
	s15 =	simm.s32 $0x280;
	[dreg:$0x17] =	wrdreg s14  }
0x28: {  	v0 =	vimm.bf16 $0.0e+00;
	[dreg:$0x18] =	wrdreg s0;
	s14 =	simm.s32 $0x100;
	s0 =	simm.s32 $0x9  }
.LBB2_1:
0x29: {  	s6 =	simm.s32 $0x100;
	s2 =	simm.s32 $0x0  }
.LBB2_2:
0x2a: {  	p1 =	sne.s32 s6, $0x2F00;
	[tilespmem:s2+$0x6750] =	vst v0;
	s7 =	smov.u32 s6;
	s6 =	sadd.s32 $0x100, s6  }
.Ltmp0:
0x2b: {  	[tilespmem:s2+$0x6740] =	vst v0;
	(pc) =	sbr.rel @p1 .LBB2_2-.Ltmp0, $3  }
0x2c: {  	[tilespmem:s2+$0x6720] =	vst v0  }
0x2d: {  	[tilespmem:s2+$0x6730] =	vst v0;
	_ =	sdelay $0x1  }
0x2e: {  	s2 =	sshra.s32 s7, $0x2  }
0x2f: {  	[tilespmem:s2+$0x6750] =	vst v0  }
0x30: {  	[tilespmem:s2+$0x6740] =	vst v0  }
0x31: {  	[tilespmem:s2+$0x6720] =	vst v0  }
0x32: {  	[tilespmem:s2+$0x6730] =	vst v0  }
0x33: {  	[spmem:s19] =	stream.linear.scatter [tilespmem:s9], [sflag:$0xB], $0xC00, $0x38;
	[tilespmem:$0x10F60] =	vst v63  }
0x34: {  	_ =	swait.ge [sflag:s10], $0xC00  }
0x35: {  	[sflag:s10] =	ssyncset.done $0x0  }
0x36: {  	s7 =	rddreg [dreg:$0x6];
	[sflag:s10] =	ssyncadd.s32 $0xFFFFF400  }
0x37: {  	[spmem:s7] =	stream.linear.scatter [tilespmem:s9], [sflag:$0xB], $0xC00, $0x38;
	[tilespmem:$0x10F60] =	vst v63  }
0x38: {  	_ =	swait.ge [sflag:s10], $0xC00  }
0x39: {  	[sflag:s10] =	ssyncset.done $0x0  }
0x3a: {  	s19 =	rddreg [dreg:$0x7];
	[sflag:s10] =	ssyncadd.s32 $0xFFFFF400  }
0x3b: {  	[spmem:s19] =	stream.linear.scatter [tilespmem:s9], [sflag:$0xB], $0xC00, $0x38;
	[tilespmem:$0x10F60] =	vst v63  }
0x3c: {  	_ =	swait.ge [sflag:s10], $0xC00  }
0x3d: {  	[sflag:s10] =	ssyncset.done $0x0  }
0x3e: {  	s24 =	rddreg [dreg:$0x8];
	[sflag:s10] =	ssyncadd.s32 $0xFFFFF400  }
0x3f: {  	[spmem:s24] =	stream.linear.scatter [tilespmem:s9], [sflag:$0xB], $0xC00, $0x38;
	[tilespmem:$0x10F60] =	vst v63  }
0x40: {  	_ =	swait.ge [sflag:s10], $0xC00  }
0x41: {  	[sflag:s10] =	ssyncset.done $0x0  }
0x42: {  	s25 =	rddreg [dreg:$0x9];
	[sflag:s10] =	ssyncadd.s32 $0xFFFFF400  }
0x43: {  	[spmem:s25] =	stream.linear.scatter [tilespmem:s9], [sflag:$0xB], $0xC00, $0x38;
	[tilespmem:$0x10F60] =	vst v63  }
0x44: {  	_ =	swait.ge [sflag:s10], $0xC00  }
0x45: {  	[sflag:s10] =	ssyncset.done $0x0  }
0x46: {  	s6 =	rddreg [dreg:$0xa];
	[sflag:s10] =	ssyncadd.s32 $0xFFFFF400  }
0x47: {  	[spmem:s6] =	stream.linear.scatter [tilespmem:s9], [sflag:$0xB], $0xC00, $0x38;
	[tilespmem:$0x10F60] =	vst v63  }
0x48: {  	_ =	swait.ge [sflag:s10], $0xC00  }
0x49: {  	[sflag:s10] =	ssyncset.done $0x0  }
0x4a: {  	s7 =	rddreg [dreg:$0xb];
	[sflag:s10] =	ssyncadd.s32 $0xFFFFF400  }
0x4b: {  	[spmem:s7] =	stream.linear.scatter [tilespmem:s9], [sflag:$0xB], $0xC00, $0x38;
	[tilespmem:$0x10F60] =	vst v63  }
0x4c: {  	_ =	swait.ge [sflag:s10], $0xC00  }
0x4d: {  	[sflag:s10] =	ssyncset.done $0x0  }
0x4e: {  	s19 =	rddreg [dreg:$0xc];
	[sflag:s10] =	ssyncadd.s32 $0xFFFFF400  }
0x4f: {  	[spmem:s19] =	stream.linear.scatter [tilespmem:s9], [sflag:$0xB], $0xC00, $0x38;
	[tilespmem:$0x10F60] =	vst v63  }
0x50: {  	_ =	swait.ge [sflag:s10], $0xC00  }
0x51: {  	[sflag:s10] =	ssyncset.done $0x0  }
0x52: {  	s24 =	rddreg [dreg:$0xd];
	[sflag:s10] =	ssyncadd.s32 $0xFFFFF400  }
0x53: {  	[spmem:s24] =	stream.linear.scatter [tilespmem:s9], [sflag:$0xB], $0xC00, $0x38;
	[tilespmem:$0x10F60] =	vst v63  }
0x54: {  	_ =	swait.ge [sflag:s10], $0xC00  }
0x55: {  	[sflag:s10] =	ssyncset.done $0x0  }
0x56: {  	s25 =	rddreg [dreg:$0xe];
	[sflag:s10] =	ssyncadd.s32 $0xFFFFF400  }
0x57: {  	[spmem:s25] =	stream.linear.scatter [tilespmem:s9], [sflag:$0xB], $0xC00, $0x38;
	[tilespmem:$0x10F60] =	vst v63  }
0x58: {  	_ =	swait.ge [sflag:s10], $0xC00  }
0x59: {  	[sflag:s10] =	ssyncset.done $0x0  }
0x5a: {  	s6 =	rddreg [dreg:$0xf];
	[sflag:s10] =	ssyncadd.s32 $0xFFFFF400  }
0x5b: {  	[spmem:s6] =	stream.linear.scatter [tilespmem:s9], [sflag:$0xB], $0xC00, $0x38;
	[tilespmem:$0x10F60] =	vst v63  }
0x5c: {  	_ =	swait.ge [sflag:s10], $0xC00  }
0x5d: {  	[sflag:s10] =	ssyncset.done $0x0  }
0x5e: {  	s7 =	rddreg [dreg:$0x10];
	[sflag:s10] =	ssyncadd.s32 $0xFFFFF400  }
0x5f: {  	[spmem:s7] =	stream.linear.scatter [tilespmem:s9], [sflag:$0xB], $0xC00, $0x38;
	[tilespmem:$0x10F60] =	vst v63  }
0x60: {  	_ =	swait.ge [sflag:s10], $0xC00  }
0x61: {  	[sflag:s10] =	ssyncset.done $0x0  }
0x62: {  	s19 =	rddreg [dreg:$0x11];
	[sflag:s10] =	ssyncadd.s32 $0xFFFFF400  }
0x63: {  	[spmem:s19] =	stream.linear.scatter [tilespmem:s9], [sflag:$0xB], $0xC00, $0x38;
	[tilespmem:$0x10F60] =	vst v63  }
0x64: {  	_ =	swait.ge [sflag:s10], $0xC00  }
0x65: {  	[sflag:s10] =	ssyncset.done $0x0  }
0x66: {  	s2 =	simm.s32 @!p0 $0x6720;
	[sflag:s10] =	ssyncadd.s32 $0xFFFFF400  }
0x67: {  	[spmem:s20] =	stream.linear.scatter @!p0 [tilespmem:s2], [sflag:$0xB], $0x400, $0x38;
	[tilespmem:$0x10F60] =	vst v63  }
0x68: {  	s2 =	simm.s32 @!p0 $0xB  }
0x69: {  	_ =	swait.ge @!p0 [sflag:s2], $0x400  }
0x6a: {  	[sflag:s2] =	ssyncset.done @!p0 $0x0  }
0x6b: {  	[sflag:s2] =	ssyncadd.s32 @!p0 $0xFFFFFC00  }
0x6c: {  	[bflag:$0x0] =	sbarrier.arrive $0xFFFF  }
0x6d: {  	s2 =	simm.s32 $0x0;
	s6 =	rddreg [dreg:$0x13]  }
0x6e: {  	[tilespmem:s2], [sflag:$0x1] =	stream.linear.gather [hbm4b:s6+s2], $0x80, $0x38;
	[tilespmem:$0x10F60] =	vst v63  }
0x6f: {  	s24 =	rddreg [dreg:$0x19]  }
0x70: {  	[tilespmem:s11], [sflag:$0x1] =	stream.linear.gather [hbm4b:s24+s2], $0x80, $0x38;
	[tilespmem:$0x10F60] =	vst v63  }
0x71: {  	s7 =	rddreg [dreg:$0x1a]  }
0x72: {  	[tilespmem:s12], [sflag:$0x2] =	stream.linear.gather [hbm4b:s7+s2], $0x80, $0x38;
	[tilespmem:$0x10F60] =	vst v63  }
0x73: {  	s19 =	rddreg [dreg:$0x1b]  }
0x74: {  	[tilespmem:s13], [sflag:$0x2] =	stream.linear.gather [hbm4b:s19+s2], $0x80, $0x38;
	[tilespmem:$0x10F60] =	vst v63  }
0x75: {  	s25 =	smov.u32 s20;
	s20 =	rddreg [dreg:$0x1c]  }
0x76: {  	[tilespmem:s14], [sflag:$0x3] =	stream.linear.gather [hbm4b:s20+s2], $0x80, $0x38;
	[tilespmem:$0x10F60] =	vst v63  }
0x77: {  	s24 =	rddreg [dreg:$0x1d]  }
0x78: {  	[tilespmem:s15], [sflag:$0x3] =	stream.linear.gather [hbm4b:s24+s2], $0x80, $0x38;
	[tilespmem:$0x10F60] =	vst v63  }
0x79: {  	_ =	swait.ge [sflag:s16], $0x80  }
0x7a: {  	[sflag:s16] =	ssyncset.done $0x0  }
0x7b: {  	[sflag:s16] =	ssyncadd.s32 $0xFFFFFF80  }
0x7c: {  	_ =	swait.ge [sflag:s16], $0x80  }
0x7d: {  	[sflag:s16] =	ssyncset.done $0x0  }
0x7e: {  	[sflag:s16] =	ssyncadd.s32 $0xFFFFFF80  }
0x7f: {  	[tilespmem:s17], [sflag:$0x4] =	stream.indirect.gather [hbm4b:s4+s12], $0x40, s11, s12, $0xb8;
	[tilespmem:$0x10F60] =	vst v63  }
0x80: {  	_ =	swait.ge [sflag:s18], $0x80  }
0x81: {  	[sflag:s18] =	ssyncset.done $0x0  }
0x82: {  	[sflag:s18] =	ssyncadd.s32 $0xFFFFFF80  }
0x83: {  	_ =	swait.ge [sflag:s18], $0x80  }
0x84: {  	p1 =	por $0x1, $0x1;
	[sflag:s18] =	ssyncset.done $0x0  }
0x85: {  	s6 =	simm.s32 @!p1 $0x9;
	[sflag:s18] =	ssyncadd.s32 $0xFFFFFF80  }
0x86: {  	_ =	swait.ge @!p1 [sflag:s6], $0x2000  }
0x87: {  	s7 =	simm.s32 @!p1 $0x100;
	[sflag:s6] =	ssyncset.done @!p1 $0x0  }
0x88: {  	s19 =	rddreg [dreg:$0x17];
	[sflag:s6] =	ssyncadd.s32 @!p1 $0xFFFFE000;
	s6 =	simm.s32 @!p1 $0x0  }
0x89: {  	[tilespmem:s7], [sflag:$0x3] =	stream.linear.gather @!p1 [hbm4b:s19+s6], $0x80, $0x38;
	[tilespmem:$0x10F60] =	vst v63  }
0x8a: {  	s24 =	rddreg [dreg:$0x18];
	s7 =	simm.s32 @!p1 $0x280  }
0x8b: {  	[tilespmem:s7], [sflag:$0x3] =	stream.linear.gather @!p1 [hbm4b:s24+s6], $0x80, $0x38;
	[tilespmem:$0x10F60] =	vst v63  }
0x8c: {  	_ = 	snop  }
0x8d: {  	[tilespmem:s21], [sflag:$0x5] =	stream.indirect.gather [hbm4b:s4+s12], $0x40, s13, s12, $0xb8;
	[tilespmem:$0x10F60] =	vst v63  }
0x8e: {  	_ =	swait.ge [sflag:s22], $0x2000  }
0x8f: {  	[sflag:s22] =	ssyncset.done $0x0  }
0x90: {  	[sflag:s22] =	ssyncadd.s32 $0xFFFFE000  }
0x91: {  	[spmem:s1] =	stream.indirect.scatter.add.bf16 [tilespmem:s17], [sflag:$0x7], $0x40, s3, s12, $0xb8;
	[tilespmem:$0x10F60] =	vst v63  }
0x92: {  	_ =	swait.ge [sflag:s23], $0x80  }
0x93: {  	[sflag:s23] =	ssyncset.done $0x0  }
0x94: {  	[sflag:s23] =	ssyncadd.s32 $0xFFFFFF80  }
0x95: {  	_ =	swait.ge [sflag:s23], $0x80  }
0x96: {  	[sflag:s23] =	ssyncset.done $0x0  }
0x97: {  	[sflag:s23] =	ssyncadd.s32 $0xFFFFFF80  }
0x98: {  	_ =	swait.ge [sflag:s26], $0x2000  }
0x99: {  	s2 =	simm.s32 @p1 $0x0;
	s7 =	rddreg [dreg:$0x4]  }
0x9a: {  	s6 =	sadd.s32 s2, s7  }
0x9b: {  	[sflag:s26] =	ssyncset.done $0x0;
	s6 =	sshrl.u32 s6, $0x3  }
0x9c: {  	[sflag:s26] =	ssyncadd.s32 $0xFFFFE000;
	s6 =	sadd.s32 s5, s6  }
0x9d: {  	[tilespmem:s3], [sflag:$0x1] =	stream.linear.gather [hbm4b:s6+s3], $0x80, $0x38;
	[tilespmem:$0x10F60] =	vst v63  }
0x9e: {  	s6 =	sadd.s32 $0x9C40, s6  }
0x9f: {  	[tilespmem:s11], [sflag:$0x1] =	stream.linear.gather [hbm4b:s6+s3], $0x80, $0x38;
	[tilespmem:$0x10F60] =	vst v63  }
0xa0: {  	_ = 	snop  }
0xa1: {  	[tilespmem:s28], [sflag:$0x6] =	stream.indirect.gather [hbm4b:s4+s12], $0x40, s15, s12, $0xb8;
	[tilespmem:$0x10F60] =	vst v63  }
0xa2: {  	_ =	swait.ge [sflag:s29], $0x2000  }
0xa3: {  	[sflag:s29] =	ssyncset.done $0x0  }
0xa4: {  	[sflag:s29] =	ssyncadd.s32 $0xFFFFE000  }
0xa5: {  	[spmem:s1] =	stream.indirect.scatter.add.bf16 [tilespmem:s21], [sflag:$0x8], $0x40, s12, s12, $0xb8;
	[tilespmem:$0x10F60] =	vst v63  }
0xa6: {  	_ =	swait.ge [sflag:s16], $0x80  }
0xa7: {  	[sflag:s16] =	ssyncset.done $0x0  }
0xa8: {  	[sflag:s16] =	ssyncadd.s32 $0xFFFFFF80  }
0xa9: {  	_ =	swait.ge [sflag:s16], $0x80  }
0xaa: {  	[sflag:s16] =	ssyncset.done $0x0  }
0xab: {  	[sflag:s16] =	ssyncadd.s32 $0xFFFFFF80  }
0xac: {  	_ =	swait.ge [sflag:s30], $0x2000  }
0xad: {  	s20 =	rddreg [dreg:$0x5]  }
0xae: {  	s2 =	sadd.s32 s2, s20  }
0xaf: {  	[sflag:s30] =	ssyncset.done $0x0;
	s2 =	sshrl.u32 s2, $0x3  }
0xb0: {  	[sflag:s30] =	ssyncadd.s32 $0xFFFFE000;
	s2 =	sadd.s32 s5, s2  }
0xb1: {  	[tilespmem:s12], [sflag:$0x2] =	stream.linear.gather [hbm4b:s2+s3], $0x80, $0x38;
	[tilespmem:$0x10F60] =	vst v63  }
0xb2: {  	s2 =	sadd.s32 $0x9C40, s2  }
0xb3: {  	[tilespmem:s13], [sflag:$0x2] =	stream.linear.gather [hbm4b:s2+s3], $0x80, $0x38;
	[tilespmem:$0x10F60] =	vst v63  }
0xb4: {  	_ = 	snop  }
0xb5: {  	[tilespmem:s17], [sflag:$0x4] =	stream.indirect.gather [hbm4b:s4+s12], $0x40, s11, s12, $0xb8;
	[tilespmem:$0x10F60] =	vst v63  }
0xb6: {  	_ =	swait.ge [sflag:s31], $0x2000  }
0xb7: {  	s7 =	sadd.s32 $0x30, s24;
	[sflag:s31] =	ssyncset.done $0x0  }
0xb8: {  	s20 =	sadd.s32 $0x30, s19;
	s2 =	simm.s32 $0x180;
	[sflag:s31] =	ssyncadd.s32 $0xFFFFE000  }
.LBB2_4:
0xb9: {  	[spmem:s1] =	stream.indirect.scatter.add.bf16 [tilespmem:s28], [sflag:$0x9], $0x40, s14, s12, $0xb8;
	[tilespmem:$0x10F60] =	vst v63  }
0xba: {  	_ =	swait.ge [sflag:s18], $0x80  }
0xbb: {  	[sflag:s18] =	ssyncset.done $0x0  }
0xbc: {  	[sflag:s18] =	ssyncadd.s32 $0xFFFFFF80  }
0xbd: {  	s6 =	smov.u32 s2;
	_ =	swait.ge [sflag:s18], $0x80  }
0xbe: {  	p2 =	seq.s32 s6, $0x0;
	[sflag:s18] =	ssyncset.done $0x0  }
0xbf: {  	s19 =	simm.s32 @!p2 $0x9;
	[sflag:s18] =	ssyncadd.s32 $0xFFFFFF80  }
0xc0: {  	_ =	swait.ge @!p2 [sflag:s19], $0x2000  }
0xc1: {  	[sflag:s19] =	ssyncset.done @!p2 $0x0  }
0xc2: {  	s24 =	simm.s32 @!p2 $0x100;
	[sflag:s19] =	ssyncadd.s32 @!p2 $0xFFFFE000;
	s19 =	simm.s32 @!p2 $0x0  }
0xc3: {  	[tilespmem:s24], [sflag:$0x3] =	stream.linear.gather @!p2 [hbm4b:s20+s19], $0x80, $0x38;
	[tilespmem:$0x10F60] =	vst v63  }
0xc4: {  	s24 =	simm.s32 @!p2 $0x280  }
0xc5: {  	[tilespmem:s24], [sflag:$0x3] =	stream.linear.gather @!p2 [hbm4b:s7+s19], $0x80, $0x38;
	[tilespmem:$0x10F60] =	vst v63  }
0xc6: {  	_ = 	snop  }
0xc7: {  	[tilespmem:s21], [sflag:$0x5] =	stream.indirect.gather [hbm4b:s4+s12], $0x40, s13, s12, $0xb8;
	[tilespmem:$0x10F60] =	vst v63  }
0xc8: {  	_ =	swait.ge [sflag:s22], $0x2000  }
0xc9: {  	[sflag:s22] =	ssyncset.done $0x0  }
0xca: {  	[sflag:s22] =	ssyncadd.s32 $0xFFFFE000  }
0xcb: {  	[spmem:s1] =	stream.indirect.scatter.add.bf16 [tilespmem:s17], [sflag:$0x7], $0x40, s3, s12, $0xb8;
	[tilespmem:$0x10F60] =	vst v63  }
0xcc: {  	_ =	swait.ge [sflag:s23], $0x80  }
0xcd: {  	[sflag:s23] =	ssyncset.done $0x0  }
0xce: {  	[sflag:s23] =	ssyncadd.s32 $0xFFFFFF80  }
0xcf: {  	_ =	swait.ge [sflag:s23], $0x80  }
0xd0: {  	[sflag:s23] =	ssyncset.done $0x0  }
0xd1: {  	[sflag:s23] =	ssyncadd.s32 $0xFFFFFF80  }
0xd2: {  	_ =	swait.ge [sflag:s26], $0x2000  }
0xd3: {  	s6 =	simm.s32 @p2 $0x0;
	s24 =	rddreg [dreg:$0x4]  }
0xd4: {  	s19 =	sadd.s32 s6, s24  }
0xd5: {  	[sflag:s26] =	ssyncset.done $0x0;
	s19 =	sshrl.u32 s19, $0x3  }
0xd6: {  	[sflag:s26] =	ssyncadd.s32 $0xFFFFE000;
	s19 =	sadd.s32 s5, s19  }
0xd7: {  	[tilespmem:s3], [sflag:$0x1] =	stream.linear.gather [hbm4b:s19+s3], $0x80, $0x38;
	[tilespmem:$0x10F60] =	vst v63  }
0xd8: {  	s19 =	sadd.s32 $0x9C40, s19  }
0xd9: {  	[tilespmem:s11], [sflag:$0x1] =	stream.linear.gather [hbm4b:s19+s3], $0x80, $0x38;
	[tilespmem:$0x10F60] =	vst v63  }
0xda: {  	_ = 	snop  }
0xdb: {  	[tilespmem:s28], [sflag:$0x6] =	stream.indirect.gather [hbm4b:s4+s12], $0x40, s15, s12, $0xb8;
	[tilespmem:$0x10F60] =	vst v63  }
0xdc: {  	_ =	swait.ge [sflag:s29], $0x2000  }
0xdd: {  	[sflag:s29] =	ssyncset.done $0x0  }
0xde: {  	[sflag:s29] =	ssyncadd.s32 $0xFFFFE000  }
0xdf: {  	[spmem:s1] =	stream.indirect.scatter.add.bf16 [tilespmem:s21], [sflag:$0x8], $0x40, s12, s12, $0xb8;
	[tilespmem:$0x10F60] =	vst v63  }
0xe0: {  	_ =	swait.ge [sflag:s16], $0x80  }
0xe1: {  	[sflag:s16] =	ssyncset.done $0x0  }
0xe2: {  	[sflag:s16] =	ssyncadd.s32 $0xFFFFFF80  }
0xe3: {  	_ =	swait.ge [sflag:s16], $0x80  }
0xe4: {  	[sflag:s16] =	ssyncset.done $0x0  }
0xe5: {  	[sflag:s16] =	ssyncadd.s32 $0xFFFFFF80  }
0xe6: {  	_ =	swait.ge [sflag:s30], $0x2000  }
0xe7: {  	s24 =	rddreg [dreg:$0x5]  }
0xe8: {  	s6 =	sadd.s32 s6, s24  }
0xe9: {  	[sflag:s30] =	ssyncset.done $0x0;
	s6 =	sshrl.u32 s6, $0x3  }
0xea: {  	s2 =	sadd.s32 $0x180, s2;
	[sflag:s30] =	ssyncadd.s32 $0xFFFFE000;
	s6 =	sadd.s32 s5, s6  }
0xeb: {  	[tilespmem:s12], [sflag:$0x2] =	stream.linear.gather [hbm4b:s6+s3], $0x80, $0x38;
	[tilespmem:$0x10F60] =	vst v63  }
0xec: {  	p1 =	sne.s32 s2, $0x2580;
	s6 =	sadd.s32 $0x9C40, s6  }
0xed: {  	[tilespmem:s13], [sflag:$0x2] =	stream.linear.gather [hbm4b:s6+s3], $0x80, $0x38;
	[tilespmem:$0x10F60] =	vst v63  }
.Ltmp1:
0xee: {  	_ = 	snop;
	(pc) =	sbr.rel @p1 .LBB2_4-.Ltmp1, $4  }
0xef: {  	[tilespmem:s17], [sflag:$0x4] =	stream.indirect.gather [hbm4b:s4+s12], $0x40, s11, s12, $0xb8;
	[tilespmem:$0x10F60] =	vst v63  }
0xf0: {  	_ =	swait.ge [sflag:s31], $0x2000  }
0xf1: {  	[sflag:s31] =	ssyncset.done $0x0  }
0xf2: {  	s20 =	sadd.s32 $0x30, s20;
	s7 =	sadd.s32 $0x30, s7;
	[sflag:s31] =	ssyncadd.s32 $0xFFFFE000  }
0xf3: {  	[spmem:s1] =	stream.indirect.scatter.add.bf16 [tilespmem:s28], [sflag:$0x9], $0x40, s14, s12, $0xb8;
	[tilespmem:$0x10F60] =	vst v63  }
0xf4: {  	_ =	swait.ge [sflag:s18], $0x80  }
0xf5: {  	[sflag:s18] =	ssyncset.done $0x0  }
0xf6: {  	[sflag:s18] =	ssyncadd.s32 $0xFFFFFF80  }
0xf7: {  	_ =	swait.ge [sflag:s18], $0x80  }
0xf8: {  	[sflag:s18] =	ssyncset.done $0x0  }
0xf9: {  	[sflag:s18] =	ssyncadd.s32 $0xFFFFFF80  }
0xfa: {  	_ =	swait.ge [sflag:s0], $0x2000  }
0xfb: {  	[sflag:s0] =	ssyncset.done $0x0  }
0xfc: {  	s2 =	rddreg [dreg:$0x1e];
	[sflag:s0] =	ssyncadd.s32 $0xFFFFE000  }
0xfd: {  	[tilespmem:s14], [sflag:$0x3] =	stream.linear.gather [hbm4b:s2+s3], $0x80, $0x38;
	[tilespmem:$0x10F60] =	vst v63  }
0xfe: {  	s6 =	rddreg [dreg:$0x1f]  }
0xff: {  	[tilespmem:s15], [sflag:$0x3] =	stream.linear.gather [hbm4b:s6+s3], $0x80, $0x38;
	[tilespmem:$0x10F60] =	vst v63  }
0x100: {  	_ = 	snop  }
0x101: {  	[tilespmem:s21], [sflag:$0x5] =	stream.indirect.gather [hbm4b:s4+s12], $0x40, s13, s12, $0xb8;
	[tilespmem:$0x10F60] =	vst v63  }
0x102: {  	_ =	swait.ge [sflag:s22], $0x2000  }
0x103: {  	[sflag:s22] =	ssyncset.done $0x0  }
0x104: {  	[sflag:s22] =	ssyncadd.s32 $0xFFFFE000  }
0x105: {  	[spmem:s1] =	stream.indirect.scatter.add.bf16 [tilespmem:s17], [sflag:$0x7], $0x40, s3, s12, $0xb8;
	[tilespmem:$0x10F60] =	vst v63  }
0x106: {  	_ =	swait.ge [sflag:s23], $0x80  }
0x107: {  	[sflag:s23] =	ssyncset.done $0x0  }
0x108: {  	[sflag:s23] =	ssyncadd.s32 $0xFFFFFF80  }
0x109: {  	_ =	swait.ge [sflag:s23], $0x80  }
0x10a: {  	[sflag:s23] =	ssyncset.done $0x0  }
0x10b: {  	[sflag:s23] =	ssyncadd.s32 $0xFFFFFF80  }
0x10c: {  	_ =	swait.ge [sflag:s26], $0x2000  }
0x10d: {  	[sflag:s26] =	ssyncset.done $0x0  }
0x10e: {  	[sflag:s26] =	ssyncadd.s32 $0xFFFFE000  }
0x10f: {  	[tilespmem:s28], [sflag:$0x6] =	stream.indirect.gather [hbm4b:s4+s12], $0x40, s15, s12, $0xb8;
	[tilespmem:$0x10F60] =	vst v63  }
0x110: {  	_ =	swait.ge [sflag:s29], $0x2000  }
0x111: {  	[sflag:s29] =	ssyncset.done $0x0  }
0x112: {  	[sflag:s29] =	ssyncadd.s32 $0xFFFFE000  }
0x113: {  	[spmem:s1] =	stream.indirect.scatter.add.bf16 [tilespmem:s21], [sflag:$0x8], $0x40, s12, s12, $0xb8;
	[tilespmem:$0x10F60] =	vst v63  }
0x114: {  	_ =	swait.ge [sflag:s30], $0x2000  }
0x115: {  	[sflag:s30] =	ssyncset.done $0x0  }
0x116: {  	[sflag:s30] =	ssyncadd.s32 $0xFFFFE000  }
0x117: {  	_ =	swait.ge [sflag:s31], $0x2000  }
0x118: {  	[sflag:s31] =	ssyncset.done $0x0  }
0x119: {  	s7 =	sld [smem:$0x7FC];
	[sflag:s31] =	ssyncadd.s32 $0xFFFFE000  }
0x11a: {  	[spmem:s1] =	stream.indirect.scatter.add.bf16 [tilespmem:s28], [sflag:$0x9], $0x40, s14, s12, $0xb8;
	[tilespmem:$0x10F60] =	vst v63  }
0x11b: {  	s6 =	simm.s32 $0x6300  }
0x11c: {  	[tilespmem:s6], [sflag:$0xB] =	stream.linear.gather [hbm4b:s7+s3], $0x10, $0x38;
	[tilespmem:$0x10F60] =	vst v63  }
0x11d: {  	_ =	swait.ge [sflag:s10], $0x10  }
0x11e: {  	s19 =	sld [smem:$0x7FD]  }
0x11f: {  	[sflag:s10] =	ssyncset.done $0x0  }
0x120: {  	s7 =	simm.s32 $0x6310;
	[sflag:s10] =	ssyncadd.s32 $0xFFFFFFF0  }
0x121: {  	[tilespmem:s7], [sflag:$0xB] =	stream.linear.gather [hbm4b:s19+s3], $0x10, $0x38;
	[tilespmem:$0x10F60] =	vst v63  }
0x122: {  	_ =	swait.ge [sflag:s10], $0x10  }
0x123: {  	s20 =	simm.s32 $0x10;
	[sflag:s10] =	ssyncset.done $0x0  }
0x124: {  	s24 =	simm.s32 $0xA;
	s19 =	simm.s32 $0x6320;
	[sflag:s10] =	ssyncadd.s32 $0xFFFFFFF0  }
0x125: {  	[tilespmem:s19], [sflag:$0xA] =	stream.indirect.gather [hbm4b:s4+s20], $0x40, s7, s20, $0xb8;
	[tilespmem:$0x10F60] =	vst v63  }
0x126: {  	_ =	swait.ge [sflag:s24], $0x400  }
0x127: {  	[sflag:s24] =	ssyncset.done $0x0  }
0x128: {  	[sflag:s24] =	ssyncadd.s32 $0xFFFFFC00  }
0x129: {  	_ =	swait.ge [sflag:s0], $0x2000  }
0x12a: {  	[sflag:s0] =	ssyncset.done $0x0  }
0x12b: {  	[sflag:s0] =	ssyncadd.s32 $0xFFFFE000  }
0x12c: {  	[spmem:s1] =	stream.indirect.scatter.add.bf16 [tilespmem:s19], [sflag:$0xB], $0x40, s6, s20, $0xb8;
	[tilespmem:$0x10F60] =	vst v63  }
0x12d: {  	_ =	swait.ge [sflag:s10], $0x400  }
0x12e: {  	[sflag:s10] =	ssyncset.done $0x0  }
0x12f: {  	[sflag:s10] =	ssyncadd.s32 $0xFFFFFC00  }
0x130: {  	s19 =	stileid.u32;
	[bflag:$0x0] =	sbarrier.arrive $0xFFFF  }
0x131: {  	s2 =	sshll.u32 s19, $0x6;
	s19 =	rddreg [dreg:$0x12]  }
0x132: {  	s2 =	sor.u32 $0x1C0B, s2;
	s24 =	rddreg [dreg:$0x14];
	s20 =	sshrl.u32 s19, $0x3  }
0x133: {  	[hbm:s24], [sflag:s2] =	dma.local [spmem:s20], $0x1380  }
0x134: {  	_ =	swait.ge [sflag:s10], $0x1380  }
0x135: {  	[sflag:s10] =	ssyncset.done $0x0  }
0x136: {  	s6 =	sshrl.u32 @!p0 s25, $0x3;
	s7 =	rddreg [dreg:$0x15];
	[sflag:s10] =	ssyncadd.s32 $0xFFFFEC80  }
0x137: {  	[hbm:s7], [sflag:s2] =	dma.local @!p0 [spmem:s6], $0x80  }
0x138: {  	s2 =	simm.s32 @!p0 $0xB  }
0x139: {  	_ =	swait.ge @!p0 [sflag:s2], $0x80  }
0x13a: {  	s8 =	sadd.s32 $0x1, s8;
	s20 =	smov.u32 s25;
	s25 =	rddreg [dreg:$0x16]  }
0x13b: {  	p1 =	sne.s32 s8, s25  }
.Ltmp2:
0x13c: {  	_ = 	snop;
	(pc) =	sbr.rel @p1 .LBB2_1-.Ltmp2, $3  }
0x13d: {  	_ =	sdelay $0x1  }
0x13e: {  	[sflag:s2] =	ssyncset.done @!p0 $0x0  }
0x13f: {  	[sflag:s2] =	ssyncadd.s32 @!p0 $0xFFFFFF80  }
0x140: {  	_ =	sfence.sel $0x180000  }
0x141: {  	[bflag:$0x0] =	sbarrier.arrive $0xFFFF  }
0x142: {  	_ =	strace $0x9000004D  }
0x143: {  	s0 =	stileid.u32;
	[bflag:$0x2] =	sbarrier.arrive $0xFFFF  }
0x144: {  	p0 =	sne.s32 s0, $0x0;
	s0 =	rddreg [dreg:$0x3]  }
0x145: {  	s0 =	sadd.s32 @!p0 $0x100000, s0  }
0x146: {  	[sflag:s0] =	ssyncadd.tile.s32 @!p0 $0x1;
	_ =	shalt  }
.Lfunc_end2:
_tile_overlayer_lowered:
.L_overlay_start_2:
0x147: {  	(tag) =	ssettag $0x2  }
0x148: {  	s0 =	rddreg [dreg:$0x0];
	s2 =	stileid.u32  }
0x149: {  	s1 =	rddreg [dreg:$0x1];
	p0 =	sne.s32 s2, $0x0  }
0x14a: {  	s3 =	rddreg [dreg:$0x2];
	[bflag:$0x3] =	sbarrier.arrive $0xFFFF;
	s2 =	simm.s32 @!p0 $0x1C0B  }
0x14b: {  	[timem:s3], [sflag:s2] =	dma.local @!p0 [hbm:s0], s1  }
0x14c: {  	s0 =	simm.s32 @!p0 $0xB  }
0x14d: {  	_ =	swait.ge @!p0 [sflag:s0], s1  }
0x14e: {  	s1 =	ssub.s32 @!p0 $0x0, s1;
	[sflag:s0] =	ssyncset.done @!p0 $0x0  }
0x14f: {  	[sflag:s0] =	ssyncadd.s32 @!p0 s1  }
0x150: {  	[bflag:$0x3] =	sbarrier.arrive $0xFFFF  }
0x151: {  	_ =	shalt  }

// kernel: kernel.7.cloned.1.call-start
scs
__scs_entry_jumppad:
0x0: {  	(pc) =	sbr.rel $0x88, $3  }
0x1: {  	(tag) =	ssettag $0x0;
	lr =	simm.s32 $0x1  }
0x2: {  	[smem:$0x3F8C] =	sst lr;
	_ =	strace $0xD0000000  }
0x3: {  	_ = 	snop  }
0x4: {  	_ = 	snop  }
0x5: {  	_ = 	snop  }
0x6: {  	_ = 	snop  }
0x7: {  	_ = 	snop  }
__scs_overlays_trampoline_lowered:
0x8: {  	[smem:$0x3F9B] =	sst s0  }
0x9: {  	[smem:$0x3F9C] =	sst s1  }
0xa: {  	[smem:$0x3F9D] =	sst s2  }
0xb: {  	[smem:$0x3F9E] =	sst s3  }
0xc: {  	[smem:$0x3F9F] =	sst s4  }
0xd: {  	[smem:$0x3FA0] =	sst s5  }
0xe: {  	[smem:$0x3FA1] =	sst s6  }
0xf: {  	[smem:$0x3FA2] =	sst s7  }
0x10: {  	[smem:$0x3FA3] =	sst s8  }
0x11: {  	[smem:$0x3FA4] =	sst s9;
	s0 =	simm.s32 @!p0 $0x0  }
0x12: {  	s1 =	sld [smem:$0x3F8A];
	s0 =	simm.s32 @p0 $0x1  }
0x13: {  	[smem:$0x3FA5] =	sst s0;
	s0 =	simm.s32 @!p1 $0x0  }
0x14: {  	s2 =	sld [smem:$0x3F89];
	s0 =	simm.s32 @p1 $0x1  }
0x15: {  	[smem:$0x3FA6] =	sst s0;
	s0 =	simm.s32 @!p2 $0x0  }
0x16: {  	s3 =	sld [smem:$0x3FDB];
	s0 =	simm.s32 @p2 $0x1  }
0x17: {  	s4 =	simm.s32 $0x1BF5;
	[smem:$0x3FA8] =	sst s0  }
0x18: {  	s0 =	sld [smem:$0x3F8B];
	_ =	swait.ge [sflag:s4], $0x0  }
0x19: {  	s7 =	sld [smem:$0x3F8C]  }
0x1a: {  	s8 =	sadd.s32 $0xFFFFE003, lr  }
0x1b: {  	s9 =	sadd.s32 $0xFFFFFEF7, lr;
	s5 =	simm.s32 $0xFFFFFFFF;
	p2 =	slt.u32 s8, $0xFFFFF086  }
0x1c: {  	p1 =	slt.u32 s9, $0xF7A;
	s5 =	simm.s32 @!p2 $0x0  }
0x1d: {  	s5 =	simm.s32 @p1 $0x1;
	p0 =	seq.s32 s7, s2  }
0x1e: {  	s7 =	smul.u32 @!p0 $0xF7A, s2;
	p2 =	seq.s32 @!p0 s5, $0x0  }
0x1f: {  	s9 =	smul.u32 $0xF7A, s1;
	s8 =	simm.s32 @!p0 $0x1BF5;
	p2 =	por !p2, p0  }
0x20: {  	[sflag:s8] =	ssyncset.s32 @!p0 $0xFFFFF086;
	s6 =	sadd.s32 @!p0 s3, s7;
	s7 =	simm.s32 @!p0 $0x108  }
0x21: {  	s3 =	sadd.s32 s3, s9;
	s6 =	sadd.s32 @!p0 $0x88, s6;
	s7 =	simm.s32 @p2 $0x1082  }
0x22: {  	[simem:s7], [sflag:s8] =	dma.local @!p0 [hbm:s6], $0xF7A  }
0x23: {  	s9 =	sor.u32 $0xD0000000, s2;
	s6 =	simm.s32 $0x108;
	_ =	swait.ge @!p0 [sflag:s8], $0x0  }
0x24: {  	s3 =	sadd.s32 $0x88, s3;
	s6 =	simm.s32 @!p1 $0x1082;
	[sflag:s4] =	ssyncset.s32 $0xFFFFF086  }
0x25: {  	[simem:s6], [sflag:s4] =	dma.local [hbm:s3], $0xF7A  }
0x26: {  	[smem:$0x3F8C] =	sst s1;
	(tag) =	ssettag s2;
	_ =	strace s9  }
0x27: {  	s1 =	sld [smem:$0x3F9C]  }
0x28: {  	s2 =	sld [smem:$0x3F9D]  }
0x29: {  	s4 =	sld [smem:$0x3F9F]  }
0x2a: {  	p0 =	seq.s32 s5, $0x0;
	s5 =	sld [smem:$0x3FA0]  }
0x2b: {  	s6 =	sld [smem:$0x3FA1]  }
0x2c: {  	s7 =	sld [smem:$0x3FA2]  }
0x2d: {  	s3 =	simm.s32 $0x108;
	s8 =	sld [smem:$0x3FA3]  }
0x2e: {  	s3 =	simm.s32 @!p0 $0x1082;
	s9 =	sld [smem:$0x3FA4]  }
0x2f: {  	lr =	sadd.s32 s0, s3;
	s0 =	sld [smem:$0x3F9B]  }
0x30: {  	s3 =	sld [smem:$0x3F9E]  }
0x31: {  	[smem:$0x3FA7] =	sst s10  }
0x32: {  	s10 =	sld [smem:$0x3FA5];
	_ =	sdelay $0x3  }
0x33: {  	p0 =	seq.s32 s10, $0x1;
	s10 =	sld [smem:$0x3FA7];
	_ =	sdelay $0x3  }
0x34: {  	[smem:$0x3FA7] =	sst s10  }
0x35: {  	s10 =	sld [smem:$0x3FA6];
	_ =	sdelay $0x3  }
0x36: {  	p1 =	seq.s32 s10, $0x1;
	s10 =	sld [smem:$0x3FA7];
	_ =	sdelay $0x3  }
0x37: {  	[smem:$0x3FA7] =	sst s10  }
0x38: {  	s10 =	sld [smem:$0x3FA8]  }
0x39: {  	_ = 	snop;
	(pc) =	sbr.ind lr, $3  }
0x3a: {  	_ = 	snop  }
0x3b: {  	_ = 	snop  }
0x3c: {  	p2 =	seq.s32 s10, $0x1;
	s10 =	sld [smem:$0x3FA7]  }
0x3d: {  	_ =	shalt  }
0x3e: {  	_ =	shalt  }
0x3f: {  	_ =	shalt  }
0x40: {  	_ =	shalt  }
0x41: {  	_ =	shalt  }
0x42: {  	_ =	shalt  }
0x43: {  	_ =	shalt  }
0x44: {  	_ =	shalt  }
0x45: {  	_ =	shalt  }
0x46: {  	_ =	shalt  }
0x47: {  	_ =	shalt  }
0x48: {  	_ =	shalt  }
0x49: {  	_ =	shalt  }
0x4a: {  	_ =	shalt  }
0x4b: {  	_ =	shalt  }
0x4c: {  	_ =	shalt  }
0x4d: {  	_ =	shalt  }
0x4e: {  	_ =	shalt  }
0x4f: {  	_ =	shalt  }
0x50: {  	_ =	shalt  }
0x51: {  	_ =	shalt  }
0x52: {  	_ =	shalt  }
0x53: {  	_ =	shalt  }
0x54: {  	_ =	shalt  }
0x55: {  	_ =	shalt  }
0x56: {  	_ =	shalt  }
0x57: {  	_ =	shalt  }
0x58: {  	_ =	shalt  }
0x59: {  	_ =	shalt  }
0x5a: {  	_ =	shalt  }
0x5b: {  	_ =	shalt  }
0x5c: {  	_ =	shalt  }
0x5d: {  	_ =	shalt  }
0x5e: {  	_ =	shalt  }
0x5f: {  	_ =	shalt  }
0x60: {  	_ =	shalt  }
0x61: {  	_ =	shalt  }
0x62: {  	_ =	shalt  }
0x63: {  	_ =	shalt  }
0x64: {  	_ =	shalt  }
0x65: {  	_ =	shalt  }
0x66: {  	_ =	shalt  }
0x67: {  	_ =	shalt  }
0x68: {  	_ =	shalt  }
0x69: {  	_ =	shalt  }
0x6a: {  	_ =	shalt  }
0x6b: {  	_ =	shalt  }
0x6c: {  	_ =	shalt  }
0x6d: {  	_ =	shalt  }
0x6e: {  	_ =	shalt  }
0x6f: {  	_ =	shalt  }
0x70: {  	_ =	shalt  }
0x71: {  	_ =	shalt  }
0x72: {  	_ =	shalt  }
0x73: {  	_ =	shalt  }
0x74: {  	_ =	shalt  }
0x75: {  	_ =	shalt  }
0x76: {  	_ =	shalt  }
0x77: {  	_ =	shalt  }
0x78: {  	_ =	shalt  }
0x79: {  	_ =	shalt  }
0x7a: {  	_ =	shalt  }
0x7b: {  	_ =	shalt  }
0x7c: {  	_ =	shalt  }
0x7d: {  	_ =	shalt  }
0x7e: {  	_ =	shalt  }
0x7f: {  	_ =	shalt  }
0x80: {  	_ =	shalt  }
0x81: {  	_ =	shalt  }
0x82: {  	_ =	shalt  }
0x83: {  	_ =	shalt  }
0x84: {  	_ =	shalt  }
0x85: {  	_ =	shalt  }
0x86: {  	_ =	shalt  }
0x87: {  	_ =	shalt  }
.Lfunc_end0:
.L_simem_size_0:
called_computation_lowered:
.L_overlay_start_0:
0x88: {  	s2 =	sld [smem:$0x3FD9]  }
0x89: {  	s3 =	sld [smem:$0x3FFE];
	_ =	sdelay $0x1  }
0x8a: {  	s1 =	srdreg.scid  }
0x8b: {  	s0 =	sand.u32 $0x1, s1  }
0x8c: {  	s17 =	sshll.u32 s0, $0xA;
	s2 =	sadd.s32 s3, s2  }
0x8d: {  	s2 =	sadd.s32 s2, s17  }
0x8e: {  	[smem:$0x3FB3] =	sst s2  }
0x8f: {  	_ = 	snop  }
0x90: {  	s2 =	sld [smem:$0x3FD0];
	(tm) =	ssettm $0x1  }
0x91: {  	s18 =	sld [smem:$0x3FFB];
	_ =	sdelay $0x3  }
0x92: {  	_ =	strace s18  }
0x93: {  	s3 =	sld [smem:$0x3FFC];
	_ =	sdelay $0x3  }
0x94: {  	_ =	strace s3  }
0x95: {  	s3 =	sld [smem:$0x3FFD];
	_ =	sdelay $0x3  }
0x96: {  	_ =	strace s3  }
0x97: {  	_ =	strace $0x8FFFFFFF  }
0x98: {  	s19 =	sld [smem:$0x3FDB];
	_ =	sdelay $0x1  }
0x99: {  	s4 =	simm.s32 $_scs_section_size  }
0x9a: {  	s5 =	simm.s32 $_size__tile_overlayer_lowered;
	s6 =	simm.s32 $_tile_overlayer_lowered  }
0x9b: {  	s22 =	simm.s32 $0x1BFF;
	s21 =	sshll.u32 s6, $0x1;
	s3 =	sadd.s32 s4, s19  }
0x9c: {  	s7 =	simm.s32 $0x0;
	s20 =	sshll.u32 s5, $0x1;
	s5 =	sadd.s32 s21, s3  }
0x9d: {  	[timem:s7], [sflag:s22] =	dma.local [hbm:s5], s20  }
0x9e: {  	_ =	swait.ge [sflag:s22], s20  }
0x9f: {  	s4 =	ssub.s32 $0x0, s20;
	[sflag:s22] =	ssyncset.done $0x0  }
0xa0: {  	[sflag:s22] =	ssyncadd.s32 s4;
	_ =	sdelay $0x1  }
0xa1: {  	s23 =	simm.s32 $0x1B8B  }
0xa2: {  	_ =	swait.ge [sflag:s23], $0x1  }
0xa3: {  	[sflag:s23] =	ssyncset.done $0x0  }
0xa4: {  	s25 =	simm.s32 $0x1B8E;
	s24 =	sld [smem:$0x3FFE];
	[sflag:s23] =	ssyncadd.s32 $0xFFFFFFFF  }
0xa5: {  	s26 =	simm.s32 $execute0_lowered;
	[smem:$0x3FD2] =	sst s25  }
0xa6: {  	s5 =	sshll.u32 s26, $0x1;
	_ =	strace $0x80000046;
	[dreg:$0x1] =	wrdreg $0xFFFFFFFF  }
0xa7: {  	s28 =	simm.s32 $_size_execute0_lowered;
	s3 =	sadd.s32 s3, s5;
	[dreg:$0x0] =	wrdreg $0x0  }
0xa8: {  	s5 =	sshll.u32 s28, $0x1;
	[dreg:$0x2] =	wrdreg s3  }
0xa9: {  	[dreg:$0x3] =	wrdreg s5  }
0xaa: {  	[dreg:$0x4] =	wrdreg $0xC0  }
0xab: {  	_ =	task [dreg:s7], $0x5FFFF  }
0xac: {  	[dreg:$0x1] =	wrdreg $0xFFFFFFFF  }
0xad: {  	[dreg:$0x0] =	wrdreg $0x60  }
0xae: {  	[dreg:$0x2] =	wrdreg s24  }
0xaf: {  	[dreg:$0x3] =	wrdreg s2  }
0xb0: {  	[dreg:$0x4] =	wrdreg $0x73200  }
0xb1: {  	[dreg:$0x5] =	wrdreg $0x9  }
0xb2: {  	_ =	task.clear_ibuf [dreg:s7], $0x6FFFF;
	_ =	strace $0x90000046  }
0xb3: {  	s29 =	simm.s32 $0x9;
	_ =	strace $0x80000048  }
0xb4: {  	_ =	swait.ge [sflag:s29], $0x1  }
0xb5: {  	[sflag:s29] =	ssyncadd.s32 $0xFFFFFFFF  }
0xb6: {  	_ =	strace $0x90000048  }
0xb7: {  	_ =	sfence  }
0xb8: {  	s30 =	sld [smem:$0x0];
	_ =	sdelay $0x2  }
0xb9: {  	s31 =	sshll.u32 s1, $0xD;
	s1 =	sshrl.u32 s1, $0x2  }
0xba: {  	s3 =	sand.u32 $0x4000, s31;
	s1 =	sadd.s32 s1, s30  }
0xbb: {  	s0 =	sor.u32 s3, s0;
	s1 =	sshll.u32 s1, $0x11  }
0xbc: {  	s0 =	sor.u32 s1, s0  }
0xbd: {  	s0 =	sadd.s32 $0x8F2B, s0  }
0xbe: {  	[sflag:s0] =	ssyncadd.remote.s32 $0x1  }
0xbf: {  	_ =	sfence.sel $0xFFFF  }
0xc0: {  	[dreg:$0x0] =	wrdreg $0xFFFFFFFF;
	(pc) =	sbr.abs _section_cstart, $3  }
0xc1: {  	[dreg:$0x1] =	wrdreg $0xFFFFFFFF  }
0xc2: {  	_ =	task.clear_ibuf [dreg:s7], $0x2FFFF;
	_ =	strace $0x9FFFFFFF  }
0xc3: {  	(tm) =	ssettm $0x7FFFFFFF  }
tec
execute0_lowered:
.L_overlay_start_1:
0x0: {  	(tag) =	ssettag $0x1  }
0x1: {  	s0 =	rddreg [dreg:$0x0]  }
0x2: {  	s2 =	rddreg [dreg:$0x1];
	s13 =	stileid.u32  }
0x3: {  	s1 =	rddreg [dreg:$0x2];
	s3 =	simm.s32 $0x0;
	s7 =	smul.u32 $0x27000, s13  }
0x4: {  	s4 =	srdreg.scid;
	s28 =	simm.s32 $0x4300;
	s9 =	smul.u32 $0x13800, s13  }
0x5: {  	s29 =	simm.s32 $0x5;
	s30 =	simm.s32 $0x8;
	s31 =	simm.s32 $0x6  }
0x6: {  	[smem:$0x7FF] =	sst s3;
	s7 =	sshrl.u32 s7, $0x2;
	s10 =	sshrl.u32 s9, $0x1  }
0x7: {  	s6 =	sand.u32 $0x1, s4;
	s7 =	sadd.s32 s7, s1;
	s19 =	sadd.s32 s10, s1  }
0x8: {  	_ =	strace $0x80000047;
	s11 =	sadd.s32 $0xC00, s7;
	[dreg:$0x12] =	wrdreg s19  }
0x9: {  	s4 =	sadd.s32 $0x18400, s0;
	s10 =	sadd.s32 $0x1800, s7;
	[dreg:$0x6] =	wrdreg s11  }
0xa: {  	s5 =	sadd.s32 $0x4A00, s0;
	s14 =	sadd.s32 $0x2400, s7;
	[dreg:$0x7] =	wrdreg s10  }
0xb: {  	s12 =	sshll.u32 s13, $0x1;
	s15 =	sadd.s32 $0x3000, s7;
	[dreg:$0x8] =	wrdreg s14  }
0xc: {  	s8 =	ssub.s32 $0x2, s6;
	s16 =	sadd.s32 $0x3C00, s7;
	[dreg:$0x9] =	wrdreg s15  }
0xd: {  	s26 =	sshrl.u32 s8, $0x1;
	s17 =	sadd.s32 $0x4800, s7;
	[dreg:$0xa] =	wrdreg s16  }
0xe: {  	s0 =	ssub.s32 s8, s26;
	s18 =	sadd.s32 $0x5400, s7;
	[dreg:$0xb] =	wrdreg s17  }
0xf: {  	s8 =	sor.u32 s6, s12;
	s20 =	sadd.s32 $0x6000, s7;
	[dreg:$0xc] =	wrdreg s18  }
0x10: {  	s12 =	smul.u32 $0x2710, s6;
	s21 =	sadd.s32 $0x6C00, s7;
	[dreg:$0xd] =	wrdreg s20  }
0x11: {  	s6 =	smul.u32 $0x138800, s6;
	s24 =	sadd.s32 $0x8400, s7;
	[dreg:$0xe] =	wrdreg s21  }
0x12: {  	s8 =	smul.u32 $0x2710, s8;
	s0 =	smax.u32 s0, $0x1;
	[dreg:$0x10] =	wrdreg s24  }
0x13: {  	s14 =	sadd.s32 $0x7800, s7;
	s7 =	sadd.s32 $0x9000, s7;
	[dreg:$0x16] =	wrdreg s0  }
0x14: {  	s9 =	sadd.s32 s9, s6;
	s6 =	sshrl.u32 s6, $0x4;
	[dreg:$0xf] =	wrdreg s14  }
0x15: {  	s22 =	sadd.s32 $0x180, s8;
	s23 =	sadd.s32 $0x200, s8;
	[dreg:$0x11] =	wrdreg s7  }
0x16: {  	s8 =	sshrl.u32 s8, $0x3;
	s26 =	sshrl.u32 s9, $0x4;
	[dreg:$0x4] =	wrdreg s22  }
0x17: {  	[dreg:$0x5] =	wrdreg s23;
	s10 =	sadd.s32 s5, s8;
	s8 =	sadd.s32 s2, s26  }
0x18: {  	p0 =	sne.s32 s13, $0xF;
	s2 =	sadd.s32 s2, s6;
	[dreg:$0x14] =	wrdreg s8  }
0x19: {  	s11 =	smul.u32 $0x4E20, s13;
	s2 =	sadd.s32 $0x13800, s2;
	[dreg:$0x13] =	wrdreg s10  }
0x1a: {  	s20 =	sadd.s32 $0x9C000, s1;
	s16 =	sadd.s32 $0x9C40, s10;
	[dreg:$0x15] =	wrdreg s2  }
0x1b: {  	s13 =	simm.s32 $0x200;
	s17 =	sadd.s32 $0x10, s10;
	[dreg:$0x19] =	wrdreg s16  }
0x1c: {  	s25 =	sadd.s32 s12, s11;
	s18 =	sadd.s32 $0x9C50, s10;
	[dreg:$0x1a] =	wrdreg s17  }
0x1d: {  	s9 =	sadd.s32 $0x100, s25;
	s21 =	sadd.s32 $0x20, s10;
	[dreg:$0x1b] =	wrdreg s18  }
0x1e: {  	s12 =	sadd.s32 $0x4E300, s25;
	s22 =	sadd.s32 $0x9C60, s10;
	[dreg:$0x1c] =	wrdreg s21  }
0x1f: {  	s23 =	sadd.s32 $0x4D0, s10;
	s24 =	sadd.s32 $0xA110, s10;
	[dreg:$0x1d] =	wrdreg s22  }
0x20: {  	s25 =	sadd.s32 $0x4E0, s10;
	s26 =	sadd.s32 $0xA120, s10;
	[dreg:$0x1e] =	wrdreg s23  }
0x21: {  	s10 =	simm.s32 $0xB;
	s8 =	simm.s32 $0x0;
	[dreg:$0x1f] =	wrdreg s24  }
0x22: {  	s11 =	sshrl.u32 s9, $0x3;
	s15 =	sshrl.u32 s12, $0x3;
	[smem:$0x7FC] =	sst s25  }
0x23: {  	[smem:$0x7FD] =	sst s26;
	s9 =	simm.s32 $0x6720;
	s12 =	simm.s32 $0x80  }
0x24: {  	s16 =	simm.s32 $0x1;
	s17 =	simm.s32 $0x300;
	s18 =	simm.s32 $0x2  }
0x25: {  	s21 =	simm.s32 $0x2300;
	s22 =	simm.s32 $0x4;
	s23 =	simm.s32 $0x3  }
0x26: {  	s26 =	simm.s32 $0x7;
	s14 =	sadd.s32 s11, s5;
	s0 =	sadd.s32 s15, s5  }
0x27: {  	s11 =	simm.s32 $0x180;
	s15 =	simm.s32 $0x280;
	[dreg:$0x17] =	wrdreg s14  }
0x28: {  	v0 =	vimm.bf16 $0.0e+00;
	[dreg:$0x18] =	wrdreg s0;
	s14 =	simm.s32 $0x100;
	s0 =	simm.s32 $0x9  }
.LBB2_1:
0x29: {  	s6 =	simm.s32 $0x100;
	s2 =	simm.s32 $0x0  }
.LBB2_2:
0x2a: {  	p1 =	sne.s32 s6, $0x2F00;
	[tilespmem:s2+$0x6750] =	vst v0;
	s7 =	smov.u32 s6;
	s6 =	sadd.s32 $0x100, s6  }
.Ltmp0:
0x2b: {  	[tilespmem:s2+$0x6740] =	vst v0;
	(pc) =	sbr.rel @p1 .LBB2_2-.Ltmp0, $3  }
0x2c: {  	[tilespmem:s2+$0x6720] =	vst v0  }
0x2d: {  	[tilespmem:s2+$0x6730] =	vst v0;
	_ =	sdelay $0x1  }
0x2e: {  	s2 =	sshra.s32 s7, $0x2  }
0x2f: {  	[tilespmem:s2+$0x6750] =	vst v0  }
0x30: {  	[tilespmem:s2+$0x6740] =	vst v0  }
0x31: {  	[tilespmem:s2+$0x6720] =	vst v0  }
0x32: {  	[tilespmem:s2+$0x6730] =	vst v0  }
0x33: {  	[spmem:s19] =	stream.linear.scatter [tilespmem:s9], [sflag:$0xB], $0xC00, $0x38;
	[tilespmem:$0x10F60] =	vst v63  }
0x34: {  	_ =	swait.ge [sflag:s10], $0xC00  }
0x35: {  	[sflag:s10] =	ssyncset.done $0x0  }
0x36: {  	s7 =	rddreg [dreg:$0x6];
	[sflag:s10] =	ssyncadd.s32 $0xFFFFF400  }
0x37: {  	[spmem:s7] =	stream.linear.scatter [tilespmem:s9], [sflag:$0xB], $0xC00, $0x38;
	[tilespmem:$0x10F60] =	vst v63  }
0x38: {  	_ =	swait.ge [sflag:s10], $0xC00  }
0x39: {  	[sflag:s10] =	ssyncset.done $0x0  }
0x3a: {  	s19 =	rddreg [dreg:$0x7];
	[sflag:s10] =	ssyncadd.s32 $0xFFFFF400  }
0x3b: {  	[spmem:s19] =	stream.linear.scatter [tilespmem:s9], [sflag:$0xB], $0xC00, $0x38;
	[tilespmem:$0x10F60] =	vst v63  }
0x3c: {  	_ =	swait.ge [sflag:s10], $0xC00  }
0x3d: {  	[sflag:s10] =	ssyncset.done $0x0  }
0x3e: {  	s24 =	rddreg [dreg:$0x8];
	[sflag:s10] =	ssyncadd.s32 $0xFFFFF400  }
0x3f: {  	[spmem:s24] =	stream.linear.scatter [tilespmem:s9], [sflag:$0xB], $0xC00, $0x38;
	[tilespmem:$0x10F60] =	vst v63  }
0x40: {  	_ =	swait.ge [sflag:s10], $0xC00  }
0x41: {  	[sflag:s10] =	ssyncset.done $0x0  }
0x42: {  	s25 =	rddreg [dreg:$0x9];
	[sflag:s10] =	ssyncadd.s32 $0xFFFFF400  }
0x43: {  	[spmem:s25] =	stream.linear.scatter [tilespmem:s9], [sflag:$0xB], $0xC00, $0x38;
	[tilespmem:$0x10F60] =	vst v63  }
0x44: {  	_ =	swait.ge [sflag:s10], $0xC00  }
0x45: {  	[sflag:s10] =	ssyncset.done $0x0  }
0x46: {  	s6 =	rddreg [dreg:$0xa];
	[sflag:s10] =	ssyncadd.s32 $0xFFFFF400  }
0x47: {  	[spmem:s6] =	stream.linear.scatter [tilespmem:s9], [sflag:$0xB], $0xC00, $0x38;
	[tilespmem:$0x10F60] =	vst v63  }
0x48: {  	_ =	swait.ge [sflag:s10], $0xC00  }
0x49: {  	[sflag:s10] =	ssyncset.done $0x0  }
0x4a: {  	s7 =	rddreg [dreg:$0xb];
	[sflag:s10] =	ssyncadd.s32 $0xFFFFF400  }
0x4b: {  	[spmem:s7] =	stream.linear.scatter [tilespmem:s9], [sflag:$0xB], $0xC00, $0x38;
	[tilespmem:$0x10F60] =	vst v63  }
0x4c: {  	_ =	swait.ge [sflag:s10], $0xC00  }
0x4d: {  	[sflag:s10] =	ssyncset.done $0x0  }
0x4e: {  	s19 =	rddreg [dreg:$0xc];
	[sflag:s10] =	ssyncadd.s32 $0xFFFFF400  }
0x4f: {  	[spmem:s19] =	stream.linear.scatter [tilespmem:s9], [sflag:$0xB], $0xC00, $0x38;
	[tilespmem:$0x10F60] =	vst v63  }
0x50: {  	_ =	swait.ge [sflag:s10], $0xC00  }
0x51: {  	[sflag:s10] =	ssyncset.done $0x0  }
0x52: {  	s24 =	rddreg [dreg:$0xd];
	[sflag:s10] =	ssyncadd.s32 $0xFFFFF400  }
0x53: {  	[spmem:s24] =	stream.linear.scatter [tilespmem:s9], [sflag:$0xB], $0xC00, $0x38;
	[tilespmem:$0x10F60] =	vst v63  }
0x54: {  	_ =	swait.ge [sflag:s10], $0xC00  }
0x55: {  	[sflag:s10] =	ssyncset.done $0x0  }
0x56: {  	s25 =	rddreg [dreg:$0xe];
	[sflag:s10] =	ssyncadd.s32 $0xFFFFF400  }
0x57: {  	[spmem:s25] =	stream.linear.scatter [tilespmem:s9], [sflag:$0xB], $0xC00, $0x38;
	[tilespmem:$0x10F60] =	vst v63  }
0x58: {  	_ =	swait.ge [sflag:s10], $0xC00  }
0x59: {  	[sflag:s10] =	ssyncset.done $0x0  }
0x5a: {  	s6 =	rddreg [dreg:$0xf];
	[sflag:s10] =	ssyncadd.s32 $0xFFFFF400  }
0x5b: {  	[spmem:s6] =	stream.linear.scatter [tilespmem:s9], [sflag:$0xB], $0xC00, $0x38;
	[tilespmem:$0x10F60] =	vst v63  }
0x5c: {  	_ =	swait.ge [sflag:s10], $0xC00  }
0x5d: {  	[sflag:s10] =	ssyncset.done $0x0  }
0x5e: {  	s7 =	rddreg [dreg:$0x10];
	[sflag:s10] =	ssyncadd.s32 $0xFFFFF400  }
0x5f: {  	[spmem:s7] =	stream.linear.scatter [tilespmem:s9], [sflag:$0xB], $0xC00, $0x38;
	[tilespmem:$0x10F60] =	vst v63  }
0x60: {  	_ =	swait.ge [sflag:s10], $0xC00  }
0x61: {  	[sflag:s10] =	ssyncset.done $0x0  }
0x62: {  	s19 =	rddreg [dreg:$0x11];
	[sflag:s10] =	ssyncadd.s32 $0xFFFFF400  }
0x63: {  	[spmem:s19] =	stream.linear.scatter [tilespmem:s9], [sflag:$0xB], $0xC00, $0x38;
	[tilespmem:$0x10F60] =	vst v63  }
0x64: {  	_ =	swait.ge [sflag:s10], $0xC00  }
0x65: {  	[sflag:s10] =	ssyncset.done $0x0  }
0x66: {  	s2 =	simm.s32 @!p0 $0x6720;
	[sflag:s10] =	ssyncadd.s32 $0xFFFFF400  }
0x67: {  	[spmem:s20] =	stream.linear.scatter @!p0 [tilespmem:s2], [sflag:$0xB], $0x400, $0x38;
	[tilespmem:$0x10F60] =	vst v63  }
0x68: {  	s2 =	simm.s32 @!p0 $0xB  }
0x69: {  	_ =	swait.ge @!p0 [sflag:s2], $0x400  }
0x6a: {  	[sflag:s2] =	ssyncset.done @!p0 $0x0  }
0x6b: {  	[sflag:s2] =	ssyncadd.s32 @!p0 $0xFFFFFC00  }
0x6c: {  	[bflag:$0x0] =	sbarrier.arrive $0xFFFF  }
0x6d: {  	s2 =	simm.s32 $0x0;
	s6 =	rddreg [dreg:$0x13]  }
0x6e: {  	[tilespmem:s2], [sflag:$0x1] =	stream.linear.gather [hbm4b:s6+s2], $0x80, $0x38;
	[tilespmem:$0x10F60] =	vst v63  }
0x6f: {  	s24 =	rddreg [dreg:$0x19]  }
0x70: {  	[tilespmem:s11], [sflag:$0x1] =	stream.linear.gather [hbm4b:s24+s2], $0x80, $0x38;
	[tilespmem:$0x10F60] =	vst v63  }
0x71: {  	s7 =	rddreg [dreg:$0x1a]  }
0x72: {  	[tilespmem:s12], [sflag:$0x2] =	stream.linear.gather [hbm4b:s7+s2], $0x80, $0x38;
	[tilespmem:$0x10F60] =	vst v63  }
0x73: {  	s19 =	rddreg [dreg:$0x1b]  }
0x74: {  	[tilespmem:s13], [sflag:$0x2] =	stream.linear.gather [hbm4b:s19+s2], $0x80, $0x38;
	[tilespmem:$0x10F60] =	vst v63  }
0x75: {  	s25 =	smov.u32 s20;
	s20 =	rddreg [dreg:$0x1c]  }
0x76: {  	[tilespmem:s14], [sflag:$0x3] =	stream.linear.gather [hbm4b:s20+s2], $0x80, $0x38;
	[tilespmem:$0x10F60] =	vst v63  }
0x77: {  	s24 =	rddreg [dreg:$0x1d]  }
0x78: {  	[tilespmem:s15], [sflag:$0x3] =	stream.linear.gather [hbm4b:s24+s2], $0x80, $0x38;
	[tilespmem:$0x10F60] =	vst v63  }
0x79: {  	_ =	swait.ge [sflag:s16], $0x80  }
0x7a: {  	[sflag:s16] =	ssyncset.done $0x0  }
0x7b: {  	[sflag:s16] =	ssyncadd.s32 $0xFFFFFF80  }
0x7c: {  	_ =	swait.ge [sflag:s16], $0x80  }
0x7d: {  	[sflag:s16] =	ssyncset.done $0x0  }
0x7e: {  	[sflag:s16] =	ssyncadd.s32 $0xFFFFFF80  }
0x7f: {  	[tilespmem:s17], [sflag:$0x4] =	stream.indirect.gather [hbm4b:s4+s12], $0x40, s11, s12, $0xb8;
	[tilespmem:$0x10F60] =	vst v63  }
0x80: {  	_ =	swait.ge [sflag:s18], $0x80  }
0x81: {  	[sflag:s18] =	ssyncset.done $0x0  }
0x82: {  	[sflag:s18] =	ssyncadd.s32 $0xFFFFFF80  }
0x83: {  	_ =	swait.ge [sflag:s18], $0x80  }
0x84: {  	p1 =	por $0x1, $0x1;
	[sflag:s18] =	ssyncset.done $0x0  }
0x85: {  	s6 =	simm.s32 @!p1 $0x9;
	[sflag:s18] =	ssyncadd.s32 $0xFFFFFF80  }
0x86: {  	_ =	swait.ge @!p1 [sflag:s6], $0x2000  }
0x87: {  	s7 =	simm.s32 @!p1 $0x100;
	[sflag:s6] =	ssyncset.done @!p1 $0x0  }
0x88: {  	s19 =	rddreg [dreg:$0x17];
	[sflag:s6] =	ssyncadd.s32 @!p1 $0xFFFFE000;
	s6 =	simm.s32 @!p1 $0x0  }
0x89: {  	[tilespmem:s7], [sflag:$0x3] =	stream.linear.gather @!p1 [hbm4b:s19+s6], $0x80, $0x38;
	[tilespmem:$0x10F60] =	vst v63  }
0x8a: {  	s24 =	rddreg [dreg:$0x18];
	s7 =	simm.s32 @!p1 $0x280  }
0x8b: {  	[tilespmem:s7], [sflag:$0x3] =	stream.linear.gather @!p1 [hbm4b:s24+s6], $0x80, $0x38;
	[tilespmem:$0x10F60] =	vst v63  }
0x8c: {  	_ = 	snop  }
0x8d: {  	[tilespmem:s21], [sflag:$0x5] =	stream.indirect.gather [hbm4b:s4+s12], $0x40, s13, s12, $0xb8;
	[tilespmem:$0x10F60] =	vst v63  }
0x8e: {  	_ =	swait.ge [sflag:s22], $0x2000  }
0x8f: {  	[sflag:s22] =	ssyncset.done $0x0  }
0x90: {  	[sflag:s22] =	ssyncadd.s32 $0xFFFFE000  }
0x91: {  	[spmem:s1] =	stream.indirect.scatter.add.bf16 [tilespmem:s17], [sflag:$0x7], $0x40, s3, s12, $0xb8;
	[tilespmem:$0x10F60] =	vst v63  }
0x92: {  	_ =	swait.ge [sflag:s23], $0x80  }
0x93: {  	[sflag:s23] =	ssyncset.done $0x0  }
0x94: {  	[sflag:s23] =	ssyncadd.s32 $0xFFFFFF80  }
0x95: {  	_ =	swait.ge [sflag:s23], $0x80  }
0x96: {  	[sflag:s23] =	ssyncset.done $0x0  }
0x97: {  	[sflag:s23] =	ssyncadd.s32 $0xFFFFFF80  }
0x98: {  	_ =	swait.ge [sflag:s26], $0x2000  }
0x99: {  	s2 =	simm.s32 @p1 $0x0;
	s7 =	rddreg [dreg:$0x4]  }
0x9a: {  	s6 =	sadd.s32 s2, s7  }
0x9b: {  	[sflag:s26] =	ssyncset.done $0x0;
	s6 =	sshrl.u32 s6, $0x3  }
0x9c: {  	[sflag:s26] =	ssyncadd.s32 $0xFFFFE000;
	s6 =	sadd.s32 s5, s6  }
0x9d: {  	[tilespmem:s3], [sflag:$0x1] =	stream.linear.gather [hbm4b:s6+s3], $0x80, $0x38;
	[tilespmem:$0x10F60] =	vst v63  }
0x9e: {  	s6 =	sadd.s32 $0x9C40, s6  }
0x9f: {  	[tilespmem:s11], [sflag:$0x1] =	stream.linear.gather [hbm4b:s6+s3], $0x80, $0x38;
	[tilespmem:$0x10F60] =	vst v63  }
0xa0: {  	_ = 	snop  }
0xa1: {  	[tilespmem:s28], [sflag:$0x6] =	stream.indirect.gather [hbm4b:s4+s12], $0x40, s15, s12, $0xb8;
	[tilespmem:$0x10F60] =	vst v63  }
0xa2: {  	_ =	swait.ge [sflag:s29], $0x2000  }
0xa3: {  	[sflag:s29] =	ssyncset.done $0x0  }
0xa4: {  	[sflag:s29] =	ssyncadd.s32 $0xFFFFE000  }
0xa5: {  	[spmem:s1] =	stream.indirect.scatter.add.bf16 [tilespmem:s21], [sflag:$0x8], $0x40, s12, s12, $0xb8;
	[tilespmem:$0x10F60] =	vst v63  }
0xa6: {  	_ =	swait.ge [sflag:s16], $0x80  }
0xa7: {  	[sflag:s16] =	ssyncset.done $0x0  }
0xa8: {  	[sflag:s16] =	ssyncadd.s32 $0xFFFFFF80  }
0xa9: {  	_ =	swait.ge [sflag:s16], $0x80  }
0xaa: {  	[sflag:s16] =	ssyncset.done $0x0  }
0xab: {  	[sflag:s16] =	ssyncadd.s32 $0xFFFFFF80  }
0xac: {  	_ =	swait.ge [sflag:s30], $0x2000  }
0xad: {  	s20 =	rddreg [dreg:$0x5]  }
0xae: {  	s2 =	sadd.s32 s2, s20  }
0xaf: {  	[sflag:s30] =	ssyncset.done $0x0;
	s2 =	sshrl.u32 s2, $0x3  }
0xb0: {  	[sflag:s30] =	ssyncadd.s32 $0xFFFFE000;
	s2 =	sadd.s32 s5, s2  }
0xb1: {  	[tilespmem:s12], [sflag:$0x2] =	stream.linear.gather [hbm4b:s2+s3], $0x80, $0x38;
	[tilespmem:$0x10F60] =	vst v63  }
0xb2: {  	s2 =	sadd.s32 $0x9C40, s2  }
0xb3: {  	[tilespmem:s13], [sflag:$0x2] =	stream.linear.gather [hbm4b:s2+s3], $0x80, $0x38;
	[tilespmem:$0x10F60] =	vst v63  }
0xb4: {  	_ = 	snop  }
0xb5: {  	[tilespmem:s17], [sflag:$0x4] =	stream.indirect.gather [hbm4b:s4+s12], $0x40, s11, s12, $0xb8;
	[tilespmem:$0x10F60] =	vst v63  }
0xb6: {  	_ =	swait.ge [sflag:s31], $0x2000  }
0xb7: {  	s7 =	sadd.s32 $0x30, s24;
	[sflag:s31] =	ssyncset.done $0x0  }
0xb8: {  	s20 =	sadd.s32 $0x30, s19;
	s2 =	simm.s32 $0x180;
	[sflag:s31] =	ssyncadd.s32 $0xFFFFE000  }
.LBB2_4:
0xb9: {  	[spmem:s1] =	stream.indirect.scatter.add.bf16 [tilespmem:s28], [sflag:$0x9], $0x40, s14, s12, $0xb8;
	[tilespmem:$0x10F60] =	vst v63  }
0xba: {  	_ =	swait.ge [sflag:s18], $0x80  }
0xbb: {  	[sflag:s18] =	ssyncset.done $0x0  }
0xbc: {  	[sflag:s18] =	ssyncadd.s32 $0xFFFFFF80  }
0xbd: {  	s6 =	smov.u32 s2;
	_ =	swait.ge [sflag:s18], $0x80  }
0xbe: {  	p2 =	seq.s32 s6, $0x0;
	[sflag:s18] =	ssyncset.done $0x0  }
0xbf: {  	s19 =	simm.s32 @!p2 $0x9;
	[sflag:s18] =	ssyncadd.s32 $0xFFFFFF80  }
0xc0: {  	_ =	swait.ge @!p2 [sflag:s19], $0x2000  }
0xc1: {  	[sflag:s19] =	ssyncset.done @!p2 $0x0  }
0xc2: {  	s24 =	simm.s32 @!p2 $0x100;
	[sflag:s19] =	ssyncadd.s32 @!p2 $0xFFFFE000;
	s19 =	simm.s32 @!p2 $0x0  }
0xc3: {  	[tilespmem:s24], [sflag:$0x3] =	stream.linear.gather @!p2 [hbm4b:s20+s19], $0x80, $0x38;
	[tilespmem:$0x10F60] =	vst v63  }
0xc4: {  	s24 =	simm.s32 @!p2 $0x280  }
0xc5: {  	[tilespmem:s24], [sflag:$0x3] =	stream.linear.gather @!p2 [hbm4b:s7+s19], $0x80, $0x38;
	[tilespmem:$0x10F60] =	vst v63  }
0xc6: {  	_ = 	snop  }
0xc7: {  	[tilespmem:s21], [sflag:$0x5] =	stream.indirect.gather [hbm4b:s4+s12], $0x40, s13, s12, $0xb8;
	[tilespmem:$0x10F60] =	vst v63  }
0xc8: {  	_ =	swait.ge [sflag:s22], $0x2000  }
0xc9: {  	[sflag:s22] =	ssyncset.done $0x0  }
0xca: {  	[sflag:s22] =	ssyncadd.s32 $0xFFFFE000  }
0xcb: {  	[spmem:s1] =	stream.indirect.scatter.add.bf16 [tilespmem:s17], [sflag:$0x7], $0x40, s3, s12, $0xb8;
	[tilespmem:$0x10F60] =	vst v63  }
0xcc: {  	_ =	swait.ge [sflag:s23], $0x80  }
0xcd: {  	[sflag:s23] =	ssyncset.done $0x0  }
0xce: {  	[sflag:s23] =	ssyncadd.s32 $0xFFFFFF80  }
0xcf: {  	_ =	swait.ge [sflag:s23], $0x80  }
0xd0: {  	[sflag:s23] =	ssyncset.done $0x0  }
0xd1: {  	[sflag:s23] =	ssyncadd.s32 $0xFFFFFF80  }
0xd2: {  	_ =	swait.ge [sflag:s26], $0x2000  }
0xd3: {  	s6 =	simm.s32 @p2 $0x0;
	s24 =	rddreg [dreg:$0x4]  }
0xd4: {  	s19 =	sadd.s32 s6, s24  }
0xd5: {  	[sflag:s26] =	ssyncset.done $0x0;
	s19 =	sshrl.u32 s19, $0x3  }
0xd6: {  	[sflag:s26] =	ssyncadd.s32 $0xFFFFE000;
	s19 =	sadd.s32 s5, s19  }
0xd7: {  	[tilespmem:s3], [sflag:$0x1] =	stream.linear.gather [hbm4b:s19+s3], $0x80, $0x38;
	[tilespmem:$0x10F60] =	vst v63  }
0xd8: {  	s19 =	sadd.s32 $0x9C40, s19  }
0xd9: {  	[tilespmem:s11], [sflag:$0x1] =	stream.linear.gather [hbm4b:s19+s3], $0x80, $0x38;
	[tilespmem:$0x10F60] =	vst v63  }
0xda: {  	_ = 	snop  }
0xdb: {  	[tilespmem:s28], [sflag:$0x6] =	stream.indirect.gather [hbm4b:s4+s12], $0x40, s15, s12, $0xb8;
	[tilespmem:$0x10F60] =	vst v63  }
0xdc: {  	_ =	swait.ge [sflag:s29], $0x2000  }
0xdd: {  	[sflag:s29] =	ssyncset.done $0x0  }
0xde: {  	[sflag:s29] =	ssyncadd.s32 $0xFFFFE000  }
0xdf: {  	[spmem:s1] =	stream.indirect.scatter.add.bf16 [tilespmem:s21], [sflag:$0x8], $0x40, s12, s12, $0xb8;
	[tilespmem:$0x10F60] =	vst v63  }
0xe0: {  	_ =	swait.ge [sflag:s16], $0x80  }
0xe1: {  	[sflag:s16] =	ssyncset.done $0x0  }
0xe2: {  	[sflag:s16] =	ssyncadd.s32 $0xFFFFFF80  }
0xe3: {  	_ =	swait.ge [sflag:s16], $0x80  }
0xe4: {  	[sflag:s16] =	ssyncset.done $0x0  }
0xe5: {  	[sflag:s16] =	ssyncadd.s32 $0xFFFFFF80  }
0xe6: {  	_ =	swait.ge [sflag:s30], $0x2000  }
0xe7: {  	s24 =	rddreg [dreg:$0x5]  }
0xe8: {  	s6 =	sadd.s32 s6, s24  }
0xe9: {  	[sflag:s30] =	ssyncset.done $0x0;
	s6 =	sshrl.u32 s6, $0x3  }
0xea: {  	s2 =	sadd.s32 $0x180, s2;
	[sflag:s30] =	ssyncadd.s32 $0xFFFFE000;
	s6 =	sadd.s32 s5, s6  }
0xeb: {  	[tilespmem:s12], [sflag:$0x2] =	stream.linear.gather [hbm4b:s6+s3], $0x80, $0x38;
	[tilespmem:$0x10F60] =	vst v63  }
0xec: {  	p1 =	sne.s32 s2, $0x2580;
	s6 =	sadd.s32 $0x9C40, s6  }
0xed: {  	[tilespmem:s13], [sflag:$0x2] =	stream.linear.gather [hbm4b:s6+s3], $0x80, $0x38;
	[tilespmem:$0x10F60] =	vst v63  }
.Ltmp1:
0xee: {  	_ = 	snop;
	(pc) =	sbr.rel @p1 .LBB2_4-.Ltmp1, $4  }
0xef: {  	[tilespmem:s17], [sflag:$0x4] =	stream.indirect.gather [hbm4b:s4+s12], $0x40, s11, s12, $0xb8;
	[tilespmem:$0x10F60] =	vst v63  }
0xf0: {  	_ =	swait.ge [sflag:s31], $0x2000  }
0xf1: {  	[sflag:s31] =	ssyncset.done $0x0  }
0xf2: {  	s20 =	sadd.s32 $0x30, s20;
	s7 =	sadd.s32 $0x30, s7;
	[sflag:s31] =	ssyncadd.s32 $0xFFFFE000  }
0xf3: {  	[spmem:s1] =	stream.indirect.scatter.add.bf16 [tilespmem:s28], [sflag:$0x9], $0x40, s14, s12, $0xb8;
	[tilespmem:$0x10F60] =	vst v63  }
0xf4: {  	_ =	swait.ge [sflag:s18], $0x80  }
0xf5: {  	[sflag:s18] =	ssyncset.done $0x0  }
0xf6: {  	[sflag:s18] =	ssyncadd.s32 $0xFFFFFF80  }
0xf7: {  	_ =	swait.ge [sflag:s18], $0x80  }
0xf8: {  	[sflag:s18] =	ssyncset.done $0x0  }
0xf9: {  	[sflag:s18] =	ssyncadd.s32 $0xFFFFFF80  }
0xfa: {  	_ =	swait.ge [sflag:s0], $0x2000  }
0xfb: {  	[sflag:s0] =	ssyncset.done $0x0  }
0xfc: {  	s2 =	rddreg [dreg:$0x1e];
	[sflag:s0] =	ssyncadd.s32 $0xFFFFE000  }
0xfd: {  	[tilespmem:s14], [sflag:$0x3] =	stream.linear.gather [hbm4b:s2+s3], $0x80, $0x38;
	[tilespmem:$0x10F60] =	vst v63  }
0xfe: {  	s6 =	rddreg [dreg:$0x1f]  }
0xff: {  	[tilespmem:s15], [sflag:$0x3] =	stream.linear.gather [hbm4b:s6+s3], $0x80, $0x38;
	[tilespmem:$0x10F60] =	vst v63  }
0x100: {  	_ = 	snop  }
0x101: {  	[tilespmem:s21], [sflag:$0x5] =	stream.indirect.gather [hbm4b:s4+s12], $0x40, s13, s12, $0xb8;
	[tilespmem:$0x10F60] =	vst v63  }
0x102: {  	_ =	swait.ge [sflag:s22], $0x2000  }
0x103: {  	[sflag:s22] =	ssyncset.done $0x0  }
0x104: {  	[sflag:s22] =	ssyncadd.s32 $0xFFFFE000  }
0x105: {  	[spmem:s1] =	stream.indirect.scatter.add.bf16 [tilespmem:s17], [sflag:$0x7], $0x40, s3, s12, $0xb8;
	[tilespmem:$0x10F60] =	vst v63  }
0x106: {  	_ =	swait.ge [sflag:s23], $0x80  }
0x107: {  	[sflag:s23] =	ssyncset.done $0x0  }
0x108: {  	[sflag:s23] =	ssyncadd.s32 $0xFFFFFF80  }
0x109: {  	_ =	swait.ge [sflag:s23], $0x80  }
0x10a: {  	[sflag:s23] =	ssyncset.done $0x0  }
0x10b: {  	[sflag:s23] =	ssyncadd.s32 $0xFFFFFF80  }
0x10c: {  	_ =	swait.ge [sflag:s26], $0x2000  }
0x10d: {  	[sflag:s26] =	ssyncset.done $0x0  }
0x10e: {  	[sflag:s26] =	ssyncadd.s32 $0xFFFFE000  }
0x10f: {  	[tilespmem:s28], [sflag:$0x6] =	stream.indirect.gather [hbm4b:s4+s12], $0x40, s15, s12, $0xb8;
	[tilespmem:$0x10F60] =	vst v63  }
0x110: {  	_ =	swait.ge [sflag:s29], $0x2000  }
0x111: {  	[sflag:s29] =	ssyncset.done $0x0  }
0x112: {  	[sflag:s29] =	ssyncadd.s32 $0xFFFFE000  }
0x113: {  	[spmem:s1] =	stream.indirect.scatter.add.bf16 [tilespmem:s21], [sflag:$0x8], $0x40, s12, s12, $0xb8;
	[tilespmem:$0x10F60] =	vst v63  }
0x114: {  	_ =	swait.ge [sflag:s30], $0x2000  }
0x115: {  	[sflag:s30] =	ssyncset.done $0x0  }
0x116: {  	[sflag:s30] =	ssyncadd.s32 $0xFFFFE000  }
0x117: {  	_ =	swait.ge [sflag:s31], $0x2000  }
0x118: {  	[sflag:s31] =	ssyncset.done $0x0  }
0x119: {  	s7 =	sld [smem:$0x7FC];
	[sflag:s31] =	ssyncadd.s32 $0xFFFFE000  }
0x11a: {  	[spmem:s1] =	stream.indirect.scatter.add.bf16 [tilespmem:s28], [sflag:$0x9], $0x40, s14, s12, $0xb8;
	[tilespmem:$0x10F60] =	vst v63  }
0x11b: {  	s6 =	simm.s32 $0x6300  }
0x11c: {  	[tilespmem:s6], [sflag:$0xB] =	stream.linear.gather [hbm4b:s7+s3], $0x10, $0x38;
	[tilespmem:$0x10F60] =	vst v63  }
0x11d: {  	_ =	swait.ge [sflag:s10], $0x10  }
0x11e: {  	s19 =	sld [smem:$0x7FD]  }
0x11f: {  	[sflag:s10] =	ssyncset.done $0x0  }
0x120: {  	s7 =	simm.s32 $0x6310;
	[sflag:s10] =	ssyncadd.s32 $0xFFFFFFF0  }
0x121: {  	[tilespmem:s7], [sflag:$0xB] =	stream.linear.gather [hbm4b:s19+s3], $0x10, $0x38;
	[tilespmem:$0x10F60] =	vst v63  }
0x122: {  	_ =	swait.ge [sflag:s10], $0x10  }
0x123: {  	s20 =	simm.s32 $0x10;
	[sflag:s10] =	ssyncset.done $0x0  }
0x124: {  	s24 =	simm.s32 $0xA;
	s19 =	simm.s32 $0x6320;
	[sflag:s10] =	ssyncadd.s32 $0xFFFFFFF0  }
0x125: {  	[tilespmem:s19], [sflag:$0xA] =	stream.indirect.gather [hbm4b:s4+s20], $0x40, s7, s20, $0xb8;
	[tilespmem:$0x10F60] =	vst v63  }
0x126: {  	_ =	swait.ge [sflag:s24], $0x400  }
0x127: {  	[sflag:s24] =	ssyncset.done $0x0  }
0x128: {  	[sflag:s24] =	ssyncadd.s32 $0xFFFFFC00  }
0x129: {  	_ =	swait.ge [sflag:s0], $0x2000  }
0x12a: {  	[sflag:s0] =	ssyncset.done $0x0  }
0x12b: {  	[sflag:s0] =	ssyncadd.s32 $0xFFFFE000  }
0x12c: {  	[spmem:s1] =	stream.indirect.scatter.add.bf16 [tilespmem:s19], [sflag:$0xB], $0x40, s6, s20, $0xb8;
	[tilespmem:$0x10F60] =	vst v63  }
0x12d: {  	_ =	swait.ge [sflag:s10], $0x400  }
0x12e: {  	[sflag:s10] =	ssyncset.done $0x0  }
0x12f: {  	[sflag:s10] =	ssyncadd.s32 $0xFFFFFC00  }
0x130: {  	s19 =	stileid.u32;
	[bflag:$0x0] =	sbarrier.arrive $0xFFFF  }
0x131: {  	s2 =	sshll.u32 s19, $0x6;
	s19 =	rddreg [dreg:$0x12]  }
0x132: {  	s2 =	sor.u32 $0x1C0B, s2;
	s24 =	rddreg [dreg:$0x14];
	s20 =	sshrl.u32 s19, $0x3  }
0x133: {  	[hbm:s24], [sflag:s2] =	dma.local [spmem:s20], $0x1380  }
0x134: {  	_ =	swait.ge [sflag:s10], $0x1380  }
0x135: {  	[sflag:s10] =	ssyncset.done $0x0  }
0x136: {  	s6 =	sshrl.u32 @!p0 s25, $0x3;
	s7 =	rddreg [dreg:$0x15];
	[sflag:s10] =	ssyncadd.s32 $0xFFFFEC80  }
0x137: {  	[hbm:s7], [sflag:s2] =	dma.local @!p0 [spmem:s6], $0x80  }
0x138: {  	s2 =	simm.s32 @!p0 $0xB  }
0x139: {  	_ =	swait.ge @!p0 [sflag:s2], $0x80  }
0x13a: {  	s8 =	sadd.s32 $0x1, s8;
	s20 =	smov.u32 s25;
	s25 =	rddreg [dreg:$0x16]  }
0x13b: {  	p1 =	sne.s32 s8, s25  }
.Ltmp2:
0x13c: {  	_ = 	snop;
	(pc) =	sbr.rel @p1 .LBB2_1-.Ltmp2, $3  }
0x13d: {  	_ =	sdelay $0x1  }
0x13e: {  	[sflag:s2] =	ssyncset.done @!p0 $0x0  }
0x13f: {  	[sflag:s2] =	ssyncadd.s32 @!p0 $0xFFFFFF80  }
0x140: {  	_ =	sfence.sel $0x180000  }
0x141: {  	[bflag:$0x0] =	sbarrier.arrive $0xFFFF  }
0x142: {  	_ =	strace $0x90000047  }
0x143: {  	s0 =	stileid.u32;
	[bflag:$0x2] =	sbarrier.arrive $0xFFFF  }
0x144: {  	p0 =	sne.s32 s0, $0x0;
	s0 =	rddreg [dreg:$0x3]  }
0x145: {  	s0 =	sadd.s32 @!p0 $0x100000, s0  }
0x146: {  	[sflag:s0] =	ssyncadd.tile.s32 @!p0 $0x1;
	_ =	shalt  }
.Lfunc_end2:
_tile_overlayer_lowered:
.L_overlay_start_2:
0x147: {  	(tag) =	ssettag $0x2  }
0x148: {  	s0 =	rddreg [dreg:$0x0];
	s2 =	stileid.u32  }
0x149: {  	s1 =	rddreg [dreg:$0x1];
	p0 =	sne.s32 s2, $0x0  }
0x14a: {  	s3 =	rddreg [dreg:$0x2];
	[bflag:$0x3] =	sbarrier.arrive $0xFFFF;
	s2 =	simm.s32 @!p0 $0x1C0B  }
0x14b: {  	[timem:s3], [sflag:s2] =	dma.local @!p0 [hbm:s0], s1  }
0x14c: {  	s0 =	simm.s32 @!p0 $0xB  }
0x14d: {  	_ =	swait.ge @!p0 [sflag:s0], s1  }
0x14e: {  	s1 =	ssub.s32 @!p0 $0x0, s1;
	[sflag:s0] =	ssyncset.done @!p0 $0x0  }
0x14f: {  	[sflag:s0] =	ssyncadd.s32 @!p0 s1  }
0x150: {  	[bflag:$0x3] =	sbarrier.arrive $0xFFFF  }
0x151: {  	_ =	shalt  }

</sc_bundles>
